<compile_context>
chip_gen: v7x
topology: tpu7x:2x2x1
jax: 0.10.2.dev20260603
libtpu: 0.0.44.dev20260713+nightly
codegen_flags: <defaults>
</compile_context>

<pallas_src>
import functools

import jax
import jax.numpy as jnp
from jax import lax
from jax.experimental import pallas as pl
from jax.experimental.pallas import tpu as pltpu
from jax.experimental.pallas import tpu_sc as plsc

N = 50000
E = 800000
G = 64
F = 8
H = 64
HALF = 32
OUT = 9

NS = 16
CH = 128
EPAD = 802816
ROWS2D = EPAD // CH
RPT = ROWS2D // NS
IB = 56
NOUT = RPT // IB
PIPE = 4
NPAD = 50048
STRIPE = NPAD // NS
ZCH = 136
DEG_W = 16

_PREC = lax.Precision.HIGHEST


def _fill_f32(ref, rows, cols, val):
    def body(i, _):
        for j in range(cols // 16):
            ref[i, pl.ds(j * 16, 16)] = jnp.full((16,), val, jnp.float32)
        return 0
    lax.fori_loop(0, rows, body, 0)



def _deg_body(dst2d, out0_hbm, out1_hbm, didx, ones_v, zrow, zsem, ssem, acc):
    cid = lax.axis_index("c")
    sid = lax.axis_index("s")

    _fill_f32(ones_v, CH, DEG_W, 1.0)
    _fill_f32(zrow, ZCH, DEG_W, 0.0)
    base_r = sid * STRIPE
    def zgroup(k, _):
        for u in range(8):
            pltpu.make_async_copy(
                zrow, acc.at[pl.ds(base_r + (k * 8 + u) * ZCH, ZCH)],
                zsem).start()
        for u in range(8):
            pltpu.make_async_copy(zrow, acc.at[pl.ds(base_r, ZCH)],
                                  zsem).wait()
        return 0
    lax.fori_loop(0, (STRIPE // ZCH) // 8, zgroup, 0)
    for u in range((STRIPE // ZCH) % 8):
        pltpu.make_async_copy(
            zrow, acc.at[pl.ds(base_r + (16 + u) * ZCH, ZCH)], zsem).start()
    for u in range((STRIPE // ZCH) % 8):
        pltpu.make_async_copy(zrow, acc.at[pl.ds(base_r, ZCH)], zsem).wait()
    plsc.subcore_barrier()

    def ebody(t, _):
        @pl.when(t % 2 == cid)
        def _():
            pltpu.sync_copy(dst2d.at[pl.ds(sid * RPT + t * IB, IB)], didx)
            def fgroup(q, _):
                for u in range(8):
                    pltpu.make_async_copy(ones_v, acc.at[didx.at[q * 8 + u]],
                                          ssem).start(add=True)
                for u in range(8):
                    pltpu.make_async_copy(ones_v, acc.at[didx.at[0]],
                                          ssem).wait()
                return 0
            lax.fori_loop(0, IB // 8, fgroup, 0)
        return 0
    lax.fori_loop(0, NOUT, ebody, 0)
    plsc.subcore_barrier()
    @pl.when(cid == 0)
    def _():
        pltpu.sync_copy(acc.at[pl.ds(base_r, STRIPE)],
                        out0_hbm.at[pl.ds(base_r, STRIPE)])
    @pl.when(cid == 1)
    def _():
        pltpu.sync_copy(acc.at[pl.ds(base_r, STRIPE)],
                        out1_hbm.at[pl.ds(base_r, STRIPE)])


def _sc_degree(dst2d):
    mesh = plsc.VectorSubcoreMesh(core_axis_name="c", subcore_axis_name="s")
    return pl.kernel(
        _deg_body,
        out_type=[jax.ShapeDtypeStruct((NPAD, DEG_W), jnp.float32),
                  jax.ShapeDtypeStruct((NPAD, DEG_W), jnp.float32)],
        mesh=mesh,
        compiler_params=pltpu.CompilerParams(use_tc_tiling_on_sc=False),
        scratch_types=[
            pltpu.VMEM((IB, CH), jnp.int32),
            pltpu.VMEM((CH, DEG_W), jnp.float32),
            pltpu.VMEM((ZCH, DEG_W), jnp.float32),
            pltpu.SemaphoreType.DMA,
            pltpu.SemaphoreType.DMA,
            pltpu.VMEM_SHARED((NPAD, DEG_W), jnp.float32),
        ],
    )(dst2d)



def _agg_body(g0, g1, src2d, dst2d, out0_hbm, out1_hbm, sidx, didx,
              r0, r1, r2, r3, g_sem0, g_sem1, g_sem2, g_sem3,
              s_sem0, s_sem1, s_sem2, s_sem3, zsem, acc):
    cid = lax.axis_index("c")
    sid = lax.axis_index("s")
    bufs = (r0, r1, r2, r3)
    gsems = (g_sem0, g_sem1, g_sem2, g_sem3)
    ssems = (s_sem0, s_sem1, s_sem2, s_sem3)

    _fill_f32(r0, CH, HALF, 0.0)
    base_r = sid * STRIPE
    NZ = STRIPE // CH
    def zgroup(k, _):
        for u in range(8):
            pltpu.make_async_copy(
                r0, acc.at[pl.ds(base_r + (k * 8 + u) * CH, CH)],
                zsem).start()
        for u in range(8):
            pltpu.make_async_copy(r0, acc.at[pl.ds(base_r, CH)], zsem).wait()
        return 0
    lax.fori_loop(0, NZ // 8, zgroup, 0)
    pltpu.make_async_copy(r0.at[pl.ds(0, STRIPE % CH)],
                          acc.at[pl.ds(base_r + NZ * CH, STRIPE % CH)],
                          zsem).start()
    pltpu.make_async_copy(r0.at[pl.ds(0, STRIPE % CH)],
                          acc.at[pl.ds(base_r, STRIPE % CH)], zsem).wait()
    plsc.subcore_barrier()

    def fire_g(j, b):
        @pl.when(cid == 0)
        def _():
            pltpu.make_async_copy(g0.at[sidx.at[j]], bufs[b], gsems[b]).start()
        @pl.when(cid == 1)
        def _():
            pltpu.make_async_copy(g1.at[sidx.at[j]], bufs[b], gsems[b]).start()

    def wait_g(b):
        @pl.when(cid == 0)
        def _():
            pltpu.make_async_copy(g0.at[sidx.at[0]], bufs[b], gsems[b]).wait()
        @pl.when(cid == 1)
        def _():
            pltpu.make_async_copy(g1.at[sidx.at[0]], bufs[b], gsems[b]).wait()

    def fire_s(j, b):
        pltpu.make_async_copy(bufs[b], acc.at[didx.at[j]],
                              ssems[b]).start(add=True)

    def wait_s(b):
        pltpu.make_async_copy(bufs[b], acc.at[didx.at[0]], ssems[b]).wait()

    def outer(t, _):
        rbase = sid * RPT + t * IB
        pltpu.sync_copy(src2d.at[pl.ds(rbase, IB)], sidx)
        pltpu.sync_copy(dst2d.at[pl.ds(rbase, IB)], didx)
        for b in range(3):
            fire_g(b, b)
        wait_g(0)
        fire_s(0, 0)
        fire_g(3, 3)
        def mid(gq, _):
            for r in range(4):
                j = gq * 4 + r + 1
                wait_s(r)
                fire_g(j + 3, r)
                wait_g((r + 1) % 4)
                fire_s(j, (r + 1) % 4)
            return 0
        lax.fori_loop(0, 13, mid, 0)
        for j in range(53, IB):
            b = j % 4
            wait_s((j - 1) % 4)
            wait_g(b)
            fire_s(j, b)
        wait_s((IB - 1) % 4)
        return 0
    lax.fori_loop(0, NOUT, outer, 0)
    plsc.subcore_barrier()
    @pl.when(cid == 0)
    def _():
        pltpu.sync_copy(acc.at[pl.ds(base_r, STRIPE)],
                        out0_hbm.at[pl.ds(base_r, STRIPE)])
    @pl.when(cid == 1)
    def _():
        pltpu.sync_copy(acc.at[pl.ds(base_r, STRIPE)],
                        out1_hbm.at[pl.ds(base_r, STRIPE)])


def _sc_aggregate(g0, g1, src2d, dst2d):
    mesh = plsc.VectorSubcoreMesh(core_axis_name="c", subcore_axis_name="s")
    return pl.kernel(
        _agg_body,
        out_type=[jax.ShapeDtypeStruct((NPAD, HALF), jnp.float32),
                  jax.ShapeDtypeStruct((NPAD, HALF), jnp.float32)],
        mesh=mesh,
        compiler_params=pltpu.CompilerParams(use_tc_tiling_on_sc=False),
        scratch_types=[
            pltpu.VMEM((IB, CH), jnp.int32),
            pltpu.VMEM((IB, CH), jnp.int32),
            pltpu.VMEM((CH, HALF), jnp.float32),
            pltpu.VMEM((CH, HALF), jnp.float32),
            pltpu.VMEM((CH, HALF), jnp.float32),
            pltpu.VMEM((CH, HALF), jnp.float32),
            pltpu.SemaphoreType.DMA,
            pltpu.SemaphoreType.DMA,
            pltpu.SemaphoreType.DMA,
            pltpu.SemaphoreType.DMA,
            pltpu.SemaphoreType.DMA,
            pltpu.SemaphoreType.DMA,
            pltpu.SemaphoreType.DMA,
            pltpu.SemaphoreType.DMA,
            pltpu.SemaphoreType.DMA,
            pltpu.VMEM_SHARED((NPAD, HALF), jnp.float32),
        ],
    )(g0, g1, src2d, dst2d)



BLK = 2176
NBLK = NPAD // BLK


def _dot(a, b):
    return jnp.dot(a, b, preferred_element_type=jnp.float32)


def _t0_body(x_ref, w1_ref, dega_ref, degb_ref, g0_ref, g1_ref, dis_ref):
    deg = dega_ref[:, 0:1] + degb_ref[:, 0:1] + 1.0
    dis = 1.0 / jnp.sqrt(deg)
    h = _dot(x_ref[:, :], w1_ref[:, :])
    g = h * dis
    g0_ref[:, :] = g[:, :HALF]
    g1_ref[:, :] = g[:, HALF:]
    dis_ref[:, :] = dis


def _tc_prep(x, w1, deg16a, deg16b):
    return pl.pallas_call(
        _t0_body,
        grid=(NBLK,),
        in_specs=[
            pl.BlockSpec((BLK, F), lambda i: (i, 0)),
            pl.BlockSpec((F, H), lambda i: (0, 0)),
            pl.BlockSpec((BLK, DEG_W), lambda i: (i, 0)),
            pl.BlockSpec((BLK, DEG_W), lambda i: (i, 0)),
        ],
        out_specs=[
            pl.BlockSpec((BLK, HALF), lambda i: (i, 0)),
            pl.BlockSpec((BLK, HALF), lambda i: (i, 0)),
            pl.BlockSpec((BLK, 1), lambda i: (i, 0)),
        ],
        out_shape=[
            jax.ShapeDtypeStruct((NPAD, HALF), jnp.float32),
            jax.ShapeDtypeStruct((NPAD, HALF), jnp.float32),
            jax.ShapeDtypeStruct((NPAD, 1), jnp.float32),
        ],
    )(x, w1, deg16a, deg16b)


def _t1_body(a0, a1, g0, g1, dis_ref, b_ref, w_ref, ng0, ng1):
    dis = dis_ref[:, :]
    z0 = jnp.maximum((a0[:, :] + g0[:, :]) * dis + b_ref[0:1, :HALF], 0.0)
    z1 = jnp.maximum((a1[:, :] + g1[:, :]) * dis + b_ref[0:1, HALF:], 0.0)
    h = _dot(jnp.concatenate([z0, z1], axis=1), w_ref[:, :])
    ng = h * dis
    ng0[:, :] = ng[:, :HALF]
    ng1[:, :] = ng[:, HALF:]


def _tc_layer(a0, a1, g0, g1, dis, b_row, w_next):
    return pl.pallas_call(
        _t1_body,
        grid=(NBLK,),
        in_specs=[
            pl.BlockSpec((BLK, HALF), lambda i: (i, 0)),
            pl.BlockSpec((BLK, HALF), lambda i: (i, 0)),
            pl.BlockSpec((BLK, HALF), lambda i: (i, 0)),
            pl.BlockSpec((BLK, HALF), lambda i: (i, 0)),
            pl.BlockSpec((BLK, 1), lambda i: (i, 0)),
            pl.BlockSpec((1, H), lambda i: (0, 0)),
            pl.BlockSpec((H, H), lambda i: (0, 0)),
        ],
        out_specs=[
            pl.BlockSpec((BLK, HALF), lambda i: (i, 0)),
            pl.BlockSpec((BLK, HALF), lambda i: (i, 0)),
        ],
        out_shape=[
            jax.ShapeDtypeStruct((NPAD, HALF), jnp.float32),
            jax.ShapeDtypeStruct((NPAD, HALF), jnp.float32),
        ],
    )(a0, a1, g0, g1, dis, b_row, w_next)


def _t3_body(a0, a1, g0, g1, dis_ref, b3, batch_ref,
             wm1, bm1, wm2, bm2, wp1, bp1, wp2, bp2,
             wg, bg, wh1, bh1, wh2, bh2,
             ml_ref, bpo_ref, heur_ref, sums_ref, cnt_ref):
    dis = dis_ref[:, :]
    h0 = (a0[:, :] + g0[:, :]) * dis + b3[0:1, :HALF]
    h1 = (a1[:, :] + g1[:, :]) * dis + b3[0:1, HALF:]

    h = jnp.concatenate([h0, h1], axis=1)
    zm = jnp.maximum(_dot(h, wm1[:, :]) + bm1[0:1, :], 0.0)
    ml_ref[:, :] = _dot(zm, wm2[:, :]) + bm2[0:1, :]

    zp = jnp.maximum(_dot(h, wp1[:, :]) + bp1[0:1, :], 0.0)
    bpo_ref[:, :] = _dot(zp, wp2[:, :]) + bp2[0:1, :]

    gid = lax.broadcasted_iota(jnp.int32, (G, 1), 0)
    onehot_t = (gid == batch_ref[0:1, :]).astype(jnp.float32)
    s = jnp.dot(onehot_t, h, precision=_PREC,
                preferred_element_type=jnp.float32)
    c = jnp.sum(onehot_t, axis=1, keepdims=True)

    @pl.when(pl.program_id(0) == 0)
    def _():
        sums_ref[:, :] = jnp.zeros((G, H), jnp.float32)
        cnt_ref[:, :] = jnp.zeros((G, 1), jnp.float32)
    sums_ref[:, :] += s
    cnt_ref[:, :] += c

    @pl.when(pl.program_id(0) == NBLK - 1)
    def _():
        xg = sums_ref[:, :] / jnp.maximum(cnt_ref[:, :], 1.0)
        xg = jnp.maximum(_dot(xg, wg[:, :]) + bg[0:1, :], 0.0)
        t = jnp.maximum(_dot(xg, wh1[:, :]) + bh1[0:1, :], 0.0)
        heur_ref[:, :] = _dot(t, wh2[:, :]) + bh2[0:1, :]


def _tc_final(a0, a1, g0, g1, dis, b3_row, batch_t,
              wm1, bm1, wm2, bm2, wp1, bp1, wp2, bp2,
              wg, bg, wh1, bh1, wh2, bh2):
    return pl.pallas_call(
        _t3_body,
        grid=(NBLK,),
        in_specs=[
            pl.BlockSpec((BLK, HALF), lambda i: (i, 0)),
            pl.BlockSpec((BLK, HALF), lambda i: (i, 0)),
            pl.BlockSpec((BLK, HALF), lambda i: (i, 0)),
            pl.BlockSpec((BLK, HALF), lambda i: (i, 0)),
            pl.BlockSpec((BLK, 1), lambda i: (i, 0)),
            pl.BlockSpec((1, H), lambda i: (0, 0)),
            pl.BlockSpec((1, BLK), lambda i: (0, i)),
            pl.BlockSpec((H, H), lambda i: (0, 0)),
            pl.BlockSpec((1, H), lambda i: (0, 0)),
            pl.BlockSpec((H, OUT), lambda i: (0, 0)),
            pl.BlockSpec((1, OUT), lambda i: (0, 0)),
            pl.BlockSpec((H, HALF), lambda i: (0, 0)),
            pl.BlockSpec((1, HALF), lambda i: (0, 0)),
            pl.BlockSpec((HALF, 1), lambda i: (0, 0)),
            pl.BlockSpec((1, 1), lambda i: (0, 0)),
            pl.BlockSpec((H, H), lambda i: (0, 0)),
            pl.BlockSpec((1, H), lambda i: (0, 0)),
            pl.BlockSpec((H, HALF), lambda i: (0, 0)),
            pl.BlockSpec((1, HALF), lambda i: (0, 0)),
            pl.BlockSpec((HALF, 1), lambda i: (0, 0)),
            pl.BlockSpec((1, 1), lambda i: (0, 0)),
        ],
        out_specs=[
            pl.BlockSpec((BLK, OUT), lambda i: (i, 0)),
            pl.BlockSpec((BLK, 1), lambda i: (i, 0)),
            pl.BlockSpec((G, 1), lambda i: (0, 0)),
            pl.BlockSpec((G, H), lambda i: (0, 0)),
            pl.BlockSpec((G, 1), lambda i: (0, 0)),
        ],
        out_shape=[
            jax.ShapeDtypeStruct((NPAD, OUT), jnp.float32),
            jax.ShapeDtypeStruct((NPAD, 1), jnp.float32),
            jax.ShapeDtypeStruct((G, 1), jnp.float32),
            jax.ShapeDtypeStruct((G, H), jnp.float32),
            jax.ShapeDtypeStruct((G, 1), jnp.float32),
        ],
    )(a0, a1, g0, g1, dis, b3_row, batch_t,
      wm1, bm1, wm2, bm2, wp1, bp1, wp2, bp2,
      wg, bg, wh1, bh1, wh2, bh2)



def kernel(x, edge_index, batch, W1, b1, W2, b2, W3, b3, Wg, bg,
           Wh1, bh1, Wh2, bh2, Wm1, bm1, Wm2, bm2, Wp1, bp1, Wp2, bp2):
    pad_s = jnp.zeros((EPAD - E,), jnp.int32)
    pad_d = jnp.full((EPAD - E,), N, jnp.int32)
    src2d = jnp.concatenate([edge_index[0], pad_s]).reshape(ROWS2D, CH)
    dst2d = jnp.concatenate([edge_index[1], pad_d]).reshape(ROWS2D, CH)
    x_p = jnp.concatenate([x, jnp.zeros((NPAD - N, F), jnp.float32)])
    batch_t = jnp.concatenate(
        [batch, jnp.full((NPAD - N,), G, jnp.int32)]).reshape(1, NPAD)
    row = lambda v: v.reshape(1, -1)

    dega, degb = _sc_degree(dst2d)
    g0, g1, dis = _tc_prep(x_p, W1, dega, degb)

    a0, a1 = _sc_aggregate(g0, g1, src2d, dst2d)
    g0, g1 = _tc_layer(a0, a1, g0, g1, dis, row(b1), W2)

    a0, a1 = _sc_aggregate(g0, g1, src2d, dst2d)
    g0, g1 = _tc_layer(a0, a1, g0, g1, dis, row(b2), W3)

    a0, a1 = _sc_aggregate(g0, g1, src2d, dst2d)
    ml, bp, heur, _, _ = _tc_final(
        a0, a1, g0, g1, dis, row(b3), batch_t,
        Wm1, row(bm1), Wm2, row(bm2), Wp1, row(bp1), Wp2, row(bp2),
        Wg, row(bg), Wh1, row(bh1), Wh2, row(bh2))
    return (heur, ml[:N], bp[:N])

# --- scband reference (transcript-rebuilt; emitter-appended) ---
"""Pipeline reference for scband-programmable-matter-gnn-86088324481462 (READ-ONLY COPY).

The authoritative reference and input builder live on the scoring server;
editing this copy changes nothing except your own understanding.
"""

import jax, jax.numpy as jnp
import numpy as np

N_NODES = 50000
N_EDGES = 800000
NUM_GRAPHS = 64
NODE_FEATURES = 8
HIDDEN = 64
OUT_DIM = 9


def setup_inputs(seed: int = 0) -> dict:
    key = jax.random.key(seed)
    ks = jax.random.split(key, 16)
    x = jax.random.normal(ks[0], (N_NODES, NODE_FEATURES), dtype=jnp.float32)
    edge_index = jax.random.randint(ks[1], (2, N_EDGES), 0, N_NODES, dtype=jnp.int32)
    batch = jnp.sort(jax.random.randint(ks[2], (N_NODES,), 0, NUM_GRAPHS, dtype=jnp.int32))

    def w(k, shape):
        return jax.random.normal(k, shape, dtype=jnp.float32) * 0.1

    inp = {
        "x": x,
        "edge_index": edge_index,
        "batch": batch,
        "W1": w(ks[3], (NODE_FEATURES, HIDDEN)), "b1": jnp.zeros((HIDDEN,), jnp.float32),
        "W2": w(ks[4], (HIDDEN, HIDDEN)), "b2": jnp.zeros((HIDDEN,), jnp.float32),
        "W3": w(ks[5], (HIDDEN, HIDDEN)), "b3": jnp.zeros((HIDDEN,), jnp.float32),
        "Wg": w(ks[6], (HIDDEN, HIDDEN)), "bg": jnp.zeros((HIDDEN,), jnp.float32),
        "Wh1": w(ks[7], (HIDDEN, HIDDEN // 2)), "bh1": jnp.zeros((HIDDEN // 2,), jnp.float32),
        "Wh2": w(ks[8], (HIDDEN // 2, 1)), "bh2": jnp.zeros((1,), jnp.float32),
        "Wm1": w(ks[9], (HIDDEN, HIDDEN)), "bm1": jnp.zeros((HIDDEN,), jnp.float32),
        "Wm2": w(ks[10], (HIDDEN, OUT_DIM)), "bm2": jnp.zeros((OUT_DIM,), jnp.float32),
        "Wp1": w(ks[11], (HIDDEN, HIDDEN // 2)), "bp1": jnp.zeros((HIDDEN // 2,), jnp.float32),
        "Wp2": w(ks[12], (HIDDEN // 2, 1)), "bp2": jnp.zeros((1,), jnp.float32),
    }
    return inp


def _gcn(x, src, dst, norm, W, b, n):
    h = x @ W
    msg = h[src] * norm[:, None]
    return jnp.zeros((n, h.shape[1]), dtype=h.dtype).at[dst].add(msg) + b


def reference(x, edge_index, batch, W1, b1, W2, b2, W3, b3, Wg, bg,
              Wh1, bh1, Wh2, bh2, Wm1, bm1, Wm2, bm2, Wp1, bp1, Wp2, bp2):
    n = x.shape[0]
    loop = jnp.arange(n, dtype=edge_index.dtype)
    src = jnp.concatenate([edge_index[0], loop])
    dst = jnp.concatenate([edge_index[1], loop])
    deg = jnp.zeros((n,), jnp.float32).at[dst].add(1.0)
    dis = jnp.where(deg > 0, 1.0 / jnp.sqrt(deg), 0.0)
    norm = dis[src] * dis[dst]

    h = jax.nn.relu(_gcn(x, src, dst, norm, W1, b1, n))
    h = jax.nn.relu(_gcn(h, src, dst, norm, W2, b2, n))
    h = _gcn(h, src, dst, norm, W3, b3, n)

    sums = jax.ops.segment_sum(h, batch, num_segments=NUM_GRAPHS)
    cnts = jax.ops.segment_sum(jnp.ones((n,), jnp.float32), batch, num_segments=NUM_GRAPHS)
    xg = sums / jnp.clip(cnts, 1.0, None)[:, None]
    xg = jax.nn.relu(xg @ Wg + bg)

    heuristic = jax.nn.relu(xg @ Wh1 + bh1) @ Wh2 + bh2
    move_logits = jax.nn.relu(h @ Wm1 + bm1) @ Wm2 + bm2
    block_priority = jax.nn.relu(h @ Wp1 + bp1) @ Wp2 + bp2
    return (heuristic, move_logits, block_priority)

if __name__ == "__main__":
    import jax
    _d = setup_inputs()
    print(jax.jit(kernel)(*tuple(_d.values())))

</pallas_src>

<mosaic_0001>
#map = affine_map<(d0, d1) -> (0, 0)>
module attributes {stable_mosaic.version = 14 : i64} {
  func.func @_deg_body(%arg0: i32, %arg1: i32, %arg2: memref<6272x128xi32, #tpu.memory_space<hbm>>, %arg3: memref<50048x16xf32, #tpu.memory_space<hbm>>, %arg4: memref<50048x16xf32, #tpu.memory_space<hbm>>, %arg5: memref<56x128xi32, #tpu.memory_space<vmem>>, %arg6: memref<128x16xf32, #tpu.memory_space<vmem>>, %arg7: memref<136x16xf32, #tpu.memory_space<vmem>>, %arg8: memref<!tpu.dma_semaphore, #tpu.memory_space<semaphore_mem>>, %arg9: memref<!tpu.dma_semaphore, #tpu.memory_space<semaphore_mem>>, %arg10: memref<50048x16xf32, #tpu.memory_space<vmem_shared>>) attributes {dimension_semantics = [#tpu.dimension_semantics<core_parallel>, #tpu.dimension_semantics<subcore_parallel>], iteration_bounds = array<i64: 2, 16>, scalar_prefetch = 0 : i64, scratch_operands = 6 : i64, tpu.core_type = #tpu.core_type<sc_vector_subcore>, window_params = [{transform_indices = #map}, {transform_indices = #map}, {transform_indices = #map}]} {
    %scan3A = arith.constant 0 : i32
    %scan3A_0 = arith.constant 0 : i32
    %scan3A_1 = arith.constant 128 : i32
    %scan3A_2 = arith.addi %scan3A_0, %scan3A_1 : i32
    %scan3A_3 = arith.constant 1 : i32
    %scan3A_4 = scf.for %scan3A_103 = %scan3A_0 to %scan3A_2 step %scan3A_3 iter_args(%scan3A_104 = %scan3A) -> (i32)  : i32 {
      %broadcast_in_dim3A = arith.constant 1.000000e+00 : f32
      %broadcast_in_dim3A_105 = vector.broadcast %broadcast_in_dim3A : f32 to vector<16xf32>
      %swap3A = arith.index_cast %scan3A_103 : i32 to index
      %swap3A_106 = arith.constant 0 : index
      %swap3A_107 = tpu.vector_load %arg6[%swap3A, %swap3A_106] {strides = array<i32>} : memref<128x16xf32, #tpu.memory_space<vmem>>, vector<1x16xf32>,
      %swap3A_108 = vector.shape_cast %swap3A_107 : vector<1x16xf32> to vector<16xf32>
      %swap3A_109 = vector.shape_cast %broadcast_in_dim3A_105 : vector<16xf32> to vector<1x16xf32>
      tpu.vector_store %arg6[%swap3A, %swap3A_106], %swap3A_109 {strides = array<i32>} : memref<128x16xf32, #tpu.memory_space<vmem>>, vector<1x16xf32>,
      %scan3A_110 = arith.constant 0 : i32
      scf.yield %scan3A_110 : i32
    }
    %scan3A_5 = arith.constant 128 : i32
    %scan3A_6 = arith.constant 0 : i32
    %scan3A_7 = arith.constant 0 : i32
    %scan3A_8 = arith.constant 136 : i32
    %scan3A_9 = arith.addi %scan3A_7, %scan3A_8 : i32
    %scan3A_10 = arith.constant 1 : i32
    %scan3A_11 = scf.for %scan3A_103 = %scan3A_7 to %scan3A_9 step %scan3A_10 iter_args(%scan3A_104 = %scan3A_6) -> (i32)  : i32 {
      %broadcast_in_dim3A = arith.constant 0.000000e+00 : f32
      %broadcast_in_dim3A_105 = vector.broadcast %broadcast_in_dim3A : f32 to vector<16xf32>
      %swap3A = arith.index_cast %scan3A_103 : i32 to index
      %swap3A_106 = arith.constant 0 : index
      %swap3A_107 = tpu.vector_load %arg7[%swap3A, %swap3A_106] {strides = array<i32>} : memref<136x16xf32, #tpu.memory_space<vmem>>, vector<1x16xf32>,
      %swap3A_108 = vector.shape_cast %swap3A_107 : vector<1x16xf32> to vector<16xf32>
      %swap3A_109 = vector.shape_cast %broadcast_in_dim3A_105 : vector<16xf32> to vector<1x16xf32>
      tpu.vector_store %arg7[%swap3A, %swap3A_106], %swap3A_109 {strides = array<i32>} : memref<136x16xf32, #tpu.memory_space<vmem>>, vector<1x16xf32>,
      %scan3A_110 = arith.constant 0 : i32
      scf.yield %scan3A_110 : i32
    }
    %scan3A_12 = arith.constant 136 : i32
    %mul3A = arith.constant 3128 : i32
    %mul3A_13 = arith.muli %arg1, %mul3A : i32
    %scan3A_14 = arith.constant 0 : i32
    %scan3A_15 = arith.constant 0 : i32
    %scan3A_16 = arith.constant 2 : i32
    %scan3A_17 = arith.addi %scan3A_15, %scan3A_16 : i32
    %scan3A_18 = arith.constant 1 : i32
    %scan3A_19 = scf.for %scan3A_103 = %scan3A_15 to %scan3A_17 step %scan3A_18 iter_args(%scan3A_104 = %scan3A_14) -> (i32)  : i32 {
      %mul3A_105 = arith.constant 8 : i32
      %mul3A_106 = arith.muli %scan3A_103, %mul3A_105 : i32
      %add3A_107 = arith.constant 0 : i32
      %add3A_108 = arith.addi %mul3A_106, %add3A_107 : i32
      %mul3A_109 = arith.constant 136 : i32
      %mul3A_110 = arith.muli %add3A_108, %mul3A_109 : i32
      %add3A_111 = arith.addi %mul3A_13, %mul3A_110 : i32
      %dma_start3A_112 = arith.constant 0 : i32
      %dma_start3A_113 = tpu.memref_slice %arg10[%add3A_111, %dma_start3A_112] : memref<50048x16xf32, #tpu.memory_space<vmem_shared>> -> memref<136x16xf32, #tpu.memory_space<vmem_shared>>
      %dma_start3A_114 = arith.constant 0 : i32
      %dma_start3A_115 = tpu.memref_slice %arg10[%add3A_111, %dma_start3A_114] : memref<50048x16xf32, #tpu.memory_space<vmem_shared>> -> memref<136x16xf32, #tpu.memory_space<vmem_shared>>
      tpu.enqueue_dma source(%arg7 : memref<136x16xf32, #tpu.memory_space<vmem>>) target(%dma_start3A_115 : memref<136x16xf32, #tpu.memory_space<vmem_shared>>) target_semaphore(%arg8 : memref<!tpu.dma_semaphore, #tpu.memory_space<semaphore_mem>>)
      %mul3A_116 = arith.constant 8 : i32
      %mul3A_117 = arith.muli %scan3A_103, %mul3A_116 : i32
      %add3A_118 = arith.constant 1 : i32
      %add3A_119 = arith.addi %mul3A_117, %add3A_118 : i32
      %mul3A_120 = arith.constant 136 : i32
      %mul3A_121 = arith.muli %add3A_119, %mul3A_120 : i32
      %add3A_122 = arith.addi %mul3A_13, %mul3A_121 : i32
      %dma_start3A_123 = arith.constant 0 : i32
      %dma_start3A_124 = tpu.memref_slice %arg10[%add3A_122, %dma_start3A_123] : memref<50048x16xf32, #tpu.memory_space<vmem_shared>> -> memref<136x16xf32, #tpu.memory_space<vmem_shared>>
      %dma_start3A_125 = arith.constant 0 : i32
      %dma_start3A_126 = tpu.memref_slice %arg10[%add3A_122, %dma_start3A_125] : memref<50048x16xf32, #tpu.memory_space<vmem_shared>> -> memref<136x16xf32, #tpu.memory_space<vmem_shared>>
      tpu.enqueue_dma source(%arg7 : memref<136x16xf32, #tpu.memory_space<vmem>>) target(%dma_start3A_126 : memref<136x16xf32, #tpu.memory_space<vmem_shared>>) target_semaphore(%arg8 : memref<!tpu.dma_semaphore, #tpu.memory_space<semaphore_mem>>)
      %mul3A_127 = arith.constant 8 : i32
      %mul3A_128 = arith.muli %scan3A_103, %mul3A_127 : i32
      %add3A_129 = arith.constant 2 : i32
      %add3A_130 = arith.addi %mul3A_128, %add3A_129 : i32
      %mul3A_131 = arith.constant 136 : i32
      %mul3A_132 = arith.muli %add3A_130, %mul3A_131 : i32
      %add3A_133 = arith.addi %mul3A_13, %mul3A_132 : i32
      %dma_start3A_134 = arith.constant 0 : i32
      %dma_start3A_135 = tpu.memref_slice %arg10[%add3A_133, %dma_start3A_134] : memref<50048x16xf32, #tpu.memory_space<vmem_shared>> -> memref<136x16xf32, #tpu.memory_space<vmem_shared>>
      %dma_start3A_136 = arith.constant 0 : i32
      %dma_start3A_137 = tpu.memref_slice %arg10[%add3A_133, %dma_start3A_136] : memref<50048x16xf32, #tpu.memory_space<vmem_shared>> -> memref<136x16xf32, #tpu.memory_space<vmem_shared>>
      tpu.enqueue_dma source(%arg7 : memref<136x16xf32, #tpu.memory_space<vmem>>) target(%dma_start3A_137 : memref<136x16xf32, #tpu.memory_space<vmem_shared>>) target_semaphore(%arg8 : memref<!tpu.dma_semaphore, #tpu.memory_space<semaphore_mem>>)
      %mul3A_138 = arith.constant 8 : i32
      %mul3A_139 = arith.muli %scan3A_103, %mul3A_138 : i32
      %add3A_140 = arith.constant 3 : i32
      %add3A_141 = arith.addi %mul3A_139, %add3A_140 : i32
      %mul3A_142 = arith.constant 136 : i32
      %mul3A_143 = arith.muli %add3A_141, %mul3A_142 : i32
      %add3A_144 = arith.addi %mul3A_13, %mul3A_143 : i32
      %dma_start3A_145 = arith.constant 0 : i32
      %dma_start3A_146 = tpu.memref_slice %arg10[%add3A_144, %dma_start3A_145] : memref<50048x16xf32, #tpu.memory_space<vmem_shared>> -> memref<136x16xf32, #tpu.memory_space<vmem_shared>>
      %dma_start3A_147 = arith.constant 0 : i32
      %dma_start3A_148 = tpu.memref_slice %arg10[%add3A_144, %dma_start3A_147] : memref<50048x16xf32, #tpu.memory_space<vmem_shared>> -> memref<136x16xf32, #tpu.memory_space<vmem_shared>>
      tpu.enqueue_dma source(%arg7 : memref<136x16xf32, #tpu.memory_space<vmem>>) target(%dma_start3A_148 : memref<136x16xf32, #tpu.memory_space<vmem_shared>>) target_semaphore(%arg8 : memref<!tpu.dma_semaphore, #tpu.memory_space<semaphore_mem>>)
      %mul3A_149 = arith.constant 8 : i32
      %mul3A_150 = arith.muli %scan3A_103, %mul3A_149 : i32
      %add3A_151 = arith.constant 4 : i32
      %add3A_152 = arith.addi %mul3A_150, %add3A_151 : i32
      %mul3A_153 = arith.constant 136 : i32
      %mul3A_154 = arith.muli %add3A_152, %mul3A_153 : i32
      %add3A_155 = arith.addi %mul3A_13, %mul3A_154 : i32
      %dma_start3A_156 = arith.constant 0 : i32
      %dma_start3A_157 = tpu.memref_slice %arg10[%add3A_155, %dma_start3A_156] : memref<50048x16xf32, #tpu.memory_space<vmem_shared>> -> memref<136x16xf32, #tpu.memory_space<vmem_shared>>
      %dma_start3A_158 = arith.constant 0 : i32
      %dma_start3A_159 = tpu.memref_slice %arg10[%add3A_155, %dma_start3A_158] : memref<50048x16xf32, #tpu.memory_space<vmem_shared>> -> memref<136x16xf32, #tpu.memory_space<vmem_shared>>
      tpu.enqueue_dma source(%arg7 : memref<136x16xf32, #tpu.memory_space<vmem>>) target(%dma_start3A_159 : memref<136x16xf32, #tpu.memory_space<vmem_shared>>) target_semaphore(%arg8 : memref<!tpu.dma_semaphore, #tpu.memory_space<semaphore_mem>>)
      %mul3A_160 = arith.constant 8 : i32
      %mul3A_161 = arith.muli %scan3A_103, %mul3A_160 : i32
      %add3A_162 = arith.constant 5 : i32
      %add3A_163 = arith.addi %mul3A_161, %add3A_162 : i32
      %mul3A_164 = arith.constant 136 : i32
      %mul3A_165 = arith.muli %add3A_163, %mul3A_164 : i32
      %add3A_166 = arith.addi %mul3A_13, %mul3A_165 : i32
      %dma_start3A_167 = arith.constant 0 : i32
      %dma_start3A_168 = tpu.memref_slice %arg10[%add3A_166, %dma_start3A_167] : memref<50048x16xf32, #tpu.memory_space<vmem_shared>> -> memref<136x16xf32, #tpu.memory_space<vmem_shared>>
      %dma_start3A_169 = arith.constant 0 : i32
      %dma_start3A_170 = tpu.memref_slice %arg10[%add3A_166, %dma_start3A_169] : memref<50048x16xf32, #tpu.memory_space<vmem_shared>> -> memref<136x16xf32, #tpu.memory_space<vmem_shared>>
      tpu.enqueue_dma source(%arg7 : memref<136x16xf32, #tpu.memory_space<vmem>>) target(%dma_start3A_170 : memref<136x16xf32, #tpu.memory_space<vmem_shared>>) target_semaphore(%arg8 : memref<!tpu.dma_semaphore, #tpu.memory_space<semaphore_mem>>)
      %mul3A_171 = arith.constant 8 : i32
      %mul3A_172 = arith.muli %scan3A_103, %mul3A_171 : i32
      %add3A_173 = arith.constant 6 : i32
      %add3A_174 = arith.addi %mul3A_172, %add3A_173 : i32
      %mul3A_175 = arith.constant 136 : i32
      %mul3A_176 = arith.muli %add3A_174, %mul3A_175 : i32
      %add3A_177 = arith.addi %mul3A_13, %mul3A_176 : i32
      %dma_start3A_178 = arith.constant 0 : i32
      %dma_start3A_179 = tpu.memref_slice %arg10[%add3A_177, %dma_start3A_178] : memref<50048x16xf32, #tpu.memory_space<vmem_shared>> -> memref<136x16xf32, #tpu.memory_space<vmem_shared>>
      %dma_start3A_180 = arith.constant 0 : i32
      %dma_start3A_181 = tpu.memref_slice %arg10[%add3A_177, %dma_start3A_180] : memref<50048x16xf32, #tpu.memory_space<vmem_shared>> -> memref<136x16xf32, #tpu.memory_space<vmem_shared>>
      tpu.enqueue_dma source(%arg7 : memref<136x16xf32, #tpu.memory_space<vmem>>) target(%dma_start3A_181 : memref<136x16xf32, #tpu.memory_space<vmem_shared>>) target_semaphore(%arg8 : memref<!tpu.dma_semaphore, #tpu.memory_space<semaphore_mem>>)
      %mul3A_182 = arith.constant 8 : i32
      %mul3A_183 = arith.muli %scan3A_103, %mul3A_182 : i32
      %add3A_184 = arith.constant 7 : i32
      %add3A_185 = arith.addi %mul3A_183, %add3A_184 : i32
      %mul3A_186 = arith.constant 136 : i32
      %mul3A_187 = arith.muli %add3A_185, %mul3A_186 : i32
      %add3A_188 = arith.addi %mul3A_13, %mul3A_187 : i32
      %dma_start3A_189 = arith.constant 0 : i32
      %dma_start3A_190 = tpu.memref_slice %arg10[%add3A_188, %dma_start3A_189] : memref<50048x16xf32, #tpu.memory_space<vmem_shared>> -> memref<136x16xf32, #tpu.memory_space<vmem_shared>>
      %dma_start3A_191 = arith.constant 0 : i32
      %dma_start3A_192 = tpu.memref_slice %arg10[%add3A_188, %dma_start3A_191] : memref<50048x16xf32, #tpu.memory_space<vmem_shared>> -> memref<136x16xf32, #tpu.memory_space<vmem_shared>>
      tpu.enqueue_dma source(%arg7 : memref<136x16xf32, #tpu.memory_space<vmem>>) target(%dma_start3A_192 : memref<136x16xf32, #tpu.memory_space<vmem_shared>>) target_semaphore(%arg8 : memref<!tpu.dma_semaphore, #tpu.memory_space<semaphore_mem>>)
      %dma_wait3A_193 = arith.constant 0 : i32
      %dma_wait3A_194 = tpu.memref_slice %arg10[%mul3A_13, %dma_wait3A_193] : memref<50048x16xf32, #tpu.memory_space<vmem_shared>> -> memref<136x16xf32, #tpu.memory_space<vmem_shared>>
      %dma_wait3A_195 = arith.constant 0 : i32
      %dma_wait3A_196 = tpu.memref_slice %arg10[%mul3A_13, %dma_wait3A_195] : memref<50048x16xf32, #tpu.memory_space<vmem_shared>> -> memref<136x16xf32, #tpu.memory_space<vmem_shared>>
      tpu.wait_dma2 semaphore(%arg8 : memref<!tpu.dma_semaphore, #tpu.memory_space<semaphore_mem>>) src(%arg7 : memref<136x16xf32, #tpu.memory_space<vmem>>) dst(%dma_wait3A_196 : memref<136x16xf32, #tpu.memory_space<vmem_shared>>)
      %dma_wait3A_197 = arith.constant 0 : i32
      %dma_wait3A_198 = tpu.memref_slice %arg10[%mul3A_13, %dma_wait3A_197] : memref<50048x16xf32, #tpu.memory_space<vmem_shared>> -> memref<136x16xf32, #tpu.memory_space<vmem_shared>>
      %dma_wait3A_199 = arith.constant 0 : i32
      %dma_wait3A_200 = tpu.memref_slice %arg10[%mul3A_13, %dma_wait3A_199] : memref<50048x16xf32, #tpu.memory_space<vmem_shared>> -> memref<136x16xf32, #tpu.memory_space<vmem_shared>>
      tpu.wait_dma2 semaphore(%arg8 : memref<!tpu.dma_semaphore, #tpu.memory_space<semaphore_mem>>) src(%arg7 : memref<136x16xf32, #tpu.memory_space<vmem>>) dst(%dma_wait3A_200 : memref<136x16xf32, #tpu.memory_space<vmem_shared>>)
      %dma_wait3A_201 = arith.constant 0 : i32
      %dma_wait3A_202 = tpu.memref_slice %arg10[%mul3A_13, %dma_wait3A_201] : memref<50048x16xf32, #tpu.memory_space<vmem_shared>> -> memref<136x16xf32, #tpu.memory_space<vmem_shared>>
      %dma_wait3A_203 = arith.constant 0 : i32
      %dma_wait3A_204 = tpu.memref_slice %arg10[%mul3A_13, %dma_wait3A_203] : memref<50048x16xf32, #tpu.memory_space<vmem_shared>> -> memref<136x16xf32, #tpu.memory_space<vmem_shared>>
      tpu.wait_dma2 semaphore(%arg8 : memref<!tpu.dma_semaphore, #tpu.memory_space<semaphore_mem>>) src(%arg7 : memref<136x16xf32, #tpu.memory_space<vmem>>) dst(%dma_wait3A_204 : memref<136x16xf32, #tpu.memory_space<vmem_shared>>)
      %dma_wait3A_205 = arith.constant 0 : i32
      %dma_wait3A_206 = tpu.memref_slice %arg10[%mul3A_13, %dma_wait3A_205] : memref<50048x16xf32, #tpu.memory_space<vmem_shared>> -> memref<136x16xf32, #tpu.memory_space<vmem_shared>>
      %dma_wait3A_207 = arith.constant 0 : i32
      %dma_wait3A_208 = tpu.memref_slice %arg10[%mul3A_13, %dma_wait3A_207] : memref<50048x16xf32, #tpu.memory_space<vmem_shared>> -> memref<136x16xf32, #tpu.memory_space<vmem_shared>>
      tpu.wait_dma2 semaphore(%arg8 : memref<!tpu.dma_semaphore, #tpu.memory_space<semaphore_mem>>) src(%arg7 : memref<136x16xf32, #tpu.memory_space<vmem>>) dst(%dma_wait3A_208 : memref<136x16xf32, #tpu.memory_space<vmem_shared>>)
      %dma_wait3A_209 = arith.constant 0 : i32
      %dma_wait3A_210 = tpu.memref_slice %arg10[%mul3A_13, %dma_wait3A_209] : memref<50048x16xf32, #tpu.memory_space<vmem_shared>> -> memref<136x16xf32, #tpu.memory_space<vmem_shared>>
      %dma_wait3A_211 = arith.constant 0 : i32
      %dma_wait3A_212 = tpu.memref_slice %arg10[%mul3A_13, %dma_wait3A_211] : memref<50048x16xf32, #tpu.memory_space<vmem_shared>> -> memref<136x16xf32, #tpu.memory_space<vmem_shared>>
      tpu.wait_dma2 semaphore(%arg8 : memref<!tpu.dma_semaphore, #tpu.memory_space<semaphore_mem>>) src(%arg7 : memref<136x16xf32, #tpu.memory_space<vmem>>) dst(%dma_wait3A_212 : memref<136x16xf32, #tpu.memory_space<vmem_shared>>)
      %dma_wait3A_213 = arith.constant 0 : i32
      %dma_wait3A_214 = tpu.memref_slice %arg10[%mul3A_13, %dma_wait3A_213] : memref<50048x16xf32, #tpu.memory_space<vmem_shared>> -> memref<136x16xf32, #tpu.memory_space<vmem_shared>>
      %dma_wait3A_215 = arith.constant 0 : i32
      %dma_wait3A_216 = tpu.memref_slice %arg10[%mul3A_13, %dma_wait3A_215] : memref<50048x16xf32, #tpu.memory_space<vmem_shared>> -> memref<136x16xf32, #tpu.memory_space<vmem_shared>>
      tpu.wait_dma2 semaphore(%arg8 : memref<!tpu.dma_semaphore, #tpu.memory_space<semaphore_mem>>) src(%arg7 : memref<136x16xf32, #tpu.memory_space<vmem>>) dst(%dma_wait3A_216 : memref<136x16xf32, #tpu.memory_space<vmem_shared>>)
      %dma_wait3A_217 = arith.constant 0 : i32
      %dma_wait3A_218 = tpu.memref_slice %arg10[%mul3A_13, %dma_wait3A_217] : memref<50048x16xf32, #tpu.memory_space<vmem_shared>> -> memref<136x16xf32, #tpu.memory_space<vmem_shared>>
      %dma_wait3A_219 = arith.constant 0 : i32
      %dma_wait3A_220 = tpu.memref_slice %arg10[%mul3A_13, %dma_wait3A_219] : memref<50048x16xf32, #tpu.memory_space<vmem_shared>> -> memref<136x16xf32, #tpu.memory_space<vmem_shared>>
      tpu.wait_dma2 semaphore(%arg8 : memref<!tpu.dma_semaphore, #tpu.memory_space<semaphore_mem>>) src(%arg7 : memref<136x16xf32, #tpu.memory_space<vmem>>) dst(%dma_wait3A_220 : memref<136x16xf32, #tpu.memory_space<vmem_shared>>)
      %dma_wait3A_221 = arith.constant 0 : i32
      %dma_wait3A_222 = tpu.memref_slice %arg10[%mul3A_13, %dma_wait3A_221] : memref<50048x16xf32, #tpu.memory_space<vmem_shared>> -> memref<136x16xf32, #tpu.memory_space<vmem_shared>>
      %dma_wait3A_223 = arith.constant 0 : i32
      %dma_wait3A_224 = tpu.memref_slice %arg10[%mul3A_13, %dma_wait3A_223] : memref<50048x16xf32, #tpu.memory_space<vmem_shared>> -> memref<136x16xf32, #tpu.memory_space<vmem_shared>>
      tpu.wait_dma2 semaphore(%arg8 : memref<!tpu.dma_semaphore, #tpu.memory_space<semaphore_mem>>) src(%arg7 : memref<136x16xf32, #tpu.memory_space<vmem>>) dst(%dma_wait3A_224 : memref<136x16xf32, #tpu.memory_space<vmem_shared>>)
      %scan3A_225 = arith.constant 0 : i32
      scf.yield %scan3A_225 : i32
    }
    %scan3A_20 = arith.constant 2 : i32
    %add3A = arith.constant 2176 : i32
    %add3A_21 = arith.addi %mul3A_13, %add3A : i32
    %dma_start3A = arith.constant 0 : i32
    %dma_start3A_22 = tpu.memref_slice %arg10[%add3A_21, %dma_start3A] : memref<50048x16xf32, #tpu.memory_space<vmem_shared>> -> memref<136x16xf32, #tpu.memory_space<vmem_shared>>
    %dma_start3A_23 = arith.constant 0 : i32
    %dma_start3A_24 = tpu.memref_slice %arg10[%add3A_21, %dma_start3A_23] : memref<50048x16xf32, #tpu.memory_space<vmem_shared>> -> memref<136x16xf32, #tpu.memory_space<vmem_shared>>
    tpu.enqueue_dma source(%arg7 : memref<136x16xf32, #tpu.memory_space<vmem>>) target(%dma_start3A_24 : memref<136x16xf32, #tpu.memory_space<vmem_shared>>) target_semaphore(%arg8 : memref<!tpu.dma_semaphore, #tpu.memory_space<semaphore_mem>>)
    %add3A_25 = arith.constant 2312 : i32
    %add3A_26 = arith.addi %mul3A_13, %add3A_25 : i32
    %dma_start3A_27 = arith.constant 0 : i32
    %dma_start3A_28 = tpu.memref_slice %arg10[%add3A_26, %dma_start3A_27] : memref<50048x16xf32, #tpu.memory_space<vmem_shared>> -> memref<136x16xf32, #tpu.memory_space<vmem_shared>>
    %dma_start3A_29 = arith.constant 0 : i32
    %dma_start3A_30 = tpu.memref_slice %arg10[%add3A_26, %dma_start3A_29] : memref<50048x16xf32, #tpu.memory_space<vmem_shared>> -> memref<136x16xf32, #tpu.memory_space<vmem_shared>>
    tpu.enqueue_dma source(%arg7 : memref<136x16xf32, #tpu.memory_space<vmem>>) target(%dma_start3A_30 : memref<136x16xf32, #tpu.memory_space<vmem_shared>>) target_semaphore(%arg8 : memref<!tpu.dma_semaphore, #tpu.memory_space<semaphore_mem>>)
    %add3A_31 = arith.constant 2448 : i32
    %add3A_32 = arith.addi %mul3A_13, %add3A_31 : i32
    %dma_start3A_33 = arith.constant 0 : i32
    %dma_start3A_34 = tpu.memref_slice %arg10[%add3A_32, %dma_start3A_33] : memref<50048x16xf32, #tpu.memory_space<vmem_shared>> -> memref<136x16xf32, #tpu.memory_space<vmem_shared>>
    %dma_start3A_35 = arith.constant 0 : i32
    %dma_start3A_36 = tpu.memref_slice %arg10[%add3A_32, %dma_start3A_35] : memref<50048x16xf32, #tpu.memory_space<vmem_shared>> -> memref<136x16xf32, #tpu.memory_space<vmem_shared>>
    tpu.enqueue_dma source(%arg7 : memref<136x16xf32, #tpu.memory_space<vmem>>) target(%dma_start3A_36 : memref<136x16xf32, #tpu.memory_space<vmem_shared>>) target_semaphore(%arg8 : memref<!tpu.dma_semaphore, #tpu.memory_space<semaphore_mem>>)
    %add3A_37 = arith.constant 2584 : i32
    %add3A_38 = arith.addi %mul3A_13, %add3A_37 : i32
    %dma_start3A_39 = arith.constant 0 : i32
    %dma_start3A_40 = tpu.memref_slice %arg10[%add3A_38, %dma_start3A_39] : memref<50048x16xf32, #tpu.memory_space<vmem_shared>> -> memref<136x16xf32, #tpu.memory_space<vmem_shared>>
    %dma_start3A_41 = arith.constant 0 : i32
    %dma_start3A_42 = tpu.memref_slice %arg10[%add3A_38, %dma_start3A_41] : memref<50048x16xf32, #tpu.memory_space<vmem_shared>> -> memref<136x16xf32, #tpu.memory_space<vmem_shared>>
    tpu.enqueue_dma source(%arg7 : memref<136x16xf32, #tpu.memory_space<vmem>>) target(%dma_start3A_42 : memref<136x16xf32, #tpu.memory_space<vmem_shared>>) target_semaphore(%arg8 : memref<!tpu.dma_semaphore, #tpu.memory_space<semaphore_mem>>)
    %add3A_43 = arith.constant 2720 : i32
    %add3A_44 = arith.addi %mul3A_13, %add3A_43 : i32
    %dma_start3A_45 = arith.constant 0 : i32
    %dma_start3A_46 = tpu.memref_slice %arg10[%add3A_44, %dma_start3A_45] : memref<50048x16xf32, #tpu.memory_space<vmem_shared>> -> memref<136x16xf32, #tpu.memory_space<vmem_shared>>
    %dma_start3A_47 = arith.constant 0 : i32
    %dma_start3A_48 = tpu.memref_slice %arg10[%add3A_44, %dma_start3A_47] : memref<50048x16xf32, #tpu.memory_space<vmem_shared>> -> memref<136x16xf32, #tpu.memory_space<vmem_shared>>
    tpu.enqueue_dma source(%arg7 : memref<136x16xf32, #tpu.memory_space<vmem>>) target(%dma_start3A_48 : memref<136x16xf32, #tpu.memory_space<vmem_shared>>) target_semaphore(%arg8 : memref<!tpu.dma_semaphore, #tpu.memory_space<semaphore_mem>>)
    %add3A_49 = arith.constant 2856 : i32
    %add3A_50 = arith.addi %mul3A_13, %add3A_49 : i32
    %dma_start3A_51 = arith.constant 0 : i32
    %dma_start3A_52 = tpu.memref_slice %arg10[%add3A_50, %dma_start3A_51] : memref<50048x16xf32, #tpu.memory_space<vmem_shared>> -> memref<136x16xf32, #tpu.memory_space<vmem_shared>>
    %dma_start3A_53 = arith.constant 0 : i32
    %dma_start3A_54 = tpu.memref_slice %arg10[%add3A_50, %dma_start3A_53] : memref<50048x16xf32, #tpu.memory_space<vmem_shared>> -> memref<136x16xf32, #tpu.memory_space<vmem_shared>>
    tpu.enqueue_dma source(%arg7 : memref<136x16xf32, #tpu.memory_space<vmem>>) target(%dma_start3A_54 : memref<136x16xf32, #tpu.memory_space<vmem_shared>>) target_semaphore(%arg8 : memref<!tpu.dma_semaphore, #tpu.memory_space<semaphore_mem>>)
    %add3A_55 = arith.constant 2992 : i32
    %add3A_56 = arith.addi %mul3A_13, %add3A_55 : i32
    %dma_start3A_57 = arith.constant 0 : i32
    %dma_start3A_58 = tpu.memref_slice %arg10[%add3A_56, %dma_start3A_57] : memref<50048x16xf32, #tpu.memory_space<vmem_shared>> -> memref<136x16xf32, #tpu.memory_space<vmem_shared>>
    %dma_start3A_59 = arith.constant 0 : i32
    %dma_start3A_60 = tpu.memref_slice %arg10[%add3A_56, %dma_start3A_59] : memref<50048x16xf32, #tpu.memory_space<vmem_shared>> -> memref<136x16xf32, #tpu.memory_space<vmem_shared>>
    tpu.enqueue_dma source(%arg7 : memref<136x16xf32, #tpu.memory_space<vmem>>) target(%dma_start3A_60 : memref<136x16xf32, #tpu.memory_space<vmem_shared>>) target_semaphore(%arg8 : memref<!tpu.dma_semaphore, #tpu.memory_space<semaphore_mem>>)
    %dma_wait3A = arith.constant 0 : i32
    %dma_wait3A_61 = tpu.memref_slice %arg10[%mul3A_13, %dma_wait3A] : memref<50048x16xf32, #tpu.memory_space<vmem_shared>> -> memref<136x16xf32, #tpu.memory_space<vmem_shared>>
    %dma_wait3A_62 = arith.constant 0 : i32
    %dma_wait3A_63 = tpu.memref_slice %arg10[%mul3A_13, %dma_wait3A_62] : memref<50048x16xf32, #tpu.memory_space<vmem_shared>> -> memref<136x16xf32, #tpu.memory_space<vmem_shared>>
    tpu.wait_dma2 semaphore(%arg8 : memref<!tpu.dma_semaphore, #tpu.memory_space<semaphore_mem>>) src(%arg7 : memref<136x16xf32, #tpu.memory_space<vmem>>) dst(%dma_wait3A_63 : memref<136x16xf32, #tpu.memory_space<vmem_shared>>)
    %dma_wait3A_64 = arith.constant 0 : i32
    %dma_wait3A_65 = tpu.memref_slice %arg10[%mul3A_13, %dma_wait3A_64] : memref<50048x16xf32, #tpu.memory_space<vmem_shared>> -> memref<136x16xf32, #tpu.memory_space<vmem_shared>>
    %dma_wait3A_66 = arith.constant 0 : i32
    %dma_wait3A_67 = tpu.memref_slice %arg10[%mul3A_13, %dma_wait3A_66] : memref<50048x16xf32, #tpu.memory_space<vmem_shared>> -> memref<136x16xf32, #tpu.memory_space<vmem_shared>>
    tpu.wait_dma2 semaphore(%arg8 : memref<!tpu.dma_semaphore, #tpu.memory_space<semaphore_mem>>) src(%arg7 : memref<136x16xf32, #tpu.memory_space<vmem>>) dst(%dma_wait3A_67 : memref<136x16xf32, #tpu.memory_space<vmem_shared>>)
    %dma_wait3A_68 = arith.constant 0 : i32
    %dma_wait3A_69 = tpu.memref_slice %arg10[%mul3A_13, %dma_wait3A_68] : memref<50048x16xf32, #tpu.memory_space<vmem_shared>> -> memref<136x16xf32, #tpu.memory_space<vmem_shared>>
    %dma_wait3A_70 = arith.constant 0 : i32
    %dma_wait3A_71 = tpu.memref_slice %arg10[%mul3A_13, %dma_wait3A_70] : memref<50048x16xf32, #tpu.memory_space<vmem_shared>> -> memref<136x16xf32, #tpu.memory_space<vmem_shared>>
    tpu.wait_dma2 semaphore(%arg8 : memref<!tpu.dma_semaphore, #tpu.memory_space<semaphore_mem>>) src(%arg7 : memref<136x16xf32, #tpu.memory_space<vmem>>) dst(%dma_wait3A_71 : memref<136x16xf32, #tpu.memory_space<vmem_shared>>)
    %dma_wait3A_72 = arith.constant 0 : i32
    %dma_wait3A_73 = tpu.memref_slice %arg10[%mul3A_13, %dma_wait3A_72] : memref<50048x16xf32, #tpu.memory_space<vmem_shared>> -> memref<136x16xf32, #tpu.memory_space<vmem_shared>>
    %dma_wait3A_74 = arith.constant 0 : i32
    %dma_wait3A_75 = tpu.memref_slice %arg10[%mul3A_13, %dma_wait3A_74] : memref<50048x16xf32, #tpu.memory_space<vmem_shared>> -> memref<136x16xf32, #tpu.memory_space<vmem_shared>>
    tpu.wait_dma2 semaphore(%arg8 : memref<!tpu.dma_semaphore, #tpu.memory_space<semaphore_mem>>) src(%arg7 : memref<136x16xf32, #tpu.memory_space<vmem>>) dst(%dma_wait3A_75 : memref<136x16xf32, #tpu.memory_space<vmem_shared>>)
    %dma_wait3A_76 = arith.constant 0 : i32
    %dma_wait3A_77 = tpu.memref_slice %arg10[%mul3A_13, %dma_wait3A_76] : memref<50048x16xf32, #tpu.memory_space<vmem_shared>> -> memref<136x16xf32, #tpu.memory_space<vmem_shared>>
    %dma_wait3A_78 = arith.constant 0 : i32
    %dma_wait3A_79 = tpu.memref_slice %arg10[%mul3A_13, %dma_wait3A_78] : memref<50048x16xf32, #tpu.memory_space<vmem_shared>> -> memref<136x16xf32, #tpu.memory_space<vmem_shared>>
    tpu.wait_dma2 semaphore(%arg8 : memref<!tpu.dma_semaphore, #tpu.memory_space<semaphore_mem>>) src(%arg7 : memref<136x16xf32, #tpu.memory_space<vmem>>) dst(%dma_wait3A_79 : memref<136x16xf32, #tpu.memory_space<vmem_shared>>)
    %dma_wait3A_80 = arith.constant 0 : i32
    %dma_wait3A_81 = tpu.memref_slice %arg10[%mul3A_13, %dma_wait3A_80] : memref<50048x16xf32, #tpu.memory_space<vmem_shared>> -> memref<136x16xf32, #tpu.memory_space<vmem_shared>>
    %dma_wait3A_82 = arith.constant 0 : i32
    %dma_wait3A_83 = tpu.memref_slice %arg10[%mul3A_13, %dma_wait3A_82] : memref<50048x16xf32, #tpu.memory_space<vmem_shared>> -> memref<136x16xf32, #tpu.memory_space<vmem_shared>>
    tpu.wait_dma2 semaphore(%arg8 : memref<!tpu.dma_semaphore, #tpu.memory_space<semaphore_mem>>) src(%arg7 : memref<136x16xf32, #tpu.memory_space<vmem>>) dst(%dma_wait3A_83 : memref<136x16xf32, #tpu.memory_space<vmem_shared>>)
    %dma_wait3A_84 = arith.constant 0 : i32
    %dma_wait3A_85 = tpu.memref_slice %arg10[%mul3A_13, %dma_wait3A_84] : memref<50048x16xf32, #tpu.memory_space<vmem_shared>> -> memref<136x16xf32, #tpu.memory_space<vmem_shared>>
    %dma_wait3A_86 = arith.constant 0 : i32
    %dma_wait3A_87 = tpu.memref_slice %arg10[%mul3A_13, %dma_wait3A_86] : memref<50048x16xf32, #tpu.memory_space<vmem_shared>> -> memref<136x16xf32, #tpu.memory_space<vmem_shared>>
    tpu.wait_dma2 semaphore(%arg8 : memref<!tpu.dma_semaphore, #tpu.memory_space<semaphore_mem>>) src(%arg7 : memref<136x16xf32, #tpu.memory_space<vmem>>) dst(%dma_wait3A_87 : memref<136x16xf32, #tpu.memory_space<vmem_shared>>)
    %barrier3A = arith.constant 0 : index
    tpu.barrier barrier_id(%barrier3A)
    %scan3A_88 = arith.constant 0 : i32
    %scan3A_89 = arith.constant 0 : i32
    %scan3A_90 = arith.constant 7 : i32
    %scan3A_91 = arith.addi %scan3A_89, %scan3A_90 : i32
    %scan3A_92 = arith.constant 1 : i32
    %scan3A_93 = scf.for %scan3A_103 = %scan3A_89 to %scan3A_91 step %scan3A_92 iter_args(%scan3A_104 = %scan3A_88) -> (i32)  : i32 {
      %jit3A = arith.constant 2 : i32
      %eq3A_105 = arith.constant 0 : i32
      %eq3A_106 = arith.cmpi eq, %jit3A, %eq3A_105 : i32
      %jit3A_107 = arith.constant 1 : i32
      %select_n3A = arith.select %eq3A_106, %jit3A_107, %jit3A : i32
      %rem3A = arith.remsi %scan3A_103, %select_n3A : i32
      %ne3A = arith.constant 0 : i32
      %ne3A_108 = arith.cmpi ne, %rem3A, %ne3A : i32
      %lt3A = arith.constant 0 : i32
      %lt3A_109 = arith.cmpi slt, %rem3A, %lt3A : i32
      %lt3A_110 = arith.constant 0 : i32
      %lt3A_111 = arith.cmpi slt, %select_n3A, %lt3A_110 : i32
      %ne3A_112 = arith.xori %lt3A_109, %lt3A_111 : i1
      %and3A = arith.andi %ne3A_112, %ne3A_108 : i1
      %add3A_113 = arith.addi %rem3A, %select_n3A : i32
      %select_n3A_114 = arith.select %and3A, %add3A_113, %rem3A : i32
      %eq3A_115 = arith.cmpi eq, %select_n3A_114, %arg0 : i32
      %convert_element_type3A_116 = arith.extui %eq3A_115 : i1 to i32
      %cond3A_117 = arith.constant 0 : i32
      %cond3A_118 = arith.cmpi ne, %convert_element_type3A_116, %cond3A_117 : i32
      scf.if %cond3A_118 {
        %mul3A_120 = arith.constant 392 : i32
        %mul3A_121 = arith.muli %arg1, %mul3A_120 : i32
        %mul3A_122 = arith.constant 56 : i32
        %mul3A_123 = arith.muli %scan3A_103, %mul3A_122 : i32
        %add3A_124 = arith.addi %mul3A_121, %mul3A_123 : i32
        "tpu.region"() ({
          %run_scoped3A = tpu.sem_alloc : memref<!tpu.dma_semaphore, #tpu.memory_space<semaphore_mem>>
          %dma_start3A_132 = arith.constant 0 : i32
          %dma_start3A_133 = tpu.memref_slice %arg2[%add3A_124, %dma_start3A_132] : memref<6272x128xi32, #tpu.memory_space<hbm>> -> memref<56x128xi32, #tpu.memory_space<hbm>>
          %dma_start3A_134 = arith.constant 0 : i32
          %dma_start3A_135 = tpu.memref_slice %arg2[%add3A_124, %dma_start3A_134] : memref<6272x128xi32, #tpu.memory_space<hbm>> -> memref<56x128xi32, #tpu.memory_space<hbm>>
          tpu.enqueue_dma source(%dma_start3A_135 : memref<56x128xi32, #tpu.memory_space<hbm>>) target(%arg5 : memref<56x128xi32, #tpu.memory_space<vmem>>) target_semaphore(%run_scoped3A : memref<!tpu.dma_semaphore, #tpu.memory_space<semaphore_mem>>)
          %dma_wait3A_136 = arith.constant 0 : i32
          %dma_wait3A_137 = tpu.memref_slice %arg2[%add3A_124, %dma_wait3A_136] : memref<6272x128xi32, #tpu.memory_space<hbm>> -> memref<56x128xi32, #tpu.memory_space<hbm>>
          %dma_wait3A_138 = arith.constant 0 : i32
          %dma_wait3A_139 = tpu.memref_slice %arg2[%add3A_124, %dma_wait3A_138] : memref<6272x128xi32, #tpu.memory_space<hbm>> -> memref<56x128xi32, #tpu.memory_space<hbm>>
          tpu.wait_dma2 semaphore(%run_scoped3A : memref<!tpu.dma_semaphore, #tpu.memory_space<semaphore_mem>>) src(%dma_wait3A_139 : memref<56x128xi32, #tpu.memory_space<hbm>>) dst(%arg5 : memref<56x128xi32, #tpu.memory_space<vmem>>)
          tpu.yield
        }) : () -> ()
        %scan3A_125 = arith.constant 0 : i32
        %scan3A_126 = arith.constant 0 : i32
        %scan3A_127 = arith.constant 7 : i32
        %scan3A_128 = arith.addi %scan3A_126, %scan3A_127 : i32
        %scan3A_129 = arith.constant 1 : i32
        %scan3A_130 = scf.for %scan3A_132 = %scan3A_126 to %scan3A_128 step %scan3A_129 iter_args(%scan3A_133 = %scan3A_125) -> (i32)  : i32 {
          %mul3A_134 = arith.constant 8 : i32
          %mul3A_135 = arith.muli %scan3A_132, %mul3A_134 : i32
          %add3A_136 = arith.constant 0 : i32
          %add3A_137 = arith.addi %mul3A_135, %add3A_136 : i32
          %dma_start3A_138 = arith.constant 0 : i32
          %dma_start3A_139 = tpu.memref_slice %arg5[%add3A_137, %dma_start3A_138] : memref<56x128xi32, #tpu.memory_space<vmem>> -> memref<1x128xi32, #tpu.memory_space<vmem>>
          %dma_start3A_140 = tpu.memref_squeeze %dma_start3A_139 : memref<1x128xi32, #tpu.memory_space<vmem>> -> memref<128xi32, #tpu.memory_space<vmem>>
          %dma_start3A_141 = arith.constant 0 : i32
          %dma_start3A_142 = arith.constant 0 : i32
          %dma_start3A_143 = tpu.memref_slice %arg10[%dma_start3A_141, %dma_start3A_142] : memref<50048x16xf32, #tpu.memory_space<vmem_shared>> -> memref<50048x16xf32, #tpu.memory_space<vmem_shared>>
          tpu.enqueue_indirect_dma source(%arg6 : memref<128x16xf32, #tpu.memory_space<vmem>>) target(%dma_start3A_143 : memref<50048x16xf32, #tpu.memory_space<vmem_shared>>) offsets(%dma_start3A_140 : memref<128xi32, #tpu.memory_space<vmem>>) semaphore(%arg9 : memref<!tpu.dma_semaphore, #tpu.memory_space<semaphore_mem>>) {add = true}
          %mul3A_144 = arith.constant 8 : i32
          %mul3A_145 = arith.muli %scan3A_132, %mul3A_144 : i32
          %add3A_146 = arith.constant 1 : i32
          %add3A_147 = arith.addi %mul3A_145, %add3A_146 : i32
          %dma_start3A_148 = arith.constant 0 : i32
          %dma_start3A_149 = tpu.memref_slice %arg5[%add3A_147, %dma_start3A_148] : memref<56x128xi32, #tpu.memory_space<vmem>> -> memref<1x128xi32, #tpu.memory_space<vmem>>
          %dma_start3A_150 = tpu.memref_squeeze %dma_start3A_149 : memref<1x128xi32, #tpu.memory_space<vmem>> -> memref<128xi32, #tpu.memory_space<vmem>>
          %dma_start3A_151 = arith.constant 0 : i32
          %dma_start3A_152 = arith.constant 0 : i32
          %dma_start3A_153 = tpu.memref_slice %arg10[%dma_start3A_151, %dma_start3A_152] : memref<50048x16xf32, #tpu.memory_space<vmem_shared>> -> memref<50048x16xf32, #tpu.memory_space<vmem_shared>>
          tpu.enqueue_indirect_dma source(%arg6 : memref<128x16xf32, #tpu.memory_space<vmem>>) target(%dma_start3A_153 : memref<50048x16xf32, #tpu.memory_space<vmem_shared>>) offsets(%dma_start3A_150 : memref<128xi32, #tpu.memory_space<vmem>>) semaphore(%arg9 : memref<!tpu.dma_semaphore, #tpu.memory_space<semaphore_mem>>) {add = true}
          %mul3A_154 = arith.constant 8 : i32
          %mul3A_155 = arith.muli %scan3A_132, %mul3A_154 : i32
          %add3A_156 = arith.constant 2 : i32
          %add3A_157 = arith.addi %mul3A_155, %add3A_156 : i32
          %dma_start3A_158 = arith.constant 0 : i32
          %dma_start3A_159 = tpu.memref_slice %arg5[%add3A_157, %dma_start3A_158] : memref<56x128xi32, #tpu.memory_space<vmem>> -> memref<1x128xi32, #tpu.memory_space<vmem>>
          %dma_start3A_160 = tpu.memref_squeeze %dma_start3A_159 : memref<1x128xi32, #tpu.memory_space<vmem>> -> memref<128xi32, #tpu.memory_space<vmem>>
          %dma_start3A_161 = arith.constant 0 : i32
          %dma_start3A_162 = arith.constant 0 : i32
          %dma_start3A_163 = tpu.memref_slice %arg10[%dma_start3A_161, %dma_start3A_162] : memref<50048x16xf32, #tpu.memory_space<vmem_shared>> -> memref<50048x16xf32, #tpu.memory_space<vmem_shared>>
          tpu.enqueue_indirect_dma source(%arg6 : memref<128x16xf32, #tpu.memory_space<vmem>>) target(%dma_start3A_163 : memref<50048x16xf32, #tpu.memory_space<vmem_shared>>) offsets(%dma_start3A_160 : memref<128xi32, #tpu.memory_space<vmem>>) semaphore(%arg9 : memref<!tpu.dma_semaphore, #tpu.memory_space<semaphore_mem>>) {add = true}
          %mul3A_164 = arith.constant 8 : i32
          %mul3A_165 = arith.muli %scan3A_132, %mul3A_164 : i32
          %add3A_166 = arith.constant 3 : i32
          %add3A_167 = arith.addi %mul3A_165, %add3A_166 : i32
          %dma_start3A_168 = arith.constant 0 : i32
          %dma_start3A_169 = tpu.memref_slice %arg5[%add3A_167, %dma_start3A_168] : memref<56x128xi32, #tpu.memory_space<vmem>> -> memref<1x128xi32, #tpu.memory_space<vmem>>
          %dma_start3A_170 = tpu.memref_squeeze %dma_start3A_169 : memref<1x128xi32, #tpu.memory_space<vmem>> -> memref<128xi32, #tpu.memory_space<vmem>>
          %dma_start3A_171 = arith.constant 0 : i32
          %dma_start3A_172 = arith.constant 0 : i32
          %dma_start3A_173 = tpu.memref_slice %arg10[%dma_start3A_171, %dma_start3A_172] : memref<50048x16xf32, #tpu.memory_space<vmem_shared>> -> memref<50048x16xf32, #tpu.memory_space<vmem_shared>>
          tpu.enqueue_indirect_dma source(%arg6 : memref<128x16xf32, #tpu.memory_space<vmem>>) target(%dma_start3A_173 : memref<50048x16xf32, #tpu.memory_space<vmem_shared>>) offsets(%dma_start3A_170 : memref<128xi32, #tpu.memory_space<vmem>>) semaphore(%arg9 : memref<!tpu.dma_semaphore, #tpu.memory_space<semaphore_mem>>) {add = true}
          %mul3A_174 = arith.constant 8 : i32
          %mul3A_175 = arith.muli %scan3A_132, %mul3A_174 : i32
          %add3A_176 = arith.constant 4 : i32
          %add3A_177 = arith.addi %mul3A_175, %add3A_176 : i32
          %dma_start3A_178 = arith.constant 0 : i32
          %dma_start3A_179 = tpu.memref_slice %arg5[%add3A_177, %dma_start3A_178] : memref<56x128xi32, #tpu.memory_space<vmem>> -> memref<1x128xi32, #tpu.memory_space<vmem>>
          %dma_start3A_180 = tpu.memref_squeeze %dma_start3A_179 : memref<1x128xi32, #tpu.memory_space<vmem>> -> memref<128xi32, #tpu.memory_space<vmem>>
          %dma_start3A_181 = arith.constant 0 : i32
          %dma_start3A_182 = arith.constant 0 : i32
          %dma_start3A_183 = tpu.memref_slice %arg10[%dma_start3A_181, %dma_start3A_182] : memref<50048x16xf32, #tpu.memory_space<vmem_shared>> -> memref<50048x16xf32, #tpu.memory_space<vmem_shared>>
          tpu.enqueue_indirect_dma source(%arg6 : memref<128x16xf32, #tpu.memory_space<vmem>>) target(%dma_start3A_183 : memref<50048x16xf32, #tpu.memory_space<vmem_shared>>) offsets(%dma_start3A_180 : memref<128xi32, #tpu.memory_space<vmem>>) semaphore(%arg9 : memref<!tpu.dma_semaphore, #tpu.memory_space<semaphore_mem>>) {add = true}
          %mul3A_184 = arith.constant 8 : i32
          %mul3A_185 = arith.muli %scan3A_132, %mul3A_184 : i32
          %add3A_186 = arith.constant 5 : i32
          %add3A_187 = arith.addi %mul3A_185, %add3A_186 : i32
          %dma_start3A_188 = arith.constant 0 : i32
          %dma_start3A_189 = tpu.memref_slice %arg5[%add3A_187, %dma_start3A_188] : memref<56x128xi32, #tpu.memory_space<vmem>> -> memref<1x128xi32, #tpu.memory_space<vmem>>
          %dma_start3A_190 = tpu.memref_squeeze %dma_start3A_189 : memref<1x128xi32, #tpu.memory_space<vmem>> -> memref<128xi32, #tpu.memory_space<vmem>>
          %dma_start3A_191 = arith.constant 0 : i32
          %dma_start3A_192 = arith.constant 0 : i32
          %dma_start3A_193 = tpu.memref_slice %arg10[%dma_start3A_191, %dma_start3A_192] : memref<50048x16xf32, #tpu.memory_space<vmem_shared>> -> memref<50048x16xf32, #tpu.memory_space<vmem_shared>>
          tpu.enqueue_indirect_dma source(%arg6 : memref<128x16xf32, #tpu.memory_space<vmem>>) target(%dma_start3A_193 : memref<50048x16xf32, #tpu.memory_space<vmem_shared>>) offsets(%dma_start3A_190 : memref<128xi32, #tpu.memory_space<vmem>>) semaphore(%arg9 : memref<!tpu.dma_semaphore, #tpu.memory_space<semaphore_mem>>) {add = true}
          %mul3A_194 = arith.constant 8 : i32
          %mul3A_195 = arith.muli %scan3A_132, %mul3A_194 : i32
          %add3A_196 = arith.constant 6 : i32
          %add3A_197 = arith.addi %mul3A_195, %add3A_196 : i32
          %dma_start3A_198 = arith.constant 0 : i32
          %dma_start3A_199 = tpu.memref_slice %arg5[%add3A_197, %dma_start3A_198] : memref<56x128xi32, #tpu.memory_space<vmem>> -> memref<1x128xi32, #tpu.memory_space<vmem>>
          %dma_start3A_200 = tpu.memref_squeeze %dma_start3A_199 : memref<1x128xi32, #tpu.memory_space<vmem>> -> memref<128xi32, #tpu.memory_space<vmem>>
          %dma_start3A_201 = arith.constant 0 : i32
          %dma_start3A_202 = arith.constant 0 : i32
          %dma_start3A_203 = tpu.memref_slice %arg10[%dma_start3A_201, %dma_start3A_202] : memref<50048x16xf32, #tpu.memory_space<vmem_shared>> -> memref<50048x16xf32, #tpu.memory_space<vmem_shared>>
          tpu.enqueue_indirect_dma source(%arg6 : memref<128x16xf32, #tpu.memory_space<vmem>>) target(%dma_start3A_203 : memref<50048x16xf32, #tpu.memory_space<vmem_shared>>) offsets(%dma_start3A_200 : memref<128xi32, #tpu.memory_space<vmem>>) semaphore(%arg9 : memref<!tpu.dma_semaphore, #tpu.memory_space<semaphore_mem>>) {add = true}
          %mul3A_204 = arith.constant 8 : i32
          %mul3A_205 = arith.muli %scan3A_132, %mul3A_204 : i32
          %add3A_206 = arith.constant 7 : i32
          %add3A_207 = arith.addi %mul3A_205, %add3A_206 : i32
          %dma_start3A_208 = arith.constant 0 : i32
          %dma_start3A_209 = tpu.memref_slice %arg5[%add3A_207, %dma_start3A_208] : memref<56x128xi32, #tpu.memory_space<vmem>> -> memref<1x128xi32, #tpu.memory_space<vmem>>
          %dma_start3A_210 = tpu.memref_squeeze %dma_start3A_209 : memref<1x128xi32, #tpu.memory_space<vmem>> -> memref<128xi32, #tpu.memory_space<vmem>>
          %dma_start3A_211 = arith.constant 0 : i32
          %dma_start3A_212 = arith.constant 0 : i32
          %dma_start3A_213 = tpu.memref_slice %arg10[%dma_start3A_211, %dma_start3A_212] : memref<50048x16xf32, #tpu.memory_space<vmem_shared>> -> memref<50048x16xf32, #tpu.memory_space<vmem_shared>>
          tpu.enqueue_indirect_dma source(%arg6 : memref<128x16xf32, #tpu.memory_space<vmem>>) target(%dma_start3A_213 : memref<50048x16xf32, #tpu.memory_space<vmem_shared>>) offsets(%dma_start3A_210 : memref<128xi32, #tpu.memory_space<vmem>>) semaphore(%arg9 : memref<!tpu.dma_semaphore, #tpu.memory_space<semaphore_mem>>) {add = true}
          %dma_wait3A_214 = arith.constant 0 : i32
          %dma_wait3A_215 = arith.constant 0 : i32
          %dma_wait3A_216 = tpu.memref_slice %arg5[%dma_wait3A_214, %dma_wait3A_215] : memref<56x128xi32, #tpu.memory_space<vmem>> -> memref<1x128xi32, #tpu.memory_space<vmem>>
          %dma_wait3A_217 = tpu.memref_squeeze %dma_wait3A_216 : memref<1x128xi32, #tpu.memory_space<vmem>> -> memref<128xi32, #tpu.memory_space<vmem>>
          %dma_wait3A_218 = arith.constant 0 : i32
          %dma_wait3A_219 = arith.constant 0 : i32
          %dma_wait3A_220 = tpu.memref_slice %arg10[%dma_wait3A_218, %dma_wait3A_219] : memref<50048x16xf32, #tpu.memory_space<vmem_shared>> -> memref<50048x16xf32, #tpu.memory_space<vmem_shared>>
          tpu.wait_indirect_dma semaphore(%arg9 : memref<!tpu.dma_semaphore, #tpu.memory_space<semaphore_mem>>) src(%arg6 : memref<128x16xf32, #tpu.memory_space<vmem>>) dst(%dma_wait3A_220 : memref<50048x16xf32, #tpu.memory_space<vmem_shared>>)
          %dma_wait3A_221 = arith.constant 0 : i32
          %dma_wait3A_222 = arith.constant 0 : i32
          %dma_wait3A_223 = tpu.memref_slice %arg5[%dma_wait3A_221, %dma_wait3A_222] : memref<56x128xi32, #tpu.memory_space<vmem>> -> memref<1x128xi32, #tpu.memory_space<vmem>>
          %dma_wait3A_224 = tpu.memref_squeeze %dma_wait3A_223 : memref<1x128xi32, #tpu.memory_space<vmem>> -> memref<128xi32, #tpu.memory_space<vmem>>
          %dma_wait3A_225 = arith.constant 0 : i32
          %dma_wait3A_226 = arith.constant 0 : i32
          %dma_wait3A_227 = tpu.memref_slice %arg10[%dma_wait3A_225, %dma_wait3A_226] : memref<50048x16xf32, #tpu.memory_space<vmem_shared>> -> memref<50048x16xf32, #tpu.memory_space<vmem_shared>>
          tpu.wait_indirect_dma semaphore(%arg9 : memref<!tpu.dma_semaphore, #tpu.memory_space<semaphore_mem>>) src(%arg6 : memref<128x16xf32, #tpu.memory_space<vmem>>) dst(%dma_wait3A_227 : memref<50048x16xf32, #tpu.memory_space<vmem_shared>>)
          %dma_wait3A_228 = arith.constant 0 : i32
          %dma_wait3A_229 = arith.constant 0 : i32
          %dma_wait3A_230 = tpu.memref_slice %arg5[%dma_wait3A_228, %dma_wait3A_229] : memref<56x128xi32, #tpu.memory_space<vmem>> -> memref<1x128xi32, #tpu.memory_space<vmem>>
          %dma_wait3A_231 = tpu.memref_squeeze %dma_wait3A_230 : memref<1x128xi32, #tpu.memory_space<vmem>> -> memref<128xi32, #tpu.memory_space<vmem>>
          %dma_wait3A_232 = arith.constant 0 : i32
          %dma_wait3A_233 = arith.constant 0 : i32
          %dma_wait3A_234 = tpu.memref_slice %arg10[%dma_wait3A_232, %dma_wait3A_233] : memref<50048x16xf32, #tpu.memory_space<vmem_shared>> -> memref<50048x16xf32, #tpu.memory_space<vmem_shared>>
          tpu.wait_indirect_dma semaphore(%arg9 : memref<!tpu.dma_semaphore, #tpu.memory_space<semaphore_mem>>) src(%arg6 : memref<128x16xf32, #tpu.memory_space<vmem>>) dst(%dma_wait3A_234 : memref<50048x16xf32, #tpu.memory_space<vmem_shared>>)
          %dma_wait3A_235 = arith.constant 0 : i32
          %dma_wait3A_236 = arith.constant 0 : i32
          %dma_wait3A_237 = tpu.memref_slice %arg5[%dma_wait3A_235, %dma_wait3A_236] : memref<56x128xi32, #tpu.memory_space<vmem>> -> memref<1x128xi32, #tpu.memory_space<vmem>>
          %dma_wait3A_238 = tpu.memref_squeeze %dma_wait3A_237 : memref<1x128xi32, #tpu.memory_space<vmem>> -> memref<128xi32, #tpu.memory_space<vmem>>
          %dma_wait3A_239 = arith.constant 0 : i32
          %dma_wait3A_240 = arith.constant 0 : i32
          %dma_wait3A_241 = tpu.memref_slice %arg10[%dma_wait3A_239, %dma_wait3A_240] : memref<50048x16xf32, #tpu.memory_space<vmem_shared>> -> memref<50048x16xf32, #tpu.memory_space<vmem_shared>>
          tpu.wait_indirect_dma semaphore(%arg9 : memref<!tpu.dma_semaphore, #tpu.memory_space<semaphore_mem>>) src(%arg6 : memref<128x16xf32, #tpu.memory_space<vmem>>) dst(%dma_wait3A_241 : memref<50048x16xf32, #tpu.memory_space<vmem_shared>>)
          %dma_wait3A_242 = arith.constant 0 : i32
          %dma_wait3A_243 = arith.constant 0 : i32
          %dma_wait3A_244 = tpu.memref_slice %arg5[%dma_wait3A_242, %dma_wait3A_243] : memref<56x128xi32, #tpu.memory_space<vmem>> -> memref<1x128xi32, #tpu.memory_space<vmem>>
          %dma_wait3A_245 = tpu.memref_squeeze %dma_wait3A_244 : memref<1x128xi32, #tpu.memory_space<vmem>> -> memref<128xi32, #tpu.memory_space<vmem>>
          %dma_wait3A_246 = arith.constant 0 : i32
          %dma_wait3A_247 = arith.constant 0 : i32
          %dma_wait3A_248 = tpu.memref_slice %arg10[%dma_wait3A_246, %dma_wait3A_247] : memref<50048x16xf32, #tpu.memory_space<vmem_shared>> -> memref<50048x16xf32, #tpu.memory_space<vmem_shared>>
          tpu.wait_indirect_dma semaphore(%arg9 : memref<!tpu.dma_semaphore, #tpu.memory_space<semaphore_mem>>) src(%arg6 : memref<128x16xf32, #tpu.memory_space<vmem>>) dst(%dma_wait3A_248 : memref<50048x16xf32, #tpu.memory_space<vmem_shared>>)
          %dma_wait3A_249 = arith.constant 0 : i32
          %dma_wait3A_250 = arith.constant 0 : i32
          %dma_wait3A_251 = tpu.memref_slice %arg5[%dma_wait3A_249, %dma_wait3A_250] : memref<56x128xi32, #tpu.memory_space<vmem>> -> memref<1x128xi32, #tpu.memory_space<vmem>>
          %dma_wait3A_252 = tpu.memref_squeeze %dma_wait3A_251 : memref<1x128xi32, #tpu.memory_space<vmem>> -> memref<128xi32, #tpu.memory_space<vmem>>
          %dma_wait3A_253 = arith.constant 0 : i32
          %dma_wait3A_254 = arith.constant 0 : i32
          %dma_wait3A_255 = tpu.memref_slice %arg10[%dma_wait3A_253, %dma_wait3A_254] : memref<50048x16xf32, #tpu.memory_space<vmem_shared>> -> memref<50048x16xf32, #tpu.memory_space<vmem_shared>>
          tpu.wait_indirect_dma semaphore(%arg9 : memref<!tpu.dma_semaphore, #tpu.memory_space<semaphore_mem>>) src(%arg6 : memref<128x16xf32, #tpu.memory_space<vmem>>) dst(%dma_wait3A_255 : memref<50048x16xf32, #tpu.memory_space<vmem_shared>>)
          %dma_wait3A_256 = arith.constant 0 : i32
          %dma_wait3A_257 = arith.constant 0 : i32
          %dma_wait3A_258 = tpu.memref_slice %arg5[%dma_wait3A_256, %dma_wait3A_257] : memref<56x128xi32, #tpu.memory_space<vmem>> -> memref<1x128xi32, #tpu.memory_space<vmem>>
          %dma_wait3A_259 = tpu.memref_squeeze %dma_wait3A_258 : memref<1x128xi32, #tpu.memory_space<vmem>> -> memref<128xi32, #tpu.memory_space<vmem>>
          %dma_wait3A_260 = arith.constant 0 : i32
          %dma_wait3A_261 = arith.constant 0 : i32
          %dma_wait3A_262 = tpu.memref_slice %arg10[%dma_wait3A_260, %dma_wait3A_261] : memref<50048x16xf32, #tpu.memory_space<vmem_shared>> -> memref<50048x16xf32, #tpu.memory_space<vmem_shared>>
          tpu.wait_indirect_dma semaphore(%arg9 : memref<!tpu.dma_semaphore, #tpu.memory_space<semaphore_mem>>) src(%arg6 : memref<128x16xf32, #tpu.memory_space<vmem>>) dst(%dma_wait3A_262 : memref<50048x16xf32, #tpu.memory_space<vmem_shared>>)
          %dma_wait3A_263 = arith.constant 0 : i32
          %dma_wait3A_264 = arith.constant 0 : i32
          %dma_wait3A_265 = tpu.memref_slice %arg5[%dma_wait3A_263, %dma_wait3A_264] : memref<56x128xi32, #tpu.memory_space<vmem>> -> memref<1x128xi32, #tpu.memory_space<vmem>>
          %dma_wait3A_266 = tpu.memref_squeeze %dma_wait3A_265 : memref<1x128xi32, #tpu.memory_space<vmem>> -> memref<128xi32, #tpu.memory_space<vmem>>
          %dma_wait3A_267 = arith.constant 0 : i32
          %dma_wait3A_268 = arith.constant 0 : i32
          %dma_wait3A_269 = tpu.memref_slice %arg10[%dma_wait3A_267, %dma_wait3A_268] : memref<50048x16xf32, #tpu.memory_space<vmem_shared>> -> memref<50048x16xf32, #tpu.memory_space<vmem_shared>>
          tpu.wait_indirect_dma semaphore(%arg9 : memref<!tpu.dma_semaphore, #tpu.memory_space<semaphore_mem>>) src(%arg6 : memref<128x16xf32, #tpu.memory_space<vmem>>) dst(%dma_wait3A_269 : memref<50048x16xf32, #tpu.memory_space<vmem_shared>>)
          %scan3A_270 = arith.constant 0 : i32
          scf.yield %scan3A_270 : i32
        }
        %scan3A_131 = arith.constant 7 : i32
      } else {
      }
      %scan3A_119 = arith.constant 0 : i32
      scf.yield %scan3A_119 : i32
    }
    %scan3A_94 = arith.constant 7 : i32
    %barrier3A_95 = arith.constant 0 : index
    tpu.barrier barrier_id(%barrier3A_95)
    %eq3A = arith.constant 0 : i32
    %eq3A_96 = arith.cmpi eq, %arg0, %eq3A : i32
    %convert_element_type3A = arith.extui %eq3A_96 : i1 to i32
    %cond3A = arith.constant 0 : i32
    %cond3A_97 = arith.cmpi ne, %convert_element_type3A, %cond3A : i32
    scf.if %cond3A_97 {
      "tpu.region"() ({
        %run_scoped3A = tpu.sem_alloc : memref<!tpu.dma_semaphore, #tpu.memory_space<semaphore_mem>>
        %dma_start3A_103 = arith.constant 0 : i32
        %dma_start3A_104 = tpu.memref_slice %arg3[%mul3A_13, %dma_start3A_103] : memref<50048x16xf32, #tpu.memory_space<hbm>> -> memref<3128x16xf32, #tpu.memory_space<hbm>>
        %dma_start3A_105 = arith.constant 0 : i32
        %dma_start3A_106 = tpu.memref_slice %arg10[%mul3A_13, %dma_start3A_105] : memref<50048x16xf32, #tpu.memory_space<vmem_shared>> -> memref<3128x16xf32, #tpu.memory_space<vmem_shared>>
        tpu.enqueue_dma source(%dma_start3A_106 : memref<3128x16xf32, #tpu.memory_space<vmem_shared>>) target(%dma_start3A_104 : memref<3128x16xf32, #tpu.memory_space<hbm>>) target_semaphore(%run_scoped3A : memref<!tpu.dma_semaphore, #tpu.memory_space<semaphore_mem>>)
        %dma_wait3A_107 = arith.constant 0 : i32
        %dma_wait3A_108 = tpu.memref_slice %arg3[%mul3A_13, %dma_wait3A_107] : memref<50048x16xf32, #tpu.memory_space<hbm>> -> memref<3128x16xf32, #tpu.memory_space<hbm>>
        %dma_wait3A_109 = arith.constant 0 : i32
        %dma_wait3A_110 = tpu.memref_slice %arg10[%mul3A_13, %dma_wait3A_109] : memref<50048x16xf32, #tpu.memory_space<vmem_shared>> -> memref<3128x16xf32, #tpu.memory_space<vmem_shared>>
        tpu.wait_dma2 semaphore(%run_scoped3A : memref<!tpu.dma_semaphore, #tpu.memory_space<semaphore_mem>>) src(%dma_wait3A_110 : memref<3128x16xf32, #tpu.memory_space<vmem_shared>>) dst(%dma_wait3A_108 : memref<3128x16xf32, #tpu.memory_space<hbm>>)
        tpu.yield
      }) : () -> ()
    } else {
    }
    %eq3A_98 = arith.constant 1 : i32
    %eq3A_99 = arith.cmpi eq, %arg0, %eq3A_98 : i32
    %convert_element_type3A_100 = arith.extui %eq3A_99 : i1 to i32
    %cond3A_101 = arith.constant 0 : i32
    %cond3A_102 = arith.cmpi ne, %convert_element_type3A_100, %cond3A_101 : i32
    scf.if %cond3A_102 {
      "tpu.region"() ({
        %run_scoped3A = tpu.sem_alloc : memref<!tpu.dma_semaphore, #tpu.memory_space<semaphore_mem>>
        %dma_start3A_103 = arith.constant 0 : i32
        %dma_start3A_104 = tpu.memref_slice %arg4[%mul3A_13, %dma_start3A_103] : memref<50048x16xf32, #tpu.memory_space<hbm>> -> memref<3128x16xf32, #tpu.memory_space<hbm>>
        %dma_start3A_105 = arith.constant 0 : i32
        %dma_start3A_106 = tpu.memref_slice %arg10[%mul3A_13, %dma_start3A_105] : memref<50048x16xf32, #tpu.memory_space<vmem_shared>> -> memref<3128x16xf32, #tpu.memory_space<vmem_shared>>
        tpu.enqueue_dma source(%dma_start3A_106 : memref<3128x16xf32, #tpu.memory_space<vmem_shared>>) target(%dma_start3A_104 : memref<3128x16xf32, #tpu.memory_space<hbm>>) target_semaphore(%run_scoped3A : memref<!tpu.dma_semaphore, #tpu.memory_space<semaphore_mem>>)
        %dma_wait3A_107 = arith.constant 0 : i32
        %dma_wait3A_108 = tpu.memref_slice %arg4[%mul3A_13, %dma_wait3A_107] : memref<50048x16xf32, #tpu.memory_space<hbm>> -> memref<3128x16xf32, #tpu.memory_space<hbm>>
        %dma_wait3A_109 = arith.constant 0 : i32
        %dma_wait3A_110 = tpu.memref_slice %arg10[%mul3A_13, %dma_wait3A_109] : memref<50048x16xf32, #tpu.memory_space<vmem_shared>> -> memref<3128x16xf32, #tpu.memory_space<vmem_shared>>
        tpu.wait_dma2 semaphore(%run_scoped3A : memref<!tpu.dma_semaphore, #tpu.memory_space<semaphore_mem>>) src(%dma_wait3A_110 : memref<3128x16xf32, #tpu.memory_space<vmem_shared>>) dst(%dma_wait3A_108 : memref<3128x16xf32, #tpu.memory_space<hbm>>)
        tpu.yield
      }) : () -> ()
    } else {
    }
    return
  }
}

#map = affine_map<(d0, d1) -> (0, 0)>
module attributes {stable_mosaic.version = 14 : i64} {
  func.func @_agg_body(%arg0: i32, %arg1: i32, %arg2: memref<50048x32xf32, #tpu.memory_space<hbm>>, %arg3: memref<50048x32xf32, #tpu.memory_space<hbm>>, %arg4: memref<6272x128xi32, #tpu.memory_space<hbm>>, %arg5: memref<6272x128xi32, #tpu.memory_space<hbm>>, %arg6: memref<50048x32xf32, #tpu.memory_space<hbm>>, %arg7: memref<50048x32xf32, #tpu.memory_space<hbm>>, %arg8: memref<56x128xi32, #tpu.memory_space<vmem>>, %arg9: memref<56x128xi32, #tpu.memory_space<vmem>>, %arg10: memref<128x32xf32, #tpu.memory_space<vmem>>, %arg11: memref<128x32xf32, #tpu.memory_space<vmem>>, %arg12: memref<128x32xf32, #tpu.memory_space<vmem>>, %arg13: memref<128x32xf32, #tpu.memory_space<vmem>>, %arg14: memref<!tpu.dma_semaphore, #tpu.memory_space<semaphore_mem>>, %arg15: memref<!tpu.dma_semaphore, #tpu.memory_space<semaphore_mem>>, %arg16: memref<!tpu.dma_semaphore, #tpu.memory_space<semaphore_mem>>, %arg17: memref<!tpu.dma_semaphore, #tpu.memory_space<semaphore_mem>>, %arg18: memref<!tpu.dma_semaphore, #tpu.memory_space<semaphore_mem>>, %arg19: memref<!tpu.dma_semaphore, #tpu.memory_space<semaphore_mem>>, %arg20: memref<!tpu.dma_semaphore, #tpu.memory_space<semaphore_mem>>, %arg21: memref<!tpu.dma_semaphore, #tpu.memory_space<semaphore_mem>>, %arg22: memref<!tpu.dma_semaphore, #tpu.memory_space<semaphore_mem>>, %arg23: memref<50048x32xf32, #tpu.memory_space<vmem_shared>>) attributes {dimension_semantics = [#tpu.dimension_semantics<core_parallel>, #tpu.dimension_semantics<subcore_parallel>], iteration_bounds = array<i64: 2, 16>, scalar_prefetch = 0 : i64, scratch_operands = 16 : i64, tpu.core_type = #tpu.core_type<sc_vector_subcore>, window_params = [{transform_indices = #map}, {transform_indices = #map}, {transform_indices = #map}, {transform_indices = #map}, {transform_indices = #map}, {transform_indices = #map}]} {
    %scan3A = arith.constant 0 : i32
    %scan3A_0 = arith.constant 0 : i32
    %scan3A_1 = arith.constant 128 : i32
    %scan3A_2 = arith.addi %scan3A_0, %scan3A_1 : i32
    %scan3A_3 = arith.constant 1 : i32
    %scan3A_4 = scf.for %scan3A_48 = %scan3A_0 to %scan3A_2 step %scan3A_3 iter_args(%scan3A_49 = %scan3A) -> (i32)  : i32 {
      %broadcast_in_dim3A = arith.constant 0.000000e+00 : f32
      %broadcast_in_dim3A_50 = vector.broadcast %broadcast_in_dim3A : f32 to vector<16xf32>
      %swap3A = arith.index_cast %scan3A_48 : i32 to index
      %swap3A_51 = arith.constant 0 : index
      %swap3A_52 = tpu.vector_load %arg10[%swap3A, %swap3A_51] {strides = array<i32>} : memref<128x32xf32, #tpu.memory_space<vmem>>, vector<1x16xf32>,
      %swap3A_53 = vector.shape_cast %swap3A_52 : vector<1x16xf32> to vector<16xf32>
      %swap3A_54 = vector.shape_cast %broadcast_in_dim3A_50 : vector<16xf32> to vector<1x16xf32>
      tpu.vector_store %arg10[%swap3A, %swap3A_51], %swap3A_54 {strides = array<i32>} : memref<128x32xf32, #tpu.memory_space<vmem>>, vector<1x16xf32>,
      %broadcast_in_dim3A_55 = arith.constant 0.000000e+00 : f32
      %broadcast_in_dim3A_56 = vector.broadcast %broadcast_in_dim3A_55 : f32 to vector<16xf32>
      %swap3A_57 = arith.index_cast %scan3A_48 : i32 to index
      %swap3A_58 = arith.constant 16 : index
      %swap3A_59 = tpu.vector_load %arg10[%swap3A_57, %swap3A_58] {strides = array<i32>} : memref<128x32xf32, #tpu.memory_space<vmem>>, vector<1x16xf32>,
      %swap3A_60 = vector.shape_cast %swap3A_59 : vector<1x16xf32> to vector<16xf32>
      %swap3A_61 = vector.shape_cast %broadcast_in_dim3A_56 : vector<16xf32> to vector<1x16xf32>
      tpu.vector_store %arg10[%swap3A_57, %swap3A_58], %swap3A_61 {strides = array<i32>} : memref<128x32xf32, #tpu.memory_space<vmem>>, vector<1x16xf32>,
      %scan3A_62 = arith.constant 0 : i32
      scf.yield %scan3A_62 : i32
    }
    %scan3A_5 = arith.constant 128 : i32
    %mul3A = arith.constant 3128 : i32
    %mul3A_6 = arith.muli %arg1, %mul3A : i32
    %scan3A_7 = arith.constant 0 : i32
    %scan3A_8 = arith.constant 0 : i32
    %scan3A_9 = arith.constant 3 : i32
    %scan3A_10 = arith.addi %scan3A_8, %scan3A_9 : i32
    %scan3A_11 = arith.constant 1 : i32
    %scan3A_12 = scf.for %scan3A_48 = %scan3A_8 to %scan3A_10 step %scan3A_11 iter_args(%scan3A_49 = %scan3A_7) -> (i32)  : i32 {
      %mul3A_50 = arith.constant 8 : i32
      %mul3A_51 = arith.muli %scan3A_48, %mul3A_50 : i32
      %add3A_52 = arith.constant 0 : i32
      %add3A_53 = arith.addi %mul3A_51, %add3A_52 : i32
      %mul3A_54 = arith.constant 128 : i32
      %mul3A_55 = arith.muli %add3A_53, %mul3A_54 : i32
      %add3A_56 = arith.addi %mul3A_6, %mul3A_55 : i32
      %dma_start3A_57 = arith.constant 0 : i32
      %dma_start3A_58 = tpu.memref_slice %arg23[%add3A_56, %dma_start3A_57] : memref<50048x32xf32, #tpu.memory_space<vmem_shared>> -> memref<128x32xf32, #tpu.memory_space<vmem_shared>>
      %dma_start3A_59 = arith.constant 0 : i32
      %dma_start3A_60 = tpu.memref_slice %arg23[%add3A_56, %dma_start3A_59] : memref<50048x32xf32, #tpu.memory_space<vmem_shared>> -> memref<128x32xf32, #tpu.memory_space<vmem_shared>>
      tpu.enqueue_dma source(%arg10 : memref<128x32xf32, #tpu.memory_space<vmem>>) target(%dma_start3A_60 : memref<128x32xf32, #tpu.memory_space<vmem_shared>>) target_semaphore(%arg22 : memref<!tpu.dma_semaphore, #tpu.memory_space<semaphore_mem>>)
      %mul3A_61 = arith.constant 8 : i32
      %mul3A_62 = arith.muli %scan3A_48, %mul3A_61 : i32
      %add3A_63 = arith.constant 1 : i32
      %add3A_64 = arith.addi %mul3A_62, %add3A_63 : i32
      %mul3A_65 = arith.constant 128 : i32
      %mul3A_66 = arith.muli %add3A_64, %mul3A_65 : i32
      %add3A_67 = arith.addi %mul3A_6, %mul3A_66 : i32
      %dma_start3A_68 = arith.constant 0 : i32
      %dma_start3A_69 = tpu.memref_slice %arg23[%add3A_67, %dma_start3A_68] : memref<50048x32xf32, #tpu.memory_space<vmem_shared>> -> memref<128x32xf32, #tpu.memory_space<vmem_shared>>
      %dma_start3A_70 = arith.constant 0 : i32
      %dma_start3A_71 = tpu.memref_slice %arg23[%add3A_67, %dma_start3A_70] : memref<50048x32xf32, #tpu.memory_space<vmem_shared>> -> memref<128x32xf32, #tpu.memory_space<vmem_shared>>
      tpu.enqueue_dma source(%arg10 : memref<128x32xf32, #tpu.memory_space<vmem>>) target(%dma_start3A_71 : memref<128x32xf32, #tpu.memory_space<vmem_shared>>) target_semaphore(%arg22 : memref<!tpu.dma_semaphore, #tpu.memory_space<semaphore_mem>>)
      %mul3A_72 = arith.constant 8 : i32
      %mul3A_73 = arith.muli %scan3A_48, %mul3A_72 : i32
      %add3A_74 = arith.constant 2 : i32
      %add3A_75 = arith.addi %mul3A_73, %add3A_74 : i32
      %mul3A_76 = arith.constant 128 : i32
      %mul3A_77 = arith.muli %add3A_75, %mul3A_76 : i32
      %add3A_78 = arith.addi %mul3A_6, %mul3A_77 : i32
      %dma_start3A_79 = arith.constant 0 : i32
      %dma_start3A_80 = tpu.memref_slice %arg23[%add3A_78, %dma_start3A_79] : memref<50048x32xf32, #tpu.memory_space<vmem_shared>> -> memref<128x32xf32, #tpu.memory_space<vmem_shared>>
      %dma_start3A_81 = arith.constant 0 : i32
      %dma_start3A_82 = tpu.memref_slice %arg23[%add3A_78, %dma_start3A_81] : memref<50048x32xf32, #tpu.memory_space<vmem_shared>> -> memref<128x32xf32, #tpu.memory_space<vmem_shared>>
      tpu.enqueue_dma source(%arg10 : memref<128x32xf32, #tpu.memory_space<vmem>>) target(%dma_start3A_82 : memref<128x32xf32, #tpu.memory_space<vmem_shared>>) target_semaphore(%arg22 : memref<!tpu.dma_semaphore, #tpu.memory_space<semaphore_mem>>)
      %mul3A_83 = arith.constant 8 : i32
      %mul3A_84 = arith.muli %scan3A_48, %mul3A_83 : i32
      %add3A_85 = arith.constant 3 : i32
      %add3A_86 = arith.addi %mul3A_84, %add3A_85 : i32
      %mul3A_87 = arith.constant 128 : i32
      %mul3A_88 = arith.muli %add3A_86, %mul3A_87 : i32
      %add3A_89 = arith.addi %mul3A_6, %mul3A_88 : i32
      %dma_start3A_90 = arith.constant 0 : i32
      %dma_start3A_91 = tpu.memref_slice %arg23[%add3A_89, %dma_start3A_90] : memref<50048x32xf32, #tpu.memory_space<vmem_shared>> -> memref<128x32xf32, #tpu.memory_space<vmem_shared>>
      %dma_start3A_92 = arith.constant 0 : i32
      %dma_start3A_93 = tpu.memref_slice %arg23[%add3A_89, %dma_start3A_92] : memref<50048x32xf32, #tpu.memory_space<vmem_shared>> -> memref<128x32xf32, #tpu.memory_space<vmem_shared>>
      tpu.enqueue_dma source(%arg10 : memref<128x32xf32, #tpu.memory_space<vmem>>) target(%dma_start3A_93 : memref<128x32xf32, #tpu.memory_space<vmem_shared>>) target_semaphore(%arg22 : memref<!tpu.dma_semaphore, #tpu.memory_space<semaphore_mem>>)
      %mul3A_94 = arith.constant 8 : i32
      %mul3A_95 = arith.muli %scan3A_48, %mul3A_94 : i32
      %add3A_96 = arith.constant 4 : i32
      %add3A_97 = arith.addi %mul3A_95, %add3A_96 : i32
      %mul3A_98 = arith.constant 128 : i32
      %mul3A_99 = arith.muli %add3A_97, %mul3A_98 : i32
      %add3A_100 = arith.addi %mul3A_6, %mul3A_99 : i32
      %dma_start3A_101 = arith.constant 0 : i32
      %dma_start3A_102 = tpu.memref_slice %arg23[%add3A_100, %dma_start3A_101] : memref<50048x32xf32, #tpu.memory_space<vmem_shared>> -> memref<128x32xf32, #tpu.memory_space<vmem_shared>>
      %dma_start3A_103 = arith.constant 0 : i32
      %dma_start3A_104 = tpu.memref_slice %arg23[%add3A_100, %dma_start3A_103] : memref<50048x32xf32, #tpu.memory_space<vmem_shared>> -> memref<128x32xf32, #tpu.memory_space<vmem_shared>>
      tpu.enqueue_dma source(%arg10 : memref<128x32xf32, #tpu.memory_space<vmem>>) target(%dma_start3A_104 : memref<128x32xf32, #tpu.memory_space<vmem_shared>>) target_semaphore(%arg22 : memref<!tpu.dma_semaphore, #tpu.memory_space<semaphore_mem>>)
      %mul3A_105 = arith.constant 8 : i32
      %mul3A_106 = arith.muli %scan3A_48, %mul3A_105 : i32
      %add3A_107 = arith.constant 5 : i32
      %add3A_108 = arith.addi %mul3A_106, %add3A_107 : i32
      %mul3A_109 = arith.constant 128 : i32
      %mul3A_110 = arith.muli %add3A_108, %mul3A_109 : i32
      %add3A_111 = arith.addi %mul3A_6, %mul3A_110 : i32
      %dma_start3A_112 = arith.constant 0 : i32
      %dma_start3A_113 = tpu.memref_slice %arg23[%add3A_111, %dma_start3A_112] : memref<50048x32xf32, #tpu.memory_space<vmem_shared>> -> memref<128x32xf32, #tpu.memory_space<vmem_shared>>
      %dma_start3A_114 = arith.constant 0 : i32
      %dma_start3A_115 = tpu.memref_slice %arg23[%add3A_111, %dma_start3A_114] : memref<50048x32xf32, #tpu.memory_space<vmem_shared>> -> memref<128x32xf32, #tpu.memory_space<vmem_shared>>
      tpu.enqueue_dma source(%arg10 : memref<128x32xf32, #tpu.memory_space<vmem>>) target(%dma_start3A_115 : memref<128x32xf32, #tpu.memory_space<vmem_shared>>) target_semaphore(%arg22 : memref<!tpu.dma_semaphore, #tpu.memory_space<semaphore_mem>>)
      %mul3A_116 = arith.constant 8 : i32
      %mul3A_117 = arith.muli %scan3A_48, %mul3A_116 : i32
      %add3A_118 = arith.constant 6 : i32
      %add3A_119 = arith.addi %mul3A_117, %add3A_118 : i32
      %mul3A_120 = arith.constant 128 : i32
      %mul3A_121 = arith.muli %add3A_119, %mul3A_120 : i32
      %add3A_122 = arith.addi %mul3A_6, %mul3A_121 : i32
      %dma_start3A_123 = arith.constant 0 : i32
      %dma_start3A_124 = tpu.memref_slice %arg23[%add3A_122, %dma_start3A_123] : memref<50048x32xf32, #tpu.memory_space<vmem_shared>> -> memref<128x32xf32, #tpu.memory_space<vmem_shared>>
      %dma_start3A_125 = arith.constant 0 : i32
      %dma_start3A_126 = tpu.memref_slice %arg23[%add3A_122, %dma_start3A_125] : memref<50048x32xf32, #tpu.memory_space<vmem_shared>> -> memref<128x32xf32, #tpu.memory_space<vmem_shared>>
      tpu.enqueue_dma source(%arg10 : memref<128x32xf32, #tpu.memory_space<vmem>>) target(%dma_start3A_126 : memref<128x32xf32, #tpu.memory_space<vmem_shared>>) target_semaphore(%arg22 : memref<!tpu.dma_semaphore, #tpu.memory_space<semaphore_mem>>)
      %mul3A_127 = arith.constant 8 : i32
      %mul3A_128 = arith.muli %scan3A_48, %mul3A_127 : i32
      %add3A_129 = arith.constant 7 : i32
      %add3A_130 = arith.addi %mul3A_128, %add3A_129 : i32
      %mul3A_131 = arith.constant 128 : i32
      %mul3A_132 = arith.muli %add3A_130, %mul3A_131 : i32
      %add3A_133 = arith.addi %mul3A_6, %mul3A_132 : i32
      %dma_start3A_134 = arith.constant 0 : i32
      %dma_start3A_135 = tpu.memref_slice %arg23[%add3A_133, %dma_start3A_134] : memref<50048x32xf32, #tpu.memory_space<vmem_shared>> -> memref<128x32xf32, #tpu.memory_space<vmem_shared>>
      %dma_start3A_136 = arith.constant 0 : i32
      %dma_start3A_137 = tpu.memref_slice %arg23[%add3A_133, %dma_start3A_136] : memref<50048x32xf32, #tpu.memory_space<vmem_shared>> -> memref<128x32xf32, #tpu.memory_space<vmem_shared>>
      tpu.enqueue_dma source(%arg10 : memref<128x32xf32, #tpu.memory_space<vmem>>) target(%dma_start3A_137 : memref<128x32xf32, #tpu.memory_space<vmem_shared>>) target_semaphore(%arg22 : memref<!tpu.dma_semaphore, #tpu.memory_space<semaphore_mem>>)
      %dma_wait3A_138 = arith.constant 0 : i32
      %dma_wait3A_139 = tpu.memref_slice %arg23[%mul3A_6, %dma_wait3A_138] : memref<50048x32xf32, #tpu.memory_space<vmem_shared>> -> memref<128x32xf32, #tpu.memory_space<vmem_shared>>
      %dma_wait3A_140 = arith.constant 0 : i32
      %dma_wait3A_141 = tpu.memref_slice %arg23[%mul3A_6, %dma_wait3A_140] : memref<50048x32xf32, #tpu.memory_space<vmem_shared>> -> memref<128x32xf32, #tpu.memory_space<vmem_shared>>
      tpu.wait_dma2 semaphore(%arg22 : memref<!tpu.dma_semaphore, #tpu.memory_space<semaphore_mem>>) src(%arg10 : memref<128x32xf32, #tpu.memory_space<vmem>>) dst(%dma_wait3A_141 : memref<128x32xf32, #tpu.memory_space<vmem_shared>>)
      %dma_wait3A_142 = arith.constant 0 : i32
      %dma_wait3A_143 = tpu.memref_slice %arg23[%mul3A_6, %dma_wait3A_142] : memref<50048x32xf32, #tpu.memory_space<vmem_shared>> -> memref<128x32xf32, #tpu.memory_space<vmem_shared>>
      %dma_wait3A_144 = arith.constant 0 : i32
      %dma_wait3A_145 = tpu.memref_slice %arg23[%mul3A_6, %dma_wait3A_144] : memref<50048x32xf32, #tpu.memory_space<vmem_shared>> -> memref<128x32xf32, #tpu.memory_space<vmem_shared>>
      tpu.wait_dma2 semaphore(%arg22 : memref<!tpu.dma_semaphore, #tpu.memory_space<semaphore_mem>>) src(%arg10 : memref<128x32xf32, #tpu.memory_space<vmem>>) dst(%dma_wait3A_145 : memref<128x32xf32, #tpu.memory_space<vmem_shared>>)
      %dma_wait3A_146 = arith.constant 0 : i32
      %dma_wait3A_147 = tpu.memref_slice %arg23[%mul3A_6, %dma_wait3A_146] : memref<50048x32xf32, #tpu.memory_space<vmem_shared>> -> memref<128x32xf32, #tpu.memory_space<vmem_shared>>
      %dma_wait3A_148 = arith.constant 0 : i32
      %dma_wait3A_149 = tpu.memref_slice %arg23[%mul3A_6, %dma_wait3A_148] : memref<50048x32xf32, #tpu.memory_space<vmem_shared>> -> memref<128x32xf32, #tpu.memory_space<vmem_shared>>
      tpu.wait_dma2 semaphore(%arg22 : memref<!tpu.dma_semaphore, #tpu.memory_space<semaphore_mem>>) src(%arg10 : memref<128x32xf32, #tpu.memory_space<vmem>>) dst(%dma_wait3A_149 : memref<128x32xf32, #tpu.memory_space<vmem_shared>>)
      %dma_wait3A_150 = arith.constant 0 : i32
      %dma_wait3A_151 = tpu.memref_slice %arg23[%mul3A_6, %dma_wait3A_150] : memref<50048x32xf32, #tpu.memory_space<vmem_shared>> -> memref<128x32xf32, #tpu.memory_space<vmem_shared>>
      %dma_wait3A_152 = arith.constant 0 : i32
      %dma_wait3A_153 = tpu.memref_slice %arg23[%mul3A_6, %dma_wait3A_152] : memref<50048x32xf32, #tpu.memory_space<vmem_shared>> -> memref<128x32xf32, #tpu.memory_space<vmem_shared>>
      tpu.wait_dma2 semaphore(%arg22 : memref<!tpu.dma_semaphore, #tpu.memory_space<semaphore_mem>>) src(%arg10 : memref<128x32xf32, #tpu.memory_space<vmem>>) dst(%dma_wait3A_153 : memref<128x32xf32, #tpu.memory_space<vmem_shared>>)
      %dma_wait3A_154 = arith.constant 0 : i32
      %dma_wait3A_155 = tpu.memref_slice %arg23[%mul3A_6, %dma_wait3A_154] : memref<50048x32xf32, #tpu.memory_space<vmem_shared>> -> memref<128x32xf32, #tpu.memory_space<vmem_shared>>
      %dma_wait3A_156 = arith.constant 0 : i32
      %dma_wait3A_157 = tpu.memref_slice %arg23[%mul3A_6, %dma_wait3A_156] : memref<50048x32xf32, #tpu.memory_space<vmem_shared>> -> memref<128x32xf32, #tpu.memory_space<vmem_shared>>
      tpu.wait_dma2 semaphore(%arg22 : memref<!tpu.dma_semaphore, #tpu.memory_space<semaphore_mem>>) src(%arg10 : memref<128x32xf32, #tpu.memory_space<vmem>>) dst(%dma_wait3A_157 : memref<128x32xf32, #tpu.memory_space<vmem_shared>>)
      %dma_wait3A_158 = arith.constant 0 : i32
      %dma_wait3A_159 = tpu.memref_slice %arg23[%mul3A_6, %dma_wait3A_158] : memref<50048x32xf32, #tpu.memory_space<vmem_shared>> -> memref<128x32xf32, #tpu.memory_space<vmem_shared>>
      %dma_wait3A_160 = arith.constant 0 : i32
      %dma_wait3A_161 = tpu.memref_slice %arg23[%mul3A_6, %dma_wait3A_160] : memref<50048x32xf32, #tpu.memory_space<vmem_shared>> -> memref<128x32xf32, #tpu.memory_space<vmem_shared>>
      tpu.wait_dma2 semaphore(%arg22 : memref<!tpu.dma_semaphore, #tpu.memory_space<semaphore_mem>>) src(%arg10 : memref<128x32xf32, #tpu.memory_space<vmem>>) dst(%dma_wait3A_161 : memref<128x32xf32, #tpu.memory_space<vmem_shared>>)
      %dma_wait3A_162 = arith.constant 0 : i32
      %dma_wait3A_163 = tpu.memref_slice %arg23[%mul3A_6, %dma_wait3A_162] : memref<50048x32xf32, #tpu.memory_space<vmem_shared>> -> memref<128x32xf32, #tpu.memory_space<vmem_shared>>
      %dma_wait3A_164 = arith.constant 0 : i32
      %dma_wait3A_165 = tpu.memref_slice %arg23[%mul3A_6, %dma_wait3A_164] : memref<50048x32xf32, #tpu.memory_space<vmem_shared>> -> memref<128x32xf32, #tpu.memory_space<vmem_shared>>
      tpu.wait_dma2 semaphore(%arg22 : memref<!tpu.dma_semaphore, #tpu.memory_space<semaphore_mem>>) src(%arg10 : memref<128x32xf32, #tpu.memory_space<vmem>>) dst(%dma_wait3A_165 : memref<128x32xf32, #tpu.memory_space<vmem_shared>>)
      %dma_wait3A_166 = arith.constant 0 : i32
      %dma_wait3A_167 = tpu.memref_slice %arg23[%mul3A_6, %dma_wait3A_166] : memref<50048x32xf32, #tpu.memory_space<vmem_shared>> -> memref<128x32xf32, #tpu.memory_space<vmem_shared>>
      %dma_wait3A_168 = arith.constant 0 : i32
      %dma_wait3A_169 = tpu.memref_slice %arg23[%mul3A_6, %dma_wait3A_168] : memref<50048x32xf32, #tpu.memory_space<vmem_shared>> -> memref<128x32xf32, #tpu.memory_space<vmem_shared>>
      tpu.wait_dma2 semaphore(%arg22 : memref<!tpu.dma_semaphore, #tpu.memory_space<semaphore_mem>>) src(%arg10 : memref<128x32xf32, #tpu.memory_space<vmem>>) dst(%dma_wait3A_169 : memref<128x32xf32, #tpu.memory_space<vmem_shared>>)
      %scan3A_170 = arith.constant 0 : i32
      scf.yield %scan3A_170 : i32
    }
    %scan3A_13 = arith.constant 3 : i32
    %add3A = arith.constant 3072 : i32
    %add3A_14 = arith.addi %mul3A_6, %add3A : i32
    %dma_start3A = arith.constant 0 : i32
    %dma_start3A_15 = arith.constant 0 : i32
    %dma_start3A_16 = tpu.memref_slice %arg10[%dma_start3A, %dma_start3A_15] : memref<128x32xf32, #tpu.memory_space<vmem>> -> memref<56x32xf32, #tpu.memory_space<vmem>>
    %dma_start3A_17 = arith.constant 0 : i32
    %dma_start3A_18 = tpu.memref_slice %arg23[%add3A_14, %dma_start3A_17] : memref<50048x32xf32, #tpu.memory_space<vmem_shared>> -> memref<56x32xf32, #tpu.memory_space<vmem_shared>>
    %dma_start3A_19 = arith.constant 0 : i32
    %dma_start3A_20 = tpu.memref_slice %arg23[%add3A_14, %dma_start3A_19] : memref<50048x32xf32, #tpu.memory_space<vmem_shared>> -> memref<56x32xf32, #tpu.memory_space<vmem_shared>>
    %dma_start3A_21 = arith.constant 0 : i32
    %dma_start3A_22 = arith.constant 0 : i32
    %dma_start3A_23 = tpu.memref_slice %arg10[%dma_start3A_21, %dma_start3A_22] : memref<128x32xf32, #tpu.memory_space<vmem>> -> memref<56x32xf32, #tpu.memory_space<vmem>>
    tpu.enqueue_dma source(%dma_start3A_23 : memref<56x32xf32, #tpu.memory_space<vmem>>) target(%dma_start3A_20 : memref<56x32xf32, #tpu.memory_space<vmem_shared>>) target_semaphore(%arg22 : memref<!tpu.dma_semaphore, #tpu.memory_space<semaphore_mem>>)
    %dma_wait3A = arith.constant 0 : i32
    %dma_wait3A_24 = arith.constant 0 : i32
    %dma_wait3A_25 = tpu.memref_slice %arg10[%dma_wait3A, %dma_wait3A_24] : memref<128x32xf32, #tpu.memory_space<vmem>> -> memref<56x32xf32, #tpu.memory_space<vmem>>
    %dma_wait3A_26 = arith.constant 0 : i32
    %dma_wait3A_27 = tpu.memref_slice %arg23[%mul3A_6, %dma_wait3A_26] : memref<50048x32xf32, #tpu.memory_space<vmem_shared>> -> memref<56x32xf32, #tpu.memory_space<vmem_shared>>
    %dma_wait3A_28 = arith.constant 0 : i32
    %dma_wait3A_29 = tpu.memref_slice %arg23[%mul3A_6, %dma_wait3A_28] : memref<50048x32xf32, #tpu.memory_space<vmem_shared>> -> memref<56x32xf32, #tpu.memory_space<vmem_shared>>
    %dma_wait3A_30 = arith.constant 0 : i32
    %dma_wait3A_31 = arith.constant 0 : i32
    %dma_wait3A_32 = tpu.memref_slice %arg10[%dma_wait3A_30, %dma_wait3A_31] : memref<128x32xf32, #tpu.memory_space<vmem>> -> memref<56x32xf32, #tpu.memory_space<vmem>>
    tpu.wait_dma2 semaphore(%arg22 : memref<!tpu.dma_semaphore, #tpu.memory_space<semaphore_mem>>) src(%dma_wait3A_32 : memref<56x32xf32, #tpu.memory_space<vmem>>) dst(%dma_wait3A_29 : memref<56x32xf32, #tpu.memory_space<vmem_shared>>)
    %barrier3A = arith.constant 0 : index
    tpu.barrier barrier_id(%barrier3A)
    %scan3A_33 = arith.constant 0 : i32
    %scan3A_34 = arith.constant 0 : i32
    %scan3A_35 = arith.constant 7 : i32
    %scan3A_36 = arith.addi %scan3A_34, %scan3A_35 : i32
    %scan3A_37 = arith.constant 1 : i32
    %scan3A_38 = scf.for %scan3A_48 = %scan3A_34 to %scan3A_36 step %scan3A_37 iter_args(%scan3A_49 = %scan3A_33) -> (i32)  : i32 {
      %mul3A_50 = arith.constant 392 : i32
      %mul3A_51 = arith.muli %arg1, %mul3A_50 : i32
      %mul3A_52 = arith.constant 56 : i32
      %mul3A_53 = arith.muli %scan3A_48, %mul3A_52 : i32
      %add3A_54 = arith.addi %mul3A_51, %mul3A_53 : i32
      "tpu.region"() ({
        %run_scoped3A = tpu.sem_alloc : memref<!tpu.dma_semaphore, #tpu.memory_space<semaphore_mem>>
        %dma_start3A_199 = arith.constant 0 : i32
        %dma_start3A_200 = tpu.memref_slice %arg4[%add3A_54, %dma_start3A_199] : memref<6272x128xi32, #tpu.memory_space<hbm>> -> memref<56x128xi32, #tpu.memory_space<hbm>>
        %dma_start3A_201 = arith.constant 0 : i32
        %dma_start3A_202 = tpu.memref_slice %arg4[%add3A_54, %dma_start3A_201] : memref<6272x128xi32, #tpu.memory_space<hbm>> -> memref<56x128xi32, #tpu.memory_space<hbm>>
        tpu.enqueue_dma source(%dma_start3A_202 : memref<56x128xi32, #tpu.memory_space<hbm>>) target(%arg8 : memref<56x128xi32, #tpu.memory_space<vmem>>) target_semaphore(%run_scoped3A : memref<!tpu.dma_semaphore, #tpu.memory_space<semaphore_mem>>)
        %dma_wait3A_203 = arith.constant 0 : i32
        %dma_wait3A_204 = tpu.memref_slice %arg4[%add3A_54, %dma_wait3A_203] : memref<6272x128xi32, #tpu.memory_space<hbm>> -> memref<56x128xi32, #tpu.memory_space<hbm>>
        %dma_wait3A_205 = arith.constant 0 : i32
        %dma_wait3A_206 = tpu.memref_slice %arg4[%add3A_54, %dma_wait3A_205] : memref<6272x128xi32, #tpu.memory_space<hbm>> -> memref<56x128xi32, #tpu.memory_space<hbm>>
        tpu.wait_dma2 semaphore(%run_scoped3A : memref<!tpu.dma_semaphore, #tpu.memory_space<semaphore_mem>>) src(%dma_wait3A_206 : memref<56x128xi32, #tpu.memory_space<hbm>>) dst(%arg8 : memref<56x128xi32, #tpu.memory_space<vmem>>)
        tpu.yield
      }) : () -> ()
      "tpu.region"() ({
        %run_scoped3A = tpu.sem_alloc : memref<!tpu.dma_semaphore, #tpu.memory_space<semaphore_mem>>
        %dma_start3A_199 = arith.constant 0 : i32
        %dma_start3A_200 = tpu.memref_slice %arg5[%add3A_54, %dma_start3A_199] : memref<6272x128xi32, #tpu.memory_space<hbm>> -> memref<56x128xi32, #tpu.memory_space<hbm>>
        %dma_start3A_201 = arith.constant 0 : i32
        %dma_start3A_202 = tpu.memref_slice %arg5[%add3A_54, %dma_start3A_201] : memref<6272x128xi32, #tpu.memory_space<hbm>> -> memref<56x128xi32, #tpu.memory_space<hbm>>
        tpu.enqueue_dma source(%dma_start3A_202 : memref<56x128xi32, #tpu.memory_space<hbm>>) target(%arg9 : memref<56x128xi32, #tpu.memory_space<vmem>>) target_semaphore(%run_scoped3A : memref<!tpu.dma_semaphore, #tpu.memory_space<semaphore_mem>>)
        %dma_wait3A_203 = arith.constant 0 : i32
        %dma_wait3A_204 = tpu.memref_slice %arg5[%add3A_54, %dma_wait3A_203] : memref<6272x128xi32, #tpu.memory_space<hbm>> -> memref<56x128xi32, #tpu.memory_space<hbm>>
        %dma_wait3A_205 = arith.constant 0 : i32
        %dma_wait3A_206 = tpu.memref_slice %arg5[%add3A_54, %dma_wait3A_205] : memref<6272x128xi32, #tpu.memory_space<hbm>> -> memref<56x128xi32, #tpu.memory_space<hbm>>
        tpu.wait_dma2 semaphore(%run_scoped3A : memref<!tpu.dma_semaphore, #tpu.memory_space<semaphore_mem>>) src(%dma_wait3A_206 : memref<56x128xi32, #tpu.memory_space<hbm>>) dst(%arg9 : memref<56x128xi32, #tpu.memory_space<vmem>>)
        tpu.yield
      }) : () -> ()
      %eq3A_55 = arith.constant 0 : i32
      %eq3A_56 = arith.cmpi eq, %arg0, %eq3A_55 : i32
      %convert_element_type3A_57 = arith.extui %eq3A_56 : i1 to i32
      %cond3A_58 = arith.constant 0 : i32
      %cond3A_59 = arith.cmpi ne, %convert_element_type3A_57, %cond3A_58 : i32
      scf.if %cond3A_59 {
        %dma_start3A_199 = arith.constant 0 : i32
        %dma_start3A_200 = arith.constant 0 : i32
        %dma_start3A_201 = tpu.memref_slice %arg8[%dma_start3A_199, %dma_start3A_200] : memref<56x128xi32, #tpu.memory_space<vmem>> -> memref<1x128xi32, #tpu.memory_space<vmem>>
        %dma_start3A_202 = tpu.memref_squeeze %dma_start3A_201 : memref<1x128xi32, #tpu.memory_space<vmem>> -> memref<128xi32, #tpu.memory_space<vmem>>
        %dma_start3A_203 = arith.constant 0 : i32
        %dma_start3A_204 = arith.constant 0 : i32
        %dma_start3A_205 = tpu.memref_slice %arg2[%dma_start3A_203, %dma_start3A_204] : memref<50048x32xf32, #tpu.memory_space<hbm>> -> memref<50048x32xf32, #tpu.memory_space<hbm>>
        tpu.enqueue_indirect_dma source(%dma_start3A_205 : memref<50048x32xf32, #tpu.memory_space<hbm>>) target(%arg10 : memref<128x32xf32, #tpu.memory_space<vmem>>) offsets(%dma_start3A_202 : memref<128xi32, #tpu.memory_space<vmem>>) semaphore(%arg14 : memref<!tpu.dma_semaphore, #tpu.memory_space<semaphore_mem>>)
      } else {
      }
      %eq3A_60 = arith.constant 1 : i32
      %eq3A_61 = arith.cmpi eq, %arg0, %eq3A_60 : i32
      %convert_element_type3A_62 = arith.extui %eq3A_61 : i1 to i32
      %cond3A_63 = arith.constant 0 : i32
      %cond3A_64 = arith.cmpi ne, %convert_element_type3A_62, %cond3A_63 : i32
      scf.if %cond3A_64 {
        %dma_start3A_199 = arith.constant 0 : i32
        %dma_start3A_200 = arith.constant 0 : i32
        %dma_start3A_201 = tpu.memref_slice %arg8[%dma_start3A_199, %dma_start3A_200] : memref<56x128xi32, #tpu.memory_space<vmem>> -> memref<1x128xi32, #tpu.memory_space<vmem>>
        %dma_start3A_202 = tpu.memref_squeeze %dma_start3A_201 : memref<1x128xi32, #tpu.memory_space<vmem>> -> memref<128xi32, #tpu.memory_space<vmem>>
        %dma_start3A_203 = arith.constant 0 : i32
        %dma_start3A_204 = arith.constant 0 : i32
        %dma_start3A_205 = tpu.memref_slice %arg3[%dma_start3A_203, %dma_start3A_204] : memref<50048x32xf32, #tpu.memory_space<hbm>> -> memref<50048x32xf32, #tpu.memory_space<hbm>>
        tpu.enqueue_indirect_dma source(%dma_start3A_205 : memref<50048x32xf32, #tpu.memory_space<hbm>>) target(%arg10 : memref<128x32xf32, #tpu.memory_space<vmem>>) offsets(%dma_start3A_202 : memref<128xi32, #tpu.memory_space<vmem>>) semaphore(%arg14 : memref<!tpu.dma_semaphore, #tpu.memory_space<semaphore_mem>>)
      } else {
      }
      %eq3A_65 = arith.constant 0 : i32
      %eq3A_66 = arith.cmpi eq, %arg0, %eq3A_65 : i32
      %convert_element_type3A_67 = arith.extui %eq3A_66 : i1 to i32
      %cond3A_68 = arith.constant 0 : i32
      %cond3A_69 = arith.cmpi ne, %convert_element_type3A_67, %cond3A_68 : i32
      scf.if %cond3A_69 {
        %dma_start3A_199 = arith.constant 1 : i32
        %dma_start3A_200 = arith.constant 0 : i32
        %dma_start3A_201 = tpu.memref_slice %arg8[%dma_start3A_199, %dma_start3A_200] : memref<56x128xi32, #tpu.memory_space<vmem>> -> memref<1x128xi32, #tpu.memory_space<vmem>>
        %dma_start3A_202 = tpu.memref_squeeze %dma_start3A_201 : memref<1x128xi32, #tpu.memory_space<vmem>> -> memref<128xi32, #tpu.memory_space<vmem>>
        %dma_start3A_203 = arith.constant 0 : i32
        %dma_start3A_204 = arith.constant 0 : i32
        %dma_start3A_205 = tpu.memref_slice %arg2[%dma_start3A_203, %dma_start3A_204] : memref<50048x32xf32, #tpu.memory_space<hbm>> -> memref<50048x32xf32, #tpu.memory_space<hbm>>
        tpu.enqueue_indirect_dma source(%dma_start3A_205 : memref<50048x32xf32, #tpu.memory_space<hbm>>) target(%arg11 : memref<128x32xf32, #tpu.memory_space<vmem>>) offsets(%dma_start3A_202 : memref<128xi32, #tpu.memory_space<vmem>>) semaphore(%arg15 : memref<!tpu.dma_semaphore, #tpu.memory_space<semaphore_mem>>)
      } else {
      }
      %eq3A_70 = arith.constant 1 : i32
      %eq3A_71 = arith.cmpi eq, %arg0, %eq3A_70 : i32
      %convert_element_type3A_72 = arith.extui %eq3A_71 : i1 to i32
      %cond3A_73 = arith.constant 0 : i32
      %cond3A_74 = arith.cmpi ne, %convert_element_type3A_72, %cond3A_73 : i32
      scf.if %cond3A_74 {
        %dma_start3A_199 = arith.constant 1 : i32
        %dma_start3A_200 = arith.constant 0 : i32
        %dma_start3A_201 = tpu.memref_slice %arg8[%dma_start3A_199, %dma_start3A_200] : memref<56x128xi32, #tpu.memory_space<vmem>> -> memref<1x128xi32, #tpu.memory_space<vmem>>
        %dma_start3A_202 = tpu.memref_squeeze %dma_start3A_201 : memref<1x128xi32, #tpu.memory_space<vmem>> -> memref<128xi32, #tpu.memory_space<vmem>>
        %dma_start3A_203 = arith.constant 0 : i32
        %dma_start3A_204 = arith.constant 0 : i32
        %dma_start3A_205 = tpu.memref_slice %arg3[%dma_start3A_203, %dma_start3A_204] : memref<50048x32xf32, #tpu.memory_space<hbm>> -> memref<50048x32xf32, #tpu.memory_space<hbm>>
        tpu.enqueue_indirect_dma source(%dma_start3A_205 : memref<50048x32xf32, #tpu.memory_space<hbm>>) target(%arg11 : memref<128x32xf32, #tpu.memory_space<vmem>>) offsets(%dma_start3A_202 : memref<128xi32, #tpu.memory_space<vmem>>) semaphore(%arg15 : memref<!tpu.dma_semaphore, #tpu.memory_space<semaphore_mem>>)
      } else {
      }
      %eq3A_75 = arith.constant 0 : i32
      %eq3A_76 = arith.cmpi eq, %arg0, %eq3A_75 : i32
      %convert_element_type3A_77 = arith.extui %eq3A_76 : i1 to i32
      %cond3A_78 = arith.constant 0 : i32
      %cond3A_79 = arith.cmpi ne, %convert_element_type3A_77, %cond3A_78 : i32
      scf.if %cond3A_79 {
        %dma_start3A_199 = arith.constant 2 : i32
        %dma_start3A_200 = arith.constant 0 : i32
        %dma_start3A_201 = tpu.memref_slice %arg8[%dma_start3A_199, %dma_start3A_200] : memref<56x128xi32, #tpu.memory_space<vmem>> -> memref<1x128xi32, #tpu.memory_space<vmem>>
        %dma_start3A_202 = tpu.memref_squeeze %dma_start3A_201 : memref<1x128xi32, #tpu.memory_space<vmem>> -> memref<128xi32, #tpu.memory_space<vmem>>
        %dma_start3A_203 = arith.constant 0 : i32
        %dma_start3A_204 = arith.constant 0 : i32
        %dma_start3A_205 = tpu.memref_slice %arg2[%dma_start3A_203, %dma_start3A_204] : memref<50048x32xf32, #tpu.memory_space<hbm>> -> memref<50048x32xf32, #tpu.memory_space<hbm>>
        tpu.enqueue_indirect_dma source(%dma_start3A_205 : memref<50048x32xf32, #tpu.memory_space<hbm>>) target(%arg12 : memref<128x32xf32, #tpu.memory_space<vmem>>) offsets(%dma_start3A_202 : memref<128xi32, #tpu.memory_space<vmem>>) semaphore(%arg16 : memref<!tpu.dma_semaphore, #tpu.memory_space<semaphore_mem>>)
      } else {
      }
      %eq3A_80 = arith.constant 1 : i32
      %eq3A_81 = arith.cmpi eq, %arg0, %eq3A_80 : i32
      %convert_element_type3A_82 = arith.extui %eq3A_81 : i1 to i32
      %cond3A_83 = arith.constant 0 : i32
      %cond3A_84 = arith.cmpi ne, %convert_element_type3A_82, %cond3A_83 : i32
      scf.if %cond3A_84 {
        %dma_start3A_199 = arith.constant 2 : i32
        %dma_start3A_200 = arith.constant 0 : i32
        %dma_start3A_201 = tpu.memref_slice %arg8[%dma_start3A_199, %dma_start3A_200] : memref<56x128xi32, #tpu.memory_space<vmem>> -> memref<1x128xi32, #tpu.memory_space<vmem>>
        %dma_start3A_202 = tpu.memref_squeeze %dma_start3A_201 : memref<1x128xi32, #tpu.memory_space<vmem>> -> memref<128xi32, #tpu.memory_space<vmem>>
        %dma_start3A_203 = arith.constant 0 : i32
        %dma_start3A_204 = arith.constant 0 : i32
        %dma_start3A_205 = tpu.memref_slice %arg3[%dma_start3A_203, %dma_start3A_204] : memref<50048x32xf32, #tpu.memory_space<hbm>> -> memref<50048x32xf32, #tpu.memory_space<hbm>>
        tpu.enqueue_indirect_dma source(%dma_start3A_205 : memref<50048x32xf32, #tpu.memory_space<hbm>>) target(%arg12 : memref<128x32xf32, #tpu.memory_space<vmem>>) offsets(%dma_start3A_202 : memref<128xi32, #tpu.memory_space<vmem>>) semaphore(%arg16 : memref<!tpu.dma_semaphore, #tpu.memory_space<semaphore_mem>>)
      } else {
      }
      %eq3A_85 = arith.constant 0 : i32
      %eq3A_86 = arith.cmpi eq, %arg0, %eq3A_85 : i32
      %convert_element_type3A_87 = arith.extui %eq3A_86 : i1 to i32
      %cond3A_88 = arith.constant 0 : i32
      %cond3A_89 = arith.cmpi ne, %convert_element_type3A_87, %cond3A_88 : i32
      scf.if %cond3A_89 {
        %dma_wait3A_199 = arith.constant 0 : i32
        %dma_wait3A_200 = arith.constant 0 : i32
        %dma_wait3A_201 = tpu.memref_slice %arg8[%dma_wait3A_199, %dma_wait3A_200] : memref<56x128xi32, #tpu.memory_space<vmem>> -> memref<1x128xi32, #tpu.memory_space<vmem>>
        %dma_wait3A_202 = tpu.memref_squeeze %dma_wait3A_201 : memref<1x128xi32, #tpu.memory_space<vmem>> -> memref<128xi32, #tpu.memory_space<vmem>>
        %dma_wait3A_203 = arith.constant 0 : i32
        %dma_wait3A_204 = arith.constant 0 : i32
        %dma_wait3A_205 = tpu.memref_slice %arg2[%dma_wait3A_203, %dma_wait3A_204] : memref<50048x32xf32, #tpu.memory_space<hbm>> -> memref<50048x32xf32, #tpu.memory_space<hbm>>
        tpu.wait_indirect_dma semaphore(%arg14 : memref<!tpu.dma_semaphore, #tpu.memory_space<semaphore_mem>>) src(%dma_wait3A_205 : memref<50048x32xf32, #tpu.memory_space<hbm>>) dst(%arg10 : memref<128x32xf32, #tpu.memory_space<vmem>>)
      } else {
      }
      %eq3A_90 = arith.constant 1 : i32
      %eq3A_91 = arith.cmpi eq, %arg0, %eq3A_90 : i32
      %convert_element_type3A_92 = arith.extui %eq3A_91 : i1 to i32
      %cond3A_93 = arith.constant 0 : i32
      %cond3A_94 = arith.cmpi ne, %convert_element_type3A_92, %cond3A_93 : i32
      scf.if %cond3A_94 {
        %dma_wait3A_199 = arith.constant 0 : i32
        %dma_wait3A_200 = arith.constant 0 : i32
        %dma_wait3A_201 = tpu.memref_slice %arg8[%dma_wait3A_199, %dma_wait3A_200] : memref<56x128xi32, #tpu.memory_space<vmem>> -> memref<1x128xi32, #tpu.memory_space<vmem>>
        %dma_wait3A_202 = tpu.memref_squeeze %dma_wait3A_201 : memref<1x128xi32, #tpu.memory_space<vmem>> -> memref<128xi32, #tpu.memory_space<vmem>>
        %dma_wait3A_203 = arith.constant 0 : i32
        %dma_wait3A_204 = arith.constant 0 : i32
        %dma_wait3A_205 = tpu.memref_slice %arg3[%dma_wait3A_203, %dma_wait3A_204] : memref<50048x32xf32, #tpu.memory_space<hbm>> -> memref<50048x32xf32, #tpu.memory_space<hbm>>
        tpu.wait_indirect_dma semaphore(%arg14 : memref<!tpu.dma_semaphore, #tpu.memory_space<semaphore_mem>>) src(%dma_wait3A_205 : memref<50048x32xf32, #tpu.memory_space<hbm>>) dst(%arg10 : memref<128x32xf32, #tpu.memory_space<vmem>>)
      } else {
      }
      %dma_start3A_95 = arith.constant 0 : i32
      %dma_start3A_96 = arith.constant 0 : i32
      %dma_start3A_97 = tpu.memref_slice %arg9[%dma_start3A_95, %dma_start3A_96] : memref<56x128xi32, #tpu.memory_space<vmem>> -> memref<1x128xi32, #tpu.memory_space<vmem>>
      %dma_start3A_98 = tpu.memref_squeeze %dma_start3A_97 : memref<1x128xi32, #tpu.memory_space<vmem>> -> memref<128xi32, #tpu.memory_space<vmem>>
      %dma_start3A_99 = arith.constant 0 : i32
      %dma_start3A_100 = arith.constant 0 : i32
      %dma_start3A_101 = tpu.memref_slice %arg23[%dma_start3A_99, %dma_start3A_100] : memref<50048x32xf32, #tpu.memory_space<vmem_shared>> -> memref<50048x32xf32, #tpu.memory_space<vmem_shared>>
      tpu.enqueue_indirect_dma source(%arg10 : memref<128x32xf32, #tpu.memory_space<vmem>>) target(%dma_start3A_101 : memref<50048x32xf32, #tpu.memory_space<vmem_shared>>) offsets(%dma_start3A_98 : memref<128xi32, #tpu.memory_space<vmem>>) semaphore(%arg18 : memref<!tpu.dma_semaphore, #tpu.memory_space<semaphore_mem>>) {add = true}
      %eq3A_102 = arith.constant 0 : i32
      %eq3A_103 = arith.cmpi eq, %arg0, %eq3A_102 : i32
      %convert_element_type3A_104 = arith.extui %eq3A_103 : i1 to i32
      %cond3A_105 = arith.constant 0 : i32
      %cond3A_106 = arith.cmpi ne, %convert_element_type3A_104, %cond3A_105 : i32
      scf.if %cond3A_106 {
        %dma_start3A_199 = arith.constant 3 : i32
        %dma_start3A_200 = arith.constant 0 : i32
        %dma_start3A_201 = tpu.memref_slice %arg8[%dma_start3A_199, %dma_start3A_200] : memref<56x128xi32, #tpu.memory_space<vmem>> -> memref<1x128xi32, #tpu.memory_space<vmem>>
        %dma_start3A_202 = tpu.memref_squeeze %dma_start3A_201 : memref<1x128xi32, #tpu.memory_space<vmem>> -> memref<128xi32, #tpu.memory_space<vmem>>
        %dma_start3A_203 = arith.constant 0 : i32
        %dma_start3A_204 = arith.constant 0 : i32
        %dma_start3A_205 = tpu.memref_slice %arg2[%dma_start3A_203, %dma_start3A_204] : memref<50048x32xf32, #tpu.memory_space<hbm>> -> memref<50048x32xf32, #tpu.memory_space<hbm>>
        tpu.enqueue_indirect_dma source(%dma_start3A_205 : memref<50048x32xf32, #tpu.memory_space<hbm>>) target(%arg13 : memref<128x32xf32, #tpu.memory_space<vmem>>) offsets(%dma_start3A_202 : memref<128xi32, #tpu.memory_space<vmem>>) semaphore(%arg17 : memref<!tpu.dma_semaphore, #tpu.memory_space<semaphore_mem>>)
      } else {
      }
      %eq3A_107 = arith.constant 1 : i32
      %eq3A_108 = arith.cmpi eq, %arg0, %eq3A_107 : i32
      %convert_element_type3A_109 = arith.extui %eq3A_108 : i1 to i32
      %cond3A_110 = arith.constant 0 : i32
      %cond3A_111 = arith.cmpi ne, %convert_element_type3A_109, %cond3A_110 : i32
      scf.if %cond3A_111 {
        %dma_start3A_199 = arith.constant 3 : i32
        %dma_start3A_200 = arith.constant 0 : i32
        %dma_start3A_201 = tpu.memref_slice %arg8[%dma_start3A_199, %dma_start3A_200] : memref<56x128xi32, #tpu.memory_space<vmem>> -> memref<1x128xi32, #tpu.memory_space<vmem>>
        %dma_start3A_202 = tpu.memref_squeeze %dma_start3A_201 : memref<1x128xi32, #tpu.memory_space<vmem>> -> memref<128xi32, #tpu.memory_space<vmem>>
        %dma_start3A_203 = arith.constant 0 : i32
        %dma_start3A_204 = arith.constant 0 : i32
        %dma_start3A_205 = tpu.memref_slice %arg3[%dma_start3A_203, %dma_start3A_204] : memref<50048x32xf32, #tpu.memory_space<hbm>> -> memref<50048x32xf32, #tpu.memory_space<hbm>>
        tpu.enqueue_indirect_dma source(%dma_start3A_205 : memref<50048x32xf32, #tpu.memory_space<hbm>>) target(%arg13 : memref<128x32xf32, #tpu.memory_space<vmem>>) offsets(%dma_start3A_202 : memref<128xi32, #tpu.memory_space<vmem>>) semaphore(%arg17 : memref<!tpu.dma_semaphore, #tpu.memory_space<semaphore_mem>>)
      } else {
      }
      %scan3A_112 = arith.constant 0 : i32
      %scan3A_113 = arith.constant 0 : i32
      %scan3A_114 = arith.constant 13 : i32
      %scan3A_115 = arith.addi %scan3A_113, %scan3A_114 : i32
      %scan3A_116 = arith.constant 1 : i32
      %scan3A_117 = scf.for %scan3A_199 = %scan3A_113 to %scan3A_115 step %scan3A_116 iter_args(%scan3A_200 = %scan3A_112) -> (i32)  : i32 {
        %mul3A_201 = arith.constant 4 : i32
        %mul3A_202 = arith.muli %scan3A_199, %mul3A_201 : i32
        %add3A_203 = arith.constant 0 : i32
        %add3A_204 = arith.addi %mul3A_202, %add3A_203 : i32
        %add3A_205 = arith.constant 1 : i32
        %add3A_206 = arith.addi %add3A_204, %add3A_205 : i32
        %dma_wait3A_207 = arith.constant 0 : i32
        %dma_wait3A_208 = arith.constant 0 : i32
        %dma_wait3A_209 = tpu.memref_slice %arg9[%dma_wait3A_207, %dma_wait3A_208] : memref<56x128xi32, #tpu.memory_space<vmem>> -> memref<1x128xi32, #tpu.memory_space<vmem>>
        %dma_wait3A_210 = tpu.memref_squeeze %dma_wait3A_209 : memref<1x128xi32, #tpu.memory_space<vmem>> -> memref<128xi32, #tpu.memory_space<vmem>>
        %dma_wait3A_211 = arith.constant 0 : i32
        %dma_wait3A_212 = arith.constant 0 : i32
        %dma_wait3A_213 = tpu.memref_slice %arg23[%dma_wait3A_211, %dma_wait3A_212] : memref<50048x32xf32, #tpu.memory_space<vmem_shared>> -> memref<50048x32xf32, #tpu.memory_space<vmem_shared>>
        tpu.wait_indirect_dma semaphore(%arg18 : memref<!tpu.dma_semaphore, #tpu.memory_space<semaphore_mem>>) src(%arg10 : memref<128x32xf32, #tpu.memory_space<vmem>>) dst(%dma_wait3A_213 : memref<50048x32xf32, #tpu.memory_space<vmem_shared>>)
        %add3A_214 = arith.constant 3 : i32
        %add3A_215 = arith.addi %add3A_206, %add3A_214 : i32
        %eq3A_216 = arith.constant 0 : i32
        %eq3A_217 = arith.cmpi eq, %arg0, %eq3A_216 : i32
        %convert_element_type3A_218 = arith.extui %eq3A_217 : i1 to i32
        %cond3A_219 = arith.constant 0 : i32
        %cond3A_220 = arith.cmpi ne, %convert_element_type3A_218, %cond3A_219 : i32
        scf.if %cond3A_220 {
          %dma_start3A_366 = arith.constant 0 : i32
          %dma_start3A_367 = tpu.memref_slice %arg8[%add3A_215, %dma_start3A_366] : memref<56x128xi32, #tpu.memory_space<vmem>> -> memref<1x128xi32, #tpu.memory_space<vmem>>
          %dma_start3A_368 = tpu.memref_squeeze %dma_start3A_367 : memref<1x128xi32, #tpu.memory_space<vmem>> -> memref<128xi32, #tpu.memory_space<vmem>>
          %dma_start3A_369 = arith.constant 0 : i32
          %dma_start3A_370 = arith.constant 0 : i32
          %dma_start3A_371 = tpu.memref_slice %arg2[%dma_start3A_369, %dma_start3A_370] : memref<50048x32xf32, #tpu.memory_space<hbm>> -> memref<50048x32xf32, #tpu.memory_space<hbm>>
          tpu.enqueue_indirect_dma source(%dma_start3A_371 : memref<50048x32xf32, #tpu.memory_space<hbm>>) target(%arg10 : memref<128x32xf32, #tpu.memory_space<vmem>>) offsets(%dma_start3A_368 : memref<128xi32, #tpu.memory_space<vmem>>) semaphore(%arg14 : memref<!tpu.dma_semaphore, #tpu.memory_space<semaphore_mem>>)
        } else {
        }
        %eq3A_221 = arith.constant 1 : i32
        %eq3A_222 = arith.cmpi eq, %arg0, %eq3A_221 : i32
        %convert_element_type3A_223 = arith.extui %eq3A_222 : i1 to i32
        %cond3A_224 = arith.constant 0 : i32
        %cond3A_225 = arith.cmpi ne, %convert_element_type3A_223, %cond3A_224 : i32
        scf.if %cond3A_225 {
          %dma_start3A_366 = arith.constant 0 : i32
          %dma_start3A_367 = tpu.memref_slice %arg8[%add3A_215, %dma_start3A_366] : memref<56x128xi32, #tpu.memory_space<vmem>> -> memref<1x128xi32, #tpu.memory_space<vmem>>
          %dma_start3A_368 = tpu.memref_squeeze %dma_start3A_367 : memref<1x128xi32, #tpu.memory_space<vmem>> -> memref<128xi32, #tpu.memory_space<vmem>>
          %dma_start3A_369 = arith.constant 0 : i32
          %dma_start3A_370 = arith.constant 0 : i32
          %dma_start3A_371 = tpu.memref_slice %arg3[%dma_start3A_369, %dma_start3A_370] : memref<50048x32xf32, #tpu.memory_space<hbm>> -> memref<50048x32xf32, #tpu.memory_space<hbm>>
          tpu.enqueue_indirect_dma source(%dma_start3A_371 : memref<50048x32xf32, #tpu.memory_space<hbm>>) target(%arg10 : memref<128x32xf32, #tpu.memory_space<vmem>>) offsets(%dma_start3A_368 : memref<128xi32, #tpu.memory_space<vmem>>) semaphore(%arg14 : memref<!tpu.dma_semaphore, #tpu.memory_space<semaphore_mem>>)
        } else {
        }
        %eq3A_226 = arith.constant 0 : i32
        %eq3A_227 = arith.cmpi eq, %arg0, %eq3A_226 : i32
        %convert_element_type3A_228 = arith.extui %eq3A_227 : i1 to i32
        %cond3A_229 = arith.constant 0 : i32
        %cond3A_230 = arith.cmpi ne, %convert_element_type3A_228, %cond3A_229 : i32
        scf.if %cond3A_230 {
          %dma_wait3A_366 = arith.constant 0 : i32
          %dma_wait3A_367 = arith.constant 0 : i32
          %dma_wait3A_368 = tpu.memref_slice %arg8[%dma_wait3A_366, %dma_wait3A_367] : memref<56x128xi32, #tpu.memory_space<vmem>> -> memref<1x128xi32, #tpu.memory_space<vmem>>
          %dma_wait3A_369 = tpu.memref_squeeze %dma_wait3A_368 : memref<1x128xi32, #tpu.memory_space<vmem>> -> memref<128xi32, #tpu.memory_space<vmem>>
          %dma_wait3A_370 = arith.constant 0 : i32
          %dma_wait3A_371 = arith.constant 0 : i32
          %dma_wait3A_372 = tpu.memref_slice %arg2[%dma_wait3A_370, %dma_wait3A_371] : memref<50048x32xf32, #tpu.memory_space<hbm>> -> memref<50048x32xf32, #tpu.memory_space<hbm>>
          tpu.wait_indirect_dma semaphore(%arg15 : memref<!tpu.dma_semaphore, #tpu.memory_space<semaphore_mem>>) src(%dma_wait3A_372 : memref<50048x32xf32, #tpu.memory_space<hbm>>) dst(%arg11 : memref<128x32xf32, #tpu.memory_space<vmem>>)
        } else {
        }
        %eq3A_231 = arith.constant 1 : i32
        %eq3A_232 = arith.cmpi eq, %arg0, %eq3A_231 : i32
        %convert_element_type3A_233 = arith.extui %eq3A_232 : i1 to i32
        %cond3A_234 = arith.constant 0 : i32
        %cond3A_235 = arith.cmpi ne, %convert_element_type3A_233, %cond3A_234 : i32
        scf.if %cond3A_235 {
          %dma_wait3A_366 = arith.constant 0 : i32
          %dma_wait3A_367 = arith.constant 0 : i32
          %dma_wait3A_368 = tpu.memref_slice %arg8[%dma_wait3A_366, %dma_wait3A_367] : memref<56x128xi32, #tpu.memory_space<vmem>> -> memref<1x128xi32, #tpu.memory_space<vmem>>
          %dma_wait3A_369 = tpu.memref_squeeze %dma_wait3A_368 : memref<1x128xi32, #tpu.memory_space<vmem>> -> memref<128xi32, #tpu.memory_space<vmem>>
          %dma_wait3A_370 = arith.constant 0 : i32
          %dma_wait3A_371 = arith.constant 0 : i32
          %dma_wait3A_372 = tpu.memref_slice %arg3[%dma_wait3A_370, %dma_wait3A_371] : memref<50048x32xf32, #tpu.memory_space<hbm>> -> memref<50048x32xf32, #tpu.memory_space<hbm>>
          tpu.wait_indirect_dma semaphore(%arg15 : memref<!tpu.dma_semaphore, #tpu.memory_space<semaphore_mem>>) src(%dma_wait3A_372 : memref<50048x32xf32, #tpu.memory_space<hbm>>) dst(%arg11 : memref<128x32xf32, #tpu.memory_space<vmem>>)
        } else {
        }
        %dma_start3A_236 = arith.constant 0 : i32
        %dma_start3A_237 = tpu.memref_slice %arg9[%add3A_206, %dma_start3A_236] : memref<56x128xi32, #tpu.memory_space<vmem>> -> memref<1x128xi32, #tpu.memory_space<vmem>>
        %dma_start3A_238 = tpu.memref_squeeze %dma_start3A_237 : memref<1x128xi32, #tpu.memory_space<vmem>> -> memref<128xi32, #tpu.memory_space<vmem>>
        %dma_start3A_239 = arith.constant 0 : i32
        %dma_start3A_240 = arith.constant 0 : i32
        %dma_start3A_241 = tpu.memref_slice %arg23[%dma_start3A_239, %dma_start3A_240] : memref<50048x32xf32, #tpu.memory_space<vmem_shared>> -> memref<50048x32xf32, #tpu.memory_space<vmem_shared>>
        tpu.enqueue_indirect_dma source(%arg11 : memref<128x32xf32, #tpu.memory_space<vmem>>) target(%dma_start3A_241 : memref<50048x32xf32, #tpu.memory_space<vmem_shared>>) offsets(%dma_start3A_238 : memref<128xi32, #tpu.memory_space<vmem>>) semaphore(%arg19 : memref<!tpu.dma_semaphore, #tpu.memory_space<semaphore_mem>>) {add = true}
        %mul3A_242 = arith.constant 4 : i32
        %mul3A_243 = arith.muli %scan3A_199, %mul3A_242 : i32
        %add3A_244 = arith.constant 1 : i32
        %add3A_245 = arith.addi %mul3A_243, %add3A_244 : i32
        %add3A_246 = arith.constant 1 : i32
        %add3A_247 = arith.addi %add3A_245, %add3A_246 : i32
        %dma_wait3A_248 = arith.constant 0 : i32
        %dma_wait3A_249 = arith.constant 0 : i32
        %dma_wait3A_250 = tpu.memref_slice %arg9[%dma_wait3A_248, %dma_wait3A_249] : memref<56x128xi32, #tpu.memory_space<vmem>> -> memref<1x128xi32, #tpu.memory_space<vmem>>
        %dma_wait3A_251 = tpu.memref_squeeze %dma_wait3A_250 : memref<1x128xi32, #tpu.memory_space<vmem>> -> memref<128xi32, #tpu.memory_space<vmem>>
        %dma_wait3A_252 = arith.constant 0 : i32
        %dma_wait3A_253 = arith.constant 0 : i32
        %dma_wait3A_254 = tpu.memref_slice %arg23[%dma_wait3A_252, %dma_wait3A_253] : memref<50048x32xf32, #tpu.memory_space<vmem_shared>> -> memref<50048x32xf32, #tpu.memory_space<vmem_shared>>
        tpu.wait_indirect_dma semaphore(%arg19 : memref<!tpu.dma_semaphore, #tpu.memory_space<semaphore_mem>>) src(%arg11 : memref<128x32xf32, #tpu.memory_space<vmem>>) dst(%dma_wait3A_254 : memref<50048x32xf32, #tpu.memory_space<vmem_shared>>)
        %add3A_255 = arith.constant 3 : i32
        %add3A_256 = arith.addi %add3A_247, %add3A_255 : i32
        %eq3A_257 = arith.constant 0 : i32
        %eq3A_258 = arith.cmpi eq, %arg0, %eq3A_257 : i32
        %convert_element_type3A_259 = arith.extui %eq3A_258 : i1 to i32
        %cond3A_260 = arith.constant 0 : i32
        %cond3A_261 = arith.cmpi ne, %convert_element_type3A_259, %cond3A_260 : i32
        scf.if %cond3A_261 {
          %dma_start3A_366 = arith.constant 0 : i32
          %dma_start3A_367 = tpu.memref_slice %arg8[%add3A_256, %dma_start3A_366] : memref<56x128xi32, #tpu.memory_space<vmem>> -> memref<1x128xi32, #tpu.memory_space<vmem>>
          %dma_start3A_368 = tpu.memref_squeeze %dma_start3A_367 : memref<1x128xi32, #tpu.memory_space<vmem>> -> memref<128xi32, #tpu.memory_space<vmem>>
          %dma_start3A_369 = arith.constant 0 : i32
          %dma_start3A_370 = arith.constant 0 : i32
          %dma_start3A_371 = tpu.memref_slice %arg2[%dma_start3A_369, %dma_start3A_370] : memref<50048x32xf32, #tpu.memory_space<hbm>> -> memref<50048x32xf32, #tpu.memory_space<hbm>>
          tpu.enqueue_indirect_dma source(%dma_start3A_371 : memref<50048x32xf32, #tpu.memory_space<hbm>>) target(%arg11 : memref<128x32xf32, #tpu.memory_space<vmem>>) offsets(%dma_start3A_368 : memref<128xi32, #tpu.memory_space<vmem>>) semaphore(%arg15 : memref<!tpu.dma_semaphore, #tpu.memory_space<semaphore_mem>>)
        } else {
        }
        %eq3A_262 = arith.constant 1 : i32
        %eq3A_263 = arith.cmpi eq, %arg0, %eq3A_262 : i32
        %convert_element_type3A_264 = arith.extui %eq3A_263 : i1 to i32
        %cond3A_265 = arith.constant 0 : i32
        %cond3A_266 = arith.cmpi ne, %convert_element_type3A_264, %cond3A_265 : i32
        scf.if %cond3A_266 {
          %dma_start3A_366 = arith.constant 0 : i32
          %dma_start3A_367 = tpu.memref_slice %arg8[%add3A_256, %dma_start3A_366] : memref<56x128xi32, #tpu.memory_space<vmem>> -> memref<1x128xi32, #tpu.memory_space<vmem>>
          %dma_start3A_368 = tpu.memref_squeeze %dma_start3A_367 : memref<1x128xi32, #tpu.memory_space<vmem>> -> memref<128xi32, #tpu.memory_space<vmem>>
          %dma_start3A_369 = arith.constant 0 : i32
          %dma_start3A_370 = arith.constant 0 : i32
          %dma_start3A_371 = tpu.memref_slice %arg3[%dma_start3A_369, %dma_start3A_370] : memref<50048x32xf32, #tpu.memory_space<hbm>> -> memref<50048x32xf32, #tpu.memory_space<hbm>>
          tpu.enqueue_indirect_dma source(%dma_start3A_371 : memref<50048x32xf32, #tpu.memory_space<hbm>>) target(%arg11 : memref<128x32xf32, #tpu.memory_space<vmem>>) offsets(%dma_start3A_368 : memref<128xi32, #tpu.memory_space<vmem>>) semaphore(%arg15 : memref<!tpu.dma_semaphore, #tpu.memory_space<semaphore_mem>>)
        } else {
        }
        %eq3A_267 = arith.constant 0 : i32
        %eq3A_268 = arith.cmpi eq, %arg0, %eq3A_267 : i32
        %convert_element_type3A_269 = arith.extui %eq3A_268 : i1 to i32
        %cond3A_270 = arith.constant 0 : i32
        %cond3A_271 = arith.cmpi ne, %convert_element_type3A_269, %cond3A_270 : i32
        scf.if %cond3A_271 {
          %dma_wait3A_366 = arith.constant 0 : i32
          %dma_wait3A_367 = arith.constant 0 : i32
          %dma_wait3A_368 = tpu.memref_slice %arg8[%dma_wait3A_366, %dma_wait3A_367] : memref<56x128xi32, #tpu.memory_space<vmem>> -> memref<1x128xi32, #tpu.memory_space<vmem>>
          %dma_wait3A_369 = tpu.memref_squeeze %dma_wait3A_368 : memref<1x128xi32, #tpu.memory_space<vmem>> -> memref<128xi32, #tpu.memory_space<vmem>>
          %dma_wait3A_370 = arith.constant 0 : i32
          %dma_wait3A_371 = arith.constant 0 : i32
          %dma_wait3A_372 = tpu.memref_slice %arg2[%dma_wait3A_370, %dma_wait3A_371] : memref<50048x32xf32, #tpu.memory_space<hbm>> -> memref<50048x32xf32, #tpu.memory_space<hbm>>
          tpu.wait_indirect_dma semaphore(%arg16 : memref<!tpu.dma_semaphore, #tpu.memory_space<semaphore_mem>>) src(%dma_wait3A_372 : memref<50048x32xf32, #tpu.memory_space<hbm>>) dst(%arg12 : memref<128x32xf32, #tpu.memory_space<vmem>>)
        } else {
        }
        %eq3A_272 = arith.constant 1 : i32
        %eq3A_273 = arith.cmpi eq, %arg0, %eq3A_272 : i32
        %convert_element_type3A_274 = arith.extui %eq3A_273 : i1 to i32
        %cond3A_275 = arith.constant 0 : i32
        %cond3A_276 = arith.cmpi ne, %convert_element_type3A_274, %cond3A_275 : i32
        scf.if %cond3A_276 {
          %dma_wait3A_366 = arith.constant 0 : i32
          %dma_wait3A_367 = arith.constant 0 : i32
          %dma_wait3A_368 = tpu.memref_slice %arg8[%dma_wait3A_366, %dma_wait3A_367] : memref<56x128xi32, #tpu.memory_space<vmem>> -> memref<1x128xi32, #tpu.memory_space<vmem>>
          %dma_wait3A_369 = tpu.memref_squeeze %dma_wait3A_368 : memref<1x128xi32, #tpu.memory_space<vmem>> -> memref<128xi32, #tpu.memory_space<vmem>>
          %dma_wait3A_370 = arith.constant 0 : i32
          %dma_wait3A_371 = arith.constant 0 : i32
          %dma_wait3A_372 = tpu.memref_slice %arg3[%dma_wait3A_370, %dma_wait3A_371] : memref<50048x32xf32, #tpu.memory_space<hbm>> -> memref<50048x32xf32, #tpu.memory_space<hbm>>
          tpu.wait_indirect_dma semaphore(%arg16 : memref<!tpu.dma_semaphore, #tpu.memory_space<semaphore_mem>>) src(%dma_wait3A_372 : memref<50048x32xf32, #tpu.memory_space<hbm>>) dst(%arg12 : memref<128x32xf32, #tpu.memory_space<vmem>>)
        } else {
        }
        %dma_start3A_277 = arith.constant 0 : i32
        %dma_start3A_278 = tpu.memref_slice %arg9[%add3A_247, %dma_start3A_277] : memref<56x128xi32, #tpu.memory_space<vmem>> -> memref<1x128xi32, #tpu.memory_space<vmem>>
        %dma_start3A_279 = tpu.memref_squeeze %dma_start3A_278 : memref<1x128xi32, #tpu.memory_space<vmem>> -> memref<128xi32, #tpu.memory_space<vmem>>
        %dma_start3A_280 = arith.constant 0 : i32
        %dma_start3A_281 = arith.constant 0 : i32
        %dma_start3A_282 = tpu.memref_slice %arg23[%dma_start3A_280, %dma_start3A_281] : memref<50048x32xf32, #tpu.memory_space<vmem_shared>> -> memref<50048x32xf32, #tpu.memory_space<vmem_shared>>
        tpu.enqueue_indirect_dma source(%arg12 : memref<128x32xf32, #tpu.memory_space<vmem>>) target(%dma_start3A_282 : memref<50048x32xf32, #tpu.memory_space<vmem_shared>>) offsets(%dma_start3A_279 : memref<128xi32, #tpu.memory_space<vmem>>) semaphore(%arg20 : memref<!tpu.dma_semaphore, #tpu.memory_space<semaphore_mem>>) {add = true}
        %mul3A_283 = arith.constant 4 : i32
        %mul3A_284 = arith.muli %scan3A_199, %mul3A_283 : i32
        %add3A_285 = arith.constant 2 : i32
        %add3A_286 = arith.addi %mul3A_284, %add3A_285 : i32
        %add3A_287 = arith.constant 1 : i32
        %add3A_288 = arith.addi %add3A_286, %add3A_287 : i32
        %dma_wait3A_289 = arith.constant 0 : i32
        %dma_wait3A_290 = arith.constant 0 : i32
        %dma_wait3A_291 = tpu.memref_slice %arg9[%dma_wait3A_289, %dma_wait3A_290] : memref<56x128xi32, #tpu.memory_space<vmem>> -> memref<1x128xi32, #tpu.memory_space<vmem>>
        %dma_wait3A_292 = tpu.memref_squeeze %dma_wait3A_291 : memref<1x128xi32, #tpu.memory_space<vmem>> -> memref<128xi32, #tpu.memory_space<vmem>>
        %dma_wait3A_293 = arith.constant 0 : i32
        %dma_wait3A_294 = arith.constant 0 : i32
        %dma_wait3A_295 = tpu.memref_slice %arg23[%dma_wait3A_293, %dma_wait3A_294] : memref<50048x32xf32, #tpu.memory_space<vmem_shared>> -> memref<50048x32xf32, #tpu.memory_space<vmem_shared>>
        tpu.wait_indirect_dma semaphore(%arg20 : memref<!tpu.dma_semaphore, #tpu.memory_space<semaphore_mem>>) src(%arg12 : memref<128x32xf32, #tpu.memory_space<vmem>>) dst(%dma_wait3A_295 : memref<50048x32xf32, #tpu.memory_space<vmem_shared>>)
        %add3A_296 = arith.constant 3 : i32
        %add3A_297 = arith.addi %add3A_288, %add3A_296 : i32
        %eq3A_298 = arith.constant 0 : i32
        %eq3A_299 = arith.cmpi eq, %arg0, %eq3A_298 : i32
        %convert_element_type3A_300 = arith.extui %eq3A_299 : i1 to i32
        %cond3A_301 = arith.constant 0 : i32
        %cond3A_302 = arith.cmpi ne, %convert_element_type3A_300, %cond3A_301 : i32
        scf.if %cond3A_302 {
          %dma_start3A_366 = arith.constant 0 : i32
          %dma_start3A_367 = tpu.memref_slice %arg8[%add3A_297, %dma_start3A_366] : memref<56x128xi32, #tpu.memory_space<vmem>> -> memref<1x128xi32, #tpu.memory_space<vmem>>
          %dma_start3A_368 = tpu.memref_squeeze %dma_start3A_367 : memref<1x128xi32, #tpu.memory_space<vmem>> -> memref<128xi32, #tpu.memory_space<vmem>>
          %dma_start3A_369 = arith.constant 0 : i32
          %dma_start3A_370 = arith.constant 0 : i32
          %dma_start3A_371 = tpu.memref_slice %arg2[%dma_start3A_369, %dma_start3A_370] : memref<50048x32xf32, #tpu.memory_space<hbm>> -> memref<50048x32xf32, #tpu.memory_space<hbm>>
          tpu.enqueue_indirect_dma source(%dma_start3A_371 : memref<50048x32xf32, #tpu.memory_space<hbm>>) target(%arg12 : memref<128x32xf32, #tpu.memory_space<vmem>>) offsets(%dma_start3A_368 : memref<128xi32, #tpu.memory_space<vmem>>) semaphore(%arg16 : memref<!tpu.dma_semaphore, #tpu.memory_space<semaphore_mem>>)
        } else {
        }
        %eq3A_303 = arith.constant 1 : i32
        %eq3A_304 = arith.cmpi eq, %arg0, %eq3A_303 : i32
        %convert_element_type3A_305 = arith.extui %eq3A_304 : i1 to i32
        %cond3A_306 = arith.constant 0 : i32
        %cond3A_307 = arith.cmpi ne, %convert_element_type3A_305, %cond3A_306 : i32
        scf.if %cond3A_307 {
          %dma_start3A_366 = arith.constant 0 : i32
          %dma_start3A_367 = tpu.memref_slice %arg8[%add3A_297, %dma_start3A_366] : memref<56x128xi32, #tpu.memory_space<vmem>> -> memref<1x128xi32, #tpu.memory_space<vmem>>
          %dma_start3A_368 = tpu.memref_squeeze %dma_start3A_367 : memref<1x128xi32, #tpu.memory_space<vmem>> -> memref<128xi32, #tpu.memory_space<vmem>>
          %dma_start3A_369 = arith.constant 0 : i32
          %dma_start3A_370 = arith.constant 0 : i32
          %dma_start3A_371 = tpu.memref_slice %arg3[%dma_start3A_369, %dma_start3A_370] : memref<50048x32xf32, #tpu.memory_space<hbm>> -> memref<50048x32xf32, #tpu.memory_space<hbm>>
          tpu.enqueue_indirect_dma source(%dma_start3A_371 : memref<50048x32xf32, #tpu.memory_space<hbm>>) target(%arg12 : memref<128x32xf32, #tpu.memory_space<vmem>>) offsets(%dma_start3A_368 : memref<128xi32, #tpu.memory_space<vmem>>) semaphore(%arg16 : memref<!tpu.dma_semaphore, #tpu.memory_space<semaphore_mem>>)
        } else {
        }
        %eq3A_308 = arith.constant 0 : i32
        %eq3A_309 = arith.cmpi eq, %arg0, %eq3A_308 : i32
        %convert_element_type3A_310 = arith.extui %eq3A_309 : i1 to i32
        %cond3A_311 = arith.constant 0 : i32
        %cond3A_312 = arith.cmpi ne, %convert_element_type3A_310, %cond3A_311 : i32
        scf.if %cond3A_312 {
          %dma_wait3A_366 = arith.constant 0 : i32
          %dma_wait3A_367 = arith.constant 0 : i32
          %dma_wait3A_368 = tpu.memref_slice %arg8[%dma_wait3A_366, %dma_wait3A_367] : memref<56x128xi32, #tpu.memory_space<vmem>> -> memref<1x128xi32, #tpu.memory_space<vmem>>
          %dma_wait3A_369 = tpu.memref_squeeze %dma_wait3A_368 : memref<1x128xi32, #tpu.memory_space<vmem>> -> memref<128xi32, #tpu.memory_space<vmem>>
          %dma_wait3A_370 = arith.constant 0 : i32
          %dma_wait3A_371 = arith.constant 0 : i32
          %dma_wait3A_372 = tpu.memref_slice %arg2[%dma_wait3A_370, %dma_wait3A_371] : memref<50048x32xf32, #tpu.memory_space<hbm>> -> memref<50048x32xf32, #tpu.memory_space<hbm>>
          tpu.wait_indirect_dma semaphore(%arg17 : memref<!tpu.dma_semaphore, #tpu.memory_space<semaphore_mem>>) src(%dma_wait3A_372 : memref<50048x32xf32, #tpu.memory_space<hbm>>) dst(%arg13 : memref<128x32xf32, #tpu.memory_space<vmem>>)
        } else {
        }
        %eq3A_313 = arith.constant 1 : i32
        %eq3A_314 = arith.cmpi eq, %arg0, %eq3A_313 : i32
        %convert_element_type3A_315 = arith.extui %eq3A_314 : i1 to i32
        %cond3A_316 = arith.constant 0 : i32
        %cond3A_317 = arith.cmpi ne, %convert_element_type3A_315, %cond3A_316 : i32
        scf.if %cond3A_317 {
          %dma_wait3A_366 = arith.constant 0 : i32
          %dma_wait3A_367 = arith.constant 0 : i32
          %dma_wait3A_368 = tpu.memref_slice %arg8[%dma_wait3A_366, %dma_wait3A_367] : memref<56x128xi32, #tpu.memory_space<vmem>> -> memref<1x128xi32, #tpu.memory_space<vmem>>
          %dma_wait3A_369 = tpu.memref_squeeze %dma_wait3A_368 : memref<1x128xi32, #tpu.memory_space<vmem>> -> memref<128xi32, #tpu.memory_space<vmem>>
          %dma_wait3A_370 = arith.constant 0 : i32
          %dma_wait3A_371 = arith.constant 0 : i32
          %dma_wait3A_372 = tpu.memref_slice %arg3[%dma_wait3A_370, %dma_wait3A_371] : memref<50048x32xf32, #tpu.memory_space<hbm>> -> memref<50048x32xf32, #tpu.memory_space<hbm>>
          tpu.wait_indirect_dma semaphore(%arg17 : memref<!tpu.dma_semaphore, #tpu.memory_space<semaphore_mem>>) src(%dma_wait3A_372 : memref<50048x32xf32, #tpu.memory_space<hbm>>) dst(%arg13 : memref<128x32xf32, #tpu.memory_space<vmem>>)
        } else {
        }
        %dma_start3A_318 = arith.constant 0 : i32
        %dma_start3A_319 = tpu.memref_slice %arg9[%add3A_288, %dma_start3A_318] : memref<56x128xi32, #tpu.memory_space<vmem>> -> memref<1x128xi32, #tpu.memory_space<vmem>>
        %dma_start3A_320 = tpu.memref_squeeze %dma_start3A_319 : memref<1x128xi32, #tpu.memory_space<vmem>> -> memref<128xi32, #tpu.memory_space<vmem>>
        %dma_start3A_321 = arith.constant 0 : i32
        %dma_start3A_322 = arith.constant 0 : i32
        %dma_start3A_323 = tpu.memref_slice %arg23[%dma_start3A_321, %dma_start3A_322] : memref<50048x32xf32, #tpu.memory_space<vmem_shared>> -> memref<50048x32xf32, #tpu.memory_space<vmem_shared>>
        tpu.enqueue_indirect_dma source(%arg13 : memref<128x32xf32, #tpu.memory_space<vmem>>) target(%dma_start3A_323 : memref<50048x32xf32, #tpu.memory_space<vmem_shared>>) offsets(%dma_start3A_320 : memref<128xi32, #tpu.memory_space<vmem>>) semaphore(%arg21 : memref<!tpu.dma_semaphore, #tpu.memory_space<semaphore_mem>>) {add = true}
        %mul3A_324 = arith.constant 4 : i32
        %mul3A_325 = arith.muli %scan3A_199, %mul3A_324 : i32
        %add3A_326 = arith.constant 3 : i32
        %add3A_327 = arith.addi %mul3A_325, %add3A_326 : i32
        %add3A_328 = arith.constant 1 : i32
        %add3A_329 = arith.addi %add3A_327, %add3A_328 : i32
        %dma_wait3A_330 = arith.constant 0 : i32
        %dma_wait3A_331 = arith.constant 0 : i32
        %dma_wait3A_332 = tpu.memref_slice %arg9[%dma_wait3A_330, %dma_wait3A_331] : memref<56x128xi32, #tpu.memory_space<vmem>> -> memref<1x128xi32, #tpu.memory_space<vmem>>
        %dma_wait3A_333 = tpu.memref_squeeze %dma_wait3A_332 : memref<1x128xi32, #tpu.memory_space<vmem>> -> memref<128xi32, #tpu.memory_space<vmem>>
        %dma_wait3A_334 = arith.constant 0 : i32
        %dma_wait3A_335 = arith.constant 0 : i32
        %dma_wait3A_336 = tpu.memref_slice %arg23[%dma_wait3A_334, %dma_wait3A_335] : memref<50048x32xf32, #tpu.memory_space<vmem_shared>> -> memref<50048x32xf32, #tpu.memory_space<vmem_shared>>
        tpu.wait_indirect_dma semaphore(%arg21 : memref<!tpu.dma_semaphore, #tpu.memory_space<semaphore_mem>>) src(%arg13 : memref<128x32xf32, #tpu.memory_space<vmem>>) dst(%dma_wait3A_336 : memref<50048x32xf32, #tpu.memory_space<vmem_shared>>)
        %add3A_337 = arith.constant 3 : i32
        %add3A_338 = arith.addi %add3A_329, %add3A_337 : i32
        %eq3A_339 = arith.constant 0 : i32
        %eq3A_340 = arith.cmpi eq, %arg0, %eq3A_339 : i32
        %convert_element_type3A_341 = arith.extui %eq3A_340 : i1 to i32
        %cond3A_342 = arith.constant 0 : i32
        %cond3A_343 = arith.cmpi ne, %convert_element_type3A_341, %cond3A_342 : i32
        scf.if %cond3A_343 {
          %dma_start3A_366 = arith.constant 0 : i32
          %dma_start3A_367 = tpu.memref_slice %arg8[%add3A_338, %dma_start3A_366] : memref<56x128xi32, #tpu.memory_space<vmem>> -> memref<1x128xi32, #tpu.memory_space<vmem>>
          %dma_start3A_368 = tpu.memref_squeeze %dma_start3A_367 : memref<1x128xi32, #tpu.memory_space<vmem>> -> memref<128xi32, #tpu.memory_space<vmem>>
          %dma_start3A_369 = arith.constant 0 : i32
          %dma_start3A_370 = arith.constant 0 : i32
          %dma_start3A_371 = tpu.memref_slice %arg2[%dma_start3A_369, %dma_start3A_370] : memref<50048x32xf32, #tpu.memory_space<hbm>> -> memref<50048x32xf32, #tpu.memory_space<hbm>>
          tpu.enqueue_indirect_dma source(%dma_start3A_371 : memref<50048x32xf32, #tpu.memory_space<hbm>>) target(%arg13 : memref<128x32xf32, #tpu.memory_space<vmem>>) offsets(%dma_start3A_368 : memref<128xi32, #tpu.memory_space<vmem>>) semaphore(%arg17 : memref<!tpu.dma_semaphore, #tpu.memory_space<semaphore_mem>>)
        } else {
        }
        %eq3A_344 = arith.constant 1 : i32
        %eq3A_345 = arith.cmpi eq, %arg0, %eq3A_344 : i32
        %convert_element_type3A_346 = arith.extui %eq3A_345 : i1 to i32
        %cond3A_347 = arith.constant 0 : i32
        %cond3A_348 = arith.cmpi ne, %convert_element_type3A_346, %cond3A_347 : i32
        scf.if %cond3A_348 {
          %dma_start3A_366 = arith.constant 0 : i32
          %dma_start3A_367 = tpu.memref_slice %arg8[%add3A_338, %dma_start3A_366] : memref<56x128xi32, #tpu.memory_space<vmem>> -> memref<1x128xi32, #tpu.memory_space<vmem>>
          %dma_start3A_368 = tpu.memref_squeeze %dma_start3A_367 : memref<1x128xi32, #tpu.memory_space<vmem>> -> memref<128xi32, #tpu.memory_space<vmem>>
          %dma_start3A_369 = arith.constant 0 : i32
          %dma_start3A_370 = arith.constant 0 : i32
          %dma_start3A_371 = tpu.memref_slice %arg3[%dma_start3A_369, %dma_start3A_370] : memref<50048x32xf32, #tpu.memory_space<hbm>> -> memref<50048x32xf32, #tpu.memory_space<hbm>>
          tpu.enqueue_indirect_dma source(%dma_start3A_371 : memref<50048x32xf32, #tpu.memory_space<hbm>>) target(%arg13 : memref<128x32xf32, #tpu.memory_space<vmem>>) offsets(%dma_start3A_368 : memref<128xi32, #tpu.memory_space<vmem>>) semaphore(%arg17 : memref<!tpu.dma_semaphore, #tpu.memory_space<semaphore_mem>>)
        } else {
        }
        %eq3A_349 = arith.constant 0 : i32
        %eq3A_350 = arith.cmpi eq, %arg0, %eq3A_349 : i32
        %convert_element_type3A_351 = arith.extui %eq3A_350 : i1 to i32
        %cond3A_352 = arith.constant 0 : i32
        %cond3A_353 = arith.cmpi ne, %convert_element_type3A_351, %cond3A_352 : i32
        scf.if %cond3A_353 {
          %dma_wait3A_366 = arith.constant 0 : i32
          %dma_wait3A_367 = arith.constant 0 : i32
          %dma_wait3A_368 = tpu.memref_slice %arg8[%dma_wait3A_366, %dma_wait3A_367] : memref<56x128xi32, #tpu.memory_space<vmem>> -> memref<1x128xi32, #tpu.memory_space<vmem>>
          %dma_wait3A_369 = tpu.memref_squeeze %dma_wait3A_368 : memref<1x128xi32, #tpu.memory_space<vmem>> -> memref<128xi32, #tpu.memory_space<vmem>>
          %dma_wait3A_370 = arith.constant 0 : i32
          %dma_wait3A_371 = arith.constant 0 : i32
          %dma_wait3A_372 = tpu.memref_slice %arg2[%dma_wait3A_370, %dma_wait3A_371] : memref<50048x32xf32, #tpu.memory_space<hbm>> -> memref<50048x32xf32, #tpu.memory_space<hbm>>
          tpu.wait_indirect_dma semaphore(%arg14 : memref<!tpu.dma_semaphore, #tpu.memory_space<semaphore_mem>>) src(%dma_wait3A_372 : memref<50048x32xf32, #tpu.memory_space<hbm>>) dst(%arg10 : memref<128x32xf32, #tpu.memory_space<vmem>>)
        } else {
        }
        %eq3A_354 = arith.constant 1 : i32
        %eq3A_355 = arith.cmpi eq, %arg0, %eq3A_354 : i32
        %convert_element_type3A_356 = arith.extui %eq3A_355 : i1 to i32
        %cond3A_357 = arith.constant 0 : i32
        %cond3A_358 = arith.cmpi ne, %convert_element_type3A_356, %cond3A_357 : i32
        scf.if %cond3A_358 {
          %dma_wait3A_366 = arith.constant 0 : i32
          %dma_wait3A_367 = arith.constant 0 : i32
          %dma_wait3A_368 = tpu.memref_slice %arg8[%dma_wait3A_366, %dma_wait3A_367] : memref<56x128xi32, #tpu.memory_space<vmem>> -> memref<1x128xi32, #tpu.memory_space<vmem>>
          %dma_wait3A_369 = tpu.memref_squeeze %dma_wait3A_368 : memref<1x128xi32, #tpu.memory_space<vmem>> -> memref<128xi32, #tpu.memory_space<vmem>>
          %dma_wait3A_370 = arith.constant 0 : i32
          %dma_wait3A_371 = arith.constant 0 : i32
          %dma_wait3A_372 = tpu.memref_slice %arg3[%dma_wait3A_370, %dma_wait3A_371] : memref<50048x32xf32, #tpu.memory_space<hbm>> -> memref<50048x32xf32, #tpu.memory_space<hbm>>
          tpu.wait_indirect_dma semaphore(%arg14 : memref<!tpu.dma_semaphore, #tpu.memory_space<semaphore_mem>>) src(%dma_wait3A_372 : memref<50048x32xf32, #tpu.memory_space<hbm>>) dst(%arg10 : memref<128x32xf32, #tpu.memory_space<vmem>>)
        } else {
        }
        %dma_start3A_359 = arith.constant 0 : i32
        %dma_start3A_360 = tpu.memref_slice %arg9[%add3A_329, %dma_start3A_359] : memref<56x128xi32, #tpu.memory_space<vmem>> -> memref<1x128xi32, #tpu.memory_space<vmem>>
        %dma_start3A_361 = tpu.memref_squeeze %dma_start3A_360 : memref<1x128xi32, #tpu.memory_space<vmem>> -> memref<128xi32, #tpu.memory_space<vmem>>
        %dma_start3A_362 = arith.constant 0 : i32
        %dma_start3A_363 = arith.constant 0 : i32
        %dma_start3A_364 = tpu.memref_slice %arg23[%dma_start3A_362, %dma_start3A_363] : memref<50048x32xf32, #tpu.memory_space<vmem_shared>> -> memref<50048x32xf32, #tpu.memory_space<vmem_shared>>
        tpu.enqueue_indirect_dma source(%arg10 : memref<128x32xf32, #tpu.memory_space<vmem>>) target(%dma_start3A_364 : memref<50048x32xf32, #tpu.memory_space<vmem_shared>>) offsets(%dma_start3A_361 : memref<128xi32, #tpu.memory_space<vmem>>) semaphore(%arg18 : memref<!tpu.dma_semaphore, #tpu.memory_space<semaphore_mem>>) {add = true}
        %scan3A_365 = arith.constant 0 : i32
        scf.yield %scan3A_365 : i32
      }
      %scan3A_118 = arith.constant 13 : i32
      %dma_wait3A_119 = arith.constant 0 : i32
      %dma_wait3A_120 = arith.constant 0 : i32
      %dma_wait3A_121 = tpu.memref_slice %arg9[%dma_wait3A_119, %dma_wait3A_120] : memref<56x128xi32, #tpu.memory_space<vmem>> -> memref<1x128xi32, #tpu.memory_space<vmem>>
      %dma_wait3A_122 = tpu.memref_squeeze %dma_wait3A_121 : memref<1x128xi32, #tpu.memory_space<vmem>> -> memref<128xi32, #tpu.memory_space<vmem>>
      %dma_wait3A_123 = arith.constant 0 : i32
      %dma_wait3A_124 = arith.constant 0 : i32
      %dma_wait3A_125 = tpu.memref_slice %arg23[%dma_wait3A_123, %dma_wait3A_124] : memref<50048x32xf32, #tpu.memory_space<vmem_shared>> -> memref<50048x32xf32, #tpu.memory_space<vmem_shared>>
      tpu.wait_indirect_dma semaphore(%arg18 : memref<!tpu.dma_semaphore, #tpu.memory_space<semaphore_mem>>) src(%arg10 : memref<128x32xf32, #tpu.memory_space<vmem>>) dst(%dma_wait3A_125 : memref<50048x32xf32, #tpu.memory_space<vmem_shared>>)
      %eq3A_126 = arith.constant 0 : i32
      %eq3A_127 = arith.cmpi eq, %arg0, %eq3A_126 : i32
      %convert_element_type3A_128 = arith.extui %eq3A_127 : i1 to i32
      %cond3A_129 = arith.constant 0 : i32
      %cond3A_130 = arith.cmpi ne, %convert_element_type3A_128, %cond3A_129 : i32
      scf.if %cond3A_130 {
        %dma_wait3A_199 = arith.constant 0 : i32
        %dma_wait3A_200 = arith.constant 0 : i32
        %dma_wait3A_201 = tpu.memref_slice %arg8[%dma_wait3A_199, %dma_wait3A_200] : memref<56x128xi32, #tpu.memory_space<vmem>> -> memref<1x128xi32, #tpu.memory_space<vmem>>
        %dma_wait3A_202 = tpu.memref_squeeze %dma_wait3A_201 : memref<1x128xi32, #tpu.memory_space<vmem>> -> memref<128xi32, #tpu.memory_space<vmem>>
        %dma_wait3A_203 = arith.constant 0 : i32
        %dma_wait3A_204 = arith.constant 0 : i32
        %dma_wait3A_205 = tpu.memref_slice %arg2[%dma_wait3A_203, %dma_wait3A_204] : memref<50048x32xf32, #tpu.memory_space<hbm>> -> memref<50048x32xf32, #tpu.memory_space<hbm>>
        tpu.wait_indirect_dma semaphore(%arg15 : memref<!tpu.dma_semaphore, #tpu.memory_space<semaphore_mem>>) src(%dma_wait3A_205 : memref<50048x32xf32, #tpu.memory_space<hbm>>) dst(%arg11 : memref<128x32xf32, #tpu.memory_space<vmem>>)
      } else {
      }
      %eq3A_131 = arith.constant 1 : i32
      %eq3A_132 = arith.cmpi eq, %arg0, %eq3A_131 : i32
      %convert_element_type3A_133 = arith.extui %eq3A_132 : i1 to i32
      %cond3A_134 = arith.constant 0 : i32
      %cond3A_135 = arith.cmpi ne, %convert_element_type3A_133, %cond3A_134 : i32
      scf.if %cond3A_135 {
        %dma_wait3A_199 = arith.constant 0 : i32
        %dma_wait3A_200 = arith.constant 0 : i32
        %dma_wait3A_201 = tpu.memref_slice %arg8[%dma_wait3A_199, %dma_wait3A_200] : memref<56x128xi32, #tpu.memory_space<vmem>> -> memref<1x128xi32, #tpu.memory_space<vmem>>
        %dma_wait3A_202 = tpu.memref_squeeze %dma_wait3A_201 : memref<1x128xi32, #tpu.memory_space<vmem>> -> memref<128xi32, #tpu.memory_space<vmem>>
        %dma_wait3A_203 = arith.constant 0 : i32
        %dma_wait3A_204 = arith.constant 0 : i32
        %dma_wait3A_205 = tpu.memref_slice %arg3[%dma_wait3A_203, %dma_wait3A_204] : memref<50048x32xf32, #tpu.memory_space<hbm>> -> memref<50048x32xf32, #tpu.memory_space<hbm>>
        tpu.wait_indirect_dma semaphore(%arg15 : memref<!tpu.dma_semaphore, #tpu.memory_space<semaphore_mem>>) src(%dma_wait3A_205 : memref<50048x32xf32, #tpu.memory_space<hbm>>) dst(%arg11 : memref<128x32xf32, #tpu.memory_space<vmem>>)
      } else {
      }
      %dma_start3A_136 = arith.constant 53 : i32
      %dma_start3A_137 = arith.constant 0 : i32
      %dma_start3A_138 = tpu.memref_slice %arg9[%dma_start3A_136, %dma_start3A_137] : memref<56x128xi32, #tpu.memory_space<vmem>> -> memref<1x128xi32, #tpu.memory_space<vmem>>
      %dma_start3A_139 = tpu.memref_squeeze %dma_start3A_138 : memref<1x128xi32, #tpu.memory_space<vmem>> -> memref<128xi32, #tpu.memory_space<vmem>>
      %dma_start3A_140 = arith.constant 0 : i32
      %dma_start3A_141 = arith.constant 0 : i32
      %dma_start3A_142 = tpu.memref_slice %arg23[%dma_start3A_140, %dma_start3A_141] : memref<50048x32xf32, #tpu.memory_space<vmem_shared>> -> memref<50048x32xf32, #tpu.memory_space<vmem_shared>>
      tpu.enqueue_indirect_dma source(%arg11 : memref<128x32xf32, #tpu.memory_space<vmem>>) target(%dma_start3A_142 : memref<50048x32xf32, #tpu.memory_space<vmem_shared>>) offsets(%dma_start3A_139 : memref<128xi32, #tpu.memory_space<vmem>>) semaphore(%arg19 : memref<!tpu.dma_semaphore, #tpu.memory_space<semaphore_mem>>) {add = true}
      %dma_wait3A_143 = arith.constant 0 : i32
      %dma_wait3A_144 = arith.constant 0 : i32
      %dma_wait3A_145 = tpu.memref_slice %arg9[%dma_wait3A_143, %dma_wait3A_144] : memref<56x128xi32, #tpu.memory_space<vmem>> -> memref<1x128xi32, #tpu.memory_space<vmem>>
      %dma_wait3A_146 = tpu.memref_squeeze %dma_wait3A_145 : memref<1x128xi32, #tpu.memory_space<vmem>> -> memref<128xi32, #tpu.memory_space<vmem>>
      %dma_wait3A_147 = arith.constant 0 : i32
      %dma_wait3A_148 = arith.constant 0 : i32
      %dma_wait3A_149 = tpu.memref_slice %arg23[%dma_wait3A_147, %dma_wait3A_148] : memref<50048x32xf32, #tpu.memory_space<vmem_shared>> -> memref<50048x32xf32, #tpu.memory_space<vmem_shared>>
      tpu.wait_indirect_dma semaphore(%arg19 : memref<!tpu.dma_semaphore, #tpu.memory_space<semaphore_mem>>) src(%arg11 : memref<128x32xf32, #tpu.memory_space<vmem>>) dst(%dma_wait3A_149 : memref<50048x32xf32, #tpu.memory_space<vmem_shared>>)
      %eq3A_150 = arith.constant 0 : i32
      %eq3A_151 = arith.cmpi eq, %arg0, %eq3A_150 : i32
      %convert_element_type3A_152 = arith.extui %eq3A_151 : i1 to i32
      %cond3A_153 = arith.constant 0 : i32
      %cond3A_154 = arith.cmpi ne, %convert_element_type3A_152, %cond3A_153 : i32
      scf.if %cond3A_154 {
        %dma_wait3A_199 = arith.constant 0 : i32
        %dma_wait3A_200 = arith.constant 0 : i32
        %dma_wait3A_201 = tpu.memref_slice %arg8[%dma_wait3A_199, %dma_wait3A_200] : memref<56x128xi32, #tpu.memory_space<vmem>> -> memref<1x128xi32, #tpu.memory_space<vmem>>
        %dma_wait3A_202 = tpu.memref_squeeze %dma_wait3A_201 : memref<1x128xi32, #tpu.memory_space<vmem>> -> memref<128xi32, #tpu.memory_space<vmem>>
        %dma_wait3A_203 = arith.constant 0 : i32
        %dma_wait3A_204 = arith.constant 0 : i32
        %dma_wait3A_205 = tpu.memref_slice %arg2[%dma_wait3A_203, %dma_wait3A_204] : memref<50048x32xf32, #tpu.memory_space<hbm>> -> memref<50048x32xf32, #tpu.memory_space<hbm>>
        tpu.wait_indirect_dma semaphore(%arg16 : memref<!tpu.dma_semaphore, #tpu.memory_space<semaphore_mem>>) src(%dma_wait3A_205 : memref<50048x32xf32, #tpu.memory_space<hbm>>) dst(%arg12 : memref<128x32xf32, #tpu.memory_space<vmem>>)
      } else {
      }
      %eq3A_155 = arith.constant 1 : i32
      %eq3A_156 = arith.cmpi eq, %arg0, %eq3A_155 : i32
      %convert_element_type3A_157 = arith.extui %eq3A_156 : i1 to i32
      %cond3A_158 = arith.constant 0 : i32
      %cond3A_159 = arith.cmpi ne, %convert_element_type3A_157, %cond3A_158 : i32
      scf.if %cond3A_159 {
        %dma_wait3A_199 = arith.constant 0 : i32
        %dma_wait3A_200 = arith.constant 0 : i32
        %dma_wait3A_201 = tpu.memref_slice %arg8[%dma_wait3A_199, %dma_wait3A_200] : memref<56x128xi32, #tpu.memory_space<vmem>> -> memref<1x128xi32, #tpu.memory_space<vmem>>
        %dma_wait3A_202 = tpu.memref_squeeze %dma_wait3A_201 : memref<1x128xi32, #tpu.memory_space<vmem>> -> memref<128xi32, #tpu.memory_space<vmem>>
        %dma_wait3A_203 = arith.constant 0 : i32
        %dma_wait3A_204 = arith.constant 0 : i32
        %dma_wait3A_205 = tpu.memref_slice %arg3[%dma_wait3A_203, %dma_wait3A_204] : memref<50048x32xf32, #tpu.memory_space<hbm>> -> memref<50048x32xf32, #tpu.memory_space<hbm>>
        tpu.wait_indirect_dma semaphore(%arg16 : memref<!tpu.dma_semaphore, #tpu.memory_space<semaphore_mem>>) src(%dma_wait3A_205 : memref<50048x32xf32, #tpu.memory_space<hbm>>) dst(%arg12 : memref<128x32xf32, #tpu.memory_space<vmem>>)
      } else {
      }
      %dma_start3A_160 = arith.constant 54 : i32
      %dma_start3A_161 = arith.constant 0 : i32
      %dma_start3A_162 = tpu.memref_slice %arg9[%dma_start3A_160, %dma_start3A_161] : memref<56x128xi32, #tpu.memory_space<vmem>> -> memref<1x128xi32, #tpu.memory_space<vmem>>
      %dma_start3A_163 = tpu.memref_squeeze %dma_start3A_162 : memref<1x128xi32, #tpu.memory_space<vmem>> -> memref<128xi32, #tpu.memory_space<vmem>>
      %dma_start3A_164 = arith.constant 0 : i32
      %dma_start3A_165 = arith.constant 0 : i32
      %dma_start3A_166 = tpu.memref_slice %arg23[%dma_start3A_164, %dma_start3A_165] : memref<50048x32xf32, #tpu.memory_space<vmem_shared>> -> memref<50048x32xf32, #tpu.memory_space<vmem_shared>>
      tpu.enqueue_indirect_dma source(%arg12 : memref<128x32xf32, #tpu.memory_space<vmem>>) target(%dma_start3A_166 : memref<50048x32xf32, #tpu.memory_space<vmem_shared>>) offsets(%dma_start3A_163 : memref<128xi32, #tpu.memory_space<vmem>>) semaphore(%arg20 : memref<!tpu.dma_semaphore, #tpu.memory_space<semaphore_mem>>) {add = true}
      %dma_wait3A_167 = arith.constant 0 : i32
      %dma_wait3A_168 = arith.constant 0 : i32
      %dma_wait3A_169 = tpu.memref_slice %arg9[%dma_wait3A_167, %dma_wait3A_168] : memref<56x128xi32, #tpu.memory_space<vmem>> -> memref<1x128xi32, #tpu.memory_space<vmem>>
      %dma_wait3A_170 = tpu.memref_squeeze %dma_wait3A_169 : memref<1x128xi32, #tpu.memory_space<vmem>> -> memref<128xi32, #tpu.memory_space<vmem>>
      %dma_wait3A_171 = arith.constant 0 : i32
      %dma_wait3A_172 = arith.constant 0 : i32
      %dma_wait3A_173 = tpu.memref_slice %arg23[%dma_wait3A_171, %dma_wait3A_172] : memref<50048x32xf32, #tpu.memory_space<vmem_shared>> -> memref<50048x32xf32, #tpu.memory_space<vmem_shared>>
      tpu.wait_indirect_dma semaphore(%arg20 : memref<!tpu.dma_semaphore, #tpu.memory_space<semaphore_mem>>) src(%arg12 : memref<128x32xf32, #tpu.memory_space<vmem>>) dst(%dma_wait3A_173 : memref<50048x32xf32, #tpu.memory_space<vmem_shared>>)
      %eq3A_174 = arith.constant 0 : i32
      %eq3A_175 = arith.cmpi eq, %arg0, %eq3A_174 : i32
      %convert_element_type3A_176 = arith.extui %eq3A_175 : i1 to i32
      %cond3A_177 = arith.constant 0 : i32
      %cond3A_178 = arith.cmpi ne, %convert_element_type3A_176, %cond3A_177 : i32
      scf.if %cond3A_178 {
        %dma_wait3A_199 = arith.constant 0 : i32
        %dma_wait3A_200 = arith.constant 0 : i32
        %dma_wait3A_201 = tpu.memref_slice %arg8[%dma_wait3A_199, %dma_wait3A_200] : memref<56x128xi32, #tpu.memory_space<vmem>> -> memref<1x128xi32, #tpu.memory_space<vmem>>
        %dma_wait3A_202 = tpu.memref_squeeze %dma_wait3A_201 : memref<1x128xi32, #tpu.memory_space<vmem>> -> memref<128xi32, #tpu.memory_space<vmem>>
        %dma_wait3A_203 = arith.constant 0 : i32
        %dma_wait3A_204 = arith.constant 0 : i32
        %dma_wait3A_205 = tpu.memref_slice %arg2[%dma_wait3A_203, %dma_wait3A_204] : memref<50048x32xf32, #tpu.memory_space<hbm>> -> memref<50048x32xf32, #tpu.memory_space<hbm>>
        tpu.wait_indirect_dma semaphore(%arg17 : memref<!tpu.dma_semaphore, #tpu.memory_space<semaphore_mem>>) src(%dma_wait3A_205 : memref<50048x32xf32, #tpu.memory_space<hbm>>) dst(%arg13 : memref<128x32xf32, #tpu.memory_space<vmem>>)
      } else {
      }
      %eq3A_179 = arith.constant 1 : i32
      %eq3A_180 = arith.cmpi eq, %arg0, %eq3A_179 : i32
      %convert_element_type3A_181 = arith.extui %eq3A_180 : i1 to i32
      %cond3A_182 = arith.constant 0 : i32
      %cond3A_183 = arith.cmpi ne, %convert_element_type3A_181, %cond3A_182 : i32
      scf.if %cond3A_183 {
        %dma_wait3A_199 = arith.constant 0 : i32
        %dma_wait3A_200 = arith.constant 0 : i32
        %dma_wait3A_201 = tpu.memref_slice %arg8[%dma_wait3A_199, %dma_wait3A_200] : memref<56x128xi32, #tpu.memory_space<vmem>> -> memref<1x128xi32, #tpu.memory_space<vmem>>
        %dma_wait3A_202 = tpu.memref_squeeze %dma_wait3A_201 : memref<1x128xi32, #tpu.memory_space<vmem>> -> memref<128xi32, #tpu.memory_space<vmem>>
        %dma_wait3A_203 = arith.constant 0 : i32
        %dma_wait3A_204 = arith.constant 0 : i32
        %dma_wait3A_205 = tpu.memref_slice %arg3[%dma_wait3A_203, %dma_wait3A_204] : memref<50048x32xf32, #tpu.memory_space<hbm>> -> memref<50048x32xf32, #tpu.memory_space<hbm>>
        tpu.wait_indirect_dma semaphore(%arg17 : memref<!tpu.dma_semaphore, #tpu.memory_space<semaphore_mem>>) src(%dma_wait3A_205 : memref<50048x32xf32, #tpu.memory_space<hbm>>) dst(%arg13 : memref<128x32xf32, #tpu.memory_space<vmem>>)
      } else {
      }
      %dma_start3A_184 = arith.constant 55 : i32
      %dma_start3A_185 = arith.constant 0 : i32
      %dma_start3A_186 = tpu.memref_slice %arg9[%dma_start3A_184, %dma_start3A_185] : memref<56x128xi32, #tpu.memory_space<vmem>> -> memref<1x128xi32, #tpu.memory_space<vmem>>
      %dma_start3A_187 = tpu.memref_squeeze %dma_start3A_186 : memref<1x128xi32, #tpu.memory_space<vmem>> -> memref<128xi32, #tpu.memory_space<vmem>>
      %dma_start3A_188 = arith.constant 0 : i32
      %dma_start3A_189 = arith.constant 0 : i32
      %dma_start3A_190 = tpu.memref_slice %arg23[%dma_start3A_188, %dma_start3A_189] : memref<50048x32xf32, #tpu.memory_space<vmem_shared>> -> memref<50048x32xf32, #tpu.memory_space<vmem_shared>>
      tpu.enqueue_indirect_dma source(%arg13 : memref<128x32xf32, #tpu.memory_space<vmem>>) target(%dma_start3A_190 : memref<50048x32xf32, #tpu.memory_space<vmem_shared>>) offsets(%dma_start3A_187 : memref<128xi32, #tpu.memory_space<vmem>>) semaphore(%arg21 : memref<!tpu.dma_semaphore, #tpu.memory_space<semaphore_mem>>) {add = true}
      %dma_wait3A_191 = arith.constant 0 : i32
      %dma_wait3A_192 = arith.constant 0 : i32
      %dma_wait3A_193 = tpu.memref_slice %arg9[%dma_wait3A_191, %dma_wait3A_192] : memref<56x128xi32, #tpu.memory_space<vmem>> -> memref<1x128xi32, #tpu.memory_space<vmem>>
      %dma_wait3A_194 = tpu.memref_squeeze %dma_wait3A_193 : memref<1x128xi32, #tpu.memory_space<vmem>> -> memref<128xi32, #tpu.memory_space<vmem>>
      %dma_wait3A_195 = arith.constant 0 : i32
      %dma_wait3A_196 = arith.constant 0 : i32
      %dma_wait3A_197 = tpu.memref_slice %arg23[%dma_wait3A_195, %dma_wait3A_196] : memref<50048x32xf32, #tpu.memory_space<vmem_shared>> -> memref<50048x32xf32, #tpu.memory_space<vmem_shared>>
      tpu.wait_indirect_dma semaphore(%arg21 : memref<!tpu.dma_semaphore, #tpu.memory_space<semaphore_mem>>) src(%arg13 : memref<128x32xf32, #tpu.memory_space<vmem>>) dst(%dma_wait3A_197 : memref<50048x32xf32, #tpu.memory_space<vmem_shared>>)
      %scan3A_198 = arith.constant 0 : i32
      scf.yield %scan3A_198 : i32
    }
    %scan3A_39 = arith.constant 7 : i32
    %barrier3A_40 = arith.constant 0 : index
    tpu.barrier barrier_id(%barrier3A_40)
    %eq3A = arith.constant 0 : i32
    %eq3A_41 = arith.cmpi eq, %arg0, %eq3A : i32
    %convert_element_type3A = arith.extui %eq3A_41 : i1 to i32
    %cond3A = arith.constant 0 : i32
    %cond3A_42 = arith.cmpi ne, %convert_element_type3A, %cond3A : i32
    scf.if %cond3A_42 {
      "tpu.region"() ({
        %run_scoped3A = tpu.sem_alloc : memref<!tpu.dma_semaphore, #tpu.memory_space<semaphore_mem>>
        %dma_start3A_48 = arith.constant 0 : i32
        %dma_start3A_49 = tpu.memref_slice %arg6[%mul3A_6, %dma_start3A_48] : memref<50048x32xf32, #tpu.memory_space<hbm>> -> memref<3128x32xf32, #tpu.memory_space<hbm>>
        %dma_start3A_50 = arith.constant 0 : i32
        %dma_start3A_51 = tpu.memref_slice %arg23[%mul3A_6, %dma_start3A_50] : memref<50048x32xf32, #tpu.memory_space<vmem_shared>> -> memref<3128x32xf32, #tpu.memory_space<vmem_shared>>
        tpu.enqueue_dma source(%dma_start3A_51 : memref<3128x32xf32, #tpu.memory_space<vmem_shared>>) target(%dma_start3A_49 : memref<3128x32xf32, #tpu.memory_space<hbm>>) target_semaphore(%run_scoped3A : memref<!tpu.dma_semaphore, #tpu.memory_space<semaphore_mem>>)
        %dma_wait3A_52 = arith.constant 0 : i32
        %dma_wait3A_53 = tpu.memref_slice %arg6[%mul3A_6, %dma_wait3A_52] : memref<50048x32xf32, #tpu.memory_space<hbm>> -> memref<3128x32xf32, #tpu.memory_space<hbm>>
        %dma_wait3A_54 = arith.constant 0 : i32
        %dma_wait3A_55 = tpu.memref_slice %arg23[%mul3A_6, %dma_wait3A_54] : memref<50048x32xf32, #tpu.memory_space<vmem_shared>> -> memref<3128x32xf32, #tpu.memory_space<vmem_shared>>
        tpu.wait_dma2 semaphore(%run_scoped3A : memref<!tpu.dma_semaphore, #tpu.memory_space<semaphore_mem>>) src(%dma_wait3A_55 : memref<3128x32xf32, #tpu.memory_space<vmem_shared>>) dst(%dma_wait3A_53 : memref<3128x32xf32, #tpu.memory_space<hbm>>)
        tpu.yield
      }) : () -> ()
    } else {
    }
    %eq3A_43 = arith.constant 1 : i32
    %eq3A_44 = arith.cmpi eq, %arg0, %eq3A_43 : i32
    %convert_element_type3A_45 = arith.extui %eq3A_44 : i1 to i32
    %cond3A_46 = arith.constant 0 : i32
    %cond3A_47 = arith.cmpi ne, %convert_element_type3A_45, %cond3A_46 : i32
    scf.if %cond3A_47 {
      "tpu.region"() ({
        %run_scoped3A = tpu.sem_alloc : memref<!tpu.dma_semaphore, #tpu.memory_space<semaphore_mem>>
        %dma_start3A_48 = arith.constant 0 : i32
        %dma_start3A_49 = tpu.memref_slice %arg7[%mul3A_6, %dma_start3A_48] : memref<50048x32xf32, #tpu.memory_space<hbm>> -> memref<3128x32xf32, #tpu.memory_space<hbm>>
        %dma_start3A_50 = arith.constant 0 : i32
        %dma_start3A_51 = tpu.memref_slice %arg23[%mul3A_6, %dma_start3A_50] : memref<50048x32xf32, #tpu.memory_space<vmem_shared>> -> memref<3128x32xf32, #tpu.memory_space<vmem_shared>>
        tpu.enqueue_dma source(%dma_start3A_51 : memref<3128x32xf32, #tpu.memory_space<vmem_shared>>) target(%dma_start3A_49 : memref<3128x32xf32, #tpu.memory_space<hbm>>) target_semaphore(%run_scoped3A : memref<!tpu.dma_semaphore, #tpu.memory_space<semaphore_mem>>)
        %dma_wait3A_52 = arith.constant 0 : i32
        %dma_wait3A_53 = tpu.memref_slice %arg7[%mul3A_6, %dma_wait3A_52] : memref<50048x32xf32, #tpu.memory_space<hbm>> -> memref<3128x32xf32, #tpu.memory_space<hbm>>
        %dma_wait3A_54 = arith.constant 0 : i32
        %dma_wait3A_55 = tpu.memref_slice %arg23[%mul3A_6, %dma_wait3A_54] : memref<50048x32xf32, #tpu.memory_space<vmem_shared>> -> memref<3128x32xf32, #tpu.memory_space<vmem_shared>>
        tpu.wait_dma2 semaphore(%run_scoped3A : memref<!tpu.dma_semaphore, #tpu.memory_space<semaphore_mem>>) src(%dma_wait3A_55 : memref<3128x32xf32, #tpu.memory_space<vmem_shared>>) dst(%dma_wait3A_53 : memref<3128x32xf32, #tpu.memory_space<hbm>>)
        tpu.yield
      }) : () -> ()
    } else {
    }
    return
  }
}

#map = affine_map<(d0, d1) -> (0, 0)>
module attributes {stable_mosaic.version = 14 : i64} {
  func.func @_agg_body(%arg0: i32, %arg1: i32, %arg2: memref<50048x32xf32, #tpu.memory_space<hbm>>, %arg3: memref<50048x32xf32, #tpu.memory_space<hbm>>, %arg4: memref<6272x128xi32, #tpu.memory_space<hbm>>, %arg5: memref<6272x128xi32, #tpu.memory_space<hbm>>, %arg6: memref<50048x32xf32, #tpu.memory_space<hbm>>, %arg7: memref<50048x32xf32, #tpu.memory_space<hbm>>, %arg8: memref<56x128xi32, #tpu.memory_space<vmem>>, %arg9: memref<56x128xi32, #tpu.memory_space<vmem>>, %arg10: memref<128x32xf32, #tpu.memory_space<vmem>>, %arg11: memref<128x32xf32, #tpu.memory_space<vmem>>, %arg12: memref<128x32xf32, #tpu.memory_space<vmem>>, %arg13: memref<128x32xf32, #tpu.memory_space<vmem>>, %arg14: memref<!tpu.dma_semaphore, #tpu.memory_space<semaphore_mem>>, %arg15: memref<!tpu.dma_semaphore, #tpu.memory_space<semaphore_mem>>, %arg16: memref<!tpu.dma_semaphore, #tpu.memory_space<semaphore_mem>>, %arg17: memref<!tpu.dma_semaphore, #tpu.memory_space<semaphore_mem>>, %arg18: memref<!tpu.dma_semaphore, #tpu.memory_space<semaphore_mem>>, %arg19: memref<!tpu.dma_semaphore, #tpu.memory_space<semaphore_mem>>, %arg20: memref<!tpu.dma_semaphore, #tpu.memory_space<semaphore_mem>>, %arg21: memref<!tpu.dma_semaphore, #tpu.memory_space<semaphore_mem>>, %arg22: memref<!tpu.dma_semaphore, #tpu.memory_space<semaphore_mem>>, %arg23: memref<50048x32xf32, #tpu.memory_space<vmem_shared>>) attributes {dimension_semantics = [#tpu.dimension_semantics<core_parallel>, #tpu.dimension_semantics<subcore_parallel>], iteration_bounds = array<i64: 2, 16>, scalar_prefetch = 0 : i64, scratch_operands = 16 : i64, tpu.core_type = #tpu.core_type<sc_vector_subcore>, window_params = [{transform_indices = #map}, {transform_indices = #map}, {transform_indices = #map}, {transform_indices = #map}, {transform_indices = #map}, {transform_indices = #map}]} {
    %scan3A = arith.constant 0 : i32
    %scan3A_0 = arith.constant 0 : i32
    %scan3A_1 = arith.constant 128 : i32
    %scan3A_2 = arith.addi %scan3A_0, %scan3A_1 : i32
    %scan3A_3 = arith.constant 1 : i32
    %scan3A_4 = scf.for %scan3A_48 = %scan3A_0 to %scan3A_2 step %scan3A_3 iter_args(%scan3A_49 = %scan3A) -> (i32)  : i32 {
      %broadcast_in_dim3A = arith.constant 0.000000e+00 : f32
      %broadcast_in_dim3A_50 = vector.broadcast %broadcast_in_dim3A : f32 to vector<16xf32>
      %swap3A = arith.index_cast %scan3A_48 : i32 to index
      %swap3A_51 = arith.constant 0 : index
      %swap3A_52 = tpu.vector_load %arg10[%swap3A, %swap3A_51] {strides = array<i32>} : memref<128x32xf32, #tpu.memory_space<vmem>>, vector<1x16xf32>,
      %swap3A_53 = vector.shape_cast %swap3A_52 : vector<1x16xf32> to vector<16xf32>
      %swap3A_54 = vector.shape_cast %broadcast_in_dim3A_50 : vector<16xf32> to vector<1x16xf32>
      tpu.vector_store %arg10[%swap3A, %swap3A_51], %swap3A_54 {strides = array<i32>} : memref<128x32xf32, #tpu.memory_space<vmem>>, vector<1x16xf32>,
      %broadcast_in_dim3A_55 = arith.constant 0.000000e+00 : f32
      %broadcast_in_dim3A_56 = vector.broadcast %broadcast_in_dim3A_55 : f32 to vector<16xf32>
      %swap3A_57 = arith.index_cast %scan3A_48 : i32 to index
      %swap3A_58 = arith.constant 16 : index
      %swap3A_59 = tpu.vector_load %arg10[%swap3A_57, %swap3A_58] {strides = array<i32>} : memref<128x32xf32, #tpu.memory_space<vmem>>, vector<1x16xf32>,
      %swap3A_60 = vector.shape_cast %swap3A_59 : vector<1x16xf32> to vector<16xf32>
      %swap3A_61 = vector.shape_cast %broadcast_in_dim3A_56 : vector<16xf32> to vector<1x16xf32>
      tpu.vector_store %arg10[%swap3A_57, %swap3A_58], %swap3A_61 {strides = array<i32>} : memref<128x32xf32, #tpu.memory_space<vmem>>, vector<1x16xf32>,
      %scan3A_62 = arith.constant 0 : i32
      scf.yield %scan3A_62 : i32
    }
    %scan3A_5 = arith.constant 128 : i32
    %mul3A = arith.constant 3128 : i32
    %mul3A_6 = arith.muli %arg1, %mul3A : i32
    %scan3A_7 = arith.constant 0 : i32
    %scan3A_8 = arith.constant 0 : i32
    %scan3A_9 = arith.constant 3 : i32
    %scan3A_10 = arith.addi %scan3A_8, %scan3A_9 : i32
    %scan3A_11 = arith.constant 1 : i32
    %scan3A_12 = scf.for %scan3A_48 = %scan3A_8 to %scan3A_10 step %scan3A_11 iter_args(%scan3A_49 = %scan3A_7) -> (i32)  : i32 {
      %mul3A_50 = arith.constant 8 : i32
      %mul3A_51 = arith.muli %scan3A_48, %mul3A_50 : i32
      %add3A_52 = arith.constant 0 : i32
      %add3A_53 = arith.addi %mul3A_51, %add3A_52 : i32
      %mul3A_54 = arith.constant 128 : i32
      %mul3A_55 = arith.muli %add3A_53, %mul3A_54 : i32
      %add3A_56 = arith.addi %mul3A_6, %mul3A_55 : i32
      %dma_start3A_57 = arith.constant 0 : i32
      %dma_start3A_58 = tpu.memref_slice %arg23[%add3A_56, %dma_start3A_57] : memref<50048x32xf32, #tpu.memory_space<vmem_shared>> -> memref<128x32xf32, #tpu.memory_space<vmem_shared>>
      %dma_start3A_59 = arith.constant 0 : i32
      %dma_start3A_60 = tpu.memref_slice %arg23[%add3A_56, %dma_start3A_59] : memref<50048x32xf32, #tpu.memory_space<vmem_shared>> -> memref<128x32xf32, #tpu.memory_space<vmem_shared>>
      tpu.enqueue_dma source(%arg10 : memref<128x32xf32, #tpu.memory_space<vmem>>) target(%dma_start3A_60 : memref<128x32xf32, #tpu.memory_space<vmem_shared>>) target_semaphore(%arg22 : memref<!tpu.dma_semaphore, #tpu.memory_space<semaphore_mem>>)
      %mul3A_61 = arith.constant 8 : i32
      %mul3A_62 = arith.muli %scan3A_48, %mul3A_61 : i32
      %add3A_63 = arith.constant 1 : i32
      %add3A_64 = arith.addi %mul3A_62, %add3A_63 : i32
      %mul3A_65 = arith.constant 128 : i32
      %mul3A_66 = arith.muli %add3A_64, %mul3A_65 : i32
      %add3A_67 = arith.addi %mul3A_6, %mul3A_66 : i32
      %dma_start3A_68 = arith.constant 0 : i32
      %dma_start3A_69 = tpu.memref_slice %arg23[%add3A_67, %dma_start3A_68] : memref<50048x32xf32, #tpu.memory_space<vmem_shared>> -> memref<128x32xf32, #tpu.memory_space<vmem_shared>>
      %dma_start3A_70 = arith.constant 0 : i32
      %dma_start3A_71 = tpu.memref_slice %arg23[%add3A_67, %dma_start3A_70] : memref<50048x32xf32, #tpu.memory_space<vmem_shared>> -> memref<128x32xf32, #tpu.memory_space<vmem_shared>>
      tpu.enqueue_dma source(%arg10 : memref<128x32xf32, #tpu.memory_space<vmem>>) target(%dma_start3A_71 : memref<128x32xf32, #tpu.memory_space<vmem_shared>>) target_semaphore(%arg22 : memref<!tpu.dma_semaphore, #tpu.memory_space<semaphore_mem>>)
      %mul3A_72 = arith.constant 8 : i32
      %mul3A_73 = arith.muli %scan3A_48, %mul3A_72 : i32
      %add3A_74 = arith.constant 2 : i32
      %add3A_75 = arith.addi %mul3A_73, %add3A_74 : i32
      %mul3A_76 = arith.constant 128 : i32
      %mul3A_77 = arith.muli %add3A_75, %mul3A_76 : i32
      %add3A_78 = arith.addi %mul3A_6, %mul3A_77 : i32
      %dma_start3A_79 = arith.constant 0 : i32
      %dma_start3A_80 = tpu.memref_slice %arg23[%add3A_78, %dma_start3A_79] : memref<50048x32xf32, #tpu.memory_space<vmem_shared>> -> memref<128x32xf32, #tpu.memory_space<vmem_shared>>
      %dma_start3A_81 = arith.constant 0 : i32
      %dma_start3A_82 = tpu.memref_slice %arg23[%add3A_78, %dma_start3A_81] : memref<50048x32xf32, #tpu.memory_space<vmem_shared>> -> memref<128x32xf32, #tpu.memory_space<vmem_shared>>
      tpu.enqueue_dma source(%arg10 : memref<128x32xf32, #tpu.memory_space<vmem>>) target(%dma_start3A_82 : memref<128x32xf32, #tpu.memory_space<vmem_shared>>) target_semaphore(%arg22 : memref<!tpu.dma_semaphore, #tpu.memory_space<semaphore_mem>>)
      %mul3A_83 = arith.constant 8 : i32
      %mul3A_84 = arith.muli %scan3A_48, %mul3A_83 : i32
      %add3A_85 = arith.constant 3 : i32
      %add3A_86 = arith.addi %mul3A_84, %add3A_85 : i32
      %mul3A_87 = arith.constant 128 : i32
      %mul3A_88 = arith.muli %add3A_86, %mul3A_87 : i32
      %add3A_89 = arith.addi %mul3A_6, %mul3A_88 : i32
      %dma_start3A_90 = arith.constant 0 : i32
      %dma_start3A_91 = tpu.memref_slice %arg23[%add3A_89, %dma_start3A_90] : memref<50048x32xf32, #tpu.memory_space<vmem_shared>> -> memref<128x32xf32, #tpu.memory_space<vmem_shared>>
      %dma_start3A_92 = arith.constant 0 : i32
      %dma_start3A_93 = tpu.memref_slice %arg23[%add3A_89, %dma_start3A_92] : memref<50048x32xf32, #tpu.memory_space<vmem_shared>> -> memref<128x32xf32, #tpu.memory_space<vmem_shared>>
      tpu.enqueue_dma source(%arg10 : memref<128x32xf32, #tpu.memory_space<vmem>>) target(%dma_start3A_93 : memref<128x32xf32, #tpu.memory_space<vmem_shared>>) target_semaphore(%arg22 : memref<!tpu.dma_semaphore, #tpu.memory_space<semaphore_mem>>)
      %mul3A_94 = arith.constant 8 : i32
      %mul3A_95 = arith.muli %scan3A_48, %mul3A_94 : i32
      %add3A_96 = arith.constant 4 : i32
      %add3A_97 = arith.addi %mul3A_95, %add3A_96 : i32
      %mul3A_98 = arith.constant 128 : i32
      %mul3A_99 = arith.muli %add3A_97, %mul3A_98 : i32
      %add3A_100 = arith.addi %mul3A_6, %mul3A_99 : i32
      %dma_start3A_101 = arith.constant 0 : i32
      %dma_start3A_102 = tpu.memref_slice %arg23[%add3A_100, %dma_start3A_101] : memref<50048x32xf32, #tpu.memory_space<vmem_shared>> -> memref<128x32xf32, #tpu.memory_space<vmem_shared>>
      %dma_start3A_103 = arith.constant 0 : i32
      %dma_start3A_104 = tpu.memref_slice %arg23[%add3A_100, %dma_start3A_103] : memref<50048x32xf32, #tpu.memory_space<vmem_shared>> -> memref<128x32xf32, #tpu.memory_space<vmem_shared>>
      tpu.enqueue_dma source(%arg10 : memref<128x32xf32, #tpu.memory_space<vmem>>) target(%dma_start3A_104 : memref<128x32xf32, #tpu.memory_space<vmem_shared>>) target_semaphore(%arg22 : memref<!tpu.dma_semaphore, #tpu.memory_space<semaphore_mem>>)
      %mul3A_105 = arith.constant 8 : i32
      %mul3A_106 = arith.muli %scan3A_48, %mul3A_105 : i32
      %add3A_107 = arith.constant 5 : i32
      %add3A_108 = arith.addi %mul3A_106, %add3A_107 : i32
      %mul3A_109 = arith.constant 128 : i32
      %mul3A_110 = arith.muli %add3A_108, %mul3A_109 : i32
      %add3A_111 = arith.addi %mul3A_6, %mul3A_110 : i32
      %dma_start3A_112 = arith.constant 0 : i32
      %dma_start3A_113 = tpu.memref_slice %arg23[%add3A_111, %dma_start3A_112] : memref<50048x32xf32, #tpu.memory_space<vmem_shared>> -> memref<128x32xf32, #tpu.memory_space<vmem_shared>>
      %dma_start3A_114 = arith.constant 0 : i32
      %dma_start3A_115 = tpu.memref_slice %arg23[%add3A_111, %dma_start3A_114] : memref<50048x32xf32, #tpu.memory_space<vmem_shared>> -> memref<128x32xf32, #tpu.memory_space<vmem_shared>>
      tpu.enqueue_dma source(%arg10 : memref<128x32xf32, #tpu.memory_space<vmem>>) target(%dma_start3A_115 : memref<128x32xf32, #tpu.memory_space<vmem_shared>>) target_semaphore(%arg22 : memref<!tpu.dma_semaphore, #tpu.memory_space<semaphore_mem>>)
      %mul3A_116 = arith.constant 8 : i32
      %mul3A_117 = arith.muli %scan3A_48, %mul3A_116 : i32
      %add3A_118 = arith.constant 6 : i32
      %add3A_119 = arith.addi %mul3A_117, %add3A_118 : i32
      %mul3A_120 = arith.constant 128 : i32
      %mul3A_121 = arith.muli %add3A_119, %mul3A_120 : i32
      %add3A_122 = arith.addi %mul3A_6, %mul3A_121 : i32
      %dma_start3A_123 = arith.constant 0 : i32
      %dma_start3A_124 = tpu.memref_slice %arg23[%add3A_122, %dma_start3A_123] : memref<50048x32xf32, #tpu.memory_space<vmem_shared>> -> memref<128x32xf32, #tpu.memory_space<vmem_shared>>
      %dma_start3A_125 = arith.constant 0 : i32
      %dma_start3A_126 = tpu.memref_slice %arg23[%add3A_122, %dma_start3A_125] : memref<50048x32xf32, #tpu.memory_space<vmem_shared>> -> memref<128x32xf32, #tpu.memory_space<vmem_shared>>
      tpu.enqueue_dma source(%arg10 : memref<128x32xf32, #tpu.memory_space<vmem>>) target(%dma_start3A_126 : memref<128x32xf32, #tpu.memory_space<vmem_shared>>) target_semaphore(%arg22 : memref<!tpu.dma_semaphore, #tpu.memory_space<semaphore_mem>>)
      %mul3A_127 = arith.constant 8 : i32
      %mul3A_128 = arith.muli %scan3A_48, %mul3A_127 : i32
      %add3A_129 = arith.constant 7 : i32
      %add3A_130 = arith.addi %mul3A_128, %add3A_129 : i32
      %mul3A_131 = arith.constant 128 : i32
      %mul3A_132 = arith.muli %add3A_130, %mul3A_131 : i32
      %add3A_133 = arith.addi %mul3A_6, %mul3A_132 : i32
      %dma_start3A_134 = arith.constant 0 : i32
      %dma_start3A_135 = tpu.memref_slice %arg23[%add3A_133, %dma_start3A_134] : memref<50048x32xf32, #tpu.memory_space<vmem_shared>> -> memref<128x32xf32, #tpu.memory_space<vmem_shared>>
      %dma_start3A_136 = arith.constant 0 : i32
      %dma_start3A_137 = tpu.memref_slice %arg23[%add3A_133, %dma_start3A_136] : memref<50048x32xf32, #tpu.memory_space<vmem_shared>> -> memref<128x32xf32, #tpu.memory_space<vmem_shared>>
      tpu.enqueue_dma source(%arg10 : memref<128x32xf32, #tpu.memory_space<vmem>>) target(%dma_start3A_137 : memref<128x32xf32, #tpu.memory_space<vmem_shared>>) target_semaphore(%arg22 : memref<!tpu.dma_semaphore, #tpu.memory_space<semaphore_mem>>)
      %dma_wait3A_138 = arith.constant 0 : i32
      %dma_wait3A_139 = tpu.memref_slice %arg23[%mul3A_6, %dma_wait3A_138] : memref<50048x32xf32, #tpu.memory_space<vmem_shared>> -> memref<128x32xf32, #tpu.memory_space<vmem_shared>>
      %dma_wait3A_140 = arith.constant 0 : i32
      %dma_wait3A_141 = tpu.memref_slice %arg23[%mul3A_6, %dma_wait3A_140] : memref<50048x32xf32, #tpu.memory_space<vmem_shared>> -> memref<128x32xf32, #tpu.memory_space<vmem_shared>>
      tpu.wait_dma2 semaphore(%arg22 : memref<!tpu.dma_semaphore, #tpu.memory_space<semaphore_mem>>) src(%arg10 : memref<128x32xf32, #tpu.memory_space<vmem>>) dst(%dma_wait3A_141 : memref<128x32xf32, #tpu.memory_space<vmem_shared>>)
      %dma_wait3A_142 = arith.constant 0 : i32
      %dma_wait3A_143 = tpu.memref_slice %arg23[%mul3A_6, %dma_wait3A_142] : memref<50048x32xf32, #tpu.memory_space<vmem_shared>> -> memref<128x32xf32, #tpu.memory_space<vmem_shared>>
      %dma_wait3A_144 = arith.constant 0 : i32
      %dma_wait3A_145 = tpu.memref_slice %arg23[%mul3A_6, %dma_wait3A_144] : memref<50048x32xf32, #tpu.memory_space<vmem_shared>> -> memref<128x32xf32, #tpu.memory_space<vmem_shared>>
      tpu.wait_dma2 semaphore(%arg22 : memref<!tpu.dma_semaphore, #tpu.memory_space<semaphore_mem>>) src(%arg10 : memref<128x32xf32, #tpu.memory_space<vmem>>) dst(%dma_wait3A_145 : memref<128x32xf32, #tpu.memory_space<vmem_shared>>)
      %dma_wait3A_146 = arith.constant 0 : i32
      %dma_wait3A_147 = tpu.memref_slice %arg23[%mul3A_6, %dma_wait3A_146] : memref<50048x32xf32, #tpu.memory_space<vmem_shared>> -> memref<128x32xf32, #tpu.memory_space<vmem_shared>>
      %dma_wait3A_148 = arith.constant 0 : i32
      %dma_wait3A_149 = tpu.memref_slice %arg23[%mul3A_6, %dma_wait3A_148] : memref<50048x32xf32, #tpu.memory_space<vmem_shared>> -> memref<128x32xf32, #tpu.memory_space<vmem_shared>>
      tpu.wait_dma2 semaphore(%arg22 : memref<!tpu.dma_semaphore, #tpu.memory_space<semaphore_mem>>) src(%arg10 : memref<128x32xf32, #tpu.memory_space<vmem>>) dst(%dma_wait3A_149 : memref<128x32xf32, #tpu.memory_space<vmem_shared>>)
      %dma_wait3A_150 = arith.constant 0 : i32
      %dma_wait3A_151 = tpu.memref_slice %arg23[%mul3A_6, %dma_wait3A_150] : memref<50048x32xf32, #tpu.memory_space<vmem_shared>> -> memref<128x32xf32, #tpu.memory_space<vmem_shared>>
      %dma_wait3A_152 = arith.constant 0 : i32
      %dma_wait3A_153 = tpu.memref_slice %arg23[%mul3A_6, %dma_wait3A_152] : memref<50048x32xf32, #tpu.memory_space<vmem_shared>> -> memref<128x32xf32, #tpu.memory_space<vmem_shared>>
      tpu.wait_dma2 semaphore(%arg22 : memref<!tpu.dma_semaphore, #tpu.memory_space<semaphore_mem>>) src(%arg10 : memref<128x32xf32, #tpu.memory_space<vmem>>) dst(%dma_wait3A_153 : memref<128x32xf32, #tpu.memory_space<vmem_shared>>)
      %dma_wait3A_154 = arith.constant 0 : i32
      %dma_wait3A_155 = tpu.memref_slice %arg23[%mul3A_6, %dma_wait3A_154] : memref<50048x32xf32, #tpu.memory_space<vmem_shared>> -> memref<128x32xf32, #tpu.memory_space<vmem_shared>>
      %dma_wait3A_156 = arith.constant 0 : i32
      %dma_wait3A_157 = tpu.memref_slice %arg23[%mul3A_6, %dma_wait3A_156] : memref<50048x32xf32, #tpu.memory_space<vmem_shared>> -> memref<128x32xf32, #tpu.memory_space<vmem_shared>>
      tpu.wait_dma2 semaphore(%arg22 : memref<!tpu.dma_semaphore, #tpu.memory_space<semaphore_mem>>) src(%arg10 : memref<128x32xf32, #tpu.memory_space<vmem>>) dst(%dma_wait3A_157 : memref<128x32xf32, #tpu.memory_space<vmem_shared>>)
      %dma_wait3A_158 = arith.constant 0 : i32
      %dma_wait3A_159 = tpu.memref_slice %arg23[%mul3A_6, %dma_wait3A_158] : memref<50048x32xf32, #tpu.memory_space<vmem_shared>> -> memref<128x32xf32, #tpu.memory_space<vmem_shared>>
      %dma_wait3A_160 = arith.constant 0 : i32
      %dma_wait3A_161 = tpu.memref_slice %arg23[%mul3A_6, %dma_wait3A_160] : memref<50048x32xf32, #tpu.memory_space<vmem_shared>> -> memref<128x32xf32, #tpu.memory_space<vmem_shared>>
      tpu.wait_dma2 semaphore(%arg22 : memref<!tpu.dma_semaphore, #tpu.memory_space<semaphore_mem>>) src(%arg10 : memref<128x32xf32, #tpu.memory_space<vmem>>) dst(%dma_wait3A_161 : memref<128x32xf32, #tpu.memory_space<vmem_shared>>)
      %dma_wait3A_162 = arith.constant 0 : i32
      %dma_wait3A_163 = tpu.memref_slice %arg23[%mul3A_6, %dma_wait3A_162] : memref<50048x32xf32, #tpu.memory_space<vmem_shared>> -> memref<128x32xf32, #tpu.memory_space<vmem_shared>>
      %dma_wait3A_164 = arith.constant 0 : i32
      %dma_wait3A_165 = tpu.memref_slice %arg23[%mul3A_6, %dma_wait3A_164] : memref<50048x32xf32, #tpu.memory_space<vmem_shared>> -> memref<128x32xf32, #tpu.memory_space<vmem_shared>>
      tpu.wait_dma2 semaphore(%arg22 : memref<!tpu.dma_semaphore, #tpu.memory_space<semaphore_mem>>) src(%arg10 : memref<128x32xf32, #tpu.memory_space<vmem>>) dst(%dma_wait3A_165 : memref<128x32xf32, #tpu.memory_space<vmem_shared>>)
      %dma_wait3A_166 = arith.constant 0 : i32
      %dma_wait3A_167 = tpu.memref_slice %arg23[%mul3A_6, %dma_wait3A_166] : memref<50048x32xf32, #tpu.memory_space<vmem_shared>> -> memref<128x32xf32, #tpu.memory_space<vmem_shared>>
      %dma_wait3A_168 = arith.constant 0 : i32
      %dma_wait3A_169 = tpu.memref_slice %arg23[%mul3A_6, %dma_wait3A_168] : memref<50048x32xf32, #tpu.memory_space<vmem_shared>> -> memref<128x32xf32, #tpu.memory_space<vmem_shared>>
      tpu.wait_dma2 semaphore(%arg22 : memref<!tpu.dma_semaphore, #tpu.memory_space<semaphore_mem>>) src(%arg10 : memref<128x32xf32, #tpu.memory_space<vmem>>) dst(%dma_wait3A_169 : memref<128x32xf32, #tpu.memory_space<vmem_shared>>)
      %scan3A_170 = arith.constant 0 : i32
      scf.yield %scan3A_170 : i32
    }
    %scan3A_13 = arith.constant 3 : i32
    %add3A = arith.constant 3072 : i32
    %add3A_14 = arith.addi %mul3A_6, %add3A : i32
    %dma_start3A = arith.constant 0 : i32
    %dma_start3A_15 = arith.constant 0 : i32
    %dma_start3A_16 = tpu.memref_slice %arg10[%dma_start3A, %dma_start3A_15] : memref<128x32xf32, #tpu.memory_space<vmem>> -> memref<56x32xf32, #tpu.memory_space<vmem>>
    %dma_start3A_17 = arith.constant 0 : i32
    %dma_start3A_18 = tpu.memref_slice %arg23[%add3A_14, %dma_start3A_17] : memref<50048x32xf32, #tpu.memory_space<vmem_shared>> -> memref<56x32xf32, #tpu.memory_space<vmem_shared>>
    %dma_start3A_19 = arith.constant 0 : i32
    %dma_start3A_20 = tpu.memref_slice %arg23[%add3A_14, %dma_start3A_19] : memref<50048x32xf32, #tpu.memory_space<vmem_shared>> -> memref<56x32xf32, #tpu.memory_space<vmem_shared>>
    %dma_start3A_21 = arith.constant 0 : i32
    %dma_start3A_22 = arith.constant 0 : i32
    %dma_start3A_23 = tpu.memref_slice %arg10[%dma_start3A_21, %dma_start3A_22] : memref<128x32xf32, #tpu.memory_space<vmem>> -> memref<56x32xf32, #tpu.memory_space<vmem>>
    tpu.enqueue_dma source(%dma_start3A_23 : memref<56x32xf32, #tpu.memory_space<vmem>>) target(%dma_start3A_20 : memref<56x32xf32, #tpu.memory_space<vmem_shared>>) target_semaphore(%arg22 : memref<!tpu.dma_semaphore, #tpu.memory_space<semaphore_mem>>)
    %dma_wait3A = arith.constant 0 : i32
    %dma_wait3A_24 = arith.constant 0 : i32
    %dma_wait3A_25 = tpu.memref_slice %arg10[%dma_wait3A, %dma_wait3A_24] : memref<128x32xf32, #tpu.memory_space<vmem>> -> memref<56x32xf32, #tpu.memory_space<vmem>>
    %dma_wait3A_26 = arith.constant 0 : i32
    %dma_wait3A_27 = tpu.memref_slice %arg23[%mul3A_6, %dma_wait3A_26] : memref<50048x32xf32, #tpu.memory_space<vmem_shared>> -> memref<56x32xf32, #tpu.memory_space<vmem_shared>>
    %dma_wait3A_28 = arith.constant 0 : i32
    %dma_wait3A_29 = tpu.memref_slice %arg23[%mul3A_6, %dma_wait3A_28] : memref<50048x32xf32, #tpu.memory_space<vmem_shared>> -> memref<56x32xf32, #tpu.memory_space<vmem_shared>>
    %dma_wait3A_30 = arith.constant 0 : i32
    %dma_wait3A_31 = arith.constant 0 : i32
    %dma_wait3A_32 = tpu.memref_slice %arg10[%dma_wait3A_30, %dma_wait3A_31] : memref<128x32xf32, #tpu.memory_space<vmem>> -> memref<56x32xf32, #tpu.memory_space<vmem>>
    tpu.wait_dma2 semaphore(%arg22 : memref<!tpu.dma_semaphore, #tpu.memory_space<semaphore_mem>>) src(%dma_wait3A_32 : memref<56x32xf32, #tpu.memory_space<vmem>>) dst(%dma_wait3A_29 : memref<56x32xf32, #tpu.memory_space<vmem_shared>>)
    %barrier3A = arith.constant 0 : index
    tpu.barrier barrier_id(%barrier3A)
    %scan3A_33 = arith.constant 0 : i32
    %scan3A_34 = arith.constant 0 : i32
    %scan3A_35 = arith.constant 7 : i32
    %scan3A_36 = arith.addi %scan3A_34, %scan3A_35 : i32
    %scan3A_37 = arith.constant 1 : i32
    %scan3A_38 = scf.for %scan3A_48 = %scan3A_34 to %scan3A_36 step %scan3A_37 iter_args(%scan3A_49 = %scan3A_33) -> (i32)  : i32 {
      %mul3A_50 = arith.constant 392 : i32
      %mul3A_51 = arith.muli %arg1, %mul3A_50 : i32
      %mul3A_52 = arith.constant 56 : i32
      %mul3A_53 = arith.muli %scan3A_48, %mul3A_52 : i32
      %add3A_54 = arith.addi %mul3A_51, %mul3A_53 : i32
      "tpu.region"() ({
        %run_scoped3A = tpu.sem_alloc : memref<!tpu.dma_semaphore, #tpu.memory_space<semaphore_mem>>
        %dma_start3A_199 = arith.constant 0 : i32
        %dma_start3A_200 = tpu.memref_slice %arg4[%add3A_54, %dma_start3A_199] : memref<6272x128xi32, #tpu.memory_space<hbm>> -> memref<56x128xi32, #tpu.memory_space<hbm>>
        %dma_start3A_201 = arith.constant 0 : i32
        %dma_start3A_202 = tpu.memref_slice %arg4[%add3A_54, %dma_start3A_201] : memref<6272x128xi32, #tpu.memory_space<hbm>> -> memref<56x128xi32, #tpu.memory_space<hbm>>
        tpu.enqueue_dma source(%dma_start3A_202 : memref<56x128xi32, #tpu.memory_space<hbm>>) target(%arg8 : memref<56x128xi32, #tpu.memory_space<vmem>>) target_semaphore(%run_scoped3A : memref<!tpu.dma_semaphore, #tpu.memory_space<semaphore_mem>>)
        %dma_wait3A_203 = arith.constant 0 : i32
        %dma_wait3A_204 = tpu.memref_slice %arg4[%add3A_54, %dma_wait3A_203] : memref<6272x128xi32, #tpu.memory_space<hbm>> -> memref<56x128xi32, #tpu.memory_space<hbm>>
        %dma_wait3A_205 = arith.constant 0 : i32
        %dma_wait3A_206 = tpu.memref_slice %arg4[%add3A_54, %dma_wait3A_205] : memref<6272x128xi32, #tpu.memory_space<hbm>> -> memref<56x128xi32, #tpu.memory_space<hbm>>
        tpu.wait_dma2 semaphore(%run_scoped3A : memref<!tpu.dma_semaphore, #tpu.memory_space<semaphore_mem>>) src(%dma_wait3A_206 : memref<56x128xi32, #tpu.memory_space<hbm>>) dst(%arg8 : memref<56x128xi32, #tpu.memory_space<vmem>>)
        tpu.yield
      }) : () -> ()
      "tpu.region"() ({
        %run_scoped3A = tpu.sem_alloc : memref<!tpu.dma_semaphore, #tpu.memory_space<semaphore_mem>>
        %dma_start3A_199 = arith.constant 0 : i32
        %dma_start3A_200 = tpu.memref_slice %arg5[%add3A_54, %dma_start3A_199] : memref<6272x128xi32, #tpu.memory_space<hbm>> -> memref<56x128xi32, #tpu.memory_space<hbm>>
        %dma_start3A_201 = arith.constant 0 : i32
        %dma_start3A_202 = tpu.memref_slice %arg5[%add3A_54, %dma_start3A_201] : memref<6272x128xi32, #tpu.memory_space<hbm>> -> memref<56x128xi32, #tpu.memory_space<hbm>>
        tpu.enqueue_dma source(%dma_start3A_202 : memref<56x128xi32, #tpu.memory_space<hbm>>) target(%arg9 : memref<56x128xi32, #tpu.memory_space<vmem>>) target_semaphore(%run_scoped3A : memref<!tpu.dma_semaphore, #tpu.memory_space<semaphore_mem>>)
        %dma_wait3A_203 = arith.constant 0 : i32
        %dma_wait3A_204 = tpu.memref_slice %arg5[%add3A_54, %dma_wait3A_203] : memref<6272x128xi32, #tpu.memory_space<hbm>> -> memref<56x128xi32, #tpu.memory_space<hbm>>
        %dma_wait3A_205 = arith.constant 0 : i32
        %dma_wait3A_206 = tpu.memref_slice %arg5[%add3A_54, %dma_wait3A_205] : memref<6272x128xi32, #tpu.memory_space<hbm>> -> memref<56x128xi32, #tpu.memory_space<hbm>>
        tpu.wait_dma2 semaphore(%run_scoped3A : memref<!tpu.dma_semaphore, #tpu.memory_space<semaphore_mem>>) src(%dma_wait3A_206 : memref<56x128xi32, #tpu.memory_space<hbm>>) dst(%arg9 : memref<56x128xi32, #tpu.memory_space<vmem>>)
        tpu.yield
      }) : () -> ()
      %eq3A_55 = arith.constant 0 : i32
      %eq3A_56 = arith.cmpi eq, %arg0, %eq3A_55 : i32
      %convert_element_type3A_57 = arith.extui %eq3A_56 : i1 to i32
      %cond3A_58 = arith.constant 0 : i32
      %cond3A_59 = arith.cmpi ne, %convert_element_type3A_57, %cond3A_58 : i32
      scf.if %cond3A_59 {
        %dma_start3A_199 = arith.constant 0 : i32
        %dma_start3A_200 = arith.constant 0 : i32
        %dma_start3A_201 = tpu.memref_slice %arg8[%dma_start3A_199, %dma_start3A_200] : memref<56x128xi32, #tpu.memory_space<vmem>> -> memref<1x128xi32, #tpu.memory_space<vmem>>
        %dma_start3A_202 = tpu.memref_squeeze %dma_start3A_201 : memref<1x128xi32, #tpu.memory_space<vmem>> -> memref<128xi32, #tpu.memory_space<vmem>>
        %dma_start3A_203 = arith.constant 0 : i32
        %dma_start3A_204 = arith.constant 0 : i32
        %dma_start3A_205 = tpu.memref_slice %arg2[%dma_start3A_203, %dma_start3A_204] : memref<50048x32xf32, #tpu.memory_space<hbm>> -> memref<50048x32xf32, #tpu.memory_space<hbm>>
        tpu.enqueue_indirect_dma source(%dma_start3A_205 : memref<50048x32xf32, #tpu.memory_space<hbm>>) target(%arg10 : memref<128x32xf32, #tpu.memory_space<vmem>>) offsets(%dma_start3A_202 : memref<128xi32, #tpu.memory_space<vmem>>) semaphore(%arg14 : memref<!tpu.dma_semaphore, #tpu.memory_space<semaphore_mem>>)
      } else {
      }
      %eq3A_60 = arith.constant 1 : i32
      %eq3A_61 = arith.cmpi eq, %arg0, %eq3A_60 : i32
      %convert_element_type3A_62 = arith.extui %eq3A_61 : i1 to i32
      %cond3A_63 = arith.constant 0 : i32
      %cond3A_64 = arith.cmpi ne, %convert_element_type3A_62, %cond3A_63 : i32
      scf.if %cond3A_64 {
        %dma_start3A_199 = arith.constant 0 : i32
        %dma_start3A_200 = arith.constant 0 : i32
        %dma_start3A_201 = tpu.memref_slice %arg8[%dma_start3A_199, %dma_start3A_200] : memref<56x128xi32, #tpu.memory_space<vmem>> -> memref<1x128xi32, #tpu.memory_space<vmem>>
        %dma_start3A_202 = tpu.memref_squeeze %dma_start3A_201 : memref<1x128xi32, #tpu.memory_space<vmem>> -> memref<128xi32, #tpu.memory_space<vmem>>
        %dma_start3A_203 = arith.constant 0 : i32
        %dma_start3A_204 = arith.constant 0 : i32
        %dma_start3A_205 = tpu.memref_slice %arg3[%dma_start3A_203, %dma_start3A_204] : memref<50048x32xf32, #tpu.memory_space<hbm>> -> memref<50048x32xf32, #tpu.memory_space<hbm>>
        tpu.enqueue_indirect_dma source(%dma_start3A_205 : memref<50048x32xf32, #tpu.memory_space<hbm>>) target(%arg10 : memref<128x32xf32, #tpu.memory_space<vmem>>) offsets(%dma_start3A_202 : memref<128xi32, #tpu.memory_space<vmem>>) semaphore(%arg14 : memref<!tpu.dma_semaphore, #tpu.memory_space<semaphore_mem>>)
      } else {
      }
      %eq3A_65 = arith.constant 0 : i32
      %eq3A_66 = arith.cmpi eq, %arg0, %eq3A_65 : i32
      %convert_element_type3A_67 = arith.extui %eq3A_66 : i1 to i32
      %cond3A_68 = arith.constant 0 : i32
      %cond3A_69 = arith.cmpi ne, %convert_element_type3A_67, %cond3A_68 : i32
      scf.if %cond3A_69 {
        %dma_start3A_199 = arith.constant 1 : i32
        %dma_start3A_200 = arith.constant 0 : i32
        %dma_start3A_201 = tpu.memref_slice %arg8[%dma_start3A_199, %dma_start3A_200] : memref<56x128xi32, #tpu.memory_space<vmem>> -> memref<1x128xi32, #tpu.memory_space<vmem>>
        %dma_start3A_202 = tpu.memref_squeeze %dma_start3A_201 : memref<1x128xi32, #tpu.memory_space<vmem>> -> memref<128xi32, #tpu.memory_space<vmem>>
        %dma_start3A_203 = arith.constant 0 : i32
        %dma_start3A_204 = arith.constant 0 : i32
        %dma_start3A_205 = tpu.memref_slice %arg2[%dma_start3A_203, %dma_start3A_204] : memref<50048x32xf32, #tpu.memory_space<hbm>> -> memref<50048x32xf32, #tpu.memory_space<hbm>>
        tpu.enqueue_indirect_dma source(%dma_start3A_205 : memref<50048x32xf32, #tpu.memory_space<hbm>>) target(%arg11 : memref<128x32xf32, #tpu.memory_space<vmem>>) offsets(%dma_start3A_202 : memref<128xi32, #tpu.memory_space<vmem>>) semaphore(%arg15 : memref<!tpu.dma_semaphore, #tpu.memory_space<semaphore_mem>>)
      } else {
      }
      %eq3A_70 = arith.constant 1 : i32
      %eq3A_71 = arith.cmpi eq, %arg0, %eq3A_70 : i32
      %convert_element_type3A_72 = arith.extui %eq3A_71 : i1 to i32
      %cond3A_73 = arith.constant 0 : i32
      %cond3A_74 = arith.cmpi ne, %convert_element_type3A_72, %cond3A_73 : i32
      scf.if %cond3A_74 {
        %dma_start3A_199 = arith.constant 1 : i32
        %dma_start3A_200 = arith.constant 0 : i32
        %dma_start3A_201 = tpu.memref_slice %arg8[%dma_start3A_199, %dma_start3A_200] : memref<56x128xi32, #tpu.memory_space<vmem>> -> memref<1x128xi32, #tpu.memory_space<vmem>>
        %dma_start3A_202 = tpu.memref_squeeze %dma_start3A_201 : memref<1x128xi32, #tpu.memory_space<vmem>> -> memref<128xi32, #tpu.memory_space<vmem>>
        %dma_start3A_203 = arith.constant 0 : i32
        %dma_start3A_204 = arith.constant 0 : i32
        %dma_start3A_205 = tpu.memref_slice %arg3[%dma_start3A_203, %dma_start3A_204] : memref<50048x32xf32, #tpu.memory_space<hbm>> -> memref<50048x32xf32, #tpu.memory_space<hbm>>
        tpu.enqueue_indirect_dma source(%dma_start3A_205 : memref<50048x32xf32, #tpu.memory_space<hbm>>) target(%arg11 : memref<128x32xf32, #tpu.memory_space<vmem>>) offsets(%dma_start3A_202 : memref<128xi32, #tpu.memory_space<vmem>>) semaphore(%arg15 : memref<!tpu.dma_semaphore, #tpu.memory_space<semaphore_mem>>)
      } else {
      }
      %eq3A_75 = arith.constant 0 : i32
      %eq3A_76 = arith.cmpi eq, %arg0, %eq3A_75 : i32
      %convert_element_type3A_77 = arith.extui %eq3A_76 : i1 to i32
      %cond3A_78 = arith.constant 0 : i32
      %cond3A_79 = arith.cmpi ne, %convert_element_type3A_77, %cond3A_78 : i32
      scf.if %cond3A_79 {
        %dma_start3A_199 = arith.constant 2 : i32
        %dma_start3A_200 = arith.constant 0 : i32
        %dma_start3A_201 = tpu.memref_slice %arg8[%dma_start3A_199, %dma_start3A_200] : memref<56x128xi32, #tpu.memory_space<vmem>> -> memref<1x128xi32, #tpu.memory_space<vmem>>
        %dma_start3A_202 = tpu.memref_squeeze %dma_start3A_201 : memref<1x128xi32, #tpu.memory_space<vmem>> -> memref<128xi32, #tpu.memory_space<vmem>>
        %dma_start3A_203 = arith.constant 0 : i32
        %dma_start3A_204 = arith.constant 0 : i32
        %dma_start3A_205 = tpu.memref_slice %arg2[%dma_start3A_203, %dma_start3A_204] : memref<50048x32xf32, #tpu.memory_space<hbm>> -> memref<50048x32xf32, #tpu.memory_space<hbm>>
        tpu.enqueue_indirect_dma source(%dma_start3A_205 : memref<50048x32xf32, #tpu.memory_space<hbm>>) target(%arg12 : memref<128x32xf32, #tpu.memory_space<vmem>>) offsets(%dma_start3A_202 : memref<128xi32, #tpu.memory_space<vmem>>) semaphore(%arg16 : memref<!tpu.dma_semaphore, #tpu.memory_space<semaphore_mem>>)
      } else {
      }
      %eq3A_80 = arith.constant 1 : i32
      %eq3A_81 = arith.cmpi eq, %arg0, %eq3A_80 : i32
      %convert_element_type3A_82 = arith.extui %eq3A_81 : i1 to i32
      %cond3A_83 = arith.constant 0 : i32
      %cond3A_84 = arith.cmpi ne, %convert_element_type3A_82, %cond3A_83 : i32
      scf.if %cond3A_84 {
        %dma_start3A_199 = arith.constant 2 : i32
        %dma_start3A_200 = arith.constant 0 : i32
        %dma_start3A_201 = tpu.memref_slice %arg8[%dma_start3A_199, %dma_start3A_200] : memref<56x128xi32, #tpu.memory_space<vmem>> -> memref<1x128xi32, #tpu.memory_space<vmem>>
        %dma_start3A_202 = tpu.memref_squeeze %dma_start3A_201 : memref<1x128xi32, #tpu.memory_space<vmem>> -> memref<128xi32, #tpu.memory_space<vmem>>
        %dma_start3A_203 = arith.constant 0 : i32
        %dma_start3A_204 = arith.constant 0 : i32
        %dma_start3A_205 = tpu.memref_slice %arg3[%dma_start3A_203, %dma_start3A_204] : memref<50048x32xf32, #tpu.memory_space<hbm>> -> memref<50048x32xf32, #tpu.memory_space<hbm>>
        tpu.enqueue_indirect_dma source(%dma_start3A_205 : memref<50048x32xf32, #tpu.memory_space<hbm>>) target(%arg12 : memref<128x32xf32, #tpu.memory_space<vmem>>) offsets(%dma_start3A_202 : memref<128xi32, #tpu.memory_space<vmem>>) semaphore(%arg16 : memref<!tpu.dma_semaphore, #tpu.memory_space<semaphore_mem>>)
      } else {
      }
      %eq3A_85 = arith.constant 0 : i32
      %eq3A_86 = arith.cmpi eq, %arg0, %eq3A_85 : i32
      %convert_element_type3A_87 = arith.extui %eq3A_86 : i1 to i32
      %cond3A_88 = arith.constant 0 : i32
      %cond3A_89 = arith.cmpi ne, %convert_element_type3A_87, %cond3A_88 : i32
      scf.if %cond3A_89 {
        %dma_wait3A_199 = arith.constant 0 : i32
        %dma_wait3A_200 = arith.constant 0 : i32
        %dma_wait3A_201 = tpu.memref_slice %arg8[%dma_wait3A_199, %dma_wait3A_200] : memref<56x128xi32, #tpu.memory_space<vmem>> -> memref<1x128xi32, #tpu.memory_space<vmem>>
        %dma_wait3A_202 = tpu.memref_squeeze %dma_wait3A_201 : memref<1x128xi32, #tpu.memory_space<vmem>> -> memref<128xi32, #tpu.memory_space<vmem>>
        %dma_wait3A_203 = arith.constant 0 : i32
        %dma_wait3A_204 = arith.constant 0 : i32
        %dma_wait3A_205 = tpu.memref_slice %arg2[%dma_wait3A_203, %dma_wait3A_204] : memref<50048x32xf32, #tpu.memory_space<hbm>> -> memref<50048x32xf32, #tpu.memory_space<hbm>>
        tpu.wait_indirect_dma semaphore(%arg14 : memref<!tpu.dma_semaphore, #tpu.memory_space<semaphore_mem>>) src(%dma_wait3A_205 : memref<50048x32xf32, #tpu.memory_space<hbm>>) dst(%arg10 : memref<128x32xf32, #tpu.memory_space<vmem>>)
      } else {
      }
      %eq3A_90 = arith.constant 1 : i32
      %eq3A_91 = arith.cmpi eq, %arg0, %eq3A_90 : i32
      %convert_element_type3A_92 = arith.extui %eq3A_91 : i1 to i32
      %cond3A_93 = arith.constant 0 : i32
      %cond3A_94 = arith.cmpi ne, %convert_element_type3A_92, %cond3A_93 : i32
      scf.if %cond3A_94 {
        %dma_wait3A_199 = arith.constant 0 : i32
        %dma_wait3A_200 = arith.constant 0 : i32
        %dma_wait3A_201 = tpu.memref_slice %arg8[%dma_wait3A_199, %dma_wait3A_200] : memref<56x128xi32, #tpu.memory_space<vmem>> -> memref<1x128xi32, #tpu.memory_space<vmem>>
        %dma_wait3A_202 = tpu.memref_squeeze %dma_wait3A_201 : memref<1x128xi32, #tpu.memory_space<vmem>> -> memref<128xi32, #tpu.memory_space<vmem>>
        %dma_wait3A_203 = arith.constant 0 : i32
        %dma_wait3A_204 = arith.constant 0 : i32
        %dma_wait3A_205 = tpu.memref_slice %arg3[%dma_wait3A_203, %dma_wait3A_204] : memref<50048x32xf32, #tpu.memory_space<hbm>> -> memref<50048x32xf32, #tpu.memory_space<hbm>>
        tpu.wait_indirect_dma semaphore(%arg14 : memref<!tpu.dma_semaphore, #tpu.memory_space<semaphore_mem>>) src(%dma_wait3A_205 : memref<50048x32xf32, #tpu.memory_space<hbm>>) dst(%arg10 : memref<128x32xf32, #tpu.memory_space<vmem>>)
      } else {
      }
      %dma_start3A_95 = arith.constant 0 : i32
      %dma_start3A_96 = arith.constant 0 : i32
      %dma_start3A_97 = tpu.memref_slice %arg9[%dma_start3A_95, %dma_start3A_96] : memref<56x128xi32, #tpu.memory_space<vmem>> -> memref<1x128xi32, #tpu.memory_space<vmem>>
      %dma_start3A_98 = tpu.memref_squeeze %dma_start3A_97 : memref<1x128xi32, #tpu.memory_space<vmem>> -> memref<128xi32, #tpu.memory_space<vmem>>
      %dma_start3A_99 = arith.constant 0 : i32
      %dma_start3A_100 = arith.constant 0 : i32
      %dma_start3A_101 = tpu.memref_slice %arg23[%dma_start3A_99, %dma_start3A_100] : memref<50048x32xf32, #tpu.memory_space<vmem_shared>> -> memref<50048x32xf32, #tpu.memory_space<vmem_shared>>
      tpu.enqueue_indirect_dma source(%arg10 : memref<128x32xf32, #tpu.memory_space<vmem>>) target(%dma_start3A_101 : memref<50048x32xf32, #tpu.memory_space<vmem_shared>>) offsets(%dma_start3A_98 : memref<128xi32, #tpu.memory_space<vmem>>) semaphore(%arg18 : memref<!tpu.dma_semaphore, #tpu.memory_space<semaphore_mem>>) {add = true}
      %eq3A_102 = arith.constant 0 : i32
      %eq3A_103 = arith.cmpi eq, %arg0, %eq3A_102 : i32
      %convert_element_type3A_104 = arith.extui %eq3A_103 : i1 to i32
      %cond3A_105 = arith.constant 0 : i32
      %cond3A_106 = arith.cmpi ne, %convert_element_type3A_104, %cond3A_105 : i32
      scf.if %cond3A_106 {
        %dma_start3A_199 = arith.constant 3 : i32
        %dma_start3A_200 = arith.constant 0 : i32
        %dma_start3A_201 = tpu.memref_slice %arg8[%dma_start3A_199, %dma_start3A_200] : memref<56x128xi32, #tpu.memory_space<vmem>> -> memref<1x128xi32, #tpu.memory_space<vmem>>
        %dma_start3A_202 = tpu.memref_squeeze %dma_start3A_201 : memref<1x128xi32, #tpu.memory_space<vmem>> -> memref<128xi32, #tpu.memory_space<vmem>>
        %dma_start3A_203 = arith.constant 0 : i32
        %dma_start3A_204 = arith.constant 0 : i32
        %dma_start3A_205 = tpu.memref_slice %arg2[%dma_start3A_203, %dma_start3A_204] : memref<50048x32xf32, #tpu.memory_space<hbm>> -> memref<50048x32xf32, #tpu.memory_space<hbm>>
        tpu.enqueue_indirect_dma source(%dma_start3A_205 : memref<50048x32xf32, #tpu.memory_space<hbm>>) target(%arg13 : memref<128x32xf32, #tpu.memory_space<vmem>>) offsets(%dma_start3A_202 : memref<128xi32, #tpu.memory_space<vmem>>) semaphore(%arg17 : memref<!tpu.dma_semaphore, #tpu.memory_space<semaphore_mem>>)
      } else {
      }
      %eq3A_107 = arith.constant 1 : i32
      %eq3A_108 = arith.cmpi eq, %arg0, %eq3A_107 : i32
      %convert_element_type3A_109 = arith.extui %eq3A_108 : i1 to i32
      %cond3A_110 = arith.constant 0 : i32
      %cond3A_111 = arith.cmpi ne, %convert_element_type3A_109, %cond3A_110 : i32
      scf.if %cond3A_111 {
        %dma_start3A_199 = arith.constant 3 : i32
        %dma_start3A_200 = arith.constant 0 : i32
        %dma_start3A_201 = tpu.memref_slice %arg8[%dma_start3A_199, %dma_start3A_200] : memref<56x128xi32, #tpu.memory_space<vmem>> -> memref<1x128xi32, #tpu.memory_space<vmem>>
        %dma_start3A_202 = tpu.memref_squeeze %dma_start3A_201 : memref<1x128xi32, #tpu.memory_space<vmem>> -> memref<128xi32, #tpu.memory_space<vmem>>
        %dma_start3A_203 = arith.constant 0 : i32
        %dma_start3A_204 = arith.constant 0 : i32
        %dma_start3A_205 = tpu.memref_slice %arg3[%dma_start3A_203, %dma_start3A_204] : memref<50048x32xf32, #tpu.memory_space<hbm>> -> memref<50048x32xf32, #tpu.memory_space<hbm>>
        tpu.enqueue_indirect_dma source(%dma_start3A_205 : memref<50048x32xf32, #tpu.memory_space<hbm>>) target(%arg13 : memref<128x32xf32, #tpu.memory_space<vmem>>) offsets(%dma_start3A_202 : memref<128xi32, #tpu.memory_space<vmem>>) semaphore(%arg17 : memref<!tpu.dma_semaphore, #tpu.memory_space<semaphore_mem>>)
      } else {
      }
      %scan3A_112 = arith.constant 0 : i32
      %scan3A_113 = arith.constant 0 : i32
      %scan3A_114 = arith.constant 13 : i32
      %scan3A_115 = arith.addi %scan3A_113, %scan3A_114 : i32
      %scan3A_116 = arith.constant 1 : i32
      %scan3A_117 = scf.for %scan3A_199 = %scan3A_113 to %scan3A_115 step %scan3A_116 iter_args(%scan3A_200 = %scan3A_112) -> (i32)  : i32 {
        %mul3A_201 = arith.constant 4 : i32
        %mul3A_202 = arith.muli %scan3A_199, %mul3A_201 : i32
        %add3A_203 = arith.constant 0 : i32
        %add3A_204 = arith.addi %mul3A_202, %add3A_203 : i32
        %add3A_205 = arith.constant 1 : i32
        %add3A_206 = arith.addi %add3A_204, %add3A_205 : i32
        %dma_wait3A_207 = arith.constant 0 : i32
        %dma_wait3A_208 = arith.constant 0 : i32
        %dma_wait3A_209 = tpu.memref_slice %arg9[%dma_wait3A_207, %dma_wait3A_208] : memref<56x128xi32, #tpu.memory_space<vmem>> -> memref<1x128xi32, #tpu.memory_space<vmem>>
        %dma_wait3A_210 = tpu.memref_squeeze %dma_wait3A_209 : memref<1x128xi32, #tpu.memory_space<vmem>> -> memref<128xi32, #tpu.memory_space<vmem>>
        %dma_wait3A_211 = arith.constant 0 : i32
        %dma_wait3A_212 = arith.constant 0 : i32
        %dma_wait3A_213 = tpu.memref_slice %arg23[%dma_wait3A_211, %dma_wait3A_212] : memref<50048x32xf32, #tpu.memory_space<vmem_shared>> -> memref<50048x32xf32, #tpu.memory_space<vmem_shared>>
        tpu.wait_indirect_dma semaphore(%arg18 : memref<!tpu.dma_semaphore, #tpu.memory_space<semaphore_mem>>) src(%arg10 : memref<128x32xf32, #tpu.memory_space<vmem>>) dst(%dma_wait3A_213 : memref<50048x32xf32, #tpu.memory_space<vmem_shared>>)
        %add3A_214 = arith.constant 3 : i32
        %add3A_215 = arith.addi %add3A_206, %add3A_214 : i32
        %eq3A_216 = arith.constant 0 : i32
        %eq3A_217 = arith.cmpi eq, %arg0, %eq3A_216 : i32
        %convert_element_type3A_218 = arith.extui %eq3A_217 : i1 to i32
        %cond3A_219 = arith.constant 0 : i32
        %cond3A_220 = arith.cmpi ne, %convert_element_type3A_218, %cond3A_219 : i32
        scf.if %cond3A_220 {
          %dma_start3A_366 = arith.constant 0 : i32
          %dma_start3A_367 = tpu.memref_slice %arg8[%add3A_215, %dma_start3A_366] : memref<56x128xi32, #tpu.memory_space<vmem>> -> memref<1x128xi32, #tpu.memory_space<vmem>>
          %dma_start3A_368 = tpu.memref_squeeze %dma_start3A_367 : memref<1x128xi32, #tpu.memory_space<vmem>> -> memref<128xi32, #tpu.memory_space<vmem>>
          %dma_start3A_369 = arith.constant 0 : i32
          %dma_start3A_370 = arith.constant 0 : i32
          %dma_start3A_371 = tpu.memref_slice %arg2[%dma_start3A_369, %dma_start3A_370] : memref<50048x32xf32, #tpu.memory_space<hbm>> -> memref<50048x32xf32, #tpu.memory_space<hbm>>
          tpu.enqueue_indirect_dma source(%dma_start3A_371 : memref<50048x32xf32, #tpu.memory_space<hbm>>) target(%arg10 : memref<128x32xf32, #tpu.memory_space<vmem>>) offsets(%dma_start3A_368 : memref<128xi32, #tpu.memory_space<vmem>>) semaphore(%arg14 : memref<!tpu.dma_semaphore, #tpu.memory_space<semaphore_mem>>)
        } else {
        }
        %eq3A_221 = arith.constant 1 : i32
        %eq3A_222 = arith.cmpi eq, %arg0, %eq3A_221 : i32
        %convert_element_type3A_223 = arith.extui %eq3A_222 : i1 to i32
        %cond3A_224 = arith.constant 0 : i32
        %cond3A_225 = arith.cmpi ne, %convert_element_type3A_223, %cond3A_224 : i32
        scf.if %cond3A_225 {
          %dma_start3A_366 = arith.constant 0 : i32
          %dma_start3A_367 = tpu.memref_slice %arg8[%add3A_215, %dma_start3A_366] : memref<56x128xi32, #tpu.memory_space<vmem>> -> memref<1x128xi32, #tpu.memory_space<vmem>>
          %dma_start3A_368 = tpu.memref_squeeze %dma_start3A_367 : memref<1x128xi32, #tpu.memory_space<vmem>> -> memref<128xi32, #tpu.memory_space<vmem>>
          %dma_start3A_369 = arith.constant 0 : i32
          %dma_start3A_370 = arith.constant 0 : i32
          %dma_start3A_371 = tpu.memref_slice %arg3[%dma_start3A_369, %dma_start3A_370] : memref<50048x32xf32, #tpu.memory_space<hbm>> -> memref<50048x32xf32, #tpu.memory_space<hbm>>
          tpu.enqueue_indirect_dma source(%dma_start3A_371 : memref<50048x32xf32, #tpu.memory_space<hbm>>) target(%arg10 : memref<128x32xf32, #tpu.memory_space<vmem>>) offsets(%dma_start3A_368 : memref<128xi32, #tpu.memory_space<vmem>>) semaphore(%arg14 : memref<!tpu.dma_semaphore, #tpu.memory_space<semaphore_mem>>)
        } else {
        }
        %eq3A_226 = arith.constant 0 : i32
        %eq3A_227 = arith.cmpi eq, %arg0, %eq3A_226 : i32
        %convert_element_type3A_228 = arith.extui %eq3A_227 : i1 to i32
        %cond3A_229 = arith.constant 0 : i32
        %cond3A_230 = arith.cmpi ne, %convert_element_type3A_228, %cond3A_229 : i32
        scf.if %cond3A_230 {
          %dma_wait3A_366 = arith.constant 0 : i32
          %dma_wait3A_367 = arith.constant 0 : i32
          %dma_wait3A_368 = tpu.memref_slice %arg8[%dma_wait3A_366, %dma_wait3A_367] : memref<56x128xi32, #tpu.memory_space<vmem>> -> memref<1x128xi32, #tpu.memory_space<vmem>>
          %dma_wait3A_369 = tpu.memref_squeeze %dma_wait3A_368 : memref<1x128xi32, #tpu.memory_space<vmem>> -> memref<128xi32, #tpu.memory_space<vmem>>
          %dma_wait3A_370 = arith.constant 0 : i32
          %dma_wait3A_371 = arith.constant 0 : i32
          %dma_wait3A_372 = tpu.memref_slice %arg2[%dma_wait3A_370, %dma_wait3A_371] : memref<50048x32xf32, #tpu.memory_space<hbm>> -> memref<50048x32xf32, #tpu.memory_space<hbm>>
          tpu.wait_indirect_dma semaphore(%arg15 : memref<!tpu.dma_semaphore, #tpu.memory_space<semaphore_mem>>) src(%dma_wait3A_372 : memref<50048x32xf32, #tpu.memory_space<hbm>>) dst(%arg11 : memref<128x32xf32, #tpu.memory_space<vmem>>)
        } else {
        }
        %eq3A_231 = arith.constant 1 : i32
        %eq3A_232 = arith.cmpi eq, %arg0, %eq3A_231 : i32
        %convert_element_type3A_233 = arith.extui %eq3A_232 : i1 to i32
        %cond3A_234 = arith.constant 0 : i32
        %cond3A_235 = arith.cmpi ne, %convert_element_type3A_233, %cond3A_234 : i32
        scf.if %cond3A_235 {
          %dma_wait3A_366 = arith.constant 0 : i32
          %dma_wait3A_367 = arith.constant 0 : i32
          %dma_wait3A_368 = tpu.memref_slice %arg8[%dma_wait3A_366, %dma_wait3A_367] : memref<56x128xi32, #tpu.memory_space<vmem>> -> memref<1x128xi32, #tpu.memory_space<vmem>>
          %dma_wait3A_369 = tpu.memref_squeeze %dma_wait3A_368 : memref<1x128xi32, #tpu.memory_space<vmem>> -> memref<128xi32, #tpu.memory_space<vmem>>
          %dma_wait3A_370 = arith.constant 0 : i32
          %dma_wait3A_371 = arith.constant 0 : i32
          %dma_wait3A_372 = tpu.memref_slice %arg3[%dma_wait3A_370, %dma_wait3A_371] : memref<50048x32xf32, #tpu.memory_space<hbm>> -> memref<50048x32xf32, #tpu.memory_space<hbm>>
          tpu.wait_indirect_dma semaphore(%arg15 : memref<!tpu.dma_semaphore, #tpu.memory_space<semaphore_mem>>) src(%dma_wait3A_372 : memref<50048x32xf32, #tpu.memory_space<hbm>>) dst(%arg11 : memref<128x32xf32, #tpu.memory_space<vmem>>)
        } else {
        }
        %dma_start3A_236 = arith.constant 0 : i32
        %dma_start3A_237 = tpu.memref_slice %arg9[%add3A_206, %dma_start3A_236] : memref<56x128xi32, #tpu.memory_space<vmem>> -> memref<1x128xi32, #tpu.memory_space<vmem>>
        %dma_start3A_238 = tpu.memref_squeeze %dma_start3A_237 : memref<1x128xi32, #tpu.memory_space<vmem>> -> memref<128xi32, #tpu.memory_space<vmem>>
        %dma_start3A_239 = arith.constant 0 : i32
        %dma_start3A_240 = arith.constant 0 : i32
        %dma_start3A_241 = tpu.memref_slice %arg23[%dma_start3A_239, %dma_start3A_240] : memref<50048x32xf32, #tpu.memory_space<vmem_shared>> -> memref<50048x32xf32, #tpu.memory_space<vmem_shared>>
        tpu.enqueue_indirect_dma source(%arg11 : memref<128x32xf32, #tpu.memory_space<vmem>>) target(%dma_start3A_241 : memref<50048x32xf32, #tpu.memory_space<vmem_shared>>) offsets(%dma_start3A_238 : memref<128xi32, #tpu.memory_space<vmem>>) semaphore(%arg19 : memref<!tpu.dma_semaphore, #tpu.memory_space<semaphore_mem>>) {add = true}
        %mul3A_242 = arith.constant 4 : i32
        %mul3A_243 = arith.muli %scan3A_199, %mul3A_242 : i32
        %add3A_244 = arith.constant 1 : i32
        %add3A_245 = arith.addi %mul3A_243, %add3A_244 : i32
        %add3A_246 = arith.constant 1 : i32
        %add3A_247 = arith.addi %add3A_245, %add3A_246 : i32
        %dma_wait3A_248 = arith.constant 0 : i32
        %dma_wait3A_249 = arith.constant 0 : i32
        %dma_wait3A_250 = tpu.memref_slice %arg9[%dma_wait3A_248, %dma_wait3A_249] : memref<56x128xi32, #tpu.memory_space<vmem>> -> memref<1x128xi32, #tpu.memory_space<vmem>>
        %dma_wait3A_251 = tpu.memref_squeeze %dma_wait3A_250 : memref<1x128xi32, #tpu.memory_space<vmem>> -> memref<128xi32, #tpu.memory_space<vmem>>
        %dma_wait3A_252 = arith.constant 0 : i32
        %dma_wait3A_253 = arith.constant 0 : i32
        %dma_wait3A_254 = tpu.memref_slice %arg23[%dma_wait3A_252, %dma_wait3A_253] : memref<50048x32xf32, #tpu.memory_space<vmem_shared>> -> memref<50048x32xf32, #tpu.memory_space<vmem_shared>>
        tpu.wait_indirect_dma semaphore(%arg19 : memref<!tpu.dma_semaphore, #tpu.memory_space<semaphore_mem>>) src(%arg11 : memref<128x32xf32, #tpu.memory_space<vmem>>) dst(%dma_wait3A_254 : memref<50048x32xf32, #tpu.memory_space<vmem_shared>>)
        %add3A_255 = arith.constant 3 : i32
        %add3A_256 = arith.addi %add3A_247, %add3A_255 : i32
        %eq3A_257 = arith.constant 0 : i32
        %eq3A_258 = arith.cmpi eq, %arg0, %eq3A_257 : i32
        %convert_element_type3A_259 = arith.extui %eq3A_258 : i1 to i32
        %cond3A_260 = arith.constant 0 : i32
        %cond3A_261 = arith.cmpi ne, %convert_element_type3A_259, %cond3A_260 : i32
        scf.if %cond3A_261 {
          %dma_start3A_366 = arith.constant 0 : i32
          %dma_start3A_367 = tpu.memref_slice %arg8[%add3A_256, %dma_start3A_366] : memref<56x128xi32, #tpu.memory_space<vmem>> -> memref<1x128xi32, #tpu.memory_space<vmem>>
          %dma_start3A_368 = tpu.memref_squeeze %dma_start3A_367 : memref<1x128xi32, #tpu.memory_space<vmem>> -> memref<128xi32, #tpu.memory_space<vmem>>
          %dma_start3A_369 = arith.constant 0 : i32
          %dma_start3A_370 = arith.constant 0 : i32
          %dma_start3A_371 = tpu.memref_slice %arg2[%dma_start3A_369, %dma_start3A_370] : memref<50048x32xf32, #tpu.memory_space<hbm>> -> memref<50048x32xf32, #tpu.memory_space<hbm>>
          tpu.enqueue_indirect_dma source(%dma_start3A_371 : memref<50048x32xf32, #tpu.memory_space<hbm>>) target(%arg11 : memref<128x32xf32, #tpu.memory_space<vmem>>) offsets(%dma_start3A_368 : memref<128xi32, #tpu.memory_space<vmem>>) semaphore(%arg15 : memref<!tpu.dma_semaphore, #tpu.memory_space<semaphore_mem>>)
        } else {
        }
        %eq3A_262 = arith.constant 1 : i32
        %eq3A_263 = arith.cmpi eq, %arg0, %eq3A_262 : i32
        %convert_element_type3A_264 = arith.extui %eq3A_263 : i1 to i32
        %cond3A_265 = arith.constant 0 : i32
        %cond3A_266 = arith.cmpi ne, %convert_element_type3A_264, %cond3A_265 : i32
        scf.if %cond3A_266 {
          %dma_start3A_366 = arith.constant 0 : i32
          %dma_start3A_367 = tpu.memref_slice %arg8[%add3A_256, %dma_start3A_366] : memref<56x128xi32, #tpu.memory_space<vmem>> -> memref<1x128xi32, #tpu.memory_space<vmem>>
          %dma_start3A_368 = tpu.memref_squeeze %dma_start3A_367 : memref<1x128xi32, #tpu.memory_space<vmem>> -> memref<128xi32, #tpu.memory_space<vmem>>
          %dma_start3A_369 = arith.constant 0 : i32
          %dma_start3A_370 = arith.constant 0 : i32
          %dma_start3A_371 = tpu.memref_slice %arg3[%dma_start3A_369, %dma_start3A_370] : memref<50048x32xf32, #tpu.memory_space<hbm>> -> memref<50048x32xf32, #tpu.memory_space<hbm>>
          tpu.enqueue_indirect_dma source(%dma_start3A_371 : memref<50048x32xf32, #tpu.memory_space<hbm>>) target(%arg11 : memref<128x32xf32, #tpu.memory_space<vmem>>) offsets(%dma_start3A_368 : memref<128xi32, #tpu.memory_space<vmem>>) semaphore(%arg15 : memref<!tpu.dma_semaphore, #tpu.memory_space<semaphore_mem>>)
        } else {
        }
        %eq3A_267 = arith.constant 0 : i32
        %eq3A_268 = arith.cmpi eq, %arg0, %eq3A_267 : i32
        %convert_element_type3A_269 = arith.extui %eq3A_268 : i1 to i32
        %cond3A_270 = arith.constant 0 : i32
        %cond3A_271 = arith.cmpi ne, %convert_element_type3A_269, %cond3A_270 : i32
        scf.if %cond3A_271 {
          %dma_wait3A_366 = arith.constant 0 : i32
          %dma_wait3A_367 = arith.constant 0 : i32
          %dma_wait3A_368 = tpu.memref_slice %arg8[%dma_wait3A_366, %dma_wait3A_367] : memref<56x128xi32, #tpu.memory_space<vmem>> -> memref<1x128xi32, #tpu.memory_space<vmem>>
          %dma_wait3A_369 = tpu.memref_squeeze %dma_wait3A_368 : memref<1x128xi32, #tpu.memory_space<vmem>> -> memref<128xi32, #tpu.memory_space<vmem>>
          %dma_wait3A_370 = arith.constant 0 : i32
          %dma_wait3A_371 = arith.constant 0 : i32
          %dma_wait3A_372 = tpu.memref_slice %arg2[%dma_wait3A_370, %dma_wait3A_371] : memref<50048x32xf32, #tpu.memory_space<hbm>> -> memref<50048x32xf32, #tpu.memory_space<hbm>>
          tpu.wait_indirect_dma semaphore(%arg16 : memref<!tpu.dma_semaphore, #tpu.memory_space<semaphore_mem>>) src(%dma_wait3A_372 : memref<50048x32xf32, #tpu.memory_space<hbm>>) dst(%arg12 : memref<128x32xf32, #tpu.memory_space<vmem>>)
        } else {
        }
        %eq3A_272 = arith.constant 1 : i32
        %eq3A_273 = arith.cmpi eq, %arg0, %eq3A_272 : i32
        %convert_element_type3A_274 = arith.extui %eq3A_273 : i1 to i32
        %cond3A_275 = arith.constant 0 : i32
        %cond3A_276 = arith.cmpi ne, %convert_element_type3A_274, %cond3A_275 : i32
        scf.if %cond3A_276 {
          %dma_wait3A_366 = arith.constant 0 : i32
          %dma_wait3A_367 = arith.constant 0 : i32
          %dma_wait3A_368 = tpu.memref_slice %arg8[%dma_wait3A_366, %dma_wait3A_367] : memref<56x128xi32, #tpu.memory_space<vmem>> -> memref<1x128xi32, #tpu.memory_space<vmem>>
          %dma_wait3A_369 = tpu.memref_squeeze %dma_wait3A_368 : memref<1x128xi32, #tpu.memory_space<vmem>> -> memref<128xi32, #tpu.memory_space<vmem>>
          %dma_wait3A_370 = arith.constant 0 : i32
          %dma_wait3A_371 = arith.constant 0 : i32
          %dma_wait3A_372 = tpu.memref_slice %arg3[%dma_wait3A_370, %dma_wait3A_371] : memref<50048x32xf32, #tpu.memory_space<hbm>> -> memref<50048x32xf32, #tpu.memory_space<hbm>>
          tpu.wait_indirect_dma semaphore(%arg16 : memref<!tpu.dma_semaphore, #tpu.memory_space<semaphore_mem>>) src(%dma_wait3A_372 : memref<50048x32xf32, #tpu.memory_space<hbm>>) dst(%arg12 : memref<128x32xf32, #tpu.memory_space<vmem>>)
        } else {
        }
        %dma_start3A_277 = arith.constant 0 : i32
        %dma_start3A_278 = tpu.memref_slice %arg9[%add3A_247, %dma_start3A_277] : memref<56x128xi32, #tpu.memory_space<vmem>> -> memref<1x128xi32, #tpu.memory_space<vmem>>
        %dma_start3A_279 = tpu.memref_squeeze %dma_start3A_278 : memref<1x128xi32, #tpu.memory_space<vmem>> -> memref<128xi32, #tpu.memory_space<vmem>>
        %dma_start3A_280 = arith.constant 0 : i32
        %dma_start3A_281 = arith.constant 0 : i32
        %dma_start3A_282 = tpu.memref_slice %arg23[%dma_start3A_280, %dma_start3A_281] : memref<50048x32xf32, #tpu.memory_space<vmem_shared>> -> memref<50048x32xf32, #tpu.memory_space<vmem_shared>>
        tpu.enqueue_indirect_dma source(%arg12 : memref<128x32xf32, #tpu.memory_space<vmem>>) target(%dma_start3A_282 : memref<50048x32xf32, #tpu.memory_space<vmem_shared>>) offsets(%dma_start3A_279 : memref<128xi32, #tpu.memory_space<vmem>>) semaphore(%arg20 : memref<!tpu.dma_semaphore, #tpu.memory_space<semaphore_mem>>) {add = true}
        %mul3A_283 = arith.constant 4 : i32
        %mul3A_284 = arith.muli %scan3A_199, %mul3A_283 : i32
        %add3A_285 = arith.constant 2 : i32
        %add3A_286 = arith.addi %mul3A_284, %add3A_285 : i32
        %add3A_287 = arith.constant 1 : i32
        %add3A_288 = arith.addi %add3A_286, %add3A_287 : i32
        %dma_wait3A_289 = arith.constant 0 : i32
        %dma_wait3A_290 = arith.constant 0 : i32
        %dma_wait3A_291 = tpu.memref_slice %arg9[%dma_wait3A_289, %dma_wait3A_290] : memref<56x128xi32, #tpu.memory_space<vmem>> -> memref<1x128xi32, #tpu.memory_space<vmem>>
        %dma_wait3A_292 = tpu.memref_squeeze %dma_wait3A_291 : memref<1x128xi32, #tpu.memory_space<vmem>> -> memref<128xi32, #tpu.memory_space<vmem>>
        %dma_wait3A_293 = arith.constant 0 : i32
        %dma_wait3A_294 = arith.constant 0 : i32
        %dma_wait3A_295 = tpu.memref_slice %arg23[%dma_wait3A_293, %dma_wait3A_294] : memref<50048x32xf32, #tpu.memory_space<vmem_shared>> -> memref<50048x32xf32, #tpu.memory_space<vmem_shared>>
        tpu.wait_indirect_dma semaphore(%arg20 : memref<!tpu.dma_semaphore, #tpu.memory_space<semaphore_mem>>) src(%arg12 : memref<128x32xf32, #tpu.memory_space<vmem>>) dst(%dma_wait3A_295 : memref<50048x32xf32, #tpu.memory_space<vmem_shared>>)
        %add3A_296 = arith.constant 3 : i32
        %add3A_297 = arith.addi %add3A_288, %add3A_296 : i32
        %eq3A_298 = arith.constant 0 : i32
        %eq3A_299 = arith.cmpi eq, %arg0, %eq3A_298 : i32
        %convert_element_type3A_300 = arith.extui %eq3A_299 : i1 to i32
        %cond3A_301 = arith.constant 0 : i32
        %cond3A_302 = arith.cmpi ne, %convert_element_type3A_300, %cond3A_301 : i32
        scf.if %cond3A_302 {
          %dma_start3A_366 = arith.constant 0 : i32
          %dma_start3A_367 = tpu.memref_slice %arg8[%add3A_297, %dma_start3A_366] : memref<56x128xi32, #tpu.memory_space<vmem>> -> memref<1x128xi32, #tpu.memory_space<vmem>>
          %dma_start3A_368 = tpu.memref_squeeze %dma_start3A_367 : memref<1x128xi32, #tpu.memory_space<vmem>> -> memref<128xi32, #tpu.memory_space<vmem>>
          %dma_start3A_369 = arith.constant 0 : i32
          %dma_start3A_370 = arith.constant 0 : i32
          %dma_start3A_371 = tpu.memref_slice %arg2[%dma_start3A_369, %dma_start3A_370] : memref<50048x32xf32, #tpu.memory_space<hbm>> -> memref<50048x32xf32, #tpu.memory_space<hbm>>
          tpu.enqueue_indirect_dma source(%dma_start3A_371 : memref<50048x32xf32, #tpu.memory_space<hbm>>) target(%arg12 : memref<128x32xf32, #tpu.memory_space<vmem>>) offsets(%dma_start3A_368 : memref<128xi32, #tpu.memory_space<vmem>>) semaphore(%arg16 : memref<!tpu.dma_semaphore, #tpu.memory_space<semaphore_mem>>)
        } else {
        }
        %eq3A_303 = arith.constant 1 : i32
        %eq3A_304 = arith.cmpi eq, %arg0, %eq3A_303 : i32
        %convert_element_type3A_305 = arith.extui %eq3A_304 : i1 to i32
        %cond3A_306 = arith.constant 0 : i32
        %cond3A_307 = arith.cmpi ne, %convert_element_type3A_305, %cond3A_306 : i32
        scf.if %cond3A_307 {
          %dma_start3A_366 = arith.constant 0 : i32
          %dma_start3A_367 = tpu.memref_slice %arg8[%add3A_297, %dma_start3A_366] : memref<56x128xi32, #tpu.memory_space<vmem>> -> memref<1x128xi32, #tpu.memory_space<vmem>>
          %dma_start3A_368 = tpu.memref_squeeze %dma_start3A_367 : memref<1x128xi32, #tpu.memory_space<vmem>> -> memref<128xi32, #tpu.memory_space<vmem>>
          %dma_start3A_369 = arith.constant 0 : i32
          %dma_start3A_370 = arith.constant 0 : i32
          %dma_start3A_371 = tpu.memref_slice %arg3[%dma_start3A_369, %dma_start3A_370] : memref<50048x32xf32, #tpu.memory_space<hbm>> -> memref<50048x32xf32, #tpu.memory_space<hbm>>
          tpu.enqueue_indirect_dma source(%dma_start3A_371 : memref<50048x32xf32, #tpu.memory_space<hbm>>) target(%arg12 : memref<128x32xf32, #tpu.memory_space<vmem>>) offsets(%dma_start3A_368 : memref<128xi32, #tpu.memory_space<vmem>>) semaphore(%arg16 : memref<!tpu.dma_semaphore, #tpu.memory_space<semaphore_mem>>)
        } else {
        }
        %eq3A_308 = arith.constant 0 : i32
        %eq3A_309 = arith.cmpi eq, %arg0, %eq3A_308 : i32
        %convert_element_type3A_310 = arith.extui %eq3A_309 : i1 to i32
        %cond3A_311 = arith.constant 0 : i32
        %cond3A_312 = arith.cmpi ne, %convert_element_type3A_310, %cond3A_311 : i32
        scf.if %cond3A_312 {
          %dma_wait3A_366 = arith.constant 0 : i32
          %dma_wait3A_367 = arith.constant 0 : i32
          %dma_wait3A_368 = tpu.memref_slice %arg8[%dma_wait3A_366, %dma_wait3A_367] : memref<56x128xi32, #tpu.memory_space<vmem>> -> memref<1x128xi32, #tpu.memory_space<vmem>>
          %dma_wait3A_369 = tpu.memref_squeeze %dma_wait3A_368 : memref<1x128xi32, #tpu.memory_space<vmem>> -> memref<128xi32, #tpu.memory_space<vmem>>
          %dma_wait3A_370 = arith.constant 0 : i32
          %dma_wait3A_371 = arith.constant 0 : i32
          %dma_wait3A_372 = tpu.memref_slice %arg2[%dma_wait3A_370, %dma_wait3A_371] : memref<50048x32xf32, #tpu.memory_space<hbm>> -> memref<50048x32xf32, #tpu.memory_space<hbm>>
          tpu.wait_indirect_dma semaphore(%arg17 : memref<!tpu.dma_semaphore, #tpu.memory_space<semaphore_mem>>) src(%dma_wait3A_372 : memref<50048x32xf32, #tpu.memory_space<hbm>>) dst(%arg13 : memref<128x32xf32, #tpu.memory_space<vmem>>)
        } else {
        }
        %eq3A_313 = arith.constant 1 : i32
        %eq3A_314 = arith.cmpi eq, %arg0, %eq3A_313 : i32
        %convert_element_type3A_315 = arith.extui %eq3A_314 : i1 to i32
        %cond3A_316 = arith.constant 0 : i32
        %cond3A_317 = arith.cmpi ne, %convert_element_type3A_315, %cond3A_316 : i32
        scf.if %cond3A_317 {
          %dma_wait3A_366 = arith.constant 0 : i32
          %dma_wait3A_367 = arith.constant 0 : i32
          %dma_wait3A_368 = tpu.memref_slice %arg8[%dma_wait3A_366, %dma_wait3A_367] : memref<56x128xi32, #tpu.memory_space<vmem>> -> memref<1x128xi32, #tpu.memory_space<vmem>>
          %dma_wait3A_369 = tpu.memref_squeeze %dma_wait3A_368 : memref<1x128xi32, #tpu.memory_space<vmem>> -> memref<128xi32, #tpu.memory_space<vmem>>
          %dma_wait3A_370 = arith.constant 0 : i32
          %dma_wait3A_371 = arith.constant 0 : i32
          %dma_wait3A_372 = tpu.memref_slice %arg3[%dma_wait3A_370, %dma_wait3A_371] : memref<50048x32xf32, #tpu.memory_space<hbm>> -> memref<50048x32xf32, #tpu.memory_space<hbm>>
          tpu.wait_indirect_dma semaphore(%arg17 : memref<!tpu.dma_semaphore, #tpu.memory_space<semaphore_mem>>) src(%dma_wait3A_372 : memref<50048x32xf32, #tpu.memory_space<hbm>>) dst(%arg13 : memref<128x32xf32, #tpu.memory_space<vmem>>)
        } else {
        }
        %dma_start3A_318 = arith.constant 0 : i32
        %dma_start3A_319 = tpu.memref_slice %arg9[%add3A_288, %dma_start3A_318] : memref<56x128xi32, #tpu.memory_space<vmem>> -> memref<1x128xi32, #tpu.memory_space<vmem>>
        %dma_start3A_320 = tpu.memref_squeeze %dma_start3A_319 : memref<1x128xi32, #tpu.memory_space<vmem>> -> memref<128xi32, #tpu.memory_space<vmem>>
        %dma_start3A_321 = arith.constant 0 : i32
        %dma_start3A_322 = arith.constant 0 : i32
        %dma_start3A_323 = tpu.memref_slice %arg23[%dma_start3A_321, %dma_start3A_322] : memref<50048x32xf32, #tpu.memory_space<vmem_shared>> -> memref<50048x32xf32, #tpu.memory_space<vmem_shared>>
        tpu.enqueue_indirect_dma source(%arg13 : memref<128x32xf32, #tpu.memory_space<vmem>>) target(%dma_start3A_323 : memref<50048x32xf32, #tpu.memory_space<vmem_shared>>) offsets(%dma_start3A_320 : memref<128xi32, #tpu.memory_space<vmem>>) semaphore(%arg21 : memref<!tpu.dma_semaphore, #tpu.memory_space<semaphore_mem>>) {add = true}
        %mul3A_324 = arith.constant 4 : i32
        %mul3A_325 = arith.muli %scan3A_199, %mul3A_324 : i32
        %add3A_326 = arith.constant 3 : i32
        %add3A_327 = arith.addi %mul3A_325, %add3A_326 : i32
        %add3A_328 = arith.constant 1 : i32
        %add3A_329 = arith.addi %add3A_327, %add3A_328 : i32
        %dma_wait3A_330 = arith.constant 0 : i32
        %dma_wait3A_331 = arith.constant 0 : i32
        %dma_wait3A_332 = tpu.memref_slice %arg9[%dma_wait3A_330, %dma_wait3A_331] : memref<56x128xi32, #tpu.memory_space<vmem>> -> memref<1x128xi32, #tpu.memory_space<vmem>>
        %dma_wait3A_333 = tpu.memref_squeeze %dma_wait3A_332 : memref<1x128xi32, #tpu.memory_space<vmem>> -> memref<128xi32, #tpu.memory_space<vmem>>
        %dma_wait3A_334 = arith.constant 0 : i32
        %dma_wait3A_335 = arith.constant 0 : i32
        %dma_wait3A_336 = tpu.memref_slice %arg23[%dma_wait3A_334, %dma_wait3A_335] : memref<50048x32xf32, #tpu.memory_space<vmem_shared>> -> memref<50048x32xf32, #tpu.memory_space<vmem_shared>>
        tpu.wait_indirect_dma semaphore(%arg21 : memref<!tpu.dma_semaphore, #tpu.memory_space<semaphore_mem>>) src(%arg13 : memref<128x32xf32, #tpu.memory_space<vmem>>) dst(%dma_wait3A_336 : memref<50048x32xf32, #tpu.memory_space<vmem_shared>>)
        %add3A_337 = arith.constant 3 : i32
        %add3A_338 = arith.addi %add3A_329, %add3A_337 : i32
        %eq3A_339 = arith.constant 0 : i32
        %eq3A_340 = arith.cmpi eq, %arg0, %eq3A_339 : i32
        %convert_element_type3A_341 = arith.extui %eq3A_340 : i1 to i32
        %cond3A_342 = arith.constant 0 : i32
        %cond3A_343 = arith.cmpi ne, %convert_element_type3A_341, %cond3A_342 : i32
        scf.if %cond3A_343 {
          %dma_start3A_366 = arith.constant 0 : i32
          %dma_start3A_367 = tpu.memref_slice %arg8[%add3A_338, %dma_start3A_366] : memref<56x128xi32, #tpu.memory_space<vmem>> -> memref<1x128xi32, #tpu.memory_space<vmem>>
          %dma_start3A_368 = tpu.memref_squeeze %dma_start3A_367 : memref<1x128xi32, #tpu.memory_space<vmem>> -> memref<128xi32, #tpu.memory_space<vmem>>
          %dma_start3A_369 = arith.constant 0 : i32
          %dma_start3A_370 = arith.constant 0 : i32
          %dma_start3A_371 = tpu.memref_slice %arg2[%dma_start3A_369, %dma_start3A_370] : memref<50048x32xf32, #tpu.memory_space<hbm>> -> memref<50048x32xf32, #tpu.memory_space<hbm>>
          tpu.enqueue_indirect_dma source(%dma_start3A_371 : memref<50048x32xf32, #tpu.memory_space<hbm>>) target(%arg13 : memref<128x32xf32, #tpu.memory_space<vmem>>) offsets(%dma_start3A_368 : memref<128xi32, #tpu.memory_space<vmem>>) semaphore(%arg17 : memref<!tpu.dma_semaphore, #tpu.memory_space<semaphore_mem>>)
        } else {
        }
        %eq3A_344 = arith.constant 1 : i32
        %eq3A_345 = arith.cmpi eq, %arg0, %eq3A_344 : i32
        %convert_element_type3A_346 = arith.extui %eq3A_345 : i1 to i32
        %cond3A_347 = arith.constant 0 : i32
        %cond3A_348 = arith.cmpi ne, %convert_element_type3A_346, %cond3A_347 : i32
        scf.if %cond3A_348 {
          %dma_start3A_366 = arith.constant 0 : i32
          %dma_start3A_367 = tpu.memref_slice %arg8[%add3A_338, %dma_start3A_366] : memref<56x128xi32, #tpu.memory_space<vmem>> -> memref<1x128xi32, #tpu.memory_space<vmem>>
          %dma_start3A_368 = tpu.memref_squeeze %dma_start3A_367 : memref<1x128xi32, #tpu.memory_space<vmem>> -> memref<128xi32, #tpu.memory_space<vmem>>
          %dma_start3A_369 = arith.constant 0 : i32
          %dma_start3A_370 = arith.constant 0 : i32
          %dma_start3A_371 = tpu.memref_slice %arg3[%dma_start3A_369, %dma_start3A_370] : memref<50048x32xf32, #tpu.memory_space<hbm>> -> memref<50048x32xf32, #tpu.memory_space<hbm>>
          tpu.enqueue_indirect_dma source(%dma_start3A_371 : memref<50048x32xf32, #tpu.memory_space<hbm>>) target(%arg13 : memref<128x32xf32, #tpu.memory_space<vmem>>) offsets(%dma_start3A_368 : memref<128xi32, #tpu.memory_space<vmem>>) semaphore(%arg17 : memref<!tpu.dma_semaphore, #tpu.memory_space<semaphore_mem>>)
        } else {
        }
        %eq3A_349 = arith.constant 0 : i32
        %eq3A_350 = arith.cmpi eq, %arg0, %eq3A_349 : i32
        %convert_element_type3A_351 = arith.extui %eq3A_350 : i1 to i32
        %cond3A_352 = arith.constant 0 : i32
        %cond3A_353 = arith.cmpi ne, %convert_element_type3A_351, %cond3A_352 : i32
        scf.if %cond3A_353 {
          %dma_wait3A_366 = arith.constant 0 : i32
          %dma_wait3A_367 = arith.constant 0 : i32
          %dma_wait3A_368 = tpu.memref_slice %arg8[%dma_wait3A_366, %dma_wait3A_367] : memref<56x128xi32, #tpu.memory_space<vmem>> -> memref<1x128xi32, #tpu.memory_space<vmem>>
          %dma_wait3A_369 = tpu.memref_squeeze %dma_wait3A_368 : memref<1x128xi32, #tpu.memory_space<vmem>> -> memref<128xi32, #tpu.memory_space<vmem>>
          %dma_wait3A_370 = arith.constant 0 : i32
          %dma_wait3A_371 = arith.constant 0 : i32
          %dma_wait3A_372 = tpu.memref_slice %arg2[%dma_wait3A_370, %dma_wait3A_371] : memref<50048x32xf32, #tpu.memory_space<hbm>> -> memref<50048x32xf32, #tpu.memory_space<hbm>>
          tpu.wait_indirect_dma semaphore(%arg14 : memref<!tpu.dma_semaphore, #tpu.memory_space<semaphore_mem>>) src(%dma_wait3A_372 : memref<50048x32xf32, #tpu.memory_space<hbm>>) dst(%arg10 : memref<128x32xf32, #tpu.memory_space<vmem>>)
        } else {
        }
        %eq3A_354 = arith.constant 1 : i32
        %eq3A_355 = arith.cmpi eq, %arg0, %eq3A_354 : i32
        %convert_element_type3A_356 = arith.extui %eq3A_355 : i1 to i32
        %cond3A_357 = arith.constant 0 : i32
        %cond3A_358 = arith.cmpi ne, %convert_element_type3A_356, %cond3A_357 : i32
        scf.if %cond3A_358 {
          %dma_wait3A_366 = arith.constant 0 : i32
          %dma_wait3A_367 = arith.constant 0 : i32
          %dma_wait3A_368 = tpu.memref_slice %arg8[%dma_wait3A_366, %dma_wait3A_367] : memref<56x128xi32, #tpu.memory_space<vmem>> -> memref<1x128xi32, #tpu.memory_space<vmem>>
          %dma_wait3A_369 = tpu.memref_squeeze %dma_wait3A_368 : memref<1x128xi32, #tpu.memory_space<vmem>> -> memref<128xi32, #tpu.memory_space<vmem>>
          %dma_wait3A_370 = arith.constant 0 : i32
          %dma_wait3A_371 = arith.constant 0 : i32
          %dma_wait3A_372 = tpu.memref_slice %arg3[%dma_wait3A_370, %dma_wait3A_371] : memref<50048x32xf32, #tpu.memory_space<hbm>> -> memref<50048x32xf32, #tpu.memory_space<hbm>>
          tpu.wait_indirect_dma semaphore(%arg14 : memref<!tpu.dma_semaphore, #tpu.memory_space<semaphore_mem>>) src(%dma_wait3A_372 : memref<50048x32xf32, #tpu.memory_space<hbm>>) dst(%arg10 : memref<128x32xf32, #tpu.memory_space<vmem>>)
        } else {
        }
        %dma_start3A_359 = arith.constant 0 : i32
        %dma_start3A_360 = tpu.memref_slice %arg9[%add3A_329, %dma_start3A_359] : memref<56x128xi32, #tpu.memory_space<vmem>> -> memref<1x128xi32, #tpu.memory_space<vmem>>
        %dma_start3A_361 = tpu.memref_squeeze %dma_start3A_360 : memref<1x128xi32, #tpu.memory_space<vmem>> -> memref<128xi32, #tpu.memory_space<vmem>>
        %dma_start3A_362 = arith.constant 0 : i32
        %dma_start3A_363 = arith.constant 0 : i32
        %dma_start3A_364 = tpu.memref_slice %arg23[%dma_start3A_362, %dma_start3A_363] : memref<50048x32xf32, #tpu.memory_space<vmem_shared>> -> memref<50048x32xf32, #tpu.memory_space<vmem_shared>>
        tpu.enqueue_indirect_dma source(%arg10 : memref<128x32xf32, #tpu.memory_space<vmem>>) target(%dma_start3A_364 : memref<50048x32xf32, #tpu.memory_space<vmem_shared>>) offsets(%dma_start3A_361 : memref<128xi32, #tpu.memory_space<vmem>>) semaphore(%arg18 : memref<!tpu.dma_semaphore, #tpu.memory_space<semaphore_mem>>) {add = true}
        %scan3A_365 = arith.constant 0 : i32
        scf.yield %scan3A_365 : i32
      }
      %scan3A_118 = arith.constant 13 : i32
      %dma_wait3A_119 = arith.constant 0 : i32
      %dma_wait3A_120 = arith.constant 0 : i32
      %dma_wait3A_121 = tpu.memref_slice %arg9[%dma_wait3A_119, %dma_wait3A_120] : memref<56x128xi32, #tpu.memory_space<vmem>> -> memref<1x128xi32, #tpu.memory_space<vmem>>
      %dma_wait3A_122 = tpu.memref_squeeze %dma_wait3A_121 : memref<1x128xi32, #tpu.memory_space<vmem>> -> memref<128xi32, #tpu.memory_space<vmem>>
      %dma_wait3A_123 = arith.constant 0 : i32
      %dma_wait3A_124 = arith.constant 0 : i32
      %dma_wait3A_125 = tpu.memref_slice %arg23[%dma_wait3A_123, %dma_wait3A_124] : memref<50048x32xf32, #tpu.memory_space<vmem_shared>> -> memref<50048x32xf32, #tpu.memory_space<vmem_shared>>
      tpu.wait_indirect_dma semaphore(%arg18 : memref<!tpu.dma_semaphore, #tpu.memory_space<semaphore_mem>>) src(%arg10 : memref<128x32xf32, #tpu.memory_space<vmem>>) dst(%dma_wait3A_125 : memref<50048x32xf32, #tpu.memory_space<vmem_shared>>)
      %eq3A_126 = arith.constant 0 : i32
      %eq3A_127 = arith.cmpi eq, %arg0, %eq3A_126 : i32
      %convert_element_type3A_128 = arith.extui %eq3A_127 : i1 to i32
      %cond3A_129 = arith.constant 0 : i32
      %cond3A_130 = arith.cmpi ne, %convert_element_type3A_128, %cond3A_129 : i32
      scf.if %cond3A_130 {
        %dma_wait3A_199 = arith.constant 0 : i32
        %dma_wait3A_200 = arith.constant 0 : i32
        %dma_wait3A_201 = tpu.memref_slice %arg8[%dma_wait3A_199, %dma_wait3A_200] : memref<56x128xi32, #tpu.memory_space<vmem>> -> memref<1x128xi32, #tpu.memory_space<vmem>>
        %dma_wait3A_202 = tpu.memref_squeeze %dma_wait3A_201 : memref<1x128xi32, #tpu.memory_space<vmem>> -> memref<128xi32, #tpu.memory_space<vmem>>
        %dma_wait3A_203 = arith.constant 0 : i32
        %dma_wait3A_204 = arith.constant 0 : i32
        %dma_wait3A_205 = tpu.memref_slice %arg2[%dma_wait3A_203, %dma_wait3A_204] : memref<50048x32xf32, #tpu.memory_space<hbm>> -> memref<50048x32xf32, #tpu.memory_space<hbm>>
        tpu.wait_indirect_dma semaphore(%arg15 : memref<!tpu.dma_semaphore, #tpu.memory_space<semaphore_mem>>) src(%dma_wait3A_205 : memref<50048x32xf32, #tpu.memory_space<hbm>>) dst(%arg11 : memref<128x32xf32, #tpu.memory_space<vmem>>)
      } else {
      }
      %eq3A_131 = arith.constant 1 : i32
      %eq3A_132 = arith.cmpi eq, %arg0, %eq3A_131 : i32
      %convert_element_type3A_133 = arith.extui %eq3A_132 : i1 to i32
      %cond3A_134 = arith.constant 0 : i32
      %cond3A_135 = arith.cmpi ne, %convert_element_type3A_133, %cond3A_134 : i32
      scf.if %cond3A_135 {
        %dma_wait3A_199 = arith.constant 0 : i32
        %dma_wait3A_200 = arith.constant 0 : i32
        %dma_wait3A_201 = tpu.memref_slice %arg8[%dma_wait3A_199, %dma_wait3A_200] : memref<56x128xi32, #tpu.memory_space<vmem>> -> memref<1x128xi32, #tpu.memory_space<vmem>>
        %dma_wait3A_202 = tpu.memref_squeeze %dma_wait3A_201 : memref<1x128xi32, #tpu.memory_space<vmem>> -> memref<128xi32, #tpu.memory_space<vmem>>
        %dma_wait3A_203 = arith.constant 0 : i32
        %dma_wait3A_204 = arith.constant 0 : i32
        %dma_wait3A_205 = tpu.memref_slice %arg3[%dma_wait3A_203, %dma_wait3A_204] : memref<50048x32xf32, #tpu.memory_space<hbm>> -> memref<50048x32xf32, #tpu.memory_space<hbm>>
        tpu.wait_indirect_dma semaphore(%arg15 : memref<!tpu.dma_semaphore, #tpu.memory_space<semaphore_mem>>) src(%dma_wait3A_205 : memref<50048x32xf32, #tpu.memory_space<hbm>>) dst(%arg11 : memref<128x32xf32, #tpu.memory_space<vmem>>)
      } else {
      }
      %dma_start3A_136 = arith.constant 53 : i32
      %dma_start3A_137 = arith.constant 0 : i32
      %dma_start3A_138 = tpu.memref_slice %arg9[%dma_start3A_136, %dma_start3A_137] : memref<56x128xi32, #tpu.memory_space<vmem>> -> memref<1x128xi32, #tpu.memory_space<vmem>>
      %dma_start3A_139 = tpu.memref_squeeze %dma_start3A_138 : memref<1x128xi32, #tpu.memory_space<vmem>> -> memref<128xi32, #tpu.memory_space<vmem>>
      %dma_start3A_140 = arith.constant 0 : i32
      %dma_start3A_141 = arith.constant 0 : i32
      %dma_start3A_142 = tpu.memref_slice %arg23[%dma_start3A_140, %dma_start3A_141] : memref<50048x32xf32, #tpu.memory_space<vmem_shared>> -> memref<50048x32xf32, #tpu.memory_space<vmem_shared>>
      tpu.enqueue_indirect_dma source(%arg11 : memref<128x32xf32, #tpu.memory_space<vmem>>) target(%dma_start3A_142 : memref<50048x32xf32, #tpu.memory_space<vmem_shared>>) offsets(%dma_start3A_139 : memref<128xi32, #tpu.memory_space<vmem>>) semaphore(%arg19 : memref<!tpu.dma_semaphore, #tpu.memory_space<semaphore_mem>>) {add = true}
      %dma_wait3A_143 = arith.constant 0 : i32
      %dma_wait3A_144 = arith.constant 0 : i32
      %dma_wait3A_145 = tpu.memref_slice %arg9[%dma_wait3A_143, %dma_wait3A_144] : memref<56x128xi32, #tpu.memory_space<vmem>> -> memref<1x128xi32, #tpu.memory_space<vmem>>
      %dma_wait3A_146 = tpu.memref_squeeze %dma_wait3A_145 : memref<1x128xi32, #tpu.memory_space<vmem>> -> memref<128xi32, #tpu.memory_space<vmem>>
      %dma_wait3A_147 = arith.constant 0 : i32
      %dma_wait3A_148 = arith.constant 0 : i32
      %dma_wait3A_149 = tpu.memref_slice %arg23[%dma_wait3A_147, %dma_wait3A_148] : memref<50048x32xf32, #tpu.memory_space<vmem_shared>> -> memref<50048x32xf32, #tpu.memory_space<vmem_shared>>
      tpu.wait_indirect_dma semaphore(%arg19 : memref<!tpu.dma_semaphore, #tpu.memory_space<semaphore_mem>>) src(%arg11 : memref<128x32xf32, #tpu.memory_space<vmem>>) dst(%dma_wait3A_149 : memref<50048x32xf32, #tpu.memory_space<vmem_shared>>)
      %eq3A_150 = arith.constant 0 : i32
      %eq3A_151 = arith.cmpi eq, %arg0, %eq3A_150 : i32
      %convert_element_type3A_152 = arith.extui %eq3A_151 : i1 to i32
      %cond3A_153 = arith.constant 0 : i32
      %cond3A_154 = arith.cmpi ne, %convert_element_type3A_152, %cond3A_153 : i32
      scf.if %cond3A_154 {
        %dma_wait3A_199 = arith.constant 0 : i32
        %dma_wait3A_200 = arith.constant 0 : i32
        %dma_wait3A_201 = tpu.memref_slice %arg8[%dma_wait3A_199, %dma_wait3A_200] : memref<56x128xi32, #tpu.memory_space<vmem>> -> memref<1x128xi32, #tpu.memory_space<vmem>>
        %dma_wait3A_202 = tpu.memref_squeeze %dma_wait3A_201 : memref<1x128xi32, #tpu.memory_space<vmem>> -> memref<128xi32, #tpu.memory_space<vmem>>
        %dma_wait3A_203 = arith.constant 0 : i32
        %dma_wait3A_204 = arith.constant 0 : i32
        %dma_wait3A_205 = tpu.memref_slice %arg2[%dma_wait3A_203, %dma_wait3A_204] : memref<50048x32xf32, #tpu.memory_space<hbm>> -> memref<50048x32xf32, #tpu.memory_space<hbm>>
        tpu.wait_indirect_dma semaphore(%arg16 : memref<!tpu.dma_semaphore, #tpu.memory_space<semaphore_mem>>) src(%dma_wait3A_205 : memref<50048x32xf32, #tpu.memory_space<hbm>>) dst(%arg12 : memref<128x32xf32, #tpu.memory_space<vmem>>)
      } else {
      }
      %eq3A_155 = arith.constant 1 : i32
      %eq3A_156 = arith.cmpi eq, %arg0, %eq3A_155 : i32
      %convert_element_type3A_157 = arith.extui %eq3A_156 : i1 to i32
      %cond3A_158 = arith.constant 0 : i32
      %cond3A_159 = arith.cmpi ne, %convert_element_type3A_157, %cond3A_158 : i32
      scf.if %cond3A_159 {
        %dma_wait3A_199 = arith.constant 0 : i32
        %dma_wait3A_200 = arith.constant 0 : i32
        %dma_wait3A_201 = tpu.memref_slice %arg8[%dma_wait3A_199, %dma_wait3A_200] : memref<56x128xi32, #tpu.memory_space<vmem>> -> memref<1x128xi32, #tpu.memory_space<vmem>>
        %dma_wait3A_202 = tpu.memref_squeeze %dma_wait3A_201 : memref<1x128xi32, #tpu.memory_space<vmem>> -> memref<128xi32, #tpu.memory_space<vmem>>
        %dma_wait3A_203 = arith.constant 0 : i32
        %dma_wait3A_204 = arith.constant 0 : i32
        %dma_wait3A_205 = tpu.memref_slice %arg3[%dma_wait3A_203, %dma_wait3A_204] : memref<50048x32xf32, #tpu.memory_space<hbm>> -> memref<50048x32xf32, #tpu.memory_space<hbm>>
        tpu.wait_indirect_dma semaphore(%arg16 : memref<!tpu.dma_semaphore, #tpu.memory_space<semaphore_mem>>) src(%dma_wait3A_205 : memref<50048x32xf32, #tpu.memory_space<hbm>>) dst(%arg12 : memref<128x32xf32, #tpu.memory_space<vmem>>)
      } else {
      }
      %dma_start3A_160 = arith.constant 54 : i32
      %dma_start3A_161 = arith.constant 0 : i32
      %dma_start3A_162 = tpu.memref_slice %arg9[%dma_start3A_160, %dma_start3A_161] : memref<56x128xi32, #tpu.memory_space<vmem>> -> memref<1x128xi32, #tpu.memory_space<vmem>>
      %dma_start3A_163 = tpu.memref_squeeze %dma_start3A_162 : memref<1x128xi32, #tpu.memory_space<vmem>> -> memref<128xi32, #tpu.memory_space<vmem>>
      %dma_start3A_164 = arith.constant 0 : i32
      %dma_start3A_165 = arith.constant 0 : i32
      %dma_start3A_166 = tpu.memref_slice %arg23[%dma_start3A_164, %dma_start3A_165] : memref<50048x32xf32, #tpu.memory_space<vmem_shared>> -> memref<50048x32xf32, #tpu.memory_space<vmem_shared>>
      tpu.enqueue_indirect_dma source(%arg12 : memref<128x32xf32, #tpu.memory_space<vmem>>) target(%dma_start3A_166 : memref<50048x32xf32, #tpu.memory_space<vmem_shared>>) offsets(%dma_start3A_163 : memref<128xi32, #tpu.memory_space<vmem>>) semaphore(%arg20 : memref<!tpu.dma_semaphore, #tpu.memory_space<semaphore_mem>>) {add = true}
      %dma_wait3A_167 = arith.constant 0 : i32
      %dma_wait3A_168 = arith.constant 0 : i32
      %dma_wait3A_169 = tpu.memref_slice %arg9[%dma_wait3A_167, %dma_wait3A_168] : memref<56x128xi32, #tpu.memory_space<vmem>> -> memref<1x128xi32, #tpu.memory_space<vmem>>
      %dma_wait3A_170 = tpu.memref_squeeze %dma_wait3A_169 : memref<1x128xi32, #tpu.memory_space<vmem>> -> memref<128xi32, #tpu.memory_space<vmem>>
      %dma_wait3A_171 = arith.constant 0 : i32
      %dma_wait3A_172 = arith.constant 0 : i32
      %dma_wait3A_173 = tpu.memref_slice %arg23[%dma_wait3A_171, %dma_wait3A_172] : memref<50048x32xf32, #tpu.memory_space<vmem_shared>> -> memref<50048x32xf32, #tpu.memory_space<vmem_shared>>
      tpu.wait_indirect_dma semaphore(%arg20 : memref<!tpu.dma_semaphore, #tpu.memory_space<semaphore_mem>>) src(%arg12 : memref<128x32xf32, #tpu.memory_space<vmem>>) dst(%dma_wait3A_173 : memref<50048x32xf32, #tpu.memory_space<vmem_shared>>)
      %eq3A_174 = arith.constant 0 : i32
      %eq3A_175 = arith.cmpi eq, %arg0, %eq3A_174 : i32
      %convert_element_type3A_176 = arith.extui %eq3A_175 : i1 to i32
      %cond3A_177 = arith.constant 0 : i32
      %cond3A_178 = arith.cmpi ne, %convert_element_type3A_176, %cond3A_177 : i32
      scf.if %cond3A_178 {
        %dma_wait3A_199 = arith.constant 0 : i32
        %dma_wait3A_200 = arith.constant 0 : i32
        %dma_wait3A_201 = tpu.memref_slice %arg8[%dma_wait3A_199, %dma_wait3A_200] : memref<56x128xi32, #tpu.memory_space<vmem>> -> memref<1x128xi32, #tpu.memory_space<vmem>>
        %dma_wait3A_202 = tpu.memref_squeeze %dma_wait3A_201 : memref<1x128xi32, #tpu.memory_space<vmem>> -> memref<128xi32, #tpu.memory_space<vmem>>
        %dma_wait3A_203 = arith.constant 0 : i32
        %dma_wait3A_204 = arith.constant 0 : i32
        %dma_wait3A_205 = tpu.memref_slice %arg2[%dma_wait3A_203, %dma_wait3A_204] : memref<50048x32xf32, #tpu.memory_space<hbm>> -> memref<50048x32xf32, #tpu.memory_space<hbm>>
        tpu.wait_indirect_dma semaphore(%arg17 : memref<!tpu.dma_semaphore, #tpu.memory_space<semaphore_mem>>) src(%dma_wait3A_205 : memref<50048x32xf32, #tpu.memory_space<hbm>>) dst(%arg13 : memref<128x32xf32, #tpu.memory_space<vmem>>)
      } else {
      }
      %eq3A_179 = arith.constant 1 : i32
      %eq3A_180 = arith.cmpi eq, %arg0, %eq3A_179 : i32
      %convert_element_type3A_181 = arith.extui %eq3A_180 : i1 to i32
      %cond3A_182 = arith.constant 0 : i32
      %cond3A_183 = arith.cmpi ne, %convert_element_type3A_181, %cond3A_182 : i32
      scf.if %cond3A_183 {
        %dma_wait3A_199 = arith.constant 0 : i32
        %dma_wait3A_200 = arith.constant 0 : i32
        %dma_wait3A_201 = tpu.memref_slice %arg8[%dma_wait3A_199, %dma_wait3A_200] : memref<56x128xi32, #tpu.memory_space<vmem>> -> memref<1x128xi32, #tpu.memory_space<vmem>>
        %dma_wait3A_202 = tpu.memref_squeeze %dma_wait3A_201 : memref<1x128xi32, #tpu.memory_space<vmem>> -> memref<128xi32, #tpu.memory_space<vmem>>
        %dma_wait3A_203 = arith.constant 0 : i32
        %dma_wait3A_204 = arith.constant 0 : i32
        %dma_wait3A_205 = tpu.memref_slice %arg3[%dma_wait3A_203, %dma_wait3A_204] : memref<50048x32xf32, #tpu.memory_space<hbm>> -> memref<50048x32xf32, #tpu.memory_space<hbm>>
        tpu.wait_indirect_dma semaphore(%arg17 : memref<!tpu.dma_semaphore, #tpu.memory_space<semaphore_mem>>) src(%dma_wait3A_205 : memref<50048x32xf32, #tpu.memory_space<hbm>>) dst(%arg13 : memref<128x32xf32, #tpu.memory_space<vmem>>)
      } else {
      }
      %dma_start3A_184 = arith.constant 55 : i32
      %dma_start3A_185 = arith.constant 0 : i32
      %dma_start3A_186 = tpu.memref_slice %arg9[%dma_start3A_184, %dma_start3A_185] : memref<56x128xi32, #tpu.memory_space<vmem>> -> memref<1x128xi32, #tpu.memory_space<vmem>>
      %dma_start3A_187 = tpu.memref_squeeze %dma_start3A_186 : memref<1x128xi32, #tpu.memory_space<vmem>> -> memref<128xi32, #tpu.memory_space<vmem>>
      %dma_start3A_188 = arith.constant 0 : i32
      %dma_start3A_189 = arith.constant 0 : i32
      %dma_start3A_190 = tpu.memref_slice %arg23[%dma_start3A_188, %dma_start3A_189] : memref<50048x32xf32, #tpu.memory_space<vmem_shared>> -> memref<50048x32xf32, #tpu.memory_space<vmem_shared>>
      tpu.enqueue_indirect_dma source(%arg13 : memref<128x32xf32, #tpu.memory_space<vmem>>) target(%dma_start3A_190 : memref<50048x32xf32, #tpu.memory_space<vmem_shared>>) offsets(%dma_start3A_187 : memref<128xi32, #tpu.memory_space<vmem>>) semaphore(%arg21 : memref<!tpu.dma_semaphore, #tpu.memory_space<semaphore_mem>>) {add = true}
      %dma_wait3A_191 = arith.constant 0 : i32
      %dma_wait3A_192 = arith.constant 0 : i32
      %dma_wait3A_193 = tpu.memref_slice %arg9[%dma_wait3A_191, %dma_wait3A_192] : memref<56x128xi32, #tpu.memory_space<vmem>> -> memref<1x128xi32, #tpu.memory_space<vmem>>
      %dma_wait3A_194 = tpu.memref_squeeze %dma_wait3A_193 : memref<1x128xi32, #tpu.memory_space<vmem>> -> memref<128xi32, #tpu.memory_space<vmem>>
      %dma_wait3A_195 = arith.constant 0 : i32
      %dma_wait3A_196 = arith.constant 0 : i32
      %dma_wait3A_197 = tpu.memref_slice %arg23[%dma_wait3A_195, %dma_wait3A_196] : memref<50048x32xf32, #tpu.memory_space<vmem_shared>> -> memref<50048x32xf32, #tpu.memory_space<vmem_shared>>
      tpu.wait_indirect_dma semaphore(%arg21 : memref<!tpu.dma_semaphore, #tpu.memory_space<semaphore_mem>>) src(%arg13 : memref<128x32xf32, #tpu.memory_space<vmem>>) dst(%dma_wait3A_197 : memref<50048x32xf32, #tpu.memory_space<vmem_shared>>)
      %scan3A_198 = arith.constant 0 : i32
      scf.yield %scan3A_198 : i32
    }
    %scan3A_39 = arith.constant 7 : i32
    %barrier3A_40 = arith.constant 0 : index
    tpu.barrier barrier_id(%barrier3A_40)
    %eq3A = arith.constant 0 : i32
    %eq3A_41 = arith.cmpi eq, %arg0, %eq3A : i32
    %convert_element_type3A = arith.extui %eq3A_41 : i1 to i32
    %cond3A = arith.constant 0 : i32
    %cond3A_42 = arith.cmpi ne, %convert_element_type3A, %cond3A : i32
    scf.if %cond3A_42 {
      "tpu.region"() ({
        %run_scoped3A = tpu.sem_alloc : memref<!tpu.dma_semaphore, #tpu.memory_space<semaphore_mem>>
        %dma_start3A_48 = arith.constant 0 : i32
        %dma_start3A_49 = tpu.memref_slice %arg6[%mul3A_6, %dma_start3A_48] : memref<50048x32xf32, #tpu.memory_space<hbm>> -> memref<3128x32xf32, #tpu.memory_space<hbm>>
        %dma_start3A_50 = arith.constant 0 : i32
        %dma_start3A_51 = tpu.memref_slice %arg23[%mul3A_6, %dma_start3A_50] : memref<50048x32xf32, #tpu.memory_space<vmem_shared>> -> memref<3128x32xf32, #tpu.memory_space<vmem_shared>>
        tpu.enqueue_dma source(%dma_start3A_51 : memref<3128x32xf32, #tpu.memory_space<vmem_shared>>) target(%dma_start3A_49 : memref<3128x32xf32, #tpu.memory_space<hbm>>) target_semaphore(%run_scoped3A : memref<!tpu.dma_semaphore, #tpu.memory_space<semaphore_mem>>)
        %dma_wait3A_52 = arith.constant 0 : i32
        %dma_wait3A_53 = tpu.memref_slice %arg6[%mul3A_6, %dma_wait3A_52] : memref<50048x32xf32, #tpu.memory_space<hbm>> -> memref<3128x32xf32, #tpu.memory_space<hbm>>
        %dma_wait3A_54 = arith.constant 0 : i32
        %dma_wait3A_55 = tpu.memref_slice %arg23[%mul3A_6, %dma_wait3A_54] : memref<50048x32xf32, #tpu.memory_space<vmem_shared>> -> memref<3128x32xf32, #tpu.memory_space<vmem_shared>>
        tpu.wait_dma2 semaphore(%run_scoped3A : memref<!tpu.dma_semaphore, #tpu.memory_space<semaphore_mem>>) src(%dma_wait3A_55 : memref<3128x32xf32, #tpu.memory_space<vmem_shared>>) dst(%dma_wait3A_53 : memref<3128x32xf32, #tpu.memory_space<hbm>>)
        tpu.yield
      }) : () -> ()
    } else {
    }
    %eq3A_43 = arith.constant 1 : i32
    %eq3A_44 = arith.cmpi eq, %arg0, %eq3A_43 : i32
    %convert_element_type3A_45 = arith.extui %eq3A_44 : i1 to i32
    %cond3A_46 = arith.constant 0 : i32
    %cond3A_47 = arith.cmpi ne, %convert_element_type3A_45, %cond3A_46 : i32
    scf.if %cond3A_47 {
      "tpu.region"() ({
        %run_scoped3A = tpu.sem_alloc : memref<!tpu.dma_semaphore, #tpu.memory_space<semaphore_mem>>
        %dma_start3A_48 = arith.constant 0 : i32
        %dma_start3A_49 = tpu.memref_slice %arg7[%mul3A_6, %dma_start3A_48] : memref<50048x32xf32, #tpu.memory_space<hbm>> -> memref<3128x32xf32, #tpu.memory_space<hbm>>
        %dma_start3A_50 = arith.constant 0 : i32
        %dma_start3A_51 = tpu.memref_slice %arg23[%mul3A_6, %dma_start3A_50] : memref<50048x32xf32, #tpu.memory_space<vmem_shared>> -> memref<3128x32xf32, #tpu.memory_space<vmem_shared>>
        tpu.enqueue_dma source(%dma_start3A_51 : memref<3128x32xf32, #tpu.memory_space<vmem_shared>>) target(%dma_start3A_49 : memref<3128x32xf32, #tpu.memory_space<hbm>>) target_semaphore(%run_scoped3A : memref<!tpu.dma_semaphore, #tpu.memory_space<semaphore_mem>>)
        %dma_wait3A_52 = arith.constant 0 : i32
        %dma_wait3A_53 = tpu.memref_slice %arg7[%mul3A_6, %dma_wait3A_52] : memref<50048x32xf32, #tpu.memory_space<hbm>> -> memref<3128x32xf32, #tpu.memory_space<hbm>>
        %dma_wait3A_54 = arith.constant 0 : i32
        %dma_wait3A_55 = tpu.memref_slice %arg23[%mul3A_6, %dma_wait3A_54] : memref<50048x32xf32, #tpu.memory_space<vmem_shared>> -> memref<3128x32xf32, #tpu.memory_space<vmem_shared>>
        tpu.wait_dma2 semaphore(%run_scoped3A : memref<!tpu.dma_semaphore, #tpu.memory_space<semaphore_mem>>) src(%dma_wait3A_55 : memref<3128x32xf32, #tpu.memory_space<vmem_shared>>) dst(%dma_wait3A_53 : memref<3128x32xf32, #tpu.memory_space<hbm>>)
        tpu.yield
      }) : () -> ()
    } else {
    }
    return
  }
}

#map = affine_map<(d0, d1) -> (0, 0)>
module attributes {stable_mosaic.version = 14 : i64} {
  func.func @_agg_body(%arg0: i32, %arg1: i32, %arg2: memref<50048x32xf32, #tpu.memory_space<hbm>>, %arg3: memref<50048x32xf32, #tpu.memory_space<hbm>>, %arg4: memref<6272x128xi32, #tpu.memory_space<hbm>>, %arg5: memref<6272x128xi32, #tpu.memory_space<hbm>>, %arg6: memref<50048x32xf32, #tpu.memory_space<hbm>>, %arg7: memref<50048x32xf32, #tpu.memory_space<hbm>>, %arg8: memref<56x128xi32, #tpu.memory_space<vmem>>, %arg9: memref<56x128xi32, #tpu.memory_space<vmem>>, %arg10: memref<128x32xf32, #tpu.memory_space<vmem>>, %arg11: memref<128x32xf32, #tpu.memory_space<vmem>>, %arg12: memref<128x32xf32, #tpu.memory_space<vmem>>, %arg13: memref<128x32xf32, #tpu.memory_space<vmem>>, %arg14: memref<!tpu.dma_semaphore, #tpu.memory_space<semaphore_mem>>, %arg15: memref<!tpu.dma_semaphore, #tpu.memory_space<semaphore_mem>>, %arg16: memref<!tpu.dma_semaphore, #tpu.memory_space<semaphore_mem>>, %arg17: memref<!tpu.dma_semaphore, #tpu.memory_space<semaphore_mem>>, %arg18: memref<!tpu.dma_semaphore, #tpu.memory_space<semaphore_mem>>, %arg19: memref<!tpu.dma_semaphore, #tpu.memory_space<semaphore_mem>>, %arg20: memref<!tpu.dma_semaphore, #tpu.memory_space<semaphore_mem>>, %arg21: memref<!tpu.dma_semaphore, #tpu.memory_space<semaphore_mem>>, %arg22: memref<!tpu.dma_semaphore, #tpu.memory_space<semaphore_mem>>, %arg23: memref<50048x32xf32, #tpu.memory_space<vmem_shared>>) attributes {dimension_semantics = [#tpu.dimension_semantics<core_parallel>, #tpu.dimension_semantics<subcore_parallel>], iteration_bounds = array<i64: 2, 16>, scalar_prefetch = 0 : i64, scratch_operands = 16 : i64, tpu.core_type = #tpu.core_type<sc_vector_subcore>, window_params = [{transform_indices = #map}, {transform_indices = #map}, {transform_indices = #map}, {transform_indices = #map}, {transform_indices = #map}, {transform_indices = #map}]} {
    %scan3A = arith.constant 0 : i32
    %scan3A_0 = arith.constant 0 : i32
    %scan3A_1 = arith.constant 128 : i32
    %scan3A_2 = arith.addi %scan3A_0, %scan3A_1 : i32
    %scan3A_3 = arith.constant 1 : i32
    %scan3A_4 = scf.for %scan3A_48 = %scan3A_0 to %scan3A_2 step %scan3A_3 iter_args(%scan3A_49 = %scan3A) -> (i32)  : i32 {
      %broadcast_in_dim3A = arith.constant 0.000000e+00 : f32
      %broadcast_in_dim3A_50 = vector.broadcast %broadcast_in_dim3A : f32 to vector<16xf32>
      %swap3A = arith.index_cast %scan3A_48 : i32 to index
      %swap3A_51 = arith.constant 0 : index
      %swap3A_52 = tpu.vector_load %arg10[%swap3A, %swap3A_51] {strides = array<i32>} : memref<128x32xf32, #tpu.memory_space<vmem>>, vector<1x16xf32>,
      %swap3A_53 = vector.shape_cast %swap3A_52 : vector<1x16xf32> to vector<16xf32>
      %swap3A_54 = vector.shape_cast %broadcast_in_dim3A_50 : vector<16xf32> to vector<1x16xf32>
      tpu.vector_store %arg10[%swap3A, %swap3A_51], %swap3A_54 {strides = array<i32>} : memref<128x32xf32, #tpu.memory_space<vmem>>, vector<1x16xf32>,
      %broadcast_in_dim3A_55 = arith.constant 0.000000e+00 : f32
      %broadcast_in_dim3A_56 = vector.broadcast %broadcast_in_dim3A_55 : f32 to vector<16xf32>
      %swap3A_57 = arith.index_cast %scan3A_48 : i32 to index
      %swap3A_58 = arith.constant 16 : index
      %swap3A_59 = tpu.vector_load %arg10[%swap3A_57, %swap3A_58] {strides = array<i32>} : memref<128x32xf32, #tpu.memory_space<vmem>>, vector<1x16xf32>,
      %swap3A_60 = vector.shape_cast %swap3A_59 : vector<1x16xf32> to vector<16xf32>
      %swap3A_61 = vector.shape_cast %broadcast_in_dim3A_56 : vector<16xf32> to vector<1x16xf32>
      tpu.vector_store %arg10[%swap3A_57, %swap3A_58], %swap3A_61 {strides = array<i32>} : memref<128x32xf32, #tpu.memory_space<vmem>>, vector<1x16xf32>,
      %scan3A_62 = arith.constant 0 : i32
      scf.yield %scan3A_62 : i32
    }
    %scan3A_5 = arith.constant 128 : i32
    %mul3A = arith.constant 3128 : i32
    %mul3A_6 = arith.muli %arg1, %mul3A : i32
    %scan3A_7 = arith.constant 0 : i32
    %scan3A_8 = arith.constant 0 : i32
    %scan3A_9 = arith.constant 3 : i32
    %scan3A_10 = arith.addi %scan3A_8, %scan3A_9 : i32
    %scan3A_11 = arith.constant 1 : i32
    %scan3A_12 = scf.for %scan3A_48 = %scan3A_8 to %scan3A_10 step %scan3A_11 iter_args(%scan3A_49 = %scan3A_7) -> (i32)  : i32 {
      %mul3A_50 = arith.constant 8 : i32
      %mul3A_51 = arith.muli %scan3A_48, %mul3A_50 : i32
      %add3A_52 = arith.constant 0 : i32
      %add3A_53 = arith.addi %mul3A_51, %add3A_52 : i32
      %mul3A_54 = arith.constant 128 : i32
      %mul3A_55 = arith.muli %add3A_53, %mul3A_54 : i32
      %add3A_56 = arith.addi %mul3A_6, %mul3A_55 : i32
      %dma_start3A_57 = arith.constant 0 : i32
      %dma_start3A_58 = tpu.memref_slice %arg23[%add3A_56, %dma_start3A_57] : memref<50048x32xf32, #tpu.memory_space<vmem_shared>> -> memref<128x32xf32, #tpu.memory_space<vmem_shared>>
      %dma_start3A_59 = arith.constant 0 : i32
      %dma_start3A_60 = tpu.memref_slice %arg23[%add3A_56, %dma_start3A_59] : memref<50048x32xf32, #tpu.memory_space<vmem_shared>> -> memref<128x32xf32, #tpu.memory_space<vmem_shared>>
      tpu.enqueue_dma source(%arg10 : memref<128x32xf32, #tpu.memory_space<vmem>>) target(%dma_start3A_60 : memref<128x32xf32, #tpu.memory_space<vmem_shared>>) target_semaphore(%arg22 : memref<!tpu.dma_semaphore, #tpu.memory_space<semaphore_mem>>)
      %mul3A_61 = arith.constant 8 : i32
      %mul3A_62 = arith.muli %scan3A_48, %mul3A_61 : i32
      %add3A_63 = arith.constant 1 : i32
      %add3A_64 = arith.addi %mul3A_62, %add3A_63 : i32
      %mul3A_65 = arith.constant 128 : i32
      %mul3A_66 = arith.muli %add3A_64, %mul3A_65 : i32
      %add3A_67 = arith.addi %mul3A_6, %mul3A_66 : i32
      %dma_start3A_68 = arith.constant 0 : i32
      %dma_start3A_69 = tpu.memref_slice %arg23[%add3A_67, %dma_start3A_68] : memref<50048x32xf32, #tpu.memory_space<vmem_shared>> -> memref<128x32xf32, #tpu.memory_space<vmem_shared>>
      %dma_start3A_70 = arith.constant 0 : i32
      %dma_start3A_71 = tpu.memref_slice %arg23[%add3A_67, %dma_start3A_70] : memref<50048x32xf32, #tpu.memory_space<vmem_shared>> -> memref<128x32xf32, #tpu.memory_space<vmem_shared>>
      tpu.enqueue_dma source(%arg10 : memref<128x32xf32, #tpu.memory_space<vmem>>) target(%dma_start3A_71 : memref<128x32xf32, #tpu.memory_space<vmem_shared>>) target_semaphore(%arg22 : memref<!tpu.dma_semaphore, #tpu.memory_space<semaphore_mem>>)
      %mul3A_72 = arith.constant 8 : i32
      %mul3A_73 = arith.muli %scan3A_48, %mul3A_72 : i32
      %add3A_74 = arith.constant 2 : i32
      %add3A_75 = arith.addi %mul3A_73, %add3A_74 : i32
      %mul3A_76 = arith.constant 128 : i32
      %mul3A_77 = arith.muli %add3A_75, %mul3A_76 : i32
      %add3A_78 = arith.addi %mul3A_6, %mul3A_77 : i32
      %dma_start3A_79 = arith.constant 0 : i32
      %dma_start3A_80 = tpu.memref_slice %arg23[%add3A_78, %dma_start3A_79] : memref<50048x32xf32, #tpu.memory_space<vmem_shared>> -> memref<128x32xf32, #tpu.memory_space<vmem_shared>>
      %dma_start3A_81 = arith.constant 0 : i32
      %dma_start3A_82 = tpu.memref_slice %arg23[%add3A_78, %dma_start3A_81] : memref<50048x32xf32, #tpu.memory_space<vmem_shared>> -> memref<128x32xf32, #tpu.memory_space<vmem_shared>>
      tpu.enqueue_dma source(%arg10 : memref<128x32xf32, #tpu.memory_space<vmem>>) target(%dma_start3A_82 : memref<128x32xf32, #tpu.memory_space<vmem_shared>>) target_semaphore(%arg22 : memref<!tpu.dma_semaphore, #tpu.memory_space<semaphore_mem>>)
      %mul3A_83 = arith.constant 8 : i32
      %mul3A_84 = arith.muli %scan3A_48, %mul3A_83 : i32
      %add3A_85 = arith.constant 3 : i32
      %add3A_86 = arith.addi %mul3A_84, %add3A_85 : i32
      %mul3A_87 = arith.constant 128 : i32
      %mul3A_88 = arith.muli %add3A_86, %mul3A_87 : i32
      %add3A_89 = arith.addi %mul3A_6, %mul3A_88 : i32
      %dma_start3A_90 = arith.constant 0 : i32
      %dma_start3A_91 = tpu.memref_slice %arg23[%add3A_89, %dma_start3A_90] : memref<50048x32xf32, #tpu.memory_space<vmem_shared>> -> memref<128x32xf32, #tpu.memory_space<vmem_shared>>
      %dma_start3A_92 = arith.constant 0 : i32
      %dma_start3A_93 = tpu.memref_slice %arg23[%add3A_89, %dma_start3A_92] : memref<50048x32xf32, #tpu.memory_space<vmem_shared>> -> memref<128x32xf32, #tpu.memory_space<vmem_shared>>
      tpu.enqueue_dma source(%arg10 : memref<128x32xf32, #tpu.memory_space<vmem>>) target(%dma_start3A_93 : memref<128x32xf32, #tpu.memory_space<vmem_shared>>) target_semaphore(%arg22 : memref<!tpu.dma_semaphore, #tpu.memory_space<semaphore_mem>>)
      %mul3A_94 = arith.constant 8 : i32
      %mul3A_95 = arith.muli %scan3A_48, %mul3A_94 : i32
      %add3A_96 = arith.constant 4 : i32
      %add3A_97 = arith.addi %mul3A_95, %add3A_96 : i32
      %mul3A_98 = arith.constant 128 : i32
      %mul3A_99 = arith.muli %add3A_97, %mul3A_98 : i32
      %add3A_100 = arith.addi %mul3A_6, %mul3A_99 : i32
      %dma_start3A_101 = arith.constant 0 : i32
      %dma_start3A_102 = tpu.memref_slice %arg23[%add3A_100, %dma_start3A_101] : memref<50048x32xf32, #tpu.memory_space<vmem_shared>> -> memref<128x32xf32, #tpu.memory_space<vmem_shared>>
      %dma_start3A_103 = arith.constant 0 : i32
      %dma_start3A_104 = tpu.memref_slice %arg23[%add3A_100, %dma_start3A_103] : memref<50048x32xf32, #tpu.memory_space<vmem_shared>> -> memref<128x32xf32, #tpu.memory_space<vmem_shared>>
      tpu.enqueue_dma source(%arg10 : memref<128x32xf32, #tpu.memory_space<vmem>>) target(%dma_start3A_104 : memref<128x32xf32, #tpu.memory_space<vmem_shared>>) target_semaphore(%arg22 : memref<!tpu.dma_semaphore, #tpu.memory_space<semaphore_mem>>)
      %mul3A_105 = arith.constant 8 : i32
      %mul3A_106 = arith.muli %scan3A_48, %mul3A_105 : i32
      %add3A_107 = arith.constant 5 : i32
      %add3A_108 = arith.addi %mul3A_106, %add3A_107 : i32
      %mul3A_109 = arith.constant 128 : i32
      %mul3A_110 = arith.muli %add3A_108, %mul3A_109 : i32
      %add3A_111 = arith.addi %mul3A_6, %mul3A_110 : i32
      %dma_start3A_112 = arith.constant 0 : i32
      %dma_start3A_113 = tpu.memref_slice %arg23[%add3A_111, %dma_start3A_112] : memref<50048x32xf32, #tpu.memory_space<vmem_shared>> -> memref<128x32xf32, #tpu.memory_space<vmem_shared>>
      %dma_start3A_114 = arith.constant 0 : i32
      %dma_start3A_115 = tpu.memref_slice %arg23[%add3A_111, %dma_start3A_114] : memref<50048x32xf32, #tpu.memory_space<vmem_shared>> -> memref<128x32xf32, #tpu.memory_space<vmem_shared>>
      tpu.enqueue_dma source(%arg10 : memref<128x32xf32, #tpu.memory_space<vmem>>) target(%dma_start3A_115 : memref<128x32xf32, #tpu.memory_space<vmem_shared>>) target_semaphore(%arg22 : memref<!tpu.dma_semaphore, #tpu.memory_space<semaphore_mem>>)
      %mul3A_116 = arith.constant 8 : i32
      %mul3A_117 = arith.muli %scan3A_48, %mul3A_116 : i32
      %add3A_118 = arith.constant 6 : i32
      %add3A_119 = arith.addi %mul3A_117, %add3A_118 : i32
      %mul3A_120 = arith.constant 128 : i32
      %mul3A_121 = arith.muli %add3A_119, %mul3A_120 : i32
      %add3A_122 = arith.addi %mul3A_6, %mul3A_121 : i32
      %dma_start3A_123 = arith.constant 0 : i32
      %dma_start3A_124 = tpu.memref_slice %arg23[%add3A_122, %dma_start3A_123] : memref<50048x32xf32, #tpu.memory_space<vmem_shared>> -> memref<128x32xf32, #tpu.memory_space<vmem_shared>>
      %dma_start3A_125 = arith.constant 0 : i32
      %dma_start3A_126 = tpu.memref_slice %arg23[%add3A_122, %dma_start3A_125] : memref<50048x32xf32, #tpu.memory_space<vmem_shared>> -> memref<128x32xf32, #tpu.memory_space<vmem_shared>>
      tpu.enqueue_dma source(%arg10 : memref<128x32xf32, #tpu.memory_space<vmem>>) target(%dma_start3A_126 : memref<128x32xf32, #tpu.memory_space<vmem_shared>>) target_semaphore(%arg22 : memref<!tpu.dma_semaphore, #tpu.memory_space<semaphore_mem>>)
      %mul3A_127 = arith.constant 8 : i32
      %mul3A_128 = arith.muli %scan3A_48, %mul3A_127 : i32
      %add3A_129 = arith.constant 7 : i32
      %add3A_130 = arith.addi %mul3A_128, %add3A_129 : i32
      %mul3A_131 = arith.constant 128 : i32
      %mul3A_132 = arith.muli %add3A_130, %mul3A_131 : i32
      %add3A_133 = arith.addi %mul3A_6, %mul3A_132 : i32
      %dma_start3A_134 = arith.constant 0 : i32
      %dma_start3A_135 = tpu.memref_slice %arg23[%add3A_133, %dma_start3A_134] : memref<50048x32xf32, #tpu.memory_space<vmem_shared>> -> memref<128x32xf32, #tpu.memory_space<vmem_shared>>
      %dma_start3A_136 = arith.constant 0 : i32
      %dma_start3A_137 = tpu.memref_slice %arg23[%add3A_133, %dma_start3A_136] : memref<50048x32xf32, #tpu.memory_space<vmem_shared>> -> memref<128x32xf32, #tpu.memory_space<vmem_shared>>
      tpu.enqueue_dma source(%arg10 : memref<128x32xf32, #tpu.memory_space<vmem>>) target(%dma_start3A_137 : memref<128x32xf32, #tpu.memory_space<vmem_shared>>) target_semaphore(%arg22 : memref<!tpu.dma_semaphore, #tpu.memory_space<semaphore_mem>>)
      %dma_wait3A_138 = arith.constant 0 : i32
      %dma_wait3A_139 = tpu.memref_slice %arg23[%mul3A_6, %dma_wait3A_138] : memref<50048x32xf32, #tpu.memory_space<vmem_shared>> -> memref<128x32xf32, #tpu.memory_space<vmem_shared>>
      %dma_wait3A_140 = arith.constant 0 : i32
      %dma_wait3A_141 = tpu.memref_slice %arg23[%mul3A_6, %dma_wait3A_140] : memref<50048x32xf32, #tpu.memory_space<vmem_shared>> -> memref<128x32xf32, #tpu.memory_space<vmem_shared>>
      tpu.wait_dma2 semaphore(%arg22 : memref<!tpu.dma_semaphore, #tpu.memory_space<semaphore_mem>>) src(%arg10 : memref<128x32xf32, #tpu.memory_space<vmem>>) dst(%dma_wait3A_141 : memref<128x32xf32, #tpu.memory_space<vmem_shared>>)
      %dma_wait3A_142 = arith.constant 0 : i32
      %dma_wait3A_143 = tpu.memref_slice %arg23[%mul3A_6, %dma_wait3A_142] : memref<50048x32xf32, #tpu.memory_space<vmem_shared>> -> memref<128x32xf32, #tpu.memory_space<vmem_shared>>
      %dma_wait3A_144 = arith.constant 0 : i32
      %dma_wait3A_145 = tpu.memref_slice %arg23[%mul3A_6, %dma_wait3A_144] : memref<50048x32xf32, #tpu.memory_space<vmem_shared>> -> memref<128x32xf32, #tpu.memory_space<vmem_shared>>
      tpu.wait_dma2 semaphore(%arg22 : memref<!tpu.dma_semaphore, #tpu.memory_space<semaphore_mem>>) src(%arg10 : memref<128x32xf32, #tpu.memory_space<vmem>>) dst(%dma_wait3A_145 : memref<128x32xf32, #tpu.memory_space<vmem_shared>>)
      %dma_wait3A_146 = arith.constant 0 : i32
      %dma_wait3A_147 = tpu.memref_slice %arg23[%mul3A_6, %dma_wait3A_146] : memref<50048x32xf32, #tpu.memory_space<vmem_shared>> -> memref<128x32xf32, #tpu.memory_space<vmem_shared>>
      %dma_wait3A_148 = arith.constant 0 : i32
      %dma_wait3A_149 = tpu.memref_slice %arg23[%mul3A_6, %dma_wait3A_148] : memref<50048x32xf32, #tpu.memory_space<vmem_shared>> -> memref<128x32xf32, #tpu.memory_space<vmem_shared>>
      tpu.wait_dma2 semaphore(%arg22 : memref<!tpu.dma_semaphore, #tpu.memory_space<semaphore_mem>>) src(%arg10 : memref<128x32xf32, #tpu.memory_space<vmem>>) dst(%dma_wait3A_149 : memref<128x32xf32, #tpu.memory_space<vmem_shared>>)
      %dma_wait3A_150 = arith.constant 0 : i32
      %dma_wait3A_151 = tpu.memref_slice %arg23[%mul3A_6, %dma_wait3A_150] : memref<50048x32xf32, #tpu.memory_space<vmem_shared>> -> memref<128x32xf32, #tpu.memory_space<vmem_shared>>
      %dma_wait3A_152 = arith.constant 0 : i32
      %dma_wait3A_153 = tpu.memref_slice %arg23[%mul3A_6, %dma_wait3A_152] : memref<50048x32xf32, #tpu.memory_space<vmem_shared>> -> memref<128x32xf32, #tpu.memory_space<vmem_shared>>
      tpu.wait_dma2 semaphore(%arg22 : memref<!tpu.dma_semaphore, #tpu.memory_space<semaphore_mem>>) src(%arg10 : memref<128x32xf32, #tpu.memory_space<vmem>>) dst(%dma_wait3A_153 : memref<128x32xf32, #tpu.memory_space<vmem_shared>>)
      %dma_wait3A_154 = arith.constant 0 : i32
      %dma_wait3A_155 = tpu.memref_slice %arg23[%mul3A_6, %dma_wait3A_154] : memref<50048x32xf32, #tpu.memory_space<vmem_shared>> -> memref<128x32xf32, #tpu.memory_space<vmem_shared>>
      %dma_wait3A_156 = arith.constant 0 : i32
      %dma_wait3A_157 = tpu.memref_slice %arg23[%mul3A_6, %dma_wait3A_156] : memref<50048x32xf32, #tpu.memory_space<vmem_shared>> -> memref<128x32xf32, #tpu.memory_space<vmem_shared>>
      tpu.wait_dma2 semaphore(%arg22 : memref<!tpu.dma_semaphore, #tpu.memory_space<semaphore_mem>>) src(%arg10 : memref<128x32xf32, #tpu.memory_space<vmem>>) dst(%dma_wait3A_157 : memref<128x32xf32, #tpu.memory_space<vmem_shared>>)
      %dma_wait3A_158 = arith.constant 0 : i32
      %dma_wait3A_159 = tpu.memref_slice %arg23[%mul3A_6, %dma_wait3A_158] : memref<50048x32xf32, #tpu.memory_space<vmem_shared>> -> memref<128x32xf32, #tpu.memory_space<vmem_shared>>
      %dma_wait3A_160 = arith.constant 0 : i32
      %dma_wait3A_161 = tpu.memref_slice %arg23[%mul3A_6, %dma_wait3A_160] : memref<50048x32xf32, #tpu.memory_space<vmem_shared>> -> memref<128x32xf32, #tpu.memory_space<vmem_shared>>
      tpu.wait_dma2 semaphore(%arg22 : memref<!tpu.dma_semaphore, #tpu.memory_space<semaphore_mem>>) src(%arg10 : memref<128x32xf32, #tpu.memory_space<vmem>>) dst(%dma_wait3A_161 : memref<128x32xf32, #tpu.memory_space<vmem_shared>>)
      %dma_wait3A_162 = arith.constant 0 : i32
      %dma_wait3A_163 = tpu.memref_slice %arg23[%mul3A_6, %dma_wait3A_162] : memref<50048x32xf32, #tpu.memory_space<vmem_shared>> -> memref<128x32xf32, #tpu.memory_space<vmem_shared>>
      %dma_wait3A_164 = arith.constant 0 : i32
      %dma_wait3A_165 = tpu.memref_slice %arg23[%mul3A_6, %dma_wait3A_164] : memref<50048x32xf32, #tpu.memory_space<vmem_shared>> -> memref<128x32xf32, #tpu.memory_space<vmem_shared>>
      tpu.wait_dma2 semaphore(%arg22 : memref<!tpu.dma_semaphore, #tpu.memory_space<semaphore_mem>>) src(%arg10 : memref<128x32xf32, #tpu.memory_space<vmem>>) dst(%dma_wait3A_165 : memref<128x32xf32, #tpu.memory_space<vmem_shared>>)
      %dma_wait3A_166 = arith.constant 0 : i32
      %dma_wait3A_167 = tpu.memref_slice %arg23[%mul3A_6, %dma_wait3A_166] : memref<50048x32xf32, #tpu.memory_space<vmem_shared>> -> memref<128x32xf32, #tpu.memory_space<vmem_shared>>
      %dma_wait3A_168 = arith.constant 0 : i32
      %dma_wait3A_169 = tpu.memref_slice %arg23[%mul3A_6, %dma_wait3A_168] : memref<50048x32xf32, #tpu.memory_space<vmem_shared>> -> memref<128x32xf32, #tpu.memory_space<vmem_shared>>
      tpu.wait_dma2 semaphore(%arg22 : memref<!tpu.dma_semaphore, #tpu.memory_space<semaphore_mem>>) src(%arg10 : memref<128x32xf32, #tpu.memory_space<vmem>>) dst(%dma_wait3A_169 : memref<128x32xf32, #tpu.memory_space<vmem_shared>>)
      %scan3A_170 = arith.constant 0 : i32
      scf.yield %scan3A_170 : i32
    }
    %scan3A_13 = arith.constant 3 : i32
    %add3A = arith.constant 3072 : i32
    %add3A_14 = arith.addi %mul3A_6, %add3A : i32
    %dma_start3A = arith.constant 0 : i32
    %dma_start3A_15 = arith.constant 0 : i32
    %dma_start3A_16 = tpu.memref_slice %arg10[%dma_start3A, %dma_start3A_15] : memref<128x32xf32, #tpu.memory_space<vmem>> -> memref<56x32xf32, #tpu.memory_space<vmem>>
    %dma_start3A_17 = arith.constant 0 : i32
    %dma_start3A_18 = tpu.memref_slice %arg23[%add3A_14, %dma_start3A_17] : memref<50048x32xf32, #tpu.memory_space<vmem_shared>> -> memref<56x32xf32, #tpu.memory_space<vmem_shared>>
    %dma_start3A_19 = arith.constant 0 : i32
    %dma_start3A_20 = tpu.memref_slice %arg23[%add3A_14, %dma_start3A_19] : memref<50048x32xf32, #tpu.memory_space<vmem_shared>> -> memref<56x32xf32, #tpu.memory_space<vmem_shared>>
    %dma_start3A_21 = arith.constant 0 : i32
    %dma_start3A_22 = arith.constant 0 : i32
    %dma_start3A_23 = tpu.memref_slice %arg10[%dma_start3A_21, %dma_start3A_22] : memref<128x32xf32, #tpu.memory_space<vmem>> -> memref<56x32xf32, #tpu.memory_space<vmem>>
    tpu.enqueue_dma source(%dma_start3A_23 : memref<56x32xf32, #tpu.memory_space<vmem>>) target(%dma_start3A_20 : memref<56x32xf32, #tpu.memory_space<vmem_shared>>) target_semaphore(%arg22 : memref<!tpu.dma_semaphore, #tpu.memory_space<semaphore_mem>>)
    %dma_wait3A = arith.constant 0 : i32
    %dma_wait3A_24 = arith.constant 0 : i32
    %dma_wait3A_25 = tpu.memref_slice %arg10[%dma_wait3A, %dma_wait3A_24] : memref<128x32xf32, #tpu.memory_space<vmem>> -> memref<56x32xf32, #tpu.memory_space<vmem>>
    %dma_wait3A_26 = arith.constant 0 : i32
    %dma_wait3A_27 = tpu.memref_slice %arg23[%mul3A_6, %dma_wait3A_26] : memref<50048x32xf32, #tpu.memory_space<vmem_shared>> -> memref<56x32xf32, #tpu.memory_space<vmem_shared>>
    %dma_wait3A_28 = arith.constant 0 : i32
    %dma_wait3A_29 = tpu.memref_slice %arg23[%mul3A_6, %dma_wait3A_28] : memref<50048x32xf32, #tpu.memory_space<vmem_shared>> -> memref<56x32xf32, #tpu.memory_space<vmem_shared>>
    %dma_wait3A_30 = arith.constant 0 : i32
    %dma_wait3A_31 = arith.constant 0 : i32
    %dma_wait3A_32 = tpu.memref_slice %arg10[%dma_wait3A_30, %dma_wait3A_31] : memref<128x32xf32, #tpu.memory_space<vmem>> -> memref<56x32xf32, #tpu.memory_space<vmem>>
    tpu.wait_dma2 semaphore(%arg22 : memref<!tpu.dma_semaphore, #tpu.memory_space<semaphore_mem>>) src(%dma_wait3A_32 : memref<56x32xf32, #tpu.memory_space<vmem>>) dst(%dma_wait3A_29 : memref<56x32xf32, #tpu.memory_space<vmem_shared>>)
    %barrier3A = arith.constant 0 : index
    tpu.barrier barrier_id(%barrier3A)
    %scan3A_33 = arith.constant 0 : i32
    %scan3A_34 = arith.constant 0 : i32
    %scan3A_35 = arith.constant 7 : i32
    %scan3A_36 = arith.addi %scan3A_34, %scan3A_35 : i32
    %scan3A_37 = arith.constant 1 : i32
    %scan3A_38 = scf.for %scan3A_48 = %scan3A_34 to %scan3A_36 step %scan3A_37 iter_args(%scan3A_49 = %scan3A_33) -> (i32)  : i32 {
      %mul3A_50 = arith.constant 392 : i32
      %mul3A_51 = arith.muli %arg1, %mul3A_50 : i32
      %mul3A_52 = arith.constant 56 : i32
      %mul3A_53 = arith.muli %scan3A_48, %mul3A_52 : i32
      %add3A_54 = arith.addi %mul3A_51, %mul3A_53 : i32
      "tpu.region"() ({
        %run_scoped3A = tpu.sem_alloc : memref<!tpu.dma_semaphore, #tpu.memory_space<semaphore_mem>>
        %dma_start3A_199 = arith.constant 0 : i32
        %dma_start3A_200 = tpu.memref_slice %arg4[%add3A_54, %dma_start3A_199] : memref<6272x128xi32, #tpu.memory_space<hbm>> -> memref<56x128xi32, #tpu.memory_space<hbm>>
        %dma_start3A_201 = arith.constant 0 : i32
        %dma_start3A_202 = tpu.memref_slice %arg4[%add3A_54, %dma_start3A_201] : memref<6272x128xi32, #tpu.memory_space<hbm>> -> memref<56x128xi32, #tpu.memory_space<hbm>>
        tpu.enqueue_dma source(%dma_start3A_202 : memref<56x128xi32, #tpu.memory_space<hbm>>) target(%arg8 : memref<56x128xi32, #tpu.memory_space<vmem>>) target_semaphore(%run_scoped3A : memref<!tpu.dma_semaphore, #tpu.memory_space<semaphore_mem>>)
        %dma_wait3A_203 = arith.constant 0 : i32
        %dma_wait3A_204 = tpu.memref_slice %arg4[%add3A_54, %dma_wait3A_203] : memref<6272x128xi32, #tpu.memory_space<hbm>> -> memref<56x128xi32, #tpu.memory_space<hbm>>
        %dma_wait3A_205 = arith.constant 0 : i32
        %dma_wait3A_206 = tpu.memref_slice %arg4[%add3A_54, %dma_wait3A_205] : memref<6272x128xi32, #tpu.memory_space<hbm>> -> memref<56x128xi32, #tpu.memory_space<hbm>>
        tpu.wait_dma2 semaphore(%run_scoped3A : memref<!tpu.dma_semaphore, #tpu.memory_space<semaphore_mem>>) src(%dma_wait3A_206 : memref<56x128xi32, #tpu.memory_space<hbm>>) dst(%arg8 : memref<56x128xi32, #tpu.memory_space<vmem>>)
        tpu.yield
      }) : () -> ()
      "tpu.region"() ({
        %run_scoped3A = tpu.sem_alloc : memref<!tpu.dma_semaphore, #tpu.memory_space<semaphore_mem>>
        %dma_start3A_199 = arith.constant 0 : i32
        %dma_start3A_200 = tpu.memref_slice %arg5[%add3A_54, %dma_start3A_199] : memref<6272x128xi32, #tpu.memory_space<hbm>> -> memref<56x128xi32, #tpu.memory_space<hbm>>
        %dma_start3A_201 = arith.constant 0 : i32
        %dma_start3A_202 = tpu.memref_slice %arg5[%add3A_54, %dma_start3A_201] : memref<6272x128xi32, #tpu.memory_space<hbm>> -> memref<56x128xi32, #tpu.memory_space<hbm>>
        tpu.enqueue_dma source(%dma_start3A_202 : memref<56x128xi32, #tpu.memory_space<hbm>>) target(%arg9 : memref<56x128xi32, #tpu.memory_space<vmem>>) target_semaphore(%run_scoped3A : memref<!tpu.dma_semaphore, #tpu.memory_space<semaphore_mem>>)
        %dma_wait3A_203 = arith.constant 0 : i32
        %dma_wait3A_204 = tpu.memref_slice %arg5[%add3A_54, %dma_wait3A_203] : memref<6272x128xi32, #tpu.memory_space<hbm>> -> memref<56x128xi32, #tpu.memory_space<hbm>>
        %dma_wait3A_205 = arith.constant 0 : i32
        %dma_wait3A_206 = tpu.memref_slice %arg5[%add3A_54, %dma_wait3A_205] : memref<6272x128xi32, #tpu.memory_space<hbm>> -> memref<56x128xi32, #tpu.memory_space<hbm>>
        tpu.wait_dma2 semaphore(%run_scoped3A : memref<!tpu.dma_semaphore, #tpu.memory_space<semaphore_mem>>) src(%dma_wait3A_206 : memref<56x128xi32, #tpu.memory_space<hbm>>) dst(%arg9 : memref<56x128xi32, #tpu.memory_space<vmem>>)
        tpu.yield
      }) : () -> ()
      %eq3A_55 = arith.constant 0 : i32
      %eq3A_56 = arith.cmpi eq, %arg0, %eq3A_55 : i32
      %convert_element_type3A_57 = arith.extui %eq3A_56 : i1 to i32
      %cond3A_58 = arith.constant 0 : i32
      %cond3A_59 = arith.cmpi ne, %convert_element_type3A_57, %cond3A_58 : i32
      scf.if %cond3A_59 {
        %dma_start3A_199 = arith.constant 0 : i32
        %dma_start3A_200 = arith.constant 0 : i32
        %dma_start3A_201 = tpu.memref_slice %arg8[%dma_start3A_199, %dma_start3A_200] : memref<56x128xi32, #tpu.memory_space<vmem>> -> memref<1x128xi32, #tpu.memory_space<vmem>>
        %dma_start3A_202 = tpu.memref_squeeze %dma_start3A_201 : memref<1x128xi32, #tpu.memory_space<vmem>> -> memref<128xi32, #tpu.memory_space<vmem>>
        %dma_start3A_203 = arith.constant 0 : i32
        %dma_start3A_204 = arith.constant 0 : i32
        %dma_start3A_205 = tpu.memref_slice %arg2[%dma_start3A_203, %dma_start3A_204] : memref<50048x32xf32, #tpu.memory_space<hbm>> -> memref<50048x32xf32, #tpu.memory_space<hbm>>
        tpu.enqueue_indirect_dma source(%dma_start3A_205 : memref<50048x32xf32, #tpu.memory_space<hbm>>) target(%arg10 : memref<128x32xf32, #tpu.memory_space<vmem>>) offsets(%dma_start3A_202 : memref<128xi32, #tpu.memory_space<vmem>>) semaphore(%arg14 : memref<!tpu.dma_semaphore, #tpu.memory_space<semaphore_mem>>)
      } else {
      }
      %eq3A_60 = arith.constant 1 : i32
      %eq3A_61 = arith.cmpi eq, %arg0, %eq3A_60 : i32
      %convert_element_type3A_62 = arith.extui %eq3A_61 : i1 to i32
      %cond3A_63 = arith.constant 0 : i32
      %cond3A_64 = arith.cmpi ne, %convert_element_type3A_62, %cond3A_63 : i32
      scf.if %cond3A_64 {
        %dma_start3A_199 = arith.constant 0 : i32
        %dma_start3A_200 = arith.constant 0 : i32
        %dma_start3A_201 = tpu.memref_slice %arg8[%dma_start3A_199, %dma_start3A_200] : memref<56x128xi32, #tpu.memory_space<vmem>> -> memref<1x128xi32, #tpu.memory_space<vmem>>
        %dma_start3A_202 = tpu.memref_squeeze %dma_start3A_201 : memref<1x128xi32, #tpu.memory_space<vmem>> -> memref<128xi32, #tpu.memory_space<vmem>>
        %dma_start3A_203 = arith.constant 0 : i32
        %dma_start3A_204 = arith.constant 0 : i32
        %dma_start3A_205 = tpu.memref_slice %arg3[%dma_start3A_203, %dma_start3A_204] : memref<50048x32xf32, #tpu.memory_space<hbm>> -> memref<50048x32xf32, #tpu.memory_space<hbm>>
        tpu.enqueue_indirect_dma source(%dma_start3A_205 : memref<50048x32xf32, #tpu.memory_space<hbm>>) target(%arg10 : memref<128x32xf32, #tpu.memory_space<vmem>>) offsets(%dma_start3A_202 : memref<128xi32, #tpu.memory_space<vmem>>) semaphore(%arg14 : memref<!tpu.dma_semaphore, #tpu.memory_space<semaphore_mem>>)
      } else {
      }
      %eq3A_65 = arith.constant 0 : i32
      %eq3A_66 = arith.cmpi eq, %arg0, %eq3A_65 : i32
      %convert_element_type3A_67 = arith.extui %eq3A_66 : i1 to i32
      %cond3A_68 = arith.constant 0 : i32
      %cond3A_69 = arith.cmpi ne, %convert_element_type3A_67, %cond3A_68 : i32
      scf.if %cond3A_69 {
        %dma_start3A_199 = arith.constant 1 : i32
        %dma_start3A_200 = arith.constant 0 : i32
        %dma_start3A_201 = tpu.memref_slice %arg8[%dma_start3A_199, %dma_start3A_200] : memref<56x128xi32, #tpu.memory_space<vmem>> -> memref<1x128xi32, #tpu.memory_space<vmem>>
        %dma_start3A_202 = tpu.memref_squeeze %dma_start3A_201 : memref<1x128xi32, #tpu.memory_space<vmem>> -> memref<128xi32, #tpu.memory_space<vmem>>
        %dma_start3A_203 = arith.constant 0 : i32
        %dma_start3A_204 = arith.constant 0 : i32
        %dma_start3A_205 = tpu.memref_slice %arg2[%dma_start3A_203, %dma_start3A_204] : memref<50048x32xf32, #tpu.memory_space<hbm>> -> memref<50048x32xf32, #tpu.memory_space<hbm>>
        tpu.enqueue_indirect_dma source(%dma_start3A_205 : memref<50048x32xf32, #tpu.memory_space<hbm>>) target(%arg11 : memref<128x32xf32, #tpu.memory_space<vmem>>) offsets(%dma_start3A_202 : memref<128xi32, #tpu.memory_space<vmem>>) semaphore(%arg15 : memref<!tpu.dma_semaphore, #tpu.memory_space<semaphore_mem>>)
      } else {
      }
      %eq3A_70 = arith.constant 1 : i32
      %eq3A_71 = arith.cmpi eq, %arg0, %eq3A_70 : i32
      %convert_element_type3A_72 = arith.extui %eq3A_71 : i1 to i32
      %cond3A_73 = arith.constant 0 : i32
      %cond3A_74 = arith.cmpi ne, %convert_element_type3A_72, %cond3A_73 : i32
      scf.if %cond3A_74 {
        %dma_start3A_199 = arith.constant 1 : i32
        %dma_start3A_200 = arith.constant 0 : i32
        %dma_start3A_201 = tpu.memref_slice %arg8[%dma_start3A_199, %dma_start3A_200] : memref<56x128xi32, #tpu.memory_space<vmem>> -> memref<1x128xi32, #tpu.memory_space<vmem>>
        %dma_start3A_202 = tpu.memref_squeeze %dma_start3A_201 : memref<1x128xi32, #tpu.memory_space<vmem>> -> memref<128xi32, #tpu.memory_space<vmem>>
        %dma_start3A_203 = arith.constant 0 : i32
        %dma_start3A_204 = arith.constant 0 : i32
        %dma_start3A_205 = tpu.memref_slice %arg3[%dma_start3A_203, %dma_start3A_204] : memref<50048x32xf32, #tpu.memory_space<hbm>> -> memref<50048x32xf32, #tpu.memory_space<hbm>>
        tpu.enqueue_indirect_dma source(%dma_start3A_205 : memref<50048x32xf32, #tpu.memory_space<hbm>>) target(%arg11 : memref<128x32xf32, #tpu.memory_space<vmem>>) offsets(%dma_start3A_202 : memref<128xi32, #tpu.memory_space<vmem>>) semaphore(%arg15 : memref<!tpu.dma_semaphore, #tpu.memory_space<semaphore_mem>>)
      } else {
      }
      %eq3A_75 = arith.constant 0 : i32
      %eq3A_76 = arith.cmpi eq, %arg0, %eq3A_75 : i32
      %convert_element_type3A_77 = arith.extui %eq3A_76 : i1 to i32
      %cond3A_78 = arith.constant 0 : i32
      %cond3A_79 = arith.cmpi ne, %convert_element_type3A_77, %cond3A_78 : i32
      scf.if %cond3A_79 {
        %dma_start3A_199 = arith.constant 2 : i32
        %dma_start3A_200 = arith.constant 0 : i32
        %dma_start3A_201 = tpu.memref_slice %arg8[%dma_start3A_199, %dma_start3A_200] : memref<56x128xi32, #tpu.memory_space<vmem>> -> memref<1x128xi32, #tpu.memory_space<vmem>>
        %dma_start3A_202 = tpu.memref_squeeze %dma_start3A_201 : memref<1x128xi32, #tpu.memory_space<vmem>> -> memref<128xi32, #tpu.memory_space<vmem>>
        %dma_start3A_203 = arith.constant 0 : i32
        %dma_start3A_204 = arith.constant 0 : i32
        %dma_start3A_205 = tpu.memref_slice %arg2[%dma_start3A_203, %dma_start3A_204] : memref<50048x32xf32, #tpu.memory_space<hbm>> -> memref<50048x32xf32, #tpu.memory_space<hbm>>
        tpu.enqueue_indirect_dma source(%dma_start3A_205 : memref<50048x32xf32, #tpu.memory_space<hbm>>) target(%arg12 : memref<128x32xf32, #tpu.memory_space<vmem>>) offsets(%dma_start3A_202 : memref<128xi32, #tpu.memory_space<vmem>>) semaphore(%arg16 : memref<!tpu.dma_semaphore, #tpu.memory_space<semaphore_mem>>)
      } else {
      }
      %eq3A_80 = arith.constant 1 : i32
      %eq3A_81 = arith.cmpi eq, %arg0, %eq3A_80 : i32
      %convert_element_type3A_82 = arith.extui %eq3A_81 : i1 to i32
      %cond3A_83 = arith.constant 0 : i32
      %cond3A_84 = arith.cmpi ne, %convert_element_type3A_82, %cond3A_83 : i32
      scf.if %cond3A_84 {
        %dma_start3A_199 = arith.constant 2 : i32
        %dma_start3A_200 = arith.constant 0 : i32
        %dma_start3A_201 = tpu.memref_slice %arg8[%dma_start3A_199, %dma_start3A_200] : memref<56x128xi32, #tpu.memory_space<vmem>> -> memref<1x128xi32, #tpu.memory_space<vmem>>
        %dma_start3A_202 = tpu.memref_squeeze %dma_start3A_201 : memref<1x128xi32, #tpu.memory_space<vmem>> -> memref<128xi32, #tpu.memory_space<vmem>>
        %dma_start3A_203 = arith.constant 0 : i32
        %dma_start3A_204 = arith.constant 0 : i32
        %dma_start3A_205 = tpu.memref_slice %arg3[%dma_start3A_203, %dma_start3A_204] : memref<50048x32xf32, #tpu.memory_space<hbm>> -> memref<50048x32xf32, #tpu.memory_space<hbm>>
        tpu.enqueue_indirect_dma source(%dma_start3A_205 : memref<50048x32xf32, #tpu.memory_space<hbm>>) target(%arg12 : memref<128x32xf32, #tpu.memory_space<vmem>>) offsets(%dma_start3A_202 : memref<128xi32, #tpu.memory_space<vmem>>) semaphore(%arg16 : memref<!tpu.dma_semaphore, #tpu.memory_space<semaphore_mem>>)
      } else {
      }
      %eq3A_85 = arith.constant 0 : i32
      %eq3A_86 = arith.cmpi eq, %arg0, %eq3A_85 : i32
      %convert_element_type3A_87 = arith.extui %eq3A_86 : i1 to i32
      %cond3A_88 = arith.constant 0 : i32
      %cond3A_89 = arith.cmpi ne, %convert_element_type3A_87, %cond3A_88 : i32
      scf.if %cond3A_89 {
        %dma_wait3A_199 = arith.constant 0 : i32
        %dma_wait3A_200 = arith.constant 0 : i32
        %dma_wait3A_201 = tpu.memref_slice %arg8[%dma_wait3A_199, %dma_wait3A_200] : memref<56x128xi32, #tpu.memory_space<vmem>> -> memref<1x128xi32, #tpu.memory_space<vmem>>
        %dma_wait3A_202 = tpu.memref_squeeze %dma_wait3A_201 : memref<1x128xi32, #tpu.memory_space<vmem>> -> memref<128xi32, #tpu.memory_space<vmem>>
        %dma_wait3A_203 = arith.constant 0 : i32
        %dma_wait3A_204 = arith.constant 0 : i32
        %dma_wait3A_205 = tpu.memref_slice %arg2[%dma_wait3A_203, %dma_wait3A_204] : memref<50048x32xf32, #tpu.memory_space<hbm>> -> memref<50048x32xf32, #tpu.memory_space<hbm>>
        tpu.wait_indirect_dma semaphore(%arg14 : memref<!tpu.dma_semaphore, #tpu.memory_space<semaphore_mem>>) src(%dma_wait3A_205 : memref<50048x32xf32, #tpu.memory_space<hbm>>) dst(%arg10 : memref<128x32xf32, #tpu.memory_space<vmem>>)
      } else {
      }
      %eq3A_90 = arith.constant 1 : i32
      %eq3A_91 = arith.cmpi eq, %arg0, %eq3A_90 : i32
      %convert_element_type3A_92 = arith.extui %eq3A_91 : i1 to i32
      %cond3A_93 = arith.constant 0 : i32
      %cond3A_94 = arith.cmpi ne, %convert_element_type3A_92, %cond3A_93 : i32
      scf.if %cond3A_94 {
        %dma_wait3A_199 = arith.constant 0 : i32
        %dma_wait3A_200 = arith.constant 0 : i32
        %dma_wait3A_201 = tpu.memref_slice %arg8[%dma_wait3A_199, %dma_wait3A_200] : memref<56x128xi32, #tpu.memory_space<vmem>> -> memref<1x128xi32, #tpu.memory_space<vmem>>
        %dma_wait3A_202 = tpu.memref_squeeze %dma_wait3A_201 : memref<1x128xi32, #tpu.memory_space<vmem>> -> memref<128xi32, #tpu.memory_space<vmem>>
        %dma_wait3A_203 = arith.constant 0 : i32
        %dma_wait3A_204 = arith.constant 0 : i32
        %dma_wait3A_205 = tpu.memref_slice %arg3[%dma_wait3A_203, %dma_wait3A_204] : memref<50048x32xf32, #tpu.memory_space<hbm>> -> memref<50048x32xf32, #tpu.memory_space<hbm>>
        tpu.wait_indirect_dma semaphore(%arg14 : memref<!tpu.dma_semaphore, #tpu.memory_space<semaphore_mem>>) src(%dma_wait3A_205 : memref<50048x32xf32, #tpu.memory_space<hbm>>) dst(%arg10 : memref<128x32xf32, #tpu.memory_space<vmem>>)
      } else {
      }
      %dma_start3A_95 = arith.constant 0 : i32
      %dma_start3A_96 = arith.constant 0 : i32
      %dma_start3A_97 = tpu.memref_slice %arg9[%dma_start3A_95, %dma_start3A_96] : memref<56x128xi32, #tpu.memory_space<vmem>> -> memref<1x128xi32, #tpu.memory_space<vmem>>
      %dma_start3A_98 = tpu.memref_squeeze %dma_start3A_97 : memref<1x128xi32, #tpu.memory_space<vmem>> -> memref<128xi32, #tpu.memory_space<vmem>>
      %dma_start3A_99 = arith.constant 0 : i32
      %dma_start3A_100 = arith.constant 0 : i32
      %dma_start3A_101 = tpu.memref_slice %arg23[%dma_start3A_99, %dma_start3A_100] : memref<50048x32xf32, #tpu.memory_space<vmem_shared>> -> memref<50048x32xf32, #tpu.memory_space<vmem_shared>>
      tpu.enqueue_indirect_dma source(%arg10 : memref<128x32xf32, #tpu.memory_space<vmem>>) target(%dma_start3A_101 : memref<50048x32xf32, #tpu.memory_space<vmem_shared>>) offsets(%dma_start3A_98 : memref<128xi32, #tpu.memory_space<vmem>>) semaphore(%arg18 : memref<!tpu.dma_semaphore, #tpu.memory_space<semaphore_mem>>) {add = true}
      %eq3A_102 = arith.constant 0 : i32
      %eq3A_103 = arith.cmpi eq, %arg0, %eq3A_102 : i32
      %convert_element_type3A_104 = arith.extui %eq3A_103 : i1 to i32
      %cond3A_105 = arith.constant 0 : i32
      %cond3A_106 = arith.cmpi ne, %convert_element_type3A_104, %cond3A_105 : i32
      scf.if %cond3A_106 {
        %dma_start3A_199 = arith.constant 3 : i32
        %dma_start3A_200 = arith.constant 0 : i32
        %dma_start3A_201 = tpu.memref_slice %arg8[%dma_start3A_199, %dma_start3A_200] : memref<56x128xi32, #tpu.memory_space<vmem>> -> memref<1x128xi32, #tpu.memory_space<vmem>>
        %dma_start3A_202 = tpu.memref_squeeze %dma_start3A_201 : memref<1x128xi32, #tpu.memory_space<vmem>> -> memref<128xi32, #tpu.memory_space<vmem>>
        %dma_start3A_203 = arith.constant 0 : i32
        %dma_start3A_204 = arith.constant 0 : i32
        %dma_start3A_205 = tpu.memref_slice %arg2[%dma_start3A_203, %dma_start3A_204] : memref<50048x32xf32, #tpu.memory_space<hbm>> -> memref<50048x32xf32, #tpu.memory_space<hbm>>
        tpu.enqueue_indirect_dma source(%dma_start3A_205 : memref<50048x32xf32, #tpu.memory_space<hbm>>) target(%arg13 : memref<128x32xf32, #tpu.memory_space<vmem>>) offsets(%dma_start3A_202 : memref<128xi32, #tpu.memory_space<vmem>>) semaphore(%arg17 : memref<!tpu.dma_semaphore, #tpu.memory_space<semaphore_mem>>)
      } else {
      }
      %eq3A_107 = arith.constant 1 : i32
      %eq3A_108 = arith.cmpi eq, %arg0, %eq3A_107 : i32
      %convert_element_type3A_109 = arith.extui %eq3A_108 : i1 to i32
      %cond3A_110 = arith.constant 0 : i32
      %cond3A_111 = arith.cmpi ne, %convert_element_type3A_109, %cond3A_110 : i32
      scf.if %cond3A_111 {
        %dma_start3A_199 = arith.constant 3 : i32
        %dma_start3A_200 = arith.constant 0 : i32
        %dma_start3A_201 = tpu.memref_slice %arg8[%dma_start3A_199, %dma_start3A_200] : memref<56x128xi32, #tpu.memory_space<vmem>> -> memref<1x128xi32, #tpu.memory_space<vmem>>
        %dma_start3A_202 = tpu.memref_squeeze %dma_start3A_201 : memref<1x128xi32, #tpu.memory_space<vmem>> -> memref<128xi32, #tpu.memory_space<vmem>>
        %dma_start3A_203 = arith.constant 0 : i32
        %dma_start3A_204 = arith.constant 0 : i32
        %dma_start3A_205 = tpu.memref_slice %arg3[%dma_start3A_203, %dma_start3A_204] : memref<50048x32xf32, #tpu.memory_space<hbm>> -> memref<50048x32xf32, #tpu.memory_space<hbm>>
        tpu.enqueue_indirect_dma source(%dma_start3A_205 : memref<50048x32xf32, #tpu.memory_space<hbm>>) target(%arg13 : memref<128x32xf32, #tpu.memory_space<vmem>>) offsets(%dma_start3A_202 : memref<128xi32, #tpu.memory_space<vmem>>) semaphore(%arg17 : memref<!tpu.dma_semaphore, #tpu.memory_space<semaphore_mem>>)
      } else {
      }
      %scan3A_112 = arith.constant 0 : i32
      %scan3A_113 = arith.constant 0 : i32
      %scan3A_114 = arith.constant 13 : i32
      %scan3A_115 = arith.addi %scan3A_113, %scan3A_114 : i32
      %scan3A_116 = arith.constant 1 : i32
      %scan3A_117 = scf.for %scan3A_199 = %scan3A_113 to %scan3A_115 step %scan3A_116 iter_args(%scan3A_200 = %scan3A_112) -> (i32)  : i32 {
        %mul3A_201 = arith.constant 4 : i32
        %mul3A_202 = arith.muli %scan3A_199, %mul3A_201 : i32
        %add3A_203 = arith.constant 0 : i32
        %add3A_204 = arith.addi %mul3A_202, %add3A_203 : i32
        %add3A_205 = arith.constant 1 : i32
        %add3A_206 = arith.addi %add3A_204, %add3A_205 : i32
        %dma_wait3A_207 = arith.constant 0 : i32
        %dma_wait3A_208 = arith.constant 0 : i32
        %dma_wait3A_209 = tpu.memref_slice %arg9[%dma_wait3A_207, %dma_wait3A_208] : memref<56x128xi32, #tpu.memory_space<vmem>> -> memref<1x128xi32, #tpu.memory_space<vmem>>
        %dma_wait3A_210 = tpu.memref_squeeze %dma_wait3A_209 : memref<1x128xi32, #tpu.memory_space<vmem>> -> memref<128xi32, #tpu.memory_space<vmem>>
        %dma_wait3A_211 = arith.constant 0 : i32
        %dma_wait3A_212 = arith.constant 0 : i32
        %dma_wait3A_213 = tpu.memref_slice %arg23[%dma_wait3A_211, %dma_wait3A_212] : memref<50048x32xf32, #tpu.memory_space<vmem_shared>> -> memref<50048x32xf32, #tpu.memory_space<vmem_shared>>
        tpu.wait_indirect_dma semaphore(%arg18 : memref<!tpu.dma_semaphore, #tpu.memory_space<semaphore_mem>>) src(%arg10 : memref<128x32xf32, #tpu.memory_space<vmem>>) dst(%dma_wait3A_213 : memref<50048x32xf32, #tpu.memory_space<vmem_shared>>)
        %add3A_214 = arith.constant 3 : i32
        %add3A_215 = arith.addi %add3A_206, %add3A_214 : i32
        %eq3A_216 = arith.constant 0 : i32
        %eq3A_217 = arith.cmpi eq, %arg0, %eq3A_216 : i32
        %convert_element_type3A_218 = arith.extui %eq3A_217 : i1 to i32
        %cond3A_219 = arith.constant 0 : i32
        %cond3A_220 = arith.cmpi ne, %convert_element_type3A_218, %cond3A_219 : i32
        scf.if %cond3A_220 {
          %dma_start3A_366 = arith.constant 0 : i32
          %dma_start3A_367 = tpu.memref_slice %arg8[%add3A_215, %dma_start3A_366] : memref<56x128xi32, #tpu.memory_space<vmem>> -> memref<1x128xi32, #tpu.memory_space<vmem>>
          %dma_start3A_368 = tpu.memref_squeeze %dma_start3A_367 : memref<1x128xi32, #tpu.memory_space<vmem>> -> memref<128xi32, #tpu.memory_space<vmem>>
          %dma_start3A_369 = arith.constant 0 : i32
          %dma_start3A_370 = arith.constant 0 : i32
          %dma_start3A_371 = tpu.memref_slice %arg2[%dma_start3A_369, %dma_start3A_370] : memref<50048x32xf32, #tpu.memory_space<hbm>> -> memref<50048x32xf32, #tpu.memory_space<hbm>>
          tpu.enqueue_indirect_dma source(%dma_start3A_371 : memref<50048x32xf32, #tpu.memory_space<hbm>>) target(%arg10 : memref<128x32xf32, #tpu.memory_space<vmem>>) offsets(%dma_start3A_368 : memref<128xi32, #tpu.memory_space<vmem>>) semaphore(%arg14 : memref<!tpu.dma_semaphore, #tpu.memory_space<semaphore_mem>>)
        } else {
        }
        %eq3A_221 = arith.constant 1 : i32
        %eq3A_222 = arith.cmpi eq, %arg0, %eq3A_221 : i32
        %convert_element_type3A_223 = arith.extui %eq3A_222 : i1 to i32
        %cond3A_224 = arith.constant 0 : i32
        %cond3A_225 = arith.cmpi ne, %convert_element_type3A_223, %cond3A_224 : i32
        scf.if %cond3A_225 {
          %dma_start3A_366 = arith.constant 0 : i32
          %dma_start3A_367 = tpu.memref_slice %arg8[%add3A_215, %dma_start3A_366] : memref<56x128xi32, #tpu.memory_space<vmem>> -> memref<1x128xi32, #tpu.memory_space<vmem>>
          %dma_start3A_368 = tpu.memref_squeeze %dma_start3A_367 : memref<1x128xi32, #tpu.memory_space<vmem>> -> memref<128xi32, #tpu.memory_space<vmem>>
          %dma_start3A_369 = arith.constant 0 : i32
          %dma_start3A_370 = arith.constant 0 : i32
          %dma_start3A_371 = tpu.memref_slice %arg3[%dma_start3A_369, %dma_start3A_370] : memref<50048x32xf32, #tpu.memory_space<hbm>> -> memref<50048x32xf32, #tpu.memory_space<hbm>>
          tpu.enqueue_indirect_dma source(%dma_start3A_371 : memref<50048x32xf32, #tpu.memory_space<hbm>>) target(%arg10 : memref<128x32xf32, #tpu.memory_space<vmem>>) offsets(%dma_start3A_368 : memref<128xi32, #tpu.memory_space<vmem>>) semaphore(%arg14 : memref<!tpu.dma_semaphore, #tpu.memory_space<semaphore_mem>>)
        } else {
        }
        %eq3A_226 = arith.constant 0 : i32
        %eq3A_227 = arith.cmpi eq, %arg0, %eq3A_226 : i32
        %convert_element_type3A_228 = arith.extui %eq3A_227 : i1 to i32
        %cond3A_229 = arith.constant 0 : i32
        %cond3A_230 = arith.cmpi ne, %convert_element_type3A_228, %cond3A_229 : i32
        scf.if %cond3A_230 {
          %dma_wait3A_366 = arith.constant 0 : i32
          %dma_wait3A_367 = arith.constant 0 : i32
          %dma_wait3A_368 = tpu.memref_slice %arg8[%dma_wait3A_366, %dma_wait3A_367] : memref<56x128xi32, #tpu.memory_space<vmem>> -> memref<1x128xi32, #tpu.memory_space<vmem>>
          %dma_wait3A_369 = tpu.memref_squeeze %dma_wait3A_368 : memref<1x128xi32, #tpu.memory_space<vmem>> -> memref<128xi32, #tpu.memory_space<vmem>>
          %dma_wait3A_370 = arith.constant 0 : i32
          %dma_wait3A_371 = arith.constant 0 : i32
          %dma_wait3A_372 = tpu.memref_slice %arg2[%dma_wait3A_370, %dma_wait3A_371] : memref<50048x32xf32, #tpu.memory_space<hbm>> -> memref<50048x32xf32, #tpu.memory_space<hbm>>
          tpu.wait_indirect_dma semaphore(%arg15 : memref<!tpu.dma_semaphore, #tpu.memory_space<semaphore_mem>>) src(%dma_wait3A_372 : memref<50048x32xf32, #tpu.memory_space<hbm>>) dst(%arg11 : memref<128x32xf32, #tpu.memory_space<vmem>>)
        } else {
        }
        %eq3A_231 = arith.constant 1 : i32
        %eq3A_232 = arith.cmpi eq, %arg0, %eq3A_231 : i32
        %convert_element_type3A_233 = arith.extui %eq3A_232 : i1 to i32
        %cond3A_234 = arith.constant 0 : i32
        %cond3A_235 = arith.cmpi ne, %convert_element_type3A_233, %cond3A_234 : i32
        scf.if %cond3A_235 {
          %dma_wait3A_366 = arith.constant 0 : i32
          %dma_wait3A_367 = arith.constant 0 : i32
          %dma_wait3A_368 = tpu.memref_slice %arg8[%dma_wait3A_366, %dma_wait3A_367] : memref<56x128xi32, #tpu.memory_space<vmem>> -> memref<1x128xi32, #tpu.memory_space<vmem>>
          %dma_wait3A_369 = tpu.memref_squeeze %dma_wait3A_368 : memref<1x128xi32, #tpu.memory_space<vmem>> -> memref<128xi32, #tpu.memory_space<vmem>>
          %dma_wait3A_370 = arith.constant 0 : i32
          %dma_wait3A_371 = arith.constant 0 : i32
          %dma_wait3A_372 = tpu.memref_slice %arg3[%dma_wait3A_370, %dma_wait3A_371] : memref<50048x32xf32, #tpu.memory_space<hbm>> -> memref<50048x32xf32, #tpu.memory_space<hbm>>
          tpu.wait_indirect_dma semaphore(%arg15 : memref<!tpu.dma_semaphore, #tpu.memory_space<semaphore_mem>>) src(%dma_wait3A_372 : memref<50048x32xf32, #tpu.memory_space<hbm>>) dst(%arg11 : memref<128x32xf32, #tpu.memory_space<vmem>>)
        } else {
        }
        %dma_start3A_236 = arith.constant 0 : i32
        %dma_start3A_237 = tpu.memref_slice %arg9[%add3A_206, %dma_start3A_236] : memref<56x128xi32, #tpu.memory_space<vmem>> -> memref<1x128xi32, #tpu.memory_space<vmem>>
        %dma_start3A_238 = tpu.memref_squeeze %dma_start3A_237 : memref<1x128xi32, #tpu.memory_space<vmem>> -> memref<128xi32, #tpu.memory_space<vmem>>
        %dma_start3A_239 = arith.constant 0 : i32
        %dma_start3A_240 = arith.constant 0 : i32
        %dma_start3A_241 = tpu.memref_slice %arg23[%dma_start3A_239, %dma_start3A_240] : memref<50048x32xf32, #tpu.memory_space<vmem_shared>> -> memref<50048x32xf32, #tpu.memory_space<vmem_shared>>
        tpu.enqueue_indirect_dma source(%arg11 : memref<128x32xf32, #tpu.memory_space<vmem>>) target(%dma_start3A_241 : memref<50048x32xf32, #tpu.memory_space<vmem_shared>>) offsets(%dma_start3A_238 : memref<128xi32, #tpu.memory_space<vmem>>) semaphore(%arg19 : memref<!tpu.dma_semaphore, #tpu.memory_space<semaphore_mem>>) {add = true}
        %mul3A_242 = arith.constant 4 : i32
        %mul3A_243 = arith.muli %scan3A_199, %mul3A_242 : i32
        %add3A_244 = arith.constant 1 : i32
        %add3A_245 = arith.addi %mul3A_243, %add3A_244 : i32
        %add3A_246 = arith.constant 1 : i32
        %add3A_247 = arith.addi %add3A_245, %add3A_246 : i32
        %dma_wait3A_248 = arith.constant 0 : i32
        %dma_wait3A_249 = arith.constant 0 : i32
        %dma_wait3A_250 = tpu.memref_slice %arg9[%dma_wait3A_248, %dma_wait3A_249] : memref<56x128xi32, #tpu.memory_space<vmem>> -> memref<1x128xi32, #tpu.memory_space<vmem>>
        %dma_wait3A_251 = tpu.memref_squeeze %dma_wait3A_250 : memref<1x128xi32, #tpu.memory_space<vmem>> -> memref<128xi32, #tpu.memory_space<vmem>>
        %dma_wait3A_252 = arith.constant 0 : i32
        %dma_wait3A_253 = arith.constant 0 : i32
        %dma_wait3A_254 = tpu.memref_slice %arg23[%dma_wait3A_252, %dma_wait3A_253] : memref<50048x32xf32, #tpu.memory_space<vmem_shared>> -> memref<50048x32xf32, #tpu.memory_space<vmem_shared>>
        tpu.wait_indirect_dma semaphore(%arg19 : memref<!tpu.dma_semaphore, #tpu.memory_space<semaphore_mem>>) src(%arg11 : memref<128x32xf32, #tpu.memory_space<vmem>>) dst(%dma_wait3A_254 : memref<50048x32xf32, #tpu.memory_space<vmem_shared>>)
        %add3A_255 = arith.constant 3 : i32
        %add3A_256 = arith.addi %add3A_247, %add3A_255 : i32
        %eq3A_257 = arith.constant 0 : i32
        %eq3A_258 = arith.cmpi eq, %arg0, %eq3A_257 : i32
        %convert_element_type3A_259 = arith.extui %eq3A_258 : i1 to i32
        %cond3A_260 = arith.constant 0 : i32
        %cond3A_261 = arith.cmpi ne, %convert_element_type3A_259, %cond3A_260 : i32
        scf.if %cond3A_261 {
          %dma_start3A_366 = arith.constant 0 : i32
          %dma_start3A_367 = tpu.memref_slice %arg8[%add3A_256, %dma_start3A_366] : memref<56x128xi32, #tpu.memory_space<vmem>> -> memref<1x128xi32, #tpu.memory_space<vmem>>
          %dma_start3A_368 = tpu.memref_squeeze %dma_start3A_367 : memref<1x128xi32, #tpu.memory_space<vmem>> -> memref<128xi32, #tpu.memory_space<vmem>>
          %dma_start3A_369 = arith.constant 0 : i32
          %dma_start3A_370 = arith.constant 0 : i32
          %dma_start3A_371 = tpu.memref_slice %arg2[%dma_start3A_369, %dma_start3A_370] : memref<50048x32xf32, #tpu.memory_space<hbm>> -> memref<50048x32xf32, #tpu.memory_space<hbm>>
          tpu.enqueue_indirect_dma source(%dma_start3A_371 : memref<50048x32xf32, #tpu.memory_space<hbm>>) target(%arg11 : memref<128x32xf32, #tpu.memory_space<vmem>>) offsets(%dma_start3A_368 : memref<128xi32, #tpu.memory_space<vmem>>) semaphore(%arg15 : memref<!tpu.dma_semaphore, #tpu.memory_space<semaphore_mem>>)
        } else {
        }
        %eq3A_262 = arith.constant 1 : i32
        %eq3A_263 = arith.cmpi eq, %arg0, %eq3A_262 : i32
        %convert_element_type3A_264 = arith.extui %eq3A_263 : i1 to i32
        %cond3A_265 = arith.constant 0 : i32
        %cond3A_266 = arith.cmpi ne, %convert_element_type3A_264, %cond3A_265 : i32
        scf.if %cond3A_266 {
          %dma_start3A_366 = arith.constant 0 : i32
          %dma_start3A_367 = tpu.memref_slice %arg8[%add3A_256, %dma_start3A_366] : memref<56x128xi32, #tpu.memory_space<vmem>> -> memref<1x128xi32, #tpu.memory_space<vmem>>
          %dma_start3A_368 = tpu.memref_squeeze %dma_start3A_367 : memref<1x128xi32, #tpu.memory_space<vmem>> -> memref<128xi32, #tpu.memory_space<vmem>>
          %dma_start3A_369 = arith.constant 0 : i32
          %dma_start3A_370 = arith.constant 0 : i32
          %dma_start3A_371 = tpu.memref_slice %arg3[%dma_start3A_369, %dma_start3A_370] : memref<50048x32xf32, #tpu.memory_space<hbm>> -> memref<50048x32xf32, #tpu.memory_space<hbm>>
          tpu.enqueue_indirect_dma source(%dma_start3A_371 : memref<50048x32xf32, #tpu.memory_space<hbm>>) target(%arg11 : memref<128x32xf32, #tpu.memory_space<vmem>>) offsets(%dma_start3A_368 : memref<128xi32, #tpu.memory_space<vmem>>) semaphore(%arg15 : memref<!tpu.dma_semaphore, #tpu.memory_space<semaphore_mem>>)
        } else {
        }
        %eq3A_267 = arith.constant 0 : i32
        %eq3A_268 = arith.cmpi eq, %arg0, %eq3A_267 : i32
        %convert_element_type3A_269 = arith.extui %eq3A_268 : i1 to i32
        %cond3A_270 = arith.constant 0 : i32
        %cond3A_271 = arith.cmpi ne, %convert_element_type3A_269, %cond3A_270 : i32
        scf.if %cond3A_271 {
          %dma_wait3A_366 = arith.constant 0 : i32
          %dma_wait3A_367 = arith.constant 0 : i32
          %dma_wait3A_368 = tpu.memref_slice %arg8[%dma_wait3A_366, %dma_wait3A_367] : memref<56x128xi32, #tpu.memory_space<vmem>> -> memref<1x128xi32, #tpu.memory_space<vmem>>
          %dma_wait3A_369 = tpu.memref_squeeze %dma_wait3A_368 : memref<1x128xi32, #tpu.memory_space<vmem>> -> memref<128xi32, #tpu.memory_space<vmem>>
          %dma_wait3A_370 = arith.constant 0 : i32
          %dma_wait3A_371 = arith.constant 0 : i32
          %dma_wait3A_372 = tpu.memref_slice %arg2[%dma_wait3A_370, %dma_wait3A_371] : memref<50048x32xf32, #tpu.memory_space<hbm>> -> memref<50048x32xf32, #tpu.memory_space<hbm>>
          tpu.wait_indirect_dma semaphore(%arg16 : memref<!tpu.dma_semaphore, #tpu.memory_space<semaphore_mem>>) src(%dma_wait3A_372 : memref<50048x32xf32, #tpu.memory_space<hbm>>) dst(%arg12 : memref<128x32xf32, #tpu.memory_space<vmem>>)
        } else {
        }
        %eq3A_272 = arith.constant 1 : i32
        %eq3A_273 = arith.cmpi eq, %arg0, %eq3A_272 : i32
        %convert_element_type3A_274 = arith.extui %eq3A_273 : i1 to i32
        %cond3A_275 = arith.constant 0 : i32
        %cond3A_276 = arith.cmpi ne, %convert_element_type3A_274, %cond3A_275 : i32
        scf.if %cond3A_276 {
          %dma_wait3A_366 = arith.constant 0 : i32
          %dma_wait3A_367 = arith.constant 0 : i32
          %dma_wait3A_368 = tpu.memref_slice %arg8[%dma_wait3A_366, %dma_wait3A_367] : memref<56x128xi32, #tpu.memory_space<vmem>> -> memref<1x128xi32, #tpu.memory_space<vmem>>
          %dma_wait3A_369 = tpu.memref_squeeze %dma_wait3A_368 : memref<1x128xi32, #tpu.memory_space<vmem>> -> memref<128xi32, #tpu.memory_space<vmem>>
          %dma_wait3A_370 = arith.constant 0 : i32
          %dma_wait3A_371 = arith.constant 0 : i32
          %dma_wait3A_372 = tpu.memref_slice %arg3[%dma_wait3A_370, %dma_wait3A_371] : memref<50048x32xf32, #tpu.memory_space<hbm>> -> memref<50048x32xf32, #tpu.memory_space<hbm>>
          tpu.wait_indirect_dma semaphore(%arg16 : memref<!tpu.dma_semaphore, #tpu.memory_space<semaphore_mem>>) src(%dma_wait3A_372 : memref<50048x32xf32, #tpu.memory_space<hbm>>) dst(%arg12 : memref<128x32xf32, #tpu.memory_space<vmem>>)
        } else {
        }
        %dma_start3A_277 = arith.constant 0 : i32
        %dma_start3A_278 = tpu.memref_slice %arg9[%add3A_247, %dma_start3A_277] : memref<56x128xi32, #tpu.memory_space<vmem>> -> memref<1x128xi32, #tpu.memory_space<vmem>>
        %dma_start3A_279 = tpu.memref_squeeze %dma_start3A_278 : memref<1x128xi32, #tpu.memory_space<vmem>> -> memref<128xi32, #tpu.memory_space<vmem>>
        %dma_start3A_280 = arith.constant 0 : i32
        %dma_start3A_281 = arith.constant 0 : i32
        %dma_start3A_282 = tpu.memref_slice %arg23[%dma_start3A_280, %dma_start3A_281] : memref<50048x32xf32, #tpu.memory_space<vmem_shared>> -> memref<50048x32xf32, #tpu.memory_space<vmem_shared>>
        tpu.enqueue_indirect_dma source(%arg12 : memref<128x32xf32, #tpu.memory_space<vmem>>) target(%dma_start3A_282 : memref<50048x32xf32, #tpu.memory_space<vmem_shared>>) offsets(%dma_start3A_279 : memref<128xi32, #tpu.memory_space<vmem>>) semaphore(%arg20 : memref<!tpu.dma_semaphore, #tpu.memory_space<semaphore_mem>>) {add = true}
        %mul3A_283 = arith.constant 4 : i32
        %mul3A_284 = arith.muli %scan3A_199, %mul3A_283 : i32
        %add3A_285 = arith.constant 2 : i32
        %add3A_286 = arith.addi %mul3A_284, %add3A_285 : i32
        %add3A_287 = arith.constant 1 : i32
        %add3A_288 = arith.addi %add3A_286, %add3A_287 : i32
        %dma_wait3A_289 = arith.constant 0 : i32
        %dma_wait3A_290 = arith.constant 0 : i32
        %dma_wait3A_291 = tpu.memref_slice %arg9[%dma_wait3A_289, %dma_wait3A_290] : memref<56x128xi32, #tpu.memory_space<vmem>> -> memref<1x128xi32, #tpu.memory_space<vmem>>
        %dma_wait3A_292 = tpu.memref_squeeze %dma_wait3A_291 : memref<1x128xi32, #tpu.memory_space<vmem>> -> memref<128xi32, #tpu.memory_space<vmem>>
        %dma_wait3A_293 = arith.constant 0 : i32
        %dma_wait3A_294 = arith.constant 0 : i32
        %dma_wait3A_295 = tpu.memref_slice %arg23[%dma_wait3A_293, %dma_wait3A_294] : memref<50048x32xf32, #tpu.memory_space<vmem_shared>> -> memref<50048x32xf32, #tpu.memory_space<vmem_shared>>
        tpu.wait_indirect_dma semaphore(%arg20 : memref<!tpu.dma_semaphore, #tpu.memory_space<semaphore_mem>>) src(%arg12 : memref<128x32xf32, #tpu.memory_space<vmem>>) dst(%dma_wait3A_295 : memref<50048x32xf32, #tpu.memory_space<vmem_shared>>)
        %add3A_296 = arith.constant 3 : i32
        %add3A_297 = arith.addi %add3A_288, %add3A_296 : i32
        %eq3A_298 = arith.constant 0 : i32
        %eq3A_299 = arith.cmpi eq, %arg0, %eq3A_298 : i32
        %convert_element_type3A_300 = arith.extui %eq3A_299 : i1 to i32
        %cond3A_301 = arith.constant 0 : i32
        %cond3A_302 = arith.cmpi ne, %convert_element_type3A_300, %cond3A_301 : i32
        scf.if %cond3A_302 {
          %dma_start3A_366 = arith.constant 0 : i32
          %dma_start3A_367 = tpu.memref_slice %arg8[%add3A_297, %dma_start3A_366] : memref<56x128xi32, #tpu.memory_space<vmem>> -> memref<1x128xi32, #tpu.memory_space<vmem>>
          %dma_start3A_368 = tpu.memref_squeeze %dma_start3A_367 : memref<1x128xi32, #tpu.memory_space<vmem>> -> memref<128xi32, #tpu.memory_space<vmem>>
          %dma_start3A_369 = arith.constant 0 : i32
          %dma_start3A_370 = arith.constant 0 : i32
          %dma_start3A_371 = tpu.memref_slice %arg2[%dma_start3A_369, %dma_start3A_370] : memref<50048x32xf32, #tpu.memory_space<hbm>> -> memref<50048x32xf32, #tpu.memory_space<hbm>>
          tpu.enqueue_indirect_dma source(%dma_start3A_371 : memref<50048x32xf32, #tpu.memory_space<hbm>>) target(%arg12 : memref<128x32xf32, #tpu.memory_space<vmem>>) offsets(%dma_start3A_368 : memref<128xi32, #tpu.memory_space<vmem>>) semaphore(%arg16 : memref<!tpu.dma_semaphore, #tpu.memory_space<semaphore_mem>>)
        } else {
        }
        %eq3A_303 = arith.constant 1 : i32
        %eq3A_304 = arith.cmpi eq, %arg0, %eq3A_303 : i32
        %convert_element_type3A_305 = arith.extui %eq3A_304 : i1 to i32
        %cond3A_306 = arith.constant 0 : i32
        %cond3A_307 = arith.cmpi ne, %convert_element_type3A_305, %cond3A_306 : i32
        scf.if %cond3A_307 {
          %dma_start3A_366 = arith.constant 0 : i32
          %dma_start3A_367 = tpu.memref_slice %arg8[%add3A_297, %dma_start3A_366] : memref<56x128xi32, #tpu.memory_space<vmem>> -> memref<1x128xi32, #tpu.memory_space<vmem>>
          %dma_start3A_368 = tpu.memref_squeeze %dma_start3A_367 : memref<1x128xi32, #tpu.memory_space<vmem>> -> memref<128xi32, #tpu.memory_space<vmem>>
          %dma_start3A_369 = arith.constant 0 : i32
          %dma_start3A_370 = arith.constant 0 : i32
          %dma_start3A_371 = tpu.memref_slice %arg3[%dma_start3A_369, %dma_start3A_370] : memref<50048x32xf32, #tpu.memory_space<hbm>> -> memref<50048x32xf32, #tpu.memory_space<hbm>>
          tpu.enqueue_indirect_dma source(%dma_start3A_371 : memref<50048x32xf32, #tpu.memory_space<hbm>>) target(%arg12 : memref<128x32xf32, #tpu.memory_space<vmem>>) offsets(%dma_start3A_368 : memref<128xi32, #tpu.memory_space<vmem>>) semaphore(%arg16 : memref<!tpu.dma_semaphore, #tpu.memory_space<semaphore_mem>>)
        } else {
        }
        %eq3A_308 = arith.constant 0 : i32
        %eq3A_309 = arith.cmpi eq, %arg0, %eq3A_308 : i32
        %convert_element_type3A_310 = arith.extui %eq3A_309 : i1 to i32
        %cond3A_311 = arith.constant 0 : i32
        %cond3A_312 = arith.cmpi ne, %convert_element_type3A_310, %cond3A_311 : i32
        scf.if %cond3A_312 {
          %dma_wait3A_366 = arith.constant 0 : i32
          %dma_wait3A_367 = arith.constant 0 : i32
          %dma_wait3A_368 = tpu.memref_slice %arg8[%dma_wait3A_366, %dma_wait3A_367] : memref<56x128xi32, #tpu.memory_space<vmem>> -> memref<1x128xi32, #tpu.memory_space<vmem>>
          %dma_wait3A_369 = tpu.memref_squeeze %dma_wait3A_368 : memref<1x128xi32, #tpu.memory_space<vmem>> -> memref<128xi32, #tpu.memory_space<vmem>>
          %dma_wait3A_370 = arith.constant 0 : i32
          %dma_wait3A_371 = arith.constant 0 : i32
          %dma_wait3A_372 = tpu.memref_slice %arg2[%dma_wait3A_370, %dma_wait3A_371] : memref<50048x32xf32, #tpu.memory_space<hbm>> -> memref<50048x32xf32, #tpu.memory_space<hbm>>
          tpu.wait_indirect_dma semaphore(%arg17 : memref<!tpu.dma_semaphore, #tpu.memory_space<semaphore_mem>>) src(%dma_wait3A_372 : memref<50048x32xf32, #tpu.memory_space<hbm>>) dst(%arg13 : memref<128x32xf32, #tpu.memory_space<vmem>>)
        } else {
        }
        %eq3A_313 = arith.constant 1 : i32
        %eq3A_314 = arith.cmpi eq, %arg0, %eq3A_313 : i32
        %convert_element_type3A_315 = arith.extui %eq3A_314 : i1 to i32
        %cond3A_316 = arith.constant 0 : i32
        %cond3A_317 = arith.cmpi ne, %convert_element_type3A_315, %cond3A_316 : i32
        scf.if %cond3A_317 {
          %dma_wait3A_366 = arith.constant 0 : i32
          %dma_wait3A_367 = arith.constant 0 : i32
          %dma_wait3A_368 = tpu.memref_slice %arg8[%dma_wait3A_366, %dma_wait3A_367] : memref<56x128xi32, #tpu.memory_space<vmem>> -> memref<1x128xi32, #tpu.memory_space<vmem>>
          %dma_wait3A_369 = tpu.memref_squeeze %dma_wait3A_368 : memref<1x128xi32, #tpu.memory_space<vmem>> -> memref<128xi32, #tpu.memory_space<vmem>>
          %dma_wait3A_370 = arith.constant 0 : i32
          %dma_wait3A_371 = arith.constant 0 : i32
          %dma_wait3A_372 = tpu.memref_slice %arg3[%dma_wait3A_370, %dma_wait3A_371] : memref<50048x32xf32, #tpu.memory_space<hbm>> -> memref<50048x32xf32, #tpu.memory_space<hbm>>
          tpu.wait_indirect_dma semaphore(%arg17 : memref<!tpu.dma_semaphore, #tpu.memory_space<semaphore_mem>>) src(%dma_wait3A_372 : memref<50048x32xf32, #tpu.memory_space<hbm>>) dst(%arg13 : memref<128x32xf32, #tpu.memory_space<vmem>>)
        } else {
        }
        %dma_start3A_318 = arith.constant 0 : i32
        %dma_start3A_319 = tpu.memref_slice %arg9[%add3A_288, %dma_start3A_318] : memref<56x128xi32, #tpu.memory_space<vmem>> -> memref<1x128xi32, #tpu.memory_space<vmem>>
        %dma_start3A_320 = tpu.memref_squeeze %dma_start3A_319 : memref<1x128xi32, #tpu.memory_space<vmem>> -> memref<128xi32, #tpu.memory_space<vmem>>
        %dma_start3A_321 = arith.constant 0 : i32
        %dma_start3A_322 = arith.constant 0 : i32
        %dma_start3A_323 = tpu.memref_slice %arg23[%dma_start3A_321, %dma_start3A_322] : memref<50048x32xf32, #tpu.memory_space<vmem_shared>> -> memref<50048x32xf32, #tpu.memory_space<vmem_shared>>
        tpu.enqueue_indirect_dma source(%arg13 : memref<128x32xf32, #tpu.memory_space<vmem>>) target(%dma_start3A_323 : memref<50048x32xf32, #tpu.memory_space<vmem_shared>>) offsets(%dma_start3A_320 : memref<128xi32, #tpu.memory_space<vmem>>) semaphore(%arg21 : memref<!tpu.dma_semaphore, #tpu.memory_space<semaphore_mem>>) {add = true}
        %mul3A_324 = arith.constant 4 : i32
        %mul3A_325 = arith.muli %scan3A_199, %mul3A_324 : i32
        %add3A_326 = arith.constant 3 : i32
        %add3A_327 = arith.addi %mul3A_325, %add3A_326 : i32
        %add3A_328 = arith.constant 1 : i32
        %add3A_329 = arith.addi %add3A_327, %add3A_328 : i32
        %dma_wait3A_330 = arith.constant 0 : i32
        %dma_wait3A_331 = arith.constant 0 : i32
        %dma_wait3A_332 = tpu.memref_slice %arg9[%dma_wait3A_330, %dma_wait3A_331] : memref<56x128xi32, #tpu.memory_space<vmem>> -> memref<1x128xi32, #tpu.memory_space<vmem>>
        %dma_wait3A_333 = tpu.memref_squeeze %dma_wait3A_332 : memref<1x128xi32, #tpu.memory_space<vmem>> -> memref<128xi32, #tpu.memory_space<vmem>>
        %dma_wait3A_334 = arith.constant 0 : i32
        %dma_wait3A_335 = arith.constant 0 : i32
        %dma_wait3A_336 = tpu.memref_slice %arg23[%dma_wait3A_334, %dma_wait3A_335] : memref<50048x32xf32, #tpu.memory_space<vmem_shared>> -> memref<50048x32xf32, #tpu.memory_space<vmem_shared>>
        tpu.wait_indirect_dma semaphore(%arg21 : memref<!tpu.dma_semaphore, #tpu.memory_space<semaphore_mem>>) src(%arg13 : memref<128x32xf32, #tpu.memory_space<vmem>>) dst(%dma_wait3A_336 : memref<50048x32xf32, #tpu.memory_space<vmem_shared>>)
        %add3A_337 = arith.constant 3 : i32
        %add3A_338 = arith.addi %add3A_329, %add3A_337 : i32
        %eq3A_339 = arith.constant 0 : i32
        %eq3A_340 = arith.cmpi eq, %arg0, %eq3A_339 : i32
        %convert_element_type3A_341 = arith.extui %eq3A_340 : i1 to i32
        %cond3A_342 = arith.constant 0 : i32
        %cond3A_343 = arith.cmpi ne, %convert_element_type3A_341, %cond3A_342 : i32
        scf.if %cond3A_343 {
          %dma_start3A_366 = arith.constant 0 : i32
          %dma_start3A_367 = tpu.memref_slice %arg8[%add3A_338, %dma_start3A_366] : memref<56x128xi32, #tpu.memory_space<vmem>> -> memref<1x128xi32, #tpu.memory_space<vmem>>
          %dma_start3A_368 = tpu.memref_squeeze %dma_start3A_367 : memref<1x128xi32, #tpu.memory_space<vmem>> -> memref<128xi32, #tpu.memory_space<vmem>>
          %dma_start3A_369 = arith.constant 0 : i32
          %dma_start3A_370 = arith.constant 0 : i32
          %dma_start3A_371 = tpu.memref_slice %arg2[%dma_start3A_369, %dma_start3A_370] : memref<50048x32xf32, #tpu.memory_space<hbm>> -> memref<50048x32xf32, #tpu.memory_space<hbm>>
          tpu.enqueue_indirect_dma source(%dma_start3A_371 : memref<50048x32xf32, #tpu.memory_space<hbm>>) target(%arg13 : memref<128x32xf32, #tpu.memory_space<vmem>>) offsets(%dma_start3A_368 : memref<128xi32, #tpu.memory_space<vmem>>) semaphore(%arg17 : memref<!tpu.dma_semaphore, #tpu.memory_space<semaphore_mem>>)
        } else {
        }
        %eq3A_344 = arith.constant 1 : i32
        %eq3A_345 = arith.cmpi eq, %arg0, %eq3A_344 : i32
        %convert_element_type3A_346 = arith.extui %eq3A_345 : i1 to i32
        %cond3A_347 = arith.constant 0 : i32
        %cond3A_348 = arith.cmpi ne, %convert_element_type3A_346, %cond3A_347 : i32
        scf.if %cond3A_348 {
          %dma_start3A_366 = arith.constant 0 : i32
          %dma_start3A_367 = tpu.memref_slice %arg8[%add3A_338, %dma_start3A_366] : memref<56x128xi32, #tpu.memory_space<vmem>> -> memref<1x128xi32, #tpu.memory_space<vmem>>
          %dma_start3A_368 = tpu.memref_squeeze %dma_start3A_367 : memref<1x128xi32, #tpu.memory_space<vmem>> -> memref<128xi32, #tpu.memory_space<vmem>>
          %dma_start3A_369 = arith.constant 0 : i32
          %dma_start3A_370 = arith.constant 0 : i32
          %dma_start3A_371 = tpu.memref_slice %arg3[%dma_start3A_369, %dma_start3A_370] : memref<50048x32xf32, #tpu.memory_space<hbm>> -> memref<50048x32xf32, #tpu.memory_space<hbm>>
          tpu.enqueue_indirect_dma source(%dma_start3A_371 : memref<50048x32xf32, #tpu.memory_space<hbm>>) target(%arg13 : memref<128x32xf32, #tpu.memory_space<vmem>>) offsets(%dma_start3A_368 : memref<128xi32, #tpu.memory_space<vmem>>) semaphore(%arg17 : memref<!tpu.dma_semaphore, #tpu.memory_space<semaphore_mem>>)
        } else {
        }
        %eq3A_349 = arith.constant 0 : i32
        %eq3A_350 = arith.cmpi eq, %arg0, %eq3A_349 : i32
        %convert_element_type3A_351 = arith.extui %eq3A_350 : i1 to i32
        %cond3A_352 = arith.constant 0 : i32
        %cond3A_353 = arith.cmpi ne, %convert_element_type3A_351, %cond3A_352 : i32
        scf.if %cond3A_353 {
          %dma_wait3A_366 = arith.constant 0 : i32
          %dma_wait3A_367 = arith.constant 0 : i32
          %dma_wait3A_368 = tpu.memref_slice %arg8[%dma_wait3A_366, %dma_wait3A_367] : memref<56x128xi32, #tpu.memory_space<vmem>> -> memref<1x128xi32, #tpu.memory_space<vmem>>
          %dma_wait3A_369 = tpu.memref_squeeze %dma_wait3A_368 : memref<1x128xi32, #tpu.memory_space<vmem>> -> memref<128xi32, #tpu.memory_space<vmem>>
          %dma_wait3A_370 = arith.constant 0 : i32
          %dma_wait3A_371 = arith.constant 0 : i32
          %dma_wait3A_372 = tpu.memref_slice %arg2[%dma_wait3A_370, %dma_wait3A_371] : memref<50048x32xf32, #tpu.memory_space<hbm>> -> memref<50048x32xf32, #tpu.memory_space<hbm>>
          tpu.wait_indirect_dma semaphore(%arg14 : memref<!tpu.dma_semaphore, #tpu.memory_space<semaphore_mem>>) src(%dma_wait3A_372 : memref<50048x32xf32, #tpu.memory_space<hbm>>) dst(%arg10 : memref<128x32xf32, #tpu.memory_space<vmem>>)
        } else {
        }
        %eq3A_354 = arith.constant 1 : i32
        %eq3A_355 = arith.cmpi eq, %arg0, %eq3A_354 : i32
        %convert_element_type3A_356 = arith.extui %eq3A_355 : i1 to i32
        %cond3A_357 = arith.constant 0 : i32
        %cond3A_358 = arith.cmpi ne, %convert_element_type3A_356, %cond3A_357 : i32
        scf.if %cond3A_358 {
          %dma_wait3A_366 = arith.constant 0 : i32
          %dma_wait3A_367 = arith.constant 0 : i32
          %dma_wait3A_368 = tpu.memref_slice %arg8[%dma_wait3A_366, %dma_wait3A_367] : memref<56x128xi32, #tpu.memory_space<vmem>> -> memref<1x128xi32, #tpu.memory_space<vmem>>
          %dma_wait3A_369 = tpu.memref_squeeze %dma_wait3A_368 : memref<1x128xi32, #tpu.memory_space<vmem>> -> memref<128xi32, #tpu.memory_space<vmem>>
          %dma_wait3A_370 = arith.constant 0 : i32
          %dma_wait3A_371 = arith.constant 0 : i32
          %dma_wait3A_372 = tpu.memref_slice %arg3[%dma_wait3A_370, %dma_wait3A_371] : memref<50048x32xf32, #tpu.memory_space<hbm>> -> memref<50048x32xf32, #tpu.memory_space<hbm>>
          tpu.wait_indirect_dma semaphore(%arg14 : memref<!tpu.dma_semaphore, #tpu.memory_space<semaphore_mem>>) src(%dma_wait3A_372 : memref<50048x32xf32, #tpu.memory_space<hbm>>) dst(%arg10 : memref<128x32xf32, #tpu.memory_space<vmem>>)
        } else {
        }
        %dma_start3A_359 = arith.constant 0 : i32
        %dma_start3A_360 = tpu.memref_slice %arg9[%add3A_329, %dma_start3A_359] : memref<56x128xi32, #tpu.memory_space<vmem>> -> memref<1x128xi32, #tpu.memory_space<vmem>>
        %dma_start3A_361 = tpu.memref_squeeze %dma_start3A_360 : memref<1x128xi32, #tpu.memory_space<vmem>> -> memref<128xi32, #tpu.memory_space<vmem>>
        %dma_start3A_362 = arith.constant 0 : i32
        %dma_start3A_363 = arith.constant 0 : i32
        %dma_start3A_364 = tpu.memref_slice %arg23[%dma_start3A_362, %dma_start3A_363] : memref<50048x32xf32, #tpu.memory_space<vmem_shared>> -> memref<50048x32xf32, #tpu.memory_space<vmem_shared>>
        tpu.enqueue_indirect_dma source(%arg10 : memref<128x32xf32, #tpu.memory_space<vmem>>) target(%dma_start3A_364 : memref<50048x32xf32, #tpu.memory_space<vmem_shared>>) offsets(%dma_start3A_361 : memref<128xi32, #tpu.memory_space<vmem>>) semaphore(%arg18 : memref<!tpu.dma_semaphore, #tpu.memory_space<semaphore_mem>>) {add = true}
        %scan3A_365 = arith.constant 0 : i32
        scf.yield %scan3A_365 : i32
      }
      %scan3A_118 = arith.constant 13 : i32
      %dma_wait3A_119 = arith.constant 0 : i32
      %dma_wait3A_120 = arith.constant 0 : i32
      %dma_wait3A_121 = tpu.memref_slice %arg9[%dma_wait3A_119, %dma_wait3A_120] : memref<56x128xi32, #tpu.memory_space<vmem>> -> memref<1x128xi32, #tpu.memory_space<vmem>>
      %dma_wait3A_122 = tpu.memref_squeeze %dma_wait3A_121 : memref<1x128xi32, #tpu.memory_space<vmem>> -> memref<128xi32, #tpu.memory_space<vmem>>
      %dma_wait3A_123 = arith.constant 0 : i32
      %dma_wait3A_124 = arith.constant 0 : i32
      %dma_wait3A_125 = tpu.memref_slice %arg23[%dma_wait3A_123, %dma_wait3A_124] : memref<50048x32xf32, #tpu.memory_space<vmem_shared>> -> memref<50048x32xf32, #tpu.memory_space<vmem_shared>>
      tpu.wait_indirect_dma semaphore(%arg18 : memref<!tpu.dma_semaphore, #tpu.memory_space<semaphore_mem>>) src(%arg10 : memref<128x32xf32, #tpu.memory_space<vmem>>) dst(%dma_wait3A_125 : memref<50048x32xf32, #tpu.memory_space<vmem_shared>>)
      %eq3A_126 = arith.constant 0 : i32
      %eq3A_127 = arith.cmpi eq, %arg0, %eq3A_126 : i32
      %convert_element_type3A_128 = arith.extui %eq3A_127 : i1 to i32
      %cond3A_129 = arith.constant 0 : i32
      %cond3A_130 = arith.cmpi ne, %convert_element_type3A_128, %cond3A_129 : i32
      scf.if %cond3A_130 {
        %dma_wait3A_199 = arith.constant 0 : i32
        %dma_wait3A_200 = arith.constant 0 : i32
        %dma_wait3A_201 = tpu.memref_slice %arg8[%dma_wait3A_199, %dma_wait3A_200] : memref<56x128xi32, #tpu.memory_space<vmem>> -> memref<1x128xi32, #tpu.memory_space<vmem>>
        %dma_wait3A_202 = tpu.memref_squeeze %dma_wait3A_201 : memref<1x128xi32, #tpu.memory_space<vmem>> -> memref<128xi32, #tpu.memory_space<vmem>>
        %dma_wait3A_203 = arith.constant 0 : i32
        %dma_wait3A_204 = arith.constant 0 : i32
        %dma_wait3A_205 = tpu.memref_slice %arg2[%dma_wait3A_203, %dma_wait3A_204] : memref<50048x32xf32, #tpu.memory_space<hbm>> -> memref<50048x32xf32, #tpu.memory_space<hbm>>
        tpu.wait_indirect_dma semaphore(%arg15 : memref<!tpu.dma_semaphore, #tpu.memory_space<semaphore_mem>>) src(%dma_wait3A_205 : memref<50048x32xf32, #tpu.memory_space<hbm>>) dst(%arg11 : memref<128x32xf32, #tpu.memory_space<vmem>>)
      } else {
      }
      %eq3A_131 = arith.constant 1 : i32
      %eq3A_132 = arith.cmpi eq, %arg0, %eq3A_131 : i32
      %convert_element_type3A_133 = arith.extui %eq3A_132 : i1 to i32
      %cond3A_134 = arith.constant 0 : i32
      %cond3A_135 = arith.cmpi ne, %convert_element_type3A_133, %cond3A_134 : i32
      scf.if %cond3A_135 {
        %dma_wait3A_199 = arith.constant 0 : i32
        %dma_wait3A_200 = arith.constant 0 : i32
        %dma_wait3A_201 = tpu.memref_slice %arg8[%dma_wait3A_199, %dma_wait3A_200] : memref<56x128xi32, #tpu.memory_space<vmem>> -> memref<1x128xi32, #tpu.memory_space<vmem>>
        %dma_wait3A_202 = tpu.memref_squeeze %dma_wait3A_201 : memref<1x128xi32, #tpu.memory_space<vmem>> -> memref<128xi32, #tpu.memory_space<vmem>>
        %dma_wait3A_203 = arith.constant 0 : i32
        %dma_wait3A_204 = arith.constant 0 : i32
        %dma_wait3A_205 = tpu.memref_slice %arg3[%dma_wait3A_203, %dma_wait3A_204] : memref<50048x32xf32, #tpu.memory_space<hbm>> -> memref<50048x32xf32, #tpu.memory_space<hbm>>
        tpu.wait_indirect_dma semaphore(%arg15 : memref<!tpu.dma_semaphore, #tpu.memory_space<semaphore_mem>>) src(%dma_wait3A_205 : memref<50048x32xf32, #tpu.memory_space<hbm>>) dst(%arg11 : memref<128x32xf32, #tpu.memory_space<vmem>>)
      } else {
      }
      %dma_start3A_136 = arith.constant 53 : i32
      %dma_start3A_137 = arith.constant 0 : i32
      %dma_start3A_138 = tpu.memref_slice %arg9[%dma_start3A_136, %dma_start3A_137] : memref<56x128xi32, #tpu.memory_space<vmem>> -> memref<1x128xi32, #tpu.memory_space<vmem>>
      %dma_start3A_139 = tpu.memref_squeeze %dma_start3A_138 : memref<1x128xi32, #tpu.memory_space<vmem>> -> memref<128xi32, #tpu.memory_space<vmem>>
      %dma_start3A_140 = arith.constant 0 : i32
      %dma_start3A_141 = arith.constant 0 : i32
      %dma_start3A_142 = tpu.memref_slice %arg23[%dma_start3A_140, %dma_start3A_141] : memref<50048x32xf32, #tpu.memory_space<vmem_shared>> -> memref<50048x32xf32, #tpu.memory_space<vmem_shared>>
      tpu.enqueue_indirect_dma source(%arg11 : memref<128x32xf32, #tpu.memory_space<vmem>>) target(%dma_start3A_142 : memref<50048x32xf32, #tpu.memory_space<vmem_shared>>) offsets(%dma_start3A_139 : memref<128xi32, #tpu.memory_space<vmem>>) semaphore(%arg19 : memref<!tpu.dma_semaphore, #tpu.memory_space<semaphore_mem>>) {add = true}
      %dma_wait3A_143 = arith.constant 0 : i32
      %dma_wait3A_144 = arith.constant 0 : i32
      %dma_wait3A_145 = tpu.memref_slice %arg9[%dma_wait3A_143, %dma_wait3A_144] : memref<56x128xi32, #tpu.memory_space<vmem>> -> memref<1x128xi32, #tpu.memory_space<vmem>>
      %dma_wait3A_146 = tpu.memref_squeeze %dma_wait3A_145 : memref<1x128xi32, #tpu.memory_space<vmem>> -> memref<128xi32, #tpu.memory_space<vmem>>
      %dma_wait3A_147 = arith.constant 0 : i32
      %dma_wait3A_148 = arith.constant 0 : i32
      %dma_wait3A_149 = tpu.memref_slice %arg23[%dma_wait3A_147, %dma_wait3A_148] : memref<50048x32xf32, #tpu.memory_space<vmem_shared>> -> memref<50048x32xf32, #tpu.memory_space<vmem_shared>>
      tpu.wait_indirect_dma semaphore(%arg19 : memref<!tpu.dma_semaphore, #tpu.memory_space<semaphore_mem>>) src(%arg11 : memref<128x32xf32, #tpu.memory_space<vmem>>) dst(%dma_wait3A_149 : memref<50048x32xf32, #tpu.memory_space<vmem_shared>>)
      %eq3A_150 = arith.constant 0 : i32
      %eq3A_151 = arith.cmpi eq, %arg0, %eq3A_150 : i32
      %convert_element_type3A_152 = arith.extui %eq3A_151 : i1 to i32
      %cond3A_153 = arith.constant 0 : i32
      %cond3A_154 = arith.cmpi ne, %convert_element_type3A_152, %cond3A_153 : i32
      scf.if %cond3A_154 {
        %dma_wait3A_199 = arith.constant 0 : i32
        %dma_wait3A_200 = arith.constant 0 : i32
        %dma_wait3A_201 = tpu.memref_slice %arg8[%dma_wait3A_199, %dma_wait3A_200] : memref<56x128xi32, #tpu.memory_space<vmem>> -> memref<1x128xi32, #tpu.memory_space<vmem>>
        %dma_wait3A_202 = tpu.memref_squeeze %dma_wait3A_201 : memref<1x128xi32, #tpu.memory_space<vmem>> -> memref<128xi32, #tpu.memory_space<vmem>>
        %dma_wait3A_203 = arith.constant 0 : i32
        %dma_wait3A_204 = arith.constant 0 : i32
        %dma_wait3A_205 = tpu.memref_slice %arg2[%dma_wait3A_203, %dma_wait3A_204] : memref<50048x32xf32, #tpu.memory_space<hbm>> -> memref<50048x32xf32, #tpu.memory_space<hbm>>
        tpu.wait_indirect_dma semaphore(%arg16 : memref<!tpu.dma_semaphore, #tpu.memory_space<semaphore_mem>>) src(%dma_wait3A_205 : memref<50048x32xf32, #tpu.memory_space<hbm>>) dst(%arg12 : memref<128x32xf32, #tpu.memory_space<vmem>>)
      } else {
      }
      %eq3A_155 = arith.constant 1 : i32
      %eq3A_156 = arith.cmpi eq, %arg0, %eq3A_155 : i32
      %convert_element_type3A_157 = arith.extui %eq3A_156 : i1 to i32
      %cond3A_158 = arith.constant 0 : i32
      %cond3A_159 = arith.cmpi ne, %convert_element_type3A_157, %cond3A_158 : i32
      scf.if %cond3A_159 {
        %dma_wait3A_199 = arith.constant 0 : i32
        %dma_wait3A_200 = arith.constant 0 : i32
        %dma_wait3A_201 = tpu.memref_slice %arg8[%dma_wait3A_199, %dma_wait3A_200] : memref<56x128xi32, #tpu.memory_space<vmem>> -> memref<1x128xi32, #tpu.memory_space<vmem>>
        %dma_wait3A_202 = tpu.memref_squeeze %dma_wait3A_201 : memref<1x128xi32, #tpu.memory_space<vmem>> -> memref<128xi32, #tpu.memory_space<vmem>>
        %dma_wait3A_203 = arith.constant 0 : i32
        %dma_wait3A_204 = arith.constant 0 : i32
        %dma_wait3A_205 = tpu.memref_slice %arg3[%dma_wait3A_203, %dma_wait3A_204] : memref<50048x32xf32, #tpu.memory_space<hbm>> -> memref<50048x32xf32, #tpu.memory_space<hbm>>
        tpu.wait_indirect_dma semaphore(%arg16 : memref<!tpu.dma_semaphore, #tpu.memory_space<semaphore_mem>>) src(%dma_wait3A_205 : memref<50048x32xf32, #tpu.memory_space<hbm>>) dst(%arg12 : memref<128x32xf32, #tpu.memory_space<vmem>>)
      } else {
      }
      %dma_start3A_160 = arith.constant 54 : i32
      %dma_start3A_161 = arith.constant 0 : i32
      %dma_start3A_162 = tpu.memref_slice %arg9[%dma_start3A_160, %dma_start3A_161] : memref<56x128xi32, #tpu.memory_space<vmem>> -> memref<1x128xi32, #tpu.memory_space<vmem>>
      %dma_start3A_163 = tpu.memref_squeeze %dma_start3A_162 : memref<1x128xi32, #tpu.memory_space<vmem>> -> memref<128xi32, #tpu.memory_space<vmem>>
      %dma_start3A_164 = arith.constant 0 : i32
      %dma_start3A_165 = arith.constant 0 : i32
      %dma_start3A_166 = tpu.memref_slice %arg23[%dma_start3A_164, %dma_start3A_165] : memref<50048x32xf32, #tpu.memory_space<vmem_shared>> -> memref<50048x32xf32, #tpu.memory_space<vmem_shared>>
      tpu.enqueue_indirect_dma source(%arg12 : memref<128x32xf32, #tpu.memory_space<vmem>>) target(%dma_start3A_166 : memref<50048x32xf32, #tpu.memory_space<vmem_shared>>) offsets(%dma_start3A_163 : memref<128xi32, #tpu.memory_space<vmem>>) semaphore(%arg20 : memref<!tpu.dma_semaphore, #tpu.memory_space<semaphore_mem>>) {add = true}
      %dma_wait3A_167 = arith.constant 0 : i32
      %dma_wait3A_168 = arith.constant 0 : i32
      %dma_wait3A_169 = tpu.memref_slice %arg9[%dma_wait3A_167, %dma_wait3A_168] : memref<56x128xi32, #tpu.memory_space<vmem>> -> memref<1x128xi32, #tpu.memory_space<vmem>>
      %dma_wait3A_170 = tpu.memref_squeeze %dma_wait3A_169 : memref<1x128xi32, #tpu.memory_space<vmem>> -> memref<128xi32, #tpu.memory_space<vmem>>
      %dma_wait3A_171 = arith.constant 0 : i32
      %dma_wait3A_172 = arith.constant 0 : i32
      %dma_wait3A_173 = tpu.memref_slice %arg23[%dma_wait3A_171, %dma_wait3A_172] : memref<50048x32xf32, #tpu.memory_space<vmem_shared>> -> memref<50048x32xf32, #tpu.memory_space<vmem_shared>>
      tpu.wait_indirect_dma semaphore(%arg20 : memref<!tpu.dma_semaphore, #tpu.memory_space<semaphore_mem>>) src(%arg12 : memref<128x32xf32, #tpu.memory_space<vmem>>) dst(%dma_wait3A_173 : memref<50048x32xf32, #tpu.memory_space<vmem_shared>>)
      %eq3A_174 = arith.constant 0 : i32
      %eq3A_175 = arith.cmpi eq, %arg0, %eq3A_174 : i32
      %convert_element_type3A_176 = arith.extui %eq3A_175 : i1 to i32
      %cond3A_177 = arith.constant 0 : i32
      %cond3A_178 = arith.cmpi ne, %convert_element_type3A_176, %cond3A_177 : i32
      scf.if %cond3A_178 {
        %dma_wait3A_199 = arith.constant 0 : i32
        %dma_wait3A_200 = arith.constant 0 : i32
        %dma_wait3A_201 = tpu.memref_slice %arg8[%dma_wait3A_199, %dma_wait3A_200] : memref<56x128xi32, #tpu.memory_space<vmem>> -> memref<1x128xi32, #tpu.memory_space<vmem>>
        %dma_wait3A_202 = tpu.memref_squeeze %dma_wait3A_201 : memref<1x128xi32, #tpu.memory_space<vmem>> -> memref<128xi32, #tpu.memory_space<vmem>>
        %dma_wait3A_203 = arith.constant 0 : i32
        %dma_wait3A_204 = arith.constant 0 : i32
        %dma_wait3A_205 = tpu.memref_slice %arg2[%dma_wait3A_203, %dma_wait3A_204] : memref<50048x32xf32, #tpu.memory_space<hbm>> -> memref<50048x32xf32, #tpu.memory_space<hbm>>
        tpu.wait_indirect_dma semaphore(%arg17 : memref<!tpu.dma_semaphore, #tpu.memory_space<semaphore_mem>>) src(%dma_wait3A_205 : memref<50048x32xf32, #tpu.memory_space<hbm>>) dst(%arg13 : memref<128x32xf32, #tpu.memory_space<vmem>>)
      } else {
      }
      %eq3A_179 = arith.constant 1 : i32
      %eq3A_180 = arith.cmpi eq, %arg0, %eq3A_179 : i32
      %convert_element_type3A_181 = arith.extui %eq3A_180 : i1 to i32
      %cond3A_182 = arith.constant 0 : i32
      %cond3A_183 = arith.cmpi ne, %convert_element_type3A_181, %cond3A_182 : i32
      scf.if %cond3A_183 {
        %dma_wait3A_199 = arith.constant 0 : i32
        %dma_wait3A_200 = arith.constant 0 : i32
        %dma_wait3A_201 = tpu.memref_slice %arg8[%dma_wait3A_199, %dma_wait3A_200] : memref<56x128xi32, #tpu.memory_space<vmem>> -> memref<1x128xi32, #tpu.memory_space<vmem>>
        %dma_wait3A_202 = tpu.memref_squeeze %dma_wait3A_201 : memref<1x128xi32, #tpu.memory_space<vmem>> -> memref<128xi32, #tpu.memory_space<vmem>>
        %dma_wait3A_203 = arith.constant 0 : i32
        %dma_wait3A_204 = arith.constant 0 : i32
        %dma_wait3A_205 = tpu.memref_slice %arg3[%dma_wait3A_203, %dma_wait3A_204] : memref<50048x32xf32, #tpu.memory_space<hbm>> -> memref<50048x32xf32, #tpu.memory_space<hbm>>
        tpu.wait_indirect_dma semaphore(%arg17 : memref<!tpu.dma_semaphore, #tpu.memory_space<semaphore_mem>>) src(%dma_wait3A_205 : memref<50048x32xf32, #tpu.memory_space<hbm>>) dst(%arg13 : memref<128x32xf32, #tpu.memory_space<vmem>>)
      } else {
      }
      %dma_start3A_184 = arith.constant 55 : i32
      %dma_start3A_185 = arith.constant 0 : i32
      %dma_start3A_186 = tpu.memref_slice %arg9[%dma_start3A_184, %dma_start3A_185] : memref<56x128xi32, #tpu.memory_space<vmem>> -> memref<1x128xi32, #tpu.memory_space<vmem>>
      %dma_start3A_187 = tpu.memref_squeeze %dma_start3A_186 : memref<1x128xi32, #tpu.memory_space<vmem>> -> memref<128xi32, #tpu.memory_space<vmem>>
      %dma_start3A_188 = arith.constant 0 : i32
      %dma_start3A_189 = arith.constant 0 : i32
      %dma_start3A_190 = tpu.memref_slice %arg23[%dma_start3A_188, %dma_start3A_189] : memref<50048x32xf32, #tpu.memory_space<vmem_shared>> -> memref<50048x32xf32, #tpu.memory_space<vmem_shared>>
      tpu.enqueue_indirect_dma source(%arg13 : memref<128x32xf32, #tpu.memory_space<vmem>>) target(%dma_start3A_190 : memref<50048x32xf32, #tpu.memory_space<vmem_shared>>) offsets(%dma_start3A_187 : memref<128xi32, #tpu.memory_space<vmem>>) semaphore(%arg21 : memref<!tpu.dma_semaphore, #tpu.memory_space<semaphore_mem>>) {add = true}
      %dma_wait3A_191 = arith.constant 0 : i32
      %dma_wait3A_192 = arith.constant 0 : i32
      %dma_wait3A_193 = tpu.memref_slice %arg9[%dma_wait3A_191, %dma_wait3A_192] : memref<56x128xi32, #tpu.memory_space<vmem>> -> memref<1x128xi32, #tpu.memory_space<vmem>>
      %dma_wait3A_194 = tpu.memref_squeeze %dma_wait3A_193 : memref<1x128xi32, #tpu.memory_space<vmem>> -> memref<128xi32, #tpu.memory_space<vmem>>
      %dma_wait3A_195 = arith.constant 0 : i32
      %dma_wait3A_196 = arith.constant 0 : i32
      %dma_wait3A_197 = tpu.memref_slice %arg23[%dma_wait3A_195, %dma_wait3A_196] : memref<50048x32xf32, #tpu.memory_space<vmem_shared>> -> memref<50048x32xf32, #tpu.memory_space<vmem_shared>>
      tpu.wait_indirect_dma semaphore(%arg21 : memref<!tpu.dma_semaphore, #tpu.memory_space<semaphore_mem>>) src(%arg13 : memref<128x32xf32, #tpu.memory_space<vmem>>) dst(%dma_wait3A_197 : memref<50048x32xf32, #tpu.memory_space<vmem_shared>>)
      %scan3A_198 = arith.constant 0 : i32
      scf.yield %scan3A_198 : i32
    }
    %scan3A_39 = arith.constant 7 : i32
    %barrier3A_40 = arith.constant 0 : index
    tpu.barrier barrier_id(%barrier3A_40)
    %eq3A = arith.constant 0 : i32
    %eq3A_41 = arith.cmpi eq, %arg0, %eq3A : i32
    %convert_element_type3A = arith.extui %eq3A_41 : i1 to i32
    %cond3A = arith.constant 0 : i32
    %cond3A_42 = arith.cmpi ne, %convert_element_type3A, %cond3A : i32
    scf.if %cond3A_42 {
      "tpu.region"() ({
        %run_scoped3A = tpu.sem_alloc : memref<!tpu.dma_semaphore, #tpu.memory_space<semaphore_mem>>
        %dma_start3A_48 = arith.constant 0 : i32
        %dma_start3A_49 = tpu.memref_slice %arg6[%mul3A_6, %dma_start3A_48] : memref<50048x32xf32, #tpu.memory_space<hbm>> -> memref<3128x32xf32, #tpu.memory_space<hbm>>
        %dma_start3A_50 = arith.constant 0 : i32
        %dma_start3A_51 = tpu.memref_slice %arg23[%mul3A_6, %dma_start3A_50] : memref<50048x32xf32, #tpu.memory_space<vmem_shared>> -> memref<3128x32xf32, #tpu.memory_space<vmem_shared>>
        tpu.enqueue_dma source(%dma_start3A_51 : memref<3128x32xf32, #tpu.memory_space<vmem_shared>>) target(%dma_start3A_49 : memref<3128x32xf32, #tpu.memory_space<hbm>>) target_semaphore(%run_scoped3A : memref<!tpu.dma_semaphore, #tpu.memory_space<semaphore_mem>>)
        %dma_wait3A_52 = arith.constant 0 : i32
        %dma_wait3A_53 = tpu.memref_slice %arg6[%mul3A_6, %dma_wait3A_52] : memref<50048x32xf32, #tpu.memory_space<hbm>> -> memref<3128x32xf32, #tpu.memory_space<hbm>>
        %dma_wait3A_54 = arith.constant 0 : i32
        %dma_wait3A_55 = tpu.memref_slice %arg23[%mul3A_6, %dma_wait3A_54] : memref<50048x32xf32, #tpu.memory_space<vmem_shared>> -> memref<3128x32xf32, #tpu.memory_space<vmem_shared>>
        tpu.wait_dma2 semaphore(%run_scoped3A : memref<!tpu.dma_semaphore, #tpu.memory_space<semaphore_mem>>) src(%dma_wait3A_55 : memref<3128x32xf32, #tpu.memory_space<vmem_shared>>) dst(%dma_wait3A_53 : memref<3128x32xf32, #tpu.memory_space<hbm>>)
        tpu.yield
      }) : () -> ()
    } else {
    }
    %eq3A_43 = arith.constant 1 : i32
    %eq3A_44 = arith.cmpi eq, %arg0, %eq3A_43 : i32
    %convert_element_type3A_45 = arith.extui %eq3A_44 : i1 to i32
    %cond3A_46 = arith.constant 0 : i32
    %cond3A_47 = arith.cmpi ne, %convert_element_type3A_45, %cond3A_46 : i32
    scf.if %cond3A_47 {
      "tpu.region"() ({
        %run_scoped3A = tpu.sem_alloc : memref<!tpu.dma_semaphore, #tpu.memory_space<semaphore_mem>>
        %dma_start3A_48 = arith.constant 0 : i32
        %dma_start3A_49 = tpu.memref_slice %arg7[%mul3A_6, %dma_start3A_48] : memref<50048x32xf32, #tpu.memory_space<hbm>> -> memref<3128x32xf32, #tpu.memory_space<hbm>>
        %dma_start3A_50 = arith.constant 0 : i32
        %dma_start3A_51 = tpu.memref_slice %arg23[%mul3A_6, %dma_start3A_50] : memref<50048x32xf32, #tpu.memory_space<vmem_shared>> -> memref<3128x32xf32, #tpu.memory_space<vmem_shared>>
        tpu.enqueue_dma source(%dma_start3A_51 : memref<3128x32xf32, #tpu.memory_space<vmem_shared>>) target(%dma_start3A_49 : memref<3128x32xf32, #tpu.memory_space<hbm>>) target_semaphore(%run_scoped3A : memref<!tpu.dma_semaphore, #tpu.memory_space<semaphore_mem>>)
        %dma_wait3A_52 = arith.constant 0 : i32
        %dma_wait3A_53 = tpu.memref_slice %arg7[%mul3A_6, %dma_wait3A_52] : memref<50048x32xf32, #tpu.memory_space<hbm>> -> memref<3128x32xf32, #tpu.memory_space<hbm>>
        %dma_wait3A_54 = arith.constant 0 : i32
        %dma_wait3A_55 = tpu.memref_slice %arg23[%mul3A_6, %dma_wait3A_54] : memref<50048x32xf32, #tpu.memory_space<vmem_shared>> -> memref<3128x32xf32, #tpu.memory_space<vmem_shared>>
        tpu.wait_dma2 semaphore(%run_scoped3A : memref<!tpu.dma_semaphore, #tpu.memory_space<semaphore_mem>>) src(%dma_wait3A_55 : memref<3128x32xf32, #tpu.memory_space<vmem_shared>>) dst(%dma_wait3A_53 : memref<3128x32xf32, #tpu.memory_space<hbm>>)
        tpu.yield
      }) : () -> ()
    } else {
    }
    return
  }
}

module attributes {stable_mosaic.version = 14 : i64} {
  func.func @_t0_body(%arg0: i32, %arg1: memref<2176x8xf32, #tpu.memory_space<vmem>>, %arg2: memref<8x64xf32, #tpu.memory_space<vmem>>, %arg3: memref<2176x16xf32, #tpu.memory_space<vmem>>, %arg4: memref<2176x16xf32, #tpu.memory_space<vmem>>, %arg5: memref<2176x32xf32, #tpu.memory_space<vmem>>, %arg6: memref<2176x32xf32, #tpu.memory_space<vmem>>, %arg7: memref<2176x1xf32, #tpu.memory_space<vmem>>) attributes {dimension_semantics = [#tpu.dimension_semantics<arbitrary>], iteration_bounds = array<i64: 23>, scalar_prefetch = 0 : i64, scratch_operands = 0 : i64, tpu.core_type = #tpu.core_type<tc>, window_params = [{transform_indices = @transform_0, window_bounds = array<i64: 2176, 8>}, {pipeline_mode = #tpu.pipeline_mode<synchronous>, transform_indices = @transform_1, window_bounds = array<i64: 8, 64>}, {transform_indices = @transform_2, window_bounds = array<i64: 2176, 16>}, {transform_indices = @transform_3, window_bounds = array<i64: 2176, 16>}, {transform_indices = @transform_4, window_bounds = array<i64: 2176, 32>}, {transform_indices = @transform_5, window_bounds = array<i64: 2176, 32>}, {transform_indices = @transform_6, window_bounds = array<i64: 2176, 1>}]} {
    %get3A = arith.constant 0 : index
    %get3A_0 = arith.constant 0 : index
    %get3A_1 = vector.load %arg3[%get3A, %get3A_0] : memref<2176x16xf32, #tpu.memory_space<vmem>>, vector<2176x1xf32>
    %get3A_2 = arith.constant 0 : index
    %get3A_3 = arith.constant 0 : index
    %get3A_4 = vector.load %arg4[%get3A_2, %get3A_3] : memref<2176x16xf32, #tpu.memory_space<vmem>>, vector<2176x1xf32>
    %add3A = arith.addf %get3A_1, %get3A_4 : vector<2176x1xf32>
    %add3A_5 = arith.constant 1.000000e+00 : f32
    %add3A_6 = vector.broadcast %add3A_5 : f32 to vector<2176x1xf32>
    %add3A_7 = arith.addf %add3A, %add3A_6 : vector<2176x1xf32>
    %sqrt3A = math.sqrt %add3A_7 : vector<2176x1xf32>
    %div3A = arith.constant 1.000000e+00 : f32
    %div3A_8 = vector.broadcast %div3A : f32 to vector<2176x1xf32>
    %div3A_9 = arith.divf %div3A_8, %sqrt3A : vector<2176x1xf32>
    %get3A_10 = arith.constant 0 : index
    %get3A_11 = arith.constant 0 : index
    %get3A_12 = vector.load %arg1[%get3A_10, %get3A_11] : memref<2176x8xf32, #tpu.memory_space<vmem>>, vector<2176x8xf32>
    %get3A_13 = arith.constant 0 : index
    %get3A_14 = arith.constant 0 : index
    %get3A_15 = vector.load %arg2[%get3A_13, %get3A_14] : memref<8x64xf32, #tpu.memory_space<vmem>>, vector<8x64xf32>
    %dot_general3A = arith.constant dense<0.000000e+00> : vector<2176x64xf32>
    %dot_general3A_16 = tpu.matmul %get3A_12, %get3A_15, %dot_general3A {dimension_numbers = #tpu.dot_dimension_numbers<[1], [0], [0], [1], [0, 0, 1, 1], [], []>, transpose_lhs_hint = false} : vector<2176x8xf32>, vector<8x64xf32>, vector<2176x64xf32> -> vector<2176x64xf32>
    %mul3A = vector.broadcast %div3A_9 : vector<2176x1xf32> to vector<2176x64xf32>
    %mul3A_17 = arith.mulf %dot_general3A_16, %mul3A : vector<2176x64xf32>
    %slice3A = vector.extract_strided_slice %mul3A_17 {offsets = [0, 0], sizes = [2176, 32], strides = [1, 1]} : vector<2176x64xf32> to vector<2176x32xf32>
    %swap3A = arith.constant 0 : index
    %swap3A_18 = arith.constant 0 : index
    %swap3A_19 = vector.load %arg5[%swap3A, %swap3A_18] : memref<2176x32xf32, #tpu.memory_space<vmem>>, vector<2176x32xf32>
    tpu.vector_store %arg5[%swap3A, %swap3A_18], %slice3A {strides = array<i32>} : memref<2176x32xf32, #tpu.memory_space<vmem>>, vector<2176x32xf32>,
    %slice3A_20 = vector.extract_strided_slice %mul3A_17 {offsets = [0, 32], sizes = [2176, 32], strides = [1, 1]} : vector<2176x64xf32> to vector<2176x32xf32>
    %swap3A_21 = arith.constant 0 : index
    %swap3A_22 = arith.constant 0 : index
    %swap3A_23 = vector.load %arg6[%swap3A_21, %swap3A_22] : memref<2176x32xf32, #tpu.memory_space<vmem>>, vector<2176x32xf32>
    tpu.vector_store %arg6[%swap3A_21, %swap3A_22], %slice3A_20 {strides = array<i32>} : memref<2176x32xf32, #tpu.memory_space<vmem>>, vector<2176x32xf32>,
    %swap3A_24 = arith.constant 0 : index
    %swap3A_25 = arith.constant 0 : index
    %swap3A_26 = vector.load %arg7[%swap3A_24, %swap3A_25] : memref<2176x1xf32, #tpu.memory_space<vmem>>, vector<2176x1xf32>
    tpu.vector_store %arg7[%swap3A_24, %swap3A_25], %div3A_9 {strides = array<i32>} : memref<2176x1xf32, #tpu.memory_space<vmem>>, vector<2176x1xf32>,
    return
  }
  func.func @transform_0(%arg0: i32) -> (i32, i32) {
    %c0_i32 = arith.constant 0 : i32
    %c0_i32_0 = arith.constant 0 : i32
    return %arg0, %c0_i32 : i32, i32
  }
  func.func @transform_1(%arg0: i32) -> (i32, i32) {
    %c0_i32 = arith.constant 0 : i32
    %c0_i32_0 = arith.constant 0 : i32
    %c0_i32_1 = arith.constant 0 : i32
    return %c0_i32, %c0_i32_0 : i32, i32
  }
  func.func @transform_2(%arg0: i32) -> (i32, i32) {
    %c0_i32 = arith.constant 0 : i32
    %c0_i32_0 = arith.constant 0 : i32
    return %arg0, %c0_i32 : i32, i32
  }
  func.func @transform_3(%arg0: i32) -> (i32, i32) {
    %c0_i32 = arith.constant 0 : i32
    %c0_i32_0 = arith.constant 0 : i32
    return %arg0, %c0_i32 : i32, i32
  }
  func.func @transform_4(%arg0: i32) -> (i32, i32) {
    %c0_i32 = arith.constant 0 : i32
    %c0_i32_0 = arith.constant 0 : i32
    return %arg0, %c0_i32 : i32, i32
  }
  func.func @transform_5(%arg0: i32) -> (i32, i32) {
    %c0_i32 = arith.constant 0 : i32
    %c0_i32_0 = arith.constant 0 : i32
    return %arg0, %c0_i32 : i32, i32
  }
  func.func @transform_6(%arg0: i32) -> (i32, i32) {
    %c0_i32 = arith.constant 0 : i32
    %c0_i32_0 = arith.constant 0 : i32
    return %arg0, %c0_i32 : i32, i32
  }
}

module attributes {stable_mosaic.version = 14 : i64} {
  func.func @_t1_body(%arg0: i32, %arg1: memref<2176x32xf32, #tpu.memory_space<vmem>>, %arg2: memref<2176x32xf32, #tpu.memory_space<vmem>>, %arg3: memref<2176x32xf32, #tpu.memory_space<vmem>>, %arg4: memref<2176x32xf32, #tpu.memory_space<vmem>>, %arg5: memref<2176x1xf32, #tpu.memory_space<vmem>>, %arg6: memref<1x64xf32, #tpu.memory_space<vmem>>, %arg7: memref<64x64xf32, #tpu.memory_space<vmem>>, %arg8: memref<2176x32xf32, #tpu.memory_space<vmem>>, %arg9: memref<2176x32xf32, #tpu.memory_space<vmem>>) attributes {dimension_semantics = [#tpu.dimension_semantics<arbitrary>], iteration_bounds = array<i64: 23>, scalar_prefetch = 0 : i64, scratch_operands = 0 : i64, tpu.core_type = #tpu.core_type<tc>, window_params = [{transform_indices = @transform_0, window_bounds = array<i64: 2176, 32>}, {transform_indices = @transform_1, window_bounds = array<i64: 2176, 32>}, {transform_indices = @transform_2, window_bounds = array<i64: 2176, 32>}, {transform_indices = @transform_3, window_bounds = array<i64: 2176, 32>}, {transform_indices = @transform_4, window_bounds = array<i64: 2176, 1>}, {pipeline_mode = #tpu.pipeline_mode<synchronous>, transform_indices = @transform_5, window_bounds = array<i64: 1, 64>}, {pipeline_mode = #tpu.pipeline_mode<synchronous>, transform_indices = @transform_6, window_bounds = array<i64: 64, 64>}, {transform_indices = @transform_7, window_bounds = array<i64: 2176, 32>}, {transform_indices = @transform_8, window_bounds = array<i64: 2176, 32>}]} {
    %get3A = arith.constant 0 : index
    %get3A_0 = arith.constant 0 : index
    %get3A_1 = vector.load %arg5[%get3A, %get3A_0] : memref<2176x1xf32, #tpu.memory_space<vmem>>, vector<2176x1xf32>
    %get3A_2 = arith.constant 0 : index
    %get3A_3 = arith.constant 0 : index
    %get3A_4 = vector.load %arg1[%get3A_2, %get3A_3] : memref<2176x32xf32, #tpu.memory_space<vmem>>, vector<2176x32xf32>
    %get3A_5 = arith.constant 0 : index
    %get3A_6 = arith.constant 0 : index
    %get3A_7 = vector.load %arg3[%get3A_5, %get3A_6] : memref<2176x32xf32, #tpu.memory_space<vmem>>, vector<2176x32xf32>
    %add3A = arith.addf %get3A_4, %get3A_7 : vector<2176x32xf32>
    %mul3A = vector.broadcast %get3A_1 : vector<2176x1xf32> to vector<2176x32xf32>
    %mul3A_8 = arith.mulf %add3A, %mul3A : vector<2176x32xf32>
    %get3A_9 = arith.constant 0 : index
    %get3A_10 = arith.constant 0 : index
    %get3A_11 = vector.load %arg6[%get3A_9, %get3A_10] : memref<1x64xf32, #tpu.memory_space<vmem>>, vector<1x32xf32>
    %add3A_12 = vector.broadcast %get3A_11 : vector<1x32xf32> to vector<2176x32xf32>
    %add3A_13 = arith.addf %mul3A_8, %add3A_12 : vector<2176x32xf32>
    %max3A = arith.constant 0.000000e+00 : f32
    %max3A_14 = vector.broadcast %max3A : f32 to vector<2176x32xf32>
    %max3A_15 = arith.maximumf %add3A_13, %max3A_14 : vector<2176x32xf32>
    %get3A_16 = arith.constant 0 : index
    %get3A_17 = arith.constant 0 : index
    %get3A_18 = vector.load %arg2[%get3A_16, %get3A_17] : memref<2176x32xf32, #tpu.memory_space<vmem>>, vector<2176x32xf32>
    %get3A_19 = arith.constant 0 : index
    %get3A_20 = arith.constant 0 : index
    %get3A_21 = vector.load %arg4[%get3A_19, %get3A_20] : memref<2176x32xf32, #tpu.memory_space<vmem>>, vector<2176x32xf32>
    %add3A_22 = arith.addf %get3A_18, %get3A_21 : vector<2176x32xf32>
    %mul3A_23 = vector.broadcast %get3A_1 : vector<2176x1xf32> to vector<2176x32xf32>
    %mul3A_24 = arith.mulf %add3A_22, %mul3A_23 : vector<2176x32xf32>
    %get3A_25 = arith.constant 0 : index
    %get3A_26 = arith.constant 32 : index
    %get3A_27 = vector.load %arg6[%get3A_25, %get3A_26] : memref<1x64xf32, #tpu.memory_space<vmem>>, vector<1x32xf32>
    %add3A_28 = vector.broadcast %get3A_27 : vector<1x32xf32> to vector<2176x32xf32>
    %add3A_29 = arith.addf %mul3A_24, %add3A_28 : vector<2176x32xf32>
    %max3A_30 = arith.constant 0.000000e+00 : f32
    %max3A_31 = vector.broadcast %max3A_30 : f32 to vector<2176x32xf32>
    %max3A_32 = arith.maximumf %add3A_29, %max3A_31 : vector<2176x32xf32>
    %concatenate3A = tpu.concatenate %max3A_15, %max3A_32 in 1 : vector<2176x32xf32>, vector<2176x32xf32> -> vector<2176x64xf32>
    %get3A_33 = arith.constant 0 : index
    %get3A_34 = arith.constant 0 : index
    %get3A_35 = vector.load %arg7[%get3A_33, %get3A_34] : memref<64x64xf32, #tpu.memory_space<vmem>>, vector<64x64xf32>
    %dot_general3A = arith.constant dense<0.000000e+00> : vector<2176x64xf32>
    %dot_general3A_36 = tpu.matmul %concatenate3A, %get3A_35, %dot_general3A {dimension_numbers = #tpu.dot_dimension_numbers<[1], [0], [0], [1], [0, 0, 1, 1], [], []>, transpose_lhs_hint = false} : vector<2176x64xf32>, vector<64x64xf32>, vector<2176x64xf32> -> vector<2176x64xf32>
    %mul3A_37 = vector.broadcast %get3A_1 : vector<2176x1xf32> to vector<2176x64xf32>
    %mul3A_38 = arith.mulf %dot_general3A_36, %mul3A_37 : vector<2176x64xf32>
    %slice3A = vector.extract_strided_slice %mul3A_38 {offsets = [0, 0], sizes = [2176, 32], strides = [1, 1]} : vector<2176x64xf32> to vector<2176x32xf32>
    %swap3A = arith.constant 0 : index
    %swap3A_39 = arith.constant 0 : index
    %swap3A_40 = vector.load %arg8[%swap3A, %swap3A_39] : memref<2176x32xf32, #tpu.memory_space<vmem>>, vector<2176x32xf32>
    tpu.vector_store %arg8[%swap3A, %swap3A_39], %slice3A {strides = array<i32>} : memref<2176x32xf32, #tpu.memory_space<vmem>>, vector<2176x32xf32>,
    %slice3A_41 = vector.extract_strided_slice %mul3A_38 {offsets = [0, 32], sizes = [2176, 32], strides = [1, 1]} : vector<2176x64xf32> to vector<2176x32xf32>
    %swap3A_42 = arith.constant 0 : index
    %swap3A_43 = arith.constant 0 : index
    %swap3A_44 = vector.load %arg9[%swap3A_42, %swap3A_43] : memref<2176x32xf32, #tpu.memory_space<vmem>>, vector<2176x32xf32>
    tpu.vector_store %arg9[%swap3A_42, %swap3A_43], %slice3A_41 {strides = array<i32>} : memref<2176x32xf32, #tpu.memory_space<vmem>>, vector<2176x32xf32>,
    return
  }
  func.func @transform_0(%arg0: i32) -> (i32, i32) {
    %c0_i32 = arith.constant 0 : i32
    %c0_i32_0 = arith.constant 0 : i32
    return %arg0, %c0_i32 : i32, i32
  }
  func.func @transform_1(%arg0: i32) -> (i32, i32) {
    %c0_i32 = arith.constant 0 : i32
    %c0_i32_0 = arith.constant 0 : i32
    return %arg0, %c0_i32 : i32, i32
  }
  func.func @transform_2(%arg0: i32) -> (i32, i32) {
    %c0_i32 = arith.constant 0 : i32
    %c0_i32_0 = arith.constant 0 : i32
    return %arg0, %c0_i32 : i32, i32
  }
  func.func @transform_3(%arg0: i32) -> (i32, i32) {
    %c0_i32 = arith.constant 0 : i32
    %c0_i32_0 = arith.constant 0 : i32
    return %arg0, %c0_i32 : i32, i32
  }
  func.func @transform_4(%arg0: i32) -> (i32, i32) {
    %c0_i32 = arith.constant 0 : i32
    %c0_i32_0 = arith.constant 0 : i32
    return %arg0, %c0_i32 : i32, i32
  }
  func.func @transform_5(%arg0: i32) -> (i32, i32) {
    %c0_i32 = arith.constant 0 : i32
    %c0_i32_0 = arith.constant 0 : i32
    %c0_i32_1 = arith.constant 0 : i32
    return %c0_i32, %c0_i32_0 : i32, i32
  }
  func.func @transform_6(%arg0: i32) -> (i32, i32) {
    %c0_i32 = arith.constant 0 : i32
    %c0_i32_0 = arith.constant 0 : i32
    %c0_i32_1 = arith.constant 0 : i32
    return %c0_i32, %c0_i32_0 : i32, i32
  }
  func.func @transform_7(%arg0: i32) -> (i32, i32) {
    %c0_i32 = arith.constant 0 : i32
    %c0_i32_0 = arith.constant 0 : i32
    return %arg0, %c0_i32 : i32, i32
  }
  func.func @transform_8(%arg0: i32) -> (i32, i32) {
    %c0_i32 = arith.constant 0 : i32
    %c0_i32_0 = arith.constant 0 : i32
    return %arg0, %c0_i32 : i32, i32
  }
}

module attributes {stable_mosaic.version = 14 : i64} {
  func.func @_t3_body(%arg0: i32, %arg1: memref<2176x32xf32, #tpu.memory_space<vmem>>, %arg2: memref<2176x32xf32, #tpu.memory_space<vmem>>, %arg3: memref<2176x32xf32, #tpu.memory_space<vmem>>, %arg4: memref<2176x32xf32, #tpu.memory_space<vmem>>, %arg5: memref<2176x1xf32, #tpu.memory_space<vmem>>, %arg6: memref<1x64xf32, #tpu.memory_space<vmem>>, %arg7: memref<1x2176xi32, #tpu.memory_space<vmem>>, %arg8: memref<64x64xf32, #tpu.memory_space<vmem>>, %arg9: memref<1x64xf32, #tpu.memory_space<vmem>>, %arg10: memref<64x9xf32, #tpu.memory_space<vmem>>, %arg11: memref<1x9xf32, #tpu.memory_space<vmem>>, %arg12: memref<64x32xf32, #tpu.memory_space<vmem>>, %arg13: memref<1x32xf32, #tpu.memory_space<vmem>>, %arg14: memref<32x1xf32, #tpu.memory_space<vmem>>, %arg15: memref<1x1xf32, #tpu.memory_space<vmem>>, %arg16: memref<64x64xf32, #tpu.memory_space<vmem>>, %arg17: memref<1x64xf32, #tpu.memory_space<vmem>>, %arg18: memref<64x32xf32, #tpu.memory_space<vmem>>, %arg19: memref<1x32xf32, #tpu.memory_space<vmem>>, %arg20: memref<32x1xf32, #tpu.memory_space<vmem>>, %arg21: memref<1x1xf32, #tpu.memory_space<vmem>>, %arg22: memref<2176x9xf32, #tpu.memory_space<vmem>>, %arg23: memref<2176x1xf32, #tpu.memory_space<vmem>>, %arg24: memref<64x1xf32, #tpu.memory_space<vmem>>, %arg25: memref<64x64xf32, #tpu.memory_space<vmem>>, %arg26: memref<64x1xf32, #tpu.memory_space<vmem>>) attributes {dimension_semantics = [#tpu.dimension_semantics<arbitrary>], iteration_bounds = array<i64: 23>, scalar_prefetch = 0 : i64, scratch_operands = 0 : i64, tpu.core_type = #tpu.core_type<tc>, window_params = [{transform_indices = @transform_0, window_bounds = array<i64: 2176, 32>}, {transform_indices = @transform_1, window_bounds = array<i64: 2176, 32>}, {transform_indices = @transform_2, window_bounds = array<i64: 2176, 32>}, {transform_indices = @transform_3, window_bounds = array<i64: 2176, 32>}, {transform_indices = @transform_4, window_bounds = array<i64: 2176, 1>}, {pipeline_mode = #tpu.pipeline_mode<synchronous>, transform_indices = @transform_5, window_bounds = array<i64: 1, 64>}, {transform_indices = @transform_6, window_bounds = array<i64: 1, 2176>}, {pipeline_mode = #tpu.pipeline_mode<synchronous>, transform_indices = @transform_7, window_bounds = array<i64: 64, 64>}, {pipeline_mode = #tpu.pipeline_mode<synchronous>, transform_indices = @transform_8, window_bounds = array<i64: 1, 64>}, {pipeline_mode = #tpu.pipeline_mode<synchronous>, transform_indices = @transform_9, window_bounds = array<i64: 64, 9>}, {pipeline_mode = #tpu.pipeline_mode<synchronous>, transform_indices = @transform_10, window_bounds = array<i64: 1, 9>}, {pipeline_mode = #tpu.pipeline_mode<synchronous>, transform_indices = @transform_11, window_bounds = array<i64: 64, 32>}, {pipeline_mode = #tpu.pipeline_mode<synchronous>, transform_indices = @transform_12, window_bounds = array<i64: 1, 32>}, {pipeline_mode = #tpu.pipeline_mode<synchronous>, transform_indices = @transform_13, window_bounds = array<i64: 32, 1>}, {pipeline_mode = #tpu.pipeline_mode<synchronous>, transform_indices = @transform_14, window_bounds = array<i64: 1, 1>}, {pipeline_mode = #tpu.pipeline_mode<synchronous>, transform_indices = @transform_15, window_bounds = array<i64: 64, 64>}, {pipeline_mode = #tpu.pipeline_mode<synchronous>, transform_indices = @transform_16, window_bounds = array<i64: 1, 64>}, {pipeline_mode = #tpu.pipeline_mode<synchronous>, transform_indices = @transform_17, window_bounds = array<i64: 64, 32>}, {pipeline_mode = #tpu.pipeline_mode<synchronous>, transform_indices = @transform_18, window_bounds = array<i64: 1, 32>}, {pipeline_mode = #tpu.pipeline_mode<synchronous>, transform_indices = @transform_19, window_bounds = array<i64: 32, 1>}, {pipeline_mode = #tpu.pipeline_mode<synchronous>, transform_indices = @transform_20, window_bounds = array<i64: 1, 1>}, {transform_indices = @transform_21, window_bounds = array<i64: 2176, 9>}, {transform_indices = @transform_22, window_bounds = array<i64: 2176, 1>}, {pipeline_mode = #tpu.pipeline_mode<synchronous>, transform_indices = @transform_23, window_bounds = array<i64: 64, 1>}, {pipeline_mode = #tpu.pipeline_mode<synchronous>, transform_indices = @transform_24, window_bounds = array<i64: 64, 64>}, {pipeline_mode = #tpu.pipeline_mode<synchronous>, transform_indices = @transform_25, window_bounds = array<i64: 64, 1>}]} {
    %get3A = arith.constant 0 : index
    %get3A_0 = arith.constant 0 : index
    %get3A_1 = vector.load %arg5[%get3A, %get3A_0] : memref<2176x1xf32, #tpu.memory_space<vmem>>, vector<2176x1xf32>
    %get3A_2 = arith.constant 0 : index
    %get3A_3 = arith.constant 0 : index
    %get3A_4 = vector.load %arg1[%get3A_2, %get3A_3] : memref<2176x32xf32, #tpu.memory_space<vmem>>, vector<2176x32xf32>
    %get3A_5 = arith.constant 0 : index
    %get3A_6 = arith.constant 0 : index
    %get3A_7 = vector.load %arg3[%get3A_5, %get3A_6] : memref<2176x32xf32, #tpu.memory_space<vmem>>, vector<2176x32xf32>
    %add3A = arith.addf %get3A_4, %get3A_7 : vector<2176x32xf32>
    %mul3A = vector.broadcast %get3A_1 : vector<2176x1xf32> to vector<2176x32xf32>
    %mul3A_8 = arith.mulf %add3A, %mul3A : vector<2176x32xf32>
    %get3A_9 = arith.constant 0 : index
    %get3A_10 = arith.constant 0 : index
    %get3A_11 = vector.load %arg6[%get3A_9, %get3A_10] : memref<1x64xf32, #tpu.memory_space<vmem>>, vector<1x32xf32>
    %add3A_12 = vector.broadcast %get3A_11 : vector<1x32xf32> to vector<2176x32xf32>
    %add3A_13 = arith.addf %mul3A_8, %add3A_12 : vector<2176x32xf32>
    %get3A_14 = arith.constant 0 : index
    %get3A_15 = arith.constant 0 : index
    %get3A_16 = vector.load %arg2[%get3A_14, %get3A_15] : memref<2176x32xf32, #tpu.memory_space<vmem>>, vector<2176x32xf32>
    %get3A_17 = arith.constant 0 : index
    %get3A_18 = arith.constant 0 : index
    %get3A_19 = vector.load %arg4[%get3A_17, %get3A_18] : memref<2176x32xf32, #tpu.memory_space<vmem>>, vector<2176x32xf32>
    %add3A_20 = arith.addf %get3A_16, %get3A_19 : vector<2176x32xf32>
    %mul3A_21 = vector.broadcast %get3A_1 : vector<2176x1xf32> to vector<2176x32xf32>
    %mul3A_22 = arith.mulf %add3A_20, %mul3A_21 : vector<2176x32xf32>
    %get3A_23 = arith.constant 0 : index
    %get3A_24 = arith.constant 32 : index
    %get3A_25 = vector.load %arg6[%get3A_23, %get3A_24] : memref<1x64xf32, #tpu.memory_space<vmem>>, vector<1x32xf32>
    %add3A_26 = vector.broadcast %get3A_25 : vector<1x32xf32> to vector<2176x32xf32>
    %add3A_27 = arith.addf %mul3A_22, %add3A_26 : vector<2176x32xf32>
    %concatenate3A = tpu.concatenate %add3A_13, %add3A_27 in 1 : vector<2176x32xf32>, vector<2176x32xf32> -> vector<2176x64xf32>
    %get3A_28 = arith.constant 0 : index
    %get3A_29 = arith.constant 0 : index
    %get3A_30 = vector.load %arg8[%get3A_28, %get3A_29] : memref<64x64xf32, #tpu.memory_space<vmem>>, vector<64x64xf32>
    %dot_general3A = arith.constant dense<0.000000e+00> : vector<2176x64xf32>
    %dot_general3A_31 = tpu.matmul %concatenate3A, %get3A_30, %dot_general3A {dimension_numbers = #tpu.dot_dimension_numbers<[1], [0], [0], [1], [0, 0, 1, 1], [], []>, transpose_lhs_hint = false} : vector<2176x64xf32>, vector<64x64xf32>, vector<2176x64xf32> -> vector<2176x64xf32>
    %get3A_32 = arith.constant 0 : index
    %get3A_33 = arith.constant 0 : index
    %get3A_34 = vector.load %arg9[%get3A_32, %get3A_33] : memref<1x64xf32, #tpu.memory_space<vmem>>, vector<1x64xf32>
    %add3A_35 = vector.broadcast %get3A_34 : vector<1x64xf32> to vector<2176x64xf32>
    %add3A_36 = arith.addf %dot_general3A_31, %add3A_35 : vector<2176x64xf32>
    %max3A = arith.constant 0.000000e+00 : f32
    %max3A_37 = vector.broadcast %max3A : f32 to vector<2176x64xf32>
    %max3A_38 = arith.maximumf %add3A_36, %max3A_37 : vector<2176x64xf32>
    %get3A_39 = arith.constant 0 : index
    %get3A_40 = arith.constant 0 : index
    %get3A_41 = vector.load %arg10[%get3A_39, %get3A_40] : memref<64x9xf32, #tpu.memory_space<vmem>>, vector<64x9xf32>
    %dot_general3A_42 = arith.constant dense<0.000000e+00> : vector<2176x9xf32>
    %dot_general3A_43 = tpu.matmul %max3A_38, %get3A_41, %dot_general3A_42 {dimension_numbers = #tpu.dot_dimension_numbers<[1], [0], [0], [1], [0, 0, 1, 1], [], []>, transpose_lhs_hint = false} : vector<2176x64xf32>, vector<64x9xf32>, vector<2176x9xf32> -> vector<2176x9xf32>
    %get3A_44 = arith.constant 0 : index
    %get3A_45 = arith.constant 0 : index
    %get3A_46 = vector.load %arg11[%get3A_44, %get3A_45] : memref<1x9xf32, #tpu.memory_space<vmem>>, vector<1x9xf32>
    %add3A_47 = vector.broadcast %get3A_46 : vector<1x9xf32> to vector<2176x9xf32>
    %add3A_48 = arith.addf %dot_general3A_43, %add3A_47 : vector<2176x9xf32>
    %swap3A = arith.constant 0 : index
    %swap3A_49 = arith.constant 0 : index
    %swap3A_50 = vector.load %arg22[%swap3A, %swap3A_49] : memref<2176x9xf32, #tpu.memory_space<vmem>>, vector<2176x9xf32>
    tpu.vector_store %arg22[%swap3A, %swap3A_49], %add3A_48 {strides = array<i32>} : memref<2176x9xf32, #tpu.memory_space<vmem>>, vector<2176x9xf32>,
    %get3A_51 = arith.constant 0 : index
    %get3A_52 = arith.constant 0 : index
    %get3A_53 = vector.load %arg12[%get3A_51, %get3A_52] : memref<64x32xf32, #tpu.memory_space<vmem>>, vector<64x32xf32>
    %dot_general3A_54 = arith.constant dense<0.000000e+00> : vector<2176x32xf32>
    %dot_general3A_55 = tpu.matmul %concatenate3A, %get3A_53, %dot_general3A_54 {dimension_numbers = #tpu.dot_dimension_numbers<[1], [0], [0], [1], [0, 0, 1, 1], [], []>, transpose_lhs_hint = false} : vector<2176x64xf32>, vector<64x32xf32>, vector<2176x32xf32> -> vector<2176x32xf32>
    %get3A_56 = arith.constant 0 : index
    %get3A_57 = arith.constant 0 : index
    %get3A_58 = vector.load %arg13[%get3A_56, %get3A_57] : memref<1x32xf32, #tpu.memory_space<vmem>>, vector<1x32xf32>
    %add3A_59 = vector.broadcast %get3A_58 : vector<1x32xf32> to vector<2176x32xf32>
    %add3A_60 = arith.addf %dot_general3A_55, %add3A_59 : vector<2176x32xf32>
    %max3A_61 = arith.constant 0.000000e+00 : f32
    %max3A_62 = vector.broadcast %max3A_61 : f32 to vector<2176x32xf32>
    %max3A_63 = arith.maximumf %add3A_60, %max3A_62 : vector<2176x32xf32>
    %get3A_64 = arith.constant 0 : index
    %get3A_65 = arith.constant 0 : index
    %get3A_66 = vector.load %arg14[%get3A_64, %get3A_65] : memref<32x1xf32, #tpu.memory_space<vmem>>, vector<32x1xf32>
    %dot_general3A_67 = arith.constant dense<0.000000e+00> : vector<2176x1xf32>
    %dot_general3A_68 = tpu.matmul %max3A_63, %get3A_66, %dot_general3A_67 {dimension_numbers = #tpu.dot_dimension_numbers<[1], [0], [0], [1], [0, 0, 1, 1], [], []>, transpose_lhs_hint = false} : vector<2176x32xf32>, vector<32x1xf32>, vector<2176x1xf32> -> vector<2176x1xf32>
    %get3A_69 = arith.constant 0 : index
    %get3A_70 = arith.constant 0 : index
    %get3A_71 = vector.load %arg15[%get3A_69, %get3A_70] : memref<1x1xf32, #tpu.memory_space<vmem>>, vector<1x1xf32>
    %add3A_72 = vector.broadcast %get3A_71 : vector<1x1xf32> to vector<2176x1xf32>
    %add3A_73 = arith.addf %dot_general3A_68, %add3A_72 : vector<2176x1xf32>
    %swap3A_74 = arith.constant 0 : index
    %swap3A_75 = arith.constant 0 : index
    %swap3A_76 = vector.load %arg23[%swap3A_74, %swap3A_75] : memref<2176x1xf32, #tpu.memory_space<vmem>>, vector<2176x1xf32>
    tpu.vector_store %arg23[%swap3A_74, %swap3A_75], %add3A_73 {strides = array<i32>} : memref<2176x1xf32, #tpu.memory_space<vmem>>, vector<2176x1xf32>,
    %iota3A = tpu.iota {dimensions = array<i32: 0>} : vector<64x1xi32>
    %get3A_77 = arith.constant 0 : index
    %get3A_78 = arith.constant 0 : index
    %get3A_79 = vector.load %arg7[%get3A_77, %get3A_78] : memref<1x2176xi32, #tpu.memory_space<vmem>>, vector<1x2176xi32>
    %eq3A = vector.broadcast %iota3A : vector<64x1xi32> to vector<64x2176xi32>
    %eq3A_80 = vector.broadcast %get3A_79 : vector<1x2176xi32> to vector<64x2176xi32>
    %eq3A_81 = arith.cmpi eq, %eq3A, %eq3A_80 : vector<64x2176xi32>
    %convert_element_type3A = arith.extui %eq3A_81 : vector<64x2176xi1> to vector<64x2176xi32>
    %convert_element_type3A_82 = arith.sitofp %convert_element_type3A : vector<64x2176xi32> to vector<64x2176xf32>
    %dot_general3A_83 = arith.constant dense<0.000000e+00> : vector<64x64xf32>
    %dot_general3A_84 = tpu.matmul %convert_element_type3A_82, %concatenate3A, %dot_general3A_83 {dimension_numbers = #tpu.dot_dimension_numbers<[1], [0], [0], [1], [0, 0, 1, 1], [], []>, precision = #tpu.contract_precision<fp32>, transpose_lhs_hint = false} : vector<64x2176xf32>, vector<2176x64xf32>, vector<64x64xf32> -> vector<64x64xf32>
    %reduce_sum3A = arith.constant dense<0.000000e+00> : vector<64xf32>
    %reduce_sum3A_85 = vector.multi_reduction <add>, %convert_element_type3A_82, %reduce_sum3A [1] : vector<64x2176xf32> to vector<64xf32>
    %broadcast_in_dim3A = vector.shape_cast %reduce_sum3A_85 : vector<64xf32> to vector<64x1xf32>
    %eq3A_86 = arith.constant 0 : i32
    %eq3A_87 = arith.cmpi eq, %arg0, %eq3A_86 : i32
    %convert_element_type3A_88 = arith.extui %eq3A_87 : i1 to i32
    %cond3A = arith.constant 0 : i32
    %cond3A_89 = arith.cmpi ne, %convert_element_type3A_88, %cond3A : i32
    scf.if %cond3A_89 {
      %broadcast_in_dim3A_109 = arith.constant 0.000000e+00 : f32
      %broadcast_in_dim3A_110 = vector.broadcast %broadcast_in_dim3A_109 : f32 to vector<64x64xf32>
      %swap3A_111 = arith.constant 0 : index
      %swap3A_112 = arith.constant 0 : index
      %swap3A_113 = vector.load %arg25[%swap3A_111, %swap3A_112] : memref<64x64xf32, #tpu.memory_space<vmem>>, vector<64x64xf32>
      tpu.vector_store %arg25[%swap3A_111, %swap3A_112], %broadcast_in_dim3A_110 {strides = array<i32>} : memref<64x64xf32, #tpu.memory_space<vmem>>, vector<64x64xf32>,
      %broadcast_in_dim3A_114 = arith.constant 0.000000e+00 : f32
      %broadcast_in_dim3A_115 = vector.broadcast %broadcast_in_dim3A_114 : f32 to vector<64x1xf32>
      %swap3A_116 = arith.constant 0 : index
      %swap3A_117 = arith.constant 0 : index
      %swap3A_118 = vector.load %arg26[%swap3A_116, %swap3A_117] : memref<64x1xf32, #tpu.memory_space<vmem>>, vector<64x1xf32>
      tpu.vector_store %arg26[%swap3A_116, %swap3A_117], %broadcast_in_dim3A_115 {strides = array<i32>} : memref<64x1xf32, #tpu.memory_space<vmem>>, vector<64x1xf32>,
    } else {
    }
    %get3A_90 = arith.constant 0 : index
    %get3A_91 = arith.constant 0 : index
    %get3A_92 = vector.load %arg25[%get3A_90, %get3A_91] : memref<64x64xf32, #tpu.memory_space<vmem>>, vector<64x64xf32>
    %add3A_93 = arith.addf %get3A_92, %dot_general3A_84 : vector<64x64xf32>
    %swap3A_94 = arith.constant 0 : index
    %swap3A_95 = arith.constant 0 : index
    %swap3A_96 = vector.load %arg25[%swap3A_94, %swap3A_95] : memref<64x64xf32, #tpu.memory_space<vmem>>, vector<64x64xf32>
    tpu.vector_store %arg25[%swap3A_94, %swap3A_95], %add3A_93 {strides = array<i32>} : memref<64x64xf32, #tpu.memory_space<vmem>>, vector<64x64xf32>,
    %get3A_97 = arith.constant 0 : index
    %get3A_98 = arith.constant 0 : index
    %get3A_99 = vector.load %arg26[%get3A_97, %get3A_98] : memref<64x1xf32, #tpu.memory_space<vmem>>, vector<64x1xf32>
    %add3A_100 = arith.addf %get3A_99, %broadcast_in_dim3A : vector<64x1xf32>
    %swap3A_101 = arith.constant 0 : index
    %swap3A_102 = arith.constant 0 : index
    %swap3A_103 = vector.load %arg26[%swap3A_101, %swap3A_102] : memref<64x1xf32, #tpu.memory_space<vmem>>, vector<64x1xf32>
    tpu.vector_store %arg26[%swap3A_101, %swap3A_102], %add3A_100 {strides = array<i32>} : memref<64x1xf32, #tpu.memory_space<vmem>>, vector<64x1xf32>,
    %eq3A_104 = arith.constant 22 : i32
    %eq3A_105 = arith.cmpi eq, %arg0, %eq3A_104 : i32
    %convert_element_type3A_106 = arith.extui %eq3A_105 : i1 to i32
    %cond3A_107 = arith.constant 0 : i32
    %cond3A_108 = arith.cmpi ne, %convert_element_type3A_106, %cond3A_107 : i32
    scf.if %cond3A_108 {
      %get3A_109 = arith.constant 0 : index
      %get3A_110 = arith.constant 0 : index
      %get3A_111 = vector.load %arg25[%get3A_109, %get3A_110] : memref<64x64xf32, #tpu.memory_space<vmem>>, vector<64x64xf32>
      %get3A_112 = arith.constant 0 : index
      %get3A_113 = arith.constant 0 : index
      %get3A_114 = vector.load %arg26[%get3A_112, %get3A_113] : memref<64x1xf32, #tpu.memory_space<vmem>>, vector<64x1xf32>
      %max3A_115 = arith.constant 1.000000e+00 : f32
      %max3A_116 = vector.broadcast %max3A_115 : f32 to vector<64x1xf32>
      %max3A_117 = arith.maximumf %get3A_114, %max3A_116 : vector<64x1xf32>
      %div3A = vector.broadcast %max3A_117 : vector<64x1xf32> to vector<64x64xf32>
      %div3A_118 = arith.divf %get3A_111, %div3A : vector<64x64xf32>
      %get3A_119 = arith.constant 0 : index
      %get3A_120 = arith.constant 0 : index
      %get3A_121 = vector.load %arg16[%get3A_119, %get3A_120] : memref<64x64xf32, #tpu.memory_space<vmem>>, vector<64x64xf32>
      %dot_general3A_122 = arith.constant dense<0.000000e+00> : vector<64x64xf32>
      %dot_general3A_123 = tpu.matmul %div3A_118, %get3A_121, %dot_general3A_122 {dimension_numbers = #tpu.dot_dimension_numbers<[1], [0], [0], [1], [0, 0, 1, 1], [], []>, transpose_lhs_hint = false} : vector<64x64xf32>, vector<64x64xf32>, vector<64x64xf32> -> vector<64x64xf32>
      %get3A_124 = arith.constant 0 : index
      %get3A_125 = arith.constant 0 : index
      %get3A_126 = vector.load %arg17[%get3A_124, %get3A_125] : memref<1x64xf32, #tpu.memory_space<vmem>>, vector<1x64xf32>
      %add3A_127 = vector.broadcast %get3A_126 : vector<1x64xf32> to vector<64x64xf32>
      %add3A_128 = arith.addf %dot_general3A_123, %add3A_127 : vector<64x64xf32>
      %max3A_129 = arith.constant 0.000000e+00 : f32
      %max3A_130 = vector.broadcast %max3A_129 : f32 to vector<64x64xf32>
      %max3A_131 = arith.maximumf %add3A_128, %max3A_130 : vector<64x64xf32>
      %get3A_132 = arith.constant 0 : index
      %get3A_133 = arith.constant 0 : index
      %get3A_134 = vector.load %arg18[%get3A_132, %get3A_133] : memref<64x32xf32, #tpu.memory_space<vmem>>, vector<64x32xf32>
      %dot_general3A_135 = arith.constant dense<0.000000e+00> : vector<64x32xf32>
      %dot_general3A_136 = tpu.matmul %max3A_131, %get3A_134, %dot_general3A_135 {dimension_numbers = #tpu.dot_dimension_numbers<[1], [0], [0], [1], [0, 0, 1, 1], [], []>, transpose_lhs_hint = false} : vector<64x64xf32>, vector<64x32xf32>, vector<64x32xf32> -> vector<64x32xf32>
      %get3A_137 = arith.constant 0 : index
      %get3A_138 = arith.constant 0 : index
      %get3A_139 = vector.load %arg19[%get3A_137, %get3A_138] : memref<1x32xf32, #tpu.memory_space<vmem>>, vector<1x32xf32>
      %add3A_140 = vector.broadcast %get3A_139 : vector<1x32xf32> to vector<64x32xf32>
      %add3A_141 = arith.addf %dot_general3A_136, %add3A_140 : vector<64x32xf32>
      %max3A_142 = arith.constant 0.000000e+00 : f32
      %max3A_143 = vector.broadcast %max3A_142 : f32 to vector<64x32xf32>
      %max3A_144 = arith.maximumf %add3A_141, %max3A_143 : vector<64x32xf32>
      %get3A_145 = arith.constant 0 : index
      %get3A_146 = arith.constant 0 : index
      %get3A_147 = vector.load %arg20[%get3A_145, %get3A_146] : memref<32x1xf32, #tpu.memory_space<vmem>>, vector<32x1xf32>
      %dot_general3A_148 = arith.constant dense<0.000000e+00> : vector<64x1xf32>
      %dot_general3A_149 = tpu.matmul %max3A_144, %get3A_147, %dot_general3A_148 {dimension_numbers = #tpu.dot_dimension_numbers<[1], [0], [0], [1], [0, 0, 1, 1], [], []>, transpose_lhs_hint = false} : vector<64x32xf32>, vector<32x1xf32>, vector<64x1xf32> -> vector<64x1xf32>
      %get3A_150 = arith.constant 0 : index
      %get3A_151 = arith.constant 0 : index
      %get3A_152 = vector.load %arg21[%get3A_150, %get3A_151] : memref<1x1xf32, #tpu.memory_space<vmem>>, vector<1x1xf32>
      %add3A_153 = vector.broadcast %get3A_152 : vector<1x1xf32> to vector<64x1xf32>
      %add3A_154 = arith.addf %dot_general3A_149, %add3A_153 : vector<64x1xf32>
      %swap3A_155 = arith.constant 0 : index
      %swap3A_156 = arith.constant 0 : index
      %swap3A_157 = vector.load %arg24[%swap3A_155, %swap3A_156] : memref<64x1xf32, #tpu.memory_space<vmem>>, vector<64x1xf32>
      tpu.vector_store %arg24[%swap3A_155, %swap3A_156], %add3A_154 {strides = array<i32>} : memref<64x1xf32, #tpu.memory_space<vmem>>, vector<64x1xf32>,
    } else {
    }
    return
  }
  func.func @transform_0(%arg0: i32) -> (i32, i32) {
    %c0_i32 = arith.constant 0 : i32
    %c0_i32_0 = arith.constant 0 : i32
    return %arg0, %c0_i32 : i32, i32
  }
  func.func @transform_1(%arg0: i32) -> (i32, i32) {
    %c0_i32 = arith.constant 0 : i32
    %c0_i32_0 = arith.constant 0 : i32
    return %arg0, %c0_i32 : i32, i32
  }
  func.func @transform_2(%arg0: i32) -> (i32, i32) {
    %c0_i32 = arith.constant 0 : i32
    %c0_i32_0 = arith.constant 0 : i32
    return %arg0, %c0_i32 : i32, i32
  }
  func.func @transform_3(%arg0: i32) -> (i32, i32) {
    %c0_i32 = arith.constant 0 : i32
    %c0_i32_0 = arith.constant 0 : i32
    return %arg0, %c0_i32 : i32, i32
  }
  func.func @transform_4(%arg0: i32) -> (i32, i32) {
    %c0_i32 = arith.constant 0 : i32
    %c0_i32_0 = arith.constant 0 : i32
    return %arg0, %c0_i32 : i32, i32
  }
  func.func @transform_5(%arg0: i32) -> (i32, i32) {
    %c0_i32 = arith.constant 0 : i32
    %c0_i32_0 = arith.constant 0 : i32
    %c0_i32_1 = arith.constant 0 : i32
    return %c0_i32, %c0_i32_0 : i32, i32
  }
  func.func @transform_6(%arg0: i32) -> (i32, i32) {
    %c0_i32 = arith.constant 0 : i32
    %c0_i32_0 = arith.constant 0 : i32
    return %c0_i32, %arg0 : i32, i32
  }
  func.func @transform_7(%arg0: i32) -> (i32, i32) {
    %c0_i32 = arith.constant 0 : i32
    %c0_i32_0 = arith.constant 0 : i32
    %c0_i32_1 = arith.constant 0 : i32
    return %c0_i32, %c0_i32_0 : i32, i32
  }
  func.func @transform_8(%arg0: i32) -> (i32, i32) {
    %c0_i32 = arith.constant 0 : i32
    %c0_i32_0 = arith.constant 0 : i32
    %c0_i32_1 = arith.constant 0 : i32
    return %c0_i32, %c0_i32_0 : i32, i32
  }
  func.func @transform_9(%arg0: i32) -> (i32, i32) {
    %c0_i32 = arith.constant 0 : i32
    %c0_i32_0 = arith.constant 0 : i32
    %c0_i32_1 = arith.constant 0 : i32
    return %c0_i32, %c0_i32_0 : i32, i32
  }
  func.func @transform_10(%arg0: i32) -> (i32, i32) {
    %c0_i32 = arith.constant 0 : i32
    %c0_i32_0 = arith.constant 0 : i32
    %c0_i32_1 = arith.constant 0 : i32
    return %c0_i32, %c0_i32_0 : i32, i32
  }
  func.func @transform_11(%arg0: i32) -> (i32, i32) {
    %c0_i32 = arith.constant 0 : i32
    %c0_i32_0 = arith.constant 0 : i32
    %c0_i32_1 = arith.constant 0 : i32
    return %c0_i32, %c0_i32_0 : i32, i32
  }
  func.func @transform_12(%arg0: i32) -> (i32, i32) {
    %c0_i32 = arith.constant 0 : i32
    %c0_i32_0 = arith.constant 0 : i32
    %c0_i32_1 = arith.constant 0 : i32
    return %c0_i32, %c0_i32_0 : i32, i32
  }
  func.func @transform_13(%arg0: i32) -> (i32, i32) {
    %c0_i32 = arith.constant 0 : i32
    %c0_i32_0 = arith.constant 0 : i32
    %c0_i32_1 = arith.constant 0 : i32
    return %c0_i32, %c0_i32_0 : i32, i32
  }
  func.func @transform_14(%arg0: i32) -> (i32, i32) {
    %c0_i32 = arith.constant 0 : i32
    %c0_i32_0 = arith.constant 0 : i32
    %c0_i32_1 = arith.constant 0 : i32
    return %c0_i32, %c0_i32_0 : i32, i32
  }
  func.func @transform_15(%arg0: i32) -> (i32, i32) {
    %c0_i32 = arith.constant 0 : i32
    %c0_i32_0 = arith.constant 0 : i32
    %c0_i32_1 = arith.constant 0 : i32
    return %c0_i32, %c0_i32_0 : i32, i32
  }
  func.func @transform_16(%arg0: i32) -> (i32, i32) {
    %c0_i32 = arith.constant 0 : i32
    %c0_i32_0 = arith.constant 0 : i32
    %c0_i32_1 = arith.constant 0 : i32
    return %c0_i32, %c0_i32_0 : i32, i32
  }
  func.func @transform_17(%arg0: i32) -> (i32, i32) {
    %c0_i32 = arith.constant 0 : i32
    %c0_i32_0 = arith.constant 0 : i32
    %c0_i32_1 = arith.constant 0 : i32
    return %c0_i32, %c0_i32_0 : i32, i32
  }
  func.func @transform_18(%arg0: i32) -> (i32, i32) {
    %c0_i32 = arith.constant 0 : i32
    %c0_i32_0 = arith.constant 0 : i32
    %c0_i32_1 = arith.constant 0 : i32
    return %c0_i32, %c0_i32_0 : i32, i32
  }
  func.func @transform_19(%arg0: i32) -> (i32, i32) {
    %c0_i32 = arith.constant 0 : i32
    %c0_i32_0 = arith.constant 0 : i32
    %c0_i32_1 = arith.constant 0 : i32
    return %c0_i32, %c0_i32_0 : i32, i32
  }
  func.func @transform_20(%arg0: i32) -> (i32, i32) {
    %c0_i32 = arith.constant 0 : i32
    %c0_i32_0 = arith.constant 0 : i32
    %c0_i32_1 = arith.constant 0 : i32
    return %c0_i32, %c0_i32_0 : i32, i32
  }
  func.func @transform_21(%arg0: i32) -> (i32, i32) {
    %c0_i32 = arith.constant 0 : i32
    %c0_i32_0 = arith.constant 0 : i32
    return %arg0, %c0_i32 : i32, i32
  }
  func.func @transform_22(%arg0: i32) -> (i32, i32) {
    %c0_i32 = arith.constant 0 : i32
    %c0_i32_0 = arith.constant 0 : i32
    return %arg0, %c0_i32 : i32, i32
  }
  func.func @transform_23(%arg0: i32) -> (i32, i32) {
    %c0_i32 = arith.constant 0 : i32
    %c0_i32_0 = arith.constant 0 : i32
    %c0_i32_1 = arith.constant 0 : i32
    return %c0_i32, %c0_i32_0 : i32, i32
  }
  func.func @transform_24(%arg0: i32) -> (i32, i32) {
    %c0_i32 = arith.constant 0 : i32
    %c0_i32_0 = arith.constant 0 : i32
    %c0_i32_1 = arith.constant 0 : i32
    return %c0_i32, %c0_i32_0 : i32, i32
  }
  func.func @transform_25(%arg0: i32) -> (i32, i32) {
    %c0_i32 = arith.constant 0 : i32
    %c0_i32_0 = arith.constant 0 : i32
    %c0_i32_1 = arith.constant 0 : i32
    return %c0_i32, %c0_i32_0 : i32, i32
  }
}

</mosaic_0001>

<sc_bundles>
// kernel: kernel.10.cloned.1.call-start
scs
__scs_entry_jumppad:
0x0: {  	(pc) =	sbr.rel $0x88, $3  }
0x1: {  	(tag) =	ssettag $0x0;
	lr =	simm.s32 $0x1  }
0x2: {  	[smem:$0x3F8A] =	sst lr;
	_ =	strace $0xD0000000  }
0x3: {  	_ = 	snop  }
0x4: {  	_ = 	snop  }
0x5: {  	_ = 	snop  }
0x6: {  	_ = 	snop  }
0x7: {  	_ = 	snop  }
__scs_overlays_trampoline_lowered:
0x8: {  	[smem:$0x3F99] =	sst s0  }
0x9: {  	[smem:$0x3F9A] =	sst s1  }
0xa: {  	[smem:$0x3F9B] =	sst s2  }
0xb: {  	[smem:$0x3F9C] =	sst s3  }
0xc: {  	[smem:$0x3F9D] =	sst s4  }
0xd: {  	[smem:$0x3F9E] =	sst s5  }
0xe: {  	[smem:$0x3F9F] =	sst s6  }
0xf: {  	[smem:$0x3FA0] =	sst s7  }
0x10: {  	[smem:$0x3FA1] =	sst s8  }
0x11: {  	[smem:$0x3FA2] =	sst s9;
	s0 =	simm.s32 @!p0 $0x0  }
0x12: {  	s1 =	sld [smem:$0x3F88];
	s0 =	simm.s32 @p0 $0x1  }
0x13: {  	[smem:$0x3FA3] =	sst s0;
	s0 =	simm.s32 @!p1 $0x0  }
0x14: {  	s2 =	sld [smem:$0x3F87];
	s0 =	simm.s32 @p1 $0x1  }
0x15: {  	[smem:$0x3FA4] =	sst s0;
	s0 =	simm.s32 @!p2 $0x0  }
0x16: {  	s3 =	sld [smem:$0x3FDB];
	s0 =	simm.s32 @p2 $0x1  }
0x17: {  	s4 =	simm.s32 $0x1BF5;
	[smem:$0x3FA6] =	sst s0  }
0x18: {  	s0 =	sld [smem:$0x3F89];
	_ =	swait.ge [sflag:s4], $0x0  }
0x19: {  	s7 =	sld [smem:$0x3F8A]  }
0x1a: {  	s8 =	sadd.s32 $0xFFFFE003, lr  }
0x1b: {  	s9 =	sadd.s32 $0xFFFFFEF7, lr;
	s5 =	simm.s32 $0xFFFFFFFF;
	p2 =	slt.u32 s8, $0xFFFFF086  }
0x1c: {  	p1 =	slt.u32 s9, $0xF7A;
	s5 =	simm.s32 @!p2 $0x0  }
0x1d: {  	s5 =	simm.s32 @p1 $0x1;
	p0 =	seq.s32 s7, s2  }
0x1e: {  	s7 =	smul.u32 @!p0 $0xF7A, s2;
	p2 =	seq.s32 @!p0 s5, $0x0  }
0x1f: {  	s9 =	smul.u32 $0xF7A, s1;
	s8 =	simm.s32 @!p0 $0x1BF5;
	p2 =	por !p2, p0  }
0x20: {  	[sflag:s8] =	ssyncset.s32 @!p0 $0xFFFFF086;
	s6 =	sadd.s32 @!p0 s3, s7;
	s7 =	simm.s32 @!p0 $0x108  }
0x21: {  	s3 =	sadd.s32 s3, s9;
	s6 =	sadd.s32 @!p0 $0x88, s6;
	s7 =	simm.s32 @p2 $0x1082  }
0x22: {  	[simem:s7], [sflag:s8] =	dma.local @!p0 [hbm:s6], $0xF7A  }
0x23: {  	s9 =	sor.u32 $0xD0000000, s2;
	s6 =	simm.s32 $0x108;
	_ =	swait.ge @!p0 [sflag:s8], $0x0  }
0x24: {  	s3 =	sadd.s32 $0x88, s3;
	s6 =	simm.s32 @!p1 $0x1082;
	[sflag:s4] =	ssyncset.s32 $0xFFFFF086  }
0x25: {  	[simem:s6], [sflag:s4] =	dma.local [hbm:s3], $0xF7A  }
0x26: {  	[smem:$0x3F8A] =	sst s1;
	(tag) =	ssettag s2;
	_ =	strace s9  }
0x27: {  	s1 =	sld [smem:$0x3F9A]  }
0x28: {  	s2 =	sld [smem:$0x3F9B]  }
0x29: {  	s4 =	sld [smem:$0x3F9D]  }
0x2a: {  	p0 =	seq.s32 s5, $0x0;
	s5 =	sld [smem:$0x3F9E]  }
0x2b: {  	s6 =	sld [smem:$0x3F9F]  }
0x2c: {  	s7 =	sld [smem:$0x3FA0]  }
0x2d: {  	s3 =	simm.s32 $0x108;
	s8 =	sld [smem:$0x3FA1]  }
0x2e: {  	s3 =	simm.s32 @!p0 $0x1082;
	s9 =	sld [smem:$0x3FA2]  }
0x2f: {  	lr =	sadd.s32 s0, s3;
	s0 =	sld [smem:$0x3F99]  }
0x30: {  	s3 =	sld [smem:$0x3F9C]  }
0x31: {  	[smem:$0x3FA5] =	sst s10  }
0x32: {  	s10 =	sld [smem:$0x3FA3];
	_ =	sdelay $0x3  }
0x33: {  	p0 =	seq.s32 s10, $0x1;
	s10 =	sld [smem:$0x3FA5];
	_ =	sdelay $0x3  }
0x34: {  	[smem:$0x3FA5] =	sst s10  }
0x35: {  	s10 =	sld [smem:$0x3FA4];
	_ =	sdelay $0x3  }
0x36: {  	p1 =	seq.s32 s10, $0x1;
	s10 =	sld [smem:$0x3FA5];
	_ =	sdelay $0x3  }
0x37: {  	[smem:$0x3FA5] =	sst s10  }
0x38: {  	s10 =	sld [smem:$0x3FA6]  }
0x39: {  	_ = 	snop;
	(pc) =	sbr.ind lr, $3  }
0x3a: {  	_ = 	snop  }
0x3b: {  	_ = 	snop  }
0x3c: {  	p2 =	seq.s32 s10, $0x1;
	s10 =	sld [smem:$0x3FA5]  }
0x3d: {  	_ =	shalt  }
0x3e: {  	_ =	shalt  }
0x3f: {  	_ =	shalt  }
0x40: {  	_ =	shalt  }
0x41: {  	_ =	shalt  }
0x42: {  	_ =	shalt  }
0x43: {  	_ =	shalt  }
0x44: {  	_ =	shalt  }
0x45: {  	_ =	shalt  }
0x46: {  	_ =	shalt  }
0x47: {  	_ =	shalt  }
0x48: {  	_ =	shalt  }
0x49: {  	_ =	shalt  }
0x4a: {  	_ =	shalt  }
0x4b: {  	_ =	shalt  }
0x4c: {  	_ =	shalt  }
0x4d: {  	_ =	shalt  }
0x4e: {  	_ =	shalt  }
0x4f: {  	_ =	shalt  }
0x50: {  	_ =	shalt  }
0x51: {  	_ =	shalt  }
0x52: {  	_ =	shalt  }
0x53: {  	_ =	shalt  }
0x54: {  	_ =	shalt  }
0x55: {  	_ =	shalt  }
0x56: {  	_ =	shalt  }
0x57: {  	_ =	shalt  }
0x58: {  	_ =	shalt  }
0x59: {  	_ =	shalt  }
0x5a: {  	_ =	shalt  }
0x5b: {  	_ =	shalt  }
0x5c: {  	_ =	shalt  }
0x5d: {  	_ =	shalt  }
0x5e: {  	_ =	shalt  }
0x5f: {  	_ =	shalt  }
0x60: {  	_ =	shalt  }
0x61: {  	_ =	shalt  }
0x62: {  	_ =	shalt  }
0x63: {  	_ =	shalt  }
0x64: {  	_ =	shalt  }
0x65: {  	_ =	shalt  }
0x66: {  	_ =	shalt  }
0x67: {  	_ =	shalt  }
0x68: {  	_ =	shalt  }
0x69: {  	_ =	shalt  }
0x6a: {  	_ =	shalt  }
0x6b: {  	_ =	shalt  }
0x6c: {  	_ =	shalt  }
0x6d: {  	_ =	shalt  }
0x6e: {  	_ =	shalt  }
0x6f: {  	_ =	shalt  }
0x70: {  	_ =	shalt  }
0x71: {  	_ =	shalt  }
0x72: {  	_ =	shalt  }
0x73: {  	_ =	shalt  }
0x74: {  	_ =	shalt  }
0x75: {  	_ =	shalt  }
0x76: {  	_ =	shalt  }
0x77: {  	_ =	shalt  }
0x78: {  	_ =	shalt  }
0x79: {  	_ =	shalt  }
0x7a: {  	_ =	shalt  }
0x7b: {  	_ =	shalt  }
0x7c: {  	_ =	shalt  }
0x7d: {  	_ =	shalt  }
0x7e: {  	_ =	shalt  }
0x7f: {  	_ =	shalt  }
0x80: {  	_ =	shalt  }
0x81: {  	_ =	shalt  }
0x82: {  	_ =	shalt  }
0x83: {  	_ =	shalt  }
0x84: {  	_ =	shalt  }
0x85: {  	_ =	shalt  }
0x86: {  	_ =	shalt  }
0x87: {  	_ =	shalt  }
.Lfunc_end0:
.L_simem_size_0:
called_computation_lowered:
.L_overlay_start_0:
0x88: {  	s2 =	sld [smem:$0x3FD9]  }
0x89: {  	s3 =	sld [smem:$0x3FFE];
	_ =	sdelay $0x1  }
0x8a: {  	s1 =	srdreg.scid  }
0x8b: {  	s0 =	sand.u32 $0x1, s1  }
0x8c: {  	s14 =	sshll.u32 s0, $0xA;
	s2 =	sadd.s32 s3, s2  }
0x8d: {  	s2 =	sadd.s32 s2, s14  }
0x8e: {  	[smem:$0x3FB1] =	sst s2  }
0x8f: {  	_ = 	snop  }
0x90: {  	s2 =	sld [smem:$0x3FD0];
	_ =	sdelay $0x2  }
0x91: {  	s15 =	simm.s32 $0xA;
	s4 =	simm.s32 $0x10  }
0x92: {  	[smem:s4], [sflag:s15] =	dma.local [hbm:s2], $0x1  }
0x93: {  	_ =	swait.eq [sflag:s15], $0x1  }
0x94: {  	[sflag:s15] =	ssyncset.done $0x0  }
0x95: {  	[sflag:s15] =	ssyncadd.s32 $0xFFFFFFFF  }
0x96: {  	s16 =	sld [smem:$0x11];
	(tm) =	ssettm $0x1  }
0x97: {  	s17 =	sld [smem:$0x3FFB];
	_ =	sdelay $0x3  }
0x98: {  	_ =	strace s17  }
0x99: {  	s3 =	sld [smem:$0x3FFC];
	_ =	sdelay $0x3  }
0x9a: {  	_ =	strace s3  }
0x9b: {  	s3 =	sld [smem:$0x3FFD];
	_ =	sdelay $0x3  }
0x9c: {  	_ =	strace s3  }
0x9d: {  	_ =	strace $0x8FFFFFFF  }
0x9e: {  	s18 =	sld [smem:$0x3FDB];
	_ =	sdelay $0x1  }
0x9f: {  	s19 =	simm.s32 $_scs_section_size  }
0xa0: {  	s5 =	simm.s32 $_size__tile_overlayer_lowered;
	s6 =	simm.s32 $_tile_overlayer_lowered  }
0xa1: {  	s22 =	simm.s32 $0x1BFF;
	s21 =	sshll.u32 s6, $0x1;
	s3 =	sadd.s32 s19, s18  }
0xa2: {  	s7 =	simm.s32 $0x0;
	s20 =	sshll.u32 s5, $0x1;
	s5 =	sadd.s32 s21, s3  }
0xa3: {  	[timem:s7], [sflag:s22] =	dma.local [hbm:s5], s20  }
0xa4: {  	_ =	swait.ge [sflag:s22], s20  }
0xa5: {  	s4 =	ssub.s32 $0x0, s20;
	[sflag:s22] =	ssyncset.done $0x0  }
0xa6: {  	[sflag:s22] =	ssyncadd.s32 s4;
	_ =	sdelay $0x1  }
0xa7: {  	s23 =	simm.s32 $0x1B8B  }
0xa8: {  	_ =	swait.ge [sflag:s23], $0x1  }
0xa9: {  	[sflag:s23] =	ssyncset.done $0x0  }
0xaa: {  	s25 =	simm.s32 $0x1B8E;
	s24 =	sld [smem:$0x3FFE];
	[sflag:s23] =	ssyncadd.s32 $0xFFFFFFFF  }
0xab: {  	s26 =	simm.s32 $execute0_lowered;
	[smem:$0x3FD2] =	sst s25  }
0xac: {  	s5 =	sshll.u32 s26, $0x1;
	_ =	strace $0x80000046;
	[dreg:$0x1] =	wrdreg $0xFFFFFFFF  }
0xad: {  	s28 =	simm.s32 $_size_execute0_lowered;
	s3 =	sadd.s32 s3, s5;
	[dreg:$0x0] =	wrdreg $0x0  }
0xae: {  	s5 =	sshll.u32 s28, $0x1;
	[dreg:$0x2] =	wrdreg s3  }
0xaf: {  	[dreg:$0x3] =	wrdreg s5  }
0xb0: {  	[dreg:$0x4] =	wrdreg $0xC0  }
0xb1: {  	_ =	task [dreg:s7], $0x5FFFF  }
0xb2: {  	[dreg:$0x1] =	wrdreg $0xFFFFFFFF  }
0xb3: {  	[dreg:$0x0] =	wrdreg $0x60  }
0xb4: {  	[dreg:$0x2] =	wrdreg s24  }
0xb5: {  	[dreg:$0x3] =	wrdreg s16  }
0xb6: {  	[dreg:$0x4] =	wrdreg $0x2C800  }
0xb7: {  	[dreg:$0x5] =	wrdreg $0x9  }
0xb8: {  	_ =	task.clear_ibuf [dreg:s7], $0x6FFFF;
	_ =	strace $0x90000046  }
0xb9: {  	s29 =	simm.s32 $0x9;
	_ =	strace $0x80000048  }
0xba: {  	_ =	swait.ge [sflag:s29], $0x1  }
0xbb: {  	[sflag:s29] =	ssyncadd.s32 $0xFFFFFFFF  }
0xbc: {  	_ =	strace $0x90000048  }
0xbd: {  	_ =	sfence  }
0xbe: {  	s30 =	sld [smem:$0x0];
	_ =	sdelay $0x2  }
0xbf: {  	s31 =	sshll.u32 s1, $0xD;
	s1 =	sshrl.u32 s1, $0x2  }
0xc0: {  	s3 =	sand.u32 $0x4000, s31;
	s1 =	sadd.s32 s1, s30  }
0xc1: {  	s0 =	sor.u32 s3, s0;
	s1 =	sshll.u32 s1, $0x11  }
0xc2: {  	s0 =	sor.u32 s1, s0  }
0xc3: {  	s0 =	sadd.s32 $0x8F2B, s0  }
0xc4: {  	[sflag:s0] =	ssyncadd.remote.s32 $0x1  }
0xc5: {  	_ =	sfence.sel $0xFFFF  }
0xc6: {  	[dreg:$0x0] =	wrdreg $0xFFFFFFFF;
	(pc) =	sbr.abs _section_cstart, $3  }
0xc7: {  	[dreg:$0x1] =	wrdreg $0xFFFFFFFF  }
0xc8: {  	_ =	task.clear_ibuf [dreg:s7], $0x2FFFF;
	_ =	strace $0x9FFFFFFF  }
0xc9: {  	(tm) =	ssettm $0x7FFFFFFF  }
tec
execute0_lowered:
.L_overlay_start_1:
0x0: {  	(tag) =	ssettag $0x1  }
0x1: {  	s0 =	rddreg [dreg:$0x0]  }
0x2: {  	s1 =	rddreg [dreg:$0x1];
	s9 =	stileid.u32  }
0x3: {  	s2 =	rddreg [dreg:$0x2];
	s3 =	simm.s32 $0x0;
	s5 =	smul.u32 $0x30E00, s9  }
0x4: {  	s4 =	srdreg.scid;
	s10 =	simm.s32 $0x2;
	s6 =	smul.u32 $0x1880, s9  }
0x5: {  	[smem:$0x7FF] =	sst s3;
	s4 =	sand.u32 $0x1, s4;
	s22 =	smul.u32 $0xC380, s9  }
0x6: {  	s9 =	simm.s32 $0x1C00;
	_ =	strace $0x80000047;
	s7 =	ssub.s32 $0x2, s4  }
0x7: {  	p0 =	seq.s32 s4, $0x1;
	s5 =	sshrl.u32 s5, $0x2;
	s6 =	sadd.s32 s6, s0  }
0x8: {  	s8 =	sshrl.u32 s7, $0x1;
	s0 =	sadd.s32 $0x1DE00, s0;
	s5 =	sadd.s32 s5, s2  }
0x9: {  	s24 =	sshrl.u32 s22, $0x3;
	s7 =	ssub.s32 s7, s8;
	s16 =	sadd.s32 $0x8800, s5  }
0xa: {  	s13 =	sadd.s32 $0x5600, s6;
	s17 =	sadd.s32 $0x9080, s5;
	[dreg:$0x4] =	wrdreg s16  }
0xb: {  	s8 =	sadd.s32 s22, s2;
	s18 =	sadd.s32 $0x9900, s5;
	[dreg:$0x5] =	wrdreg s17  }
0xc: {  	s1 =	smov.u32 @p0 s0;
	s19 =	sadd.s32 $0xA180, s5;
	[dreg:$0x6] =	wrdreg s18  }
0xd: {  	s6 =	simm.s32 $0x1;
	s20 =	sadd.s32 $0xAA00, s5;
	[dreg:$0x7] =	wrdreg s19  }
0xe: {  	s21 =	sadd.s32 $0xB280, s5;
	s23 =	sadd.s32 $0xBB00, s5;
	[dreg:$0x8] =	wrdreg s20  }
0xf: {  	s7 =	smax.u32 s7, $0x1;
	s25 =	sadd.s32 $0x880, s5;
	[dreg:$0x9] =	wrdreg s21  }
0x10: {  	s26 =	sadd.s32 $0x1100, s5;
	s22 =	sadd.s32 $0x4400, s5;
	[dreg:$0xa] =	wrdreg s23  }
0x11: {  	s28 =	sadd.s32 $0x5D80, s5;
	s29 =	sadd.s32 $0x6600, s5;
	[dreg:$0xb] =	wrdreg s7  }
0x12: {  	s30 =	sadd.s32 $0x6E80, s5;
	s31 =	sadd.s32 $0x7700, s5;
	[dreg:$0xc] =	wrdreg s25  }
.Ltmp0:
0x13: {  	s0 =	sadd.s32 $0x7F80, s5;
	[dreg:$0xd] =	wrdreg s26;
	(pc) =	sbr.rel .LBB2_1-.Ltmp0, $4  }
0x14: {  	s17 =	sadd.s32 $0x1980, s5;
	s18 =	sadd.s32 $0x2200, s5;
	s19 =	sadd.s32 $0x2A80, s5  }
0x15: {  	s20 =	sadd.s32 $0x3300, s5;
	s21 =	sadd.s32 $0x3B80, s5;
	s23 =	sadd.s32 s1, s24  }
0x16: {  	s24 =	sadd.s32 $0x4C80, s5;
	s25 =	sshrl.u32 s8, $0x3;
	s26 =	sadd.s32 $0x5500, s5  }
0x17: {  	v0 =	vimm.f32 $1.000000000e+00;
	v1 =	vimm.f32 $0.0e+00;
	s1 =	simm.s32 $0x2400;
	s7 =	simm.s32 $0x3;
	s8 =	simm.s32 $0x80  }
.LBB2_11:
0x18: {  	s11 =	stileid.u32  }
0x19: {  	s11 =	sshll.u32 s11, $0x6  }
0x1a: {  	[bflag:$0x0] =	sbarrier.arrive $0xFFFF;
	s11 =	sor.u32 $0x1C03, s11  }
0x1b: {  	[hbm:s23], [sflag:s11] =	dma.local [spmem:s25], $0x1870  }
0x1c: {  	_ =	swait.ge [sflag:s7], $0x1870  }
0x1d: {  	s3 =	sadd.s32 $0x1, s3;
	s16 =	rddreg [dreg:$0xb]  }
0x1e: {  	p0 =	sne.s32 s3, s16  }
.Ltmp1:
0x1f: {  	_ = 	snop;
	(pc) =	sbr.rel @!p0 .LBB2_12-.Ltmp1, $3  }
0x20: {  	_ =	sdelay $0x1  }
0x21: {  	[sflag:s7] =	ssyncset.done $0x0  }
0x22: {  	[sflag:s7] =	ssyncadd.s32 $0xFFFFE790  }
.LBB2_1:
0x23: {  	s11 =	simm.s32 $0x0  }
.LBB2_2:
0x24: {  	p0 =	sne.s32 s11, $0x1FC0  }
.Ltmp2:
0x25: {  	_ = 	snop;
	(pc) =	sbr.rel @p0 .LBB2_2-.Ltmp2, $3  }
0x26: {  	_ =	sdelay $0x1  }
0x27: {  	s12 =	sshra.s32 s11, $0x2  }
0x28: {  	s11 =	sadd.s32 $0x40, s11;
	[tilespmem:s12+$0x1C00] =	vst v0  }
0x29: {  	s11 =	simm.s32 $0x40;
	s12 =	simm.s32 $0x0  }
.LBB2_4:
0x2a: {  	p0 =	sne.s32 s11, $0x21C0;
	[tilespmem:s12+$0x2400] =	vst v1;
	s12 =	smov.u32 s11;
	s11 =	sadd.s32 $0x40, s11  }
.Ltmp3:
0x2b: {  	(pc) =	sbr.rel @p0 .LBB2_4-.Ltmp3, $2  }
0x2c: {  	_ =	sdelay $0x2  }
0x2d: {  	s12 =	sshra.s32 s12, $0x2  }
0x2e: {  	[tilespmem:s12+$0x2400] =	vst v1  }
0x2f: {  	[spmem:s5] =	stream.linear.scatter [tilespmem:s1], [sflag:$0x1], $0x880, $0x38;
	[tilespmem:$0xF000] =	vst v63  }
0x30: {  	s11 =	rddreg [dreg:$0xc]  }
0x31: {  	[spmem:s11] =	stream.linear.scatter [tilespmem:s1], [sflag:$0x1], $0x880, $0x38;
	[tilespmem:$0xF000] =	vst v63  }
0x32: {  	s12 =	rddreg [dreg:$0xd]  }
0x33: {  	[spmem:s12] =	stream.linear.scatter [tilespmem:s1], [sflag:$0x1], $0x880, $0x38;
	[tilespmem:$0xF000] =	vst v63  }
0x34: {  	_ = 	snop  }
0x35: {  	[spmem:s17] =	stream.linear.scatter [tilespmem:s1], [sflag:$0x1], $0x880, $0x38;
	[tilespmem:$0xF000] =	vst v63  }
0x36: {  	_ = 	snop  }
0x37: {  	[spmem:s18] =	stream.linear.scatter [tilespmem:s1], [sflag:$0x1], $0x880, $0x38;
	[tilespmem:$0xF000] =	vst v63  }
0x38: {  	_ = 	snop  }
0x39: {  	[spmem:s19] =	stream.linear.scatter [tilespmem:s1], [sflag:$0x1], $0x880, $0x38;
	[tilespmem:$0xF000] =	vst v63  }
0x3a: {  	_ = 	snop  }
0x3b: {  	[spmem:s20] =	stream.linear.scatter [tilespmem:s1], [sflag:$0x1], $0x880, $0x38;
	[tilespmem:$0xF000] =	vst v63  }
0x3c: {  	_ = 	snop  }
0x3d: {  	[spmem:s21] =	stream.linear.scatter [tilespmem:s1], [sflag:$0x1], $0x880, $0x38;
	[tilespmem:$0xF000] =	vst v63  }
0x3e: {  	_ =	swait.ge [sflag:s6], $0x880  }
0x3f: {  	[sflag:s6] =	ssyncset.done $0x0  }
0x40: {  	[sflag:s6] =	ssyncadd.s32 $0xFFFFF780  }
0x41: {  	_ =	swait.ge [sflag:s6], $0x880  }
0x42: {  	[sflag:s6] =	ssyncset.done $0x0  }
0x43: {  	[sflag:s6] =	ssyncadd.s32 $0xFFFFF780  }
0x44: {  	_ =	swait.ge [sflag:s6], $0x880  }
0x45: {  	[sflag:s6] =	ssyncset.done $0x0  }
0x46: {  	[sflag:s6] =	ssyncadd.s32 $0xFFFFF780  }
0x47: {  	_ =	swait.ge [sflag:s6], $0x880  }
0x48: {  	[sflag:s6] =	ssyncset.done $0x0  }
0x49: {  	[sflag:s6] =	ssyncadd.s32 $0xFFFFF780  }
0x4a: {  	_ =	swait.ge [sflag:s6], $0x880  }
0x4b: {  	[sflag:s6] =	ssyncset.done $0x0  }
0x4c: {  	[sflag:s6] =	ssyncadd.s32 $0xFFFFF780  }
0x4d: {  	_ =	swait.ge [sflag:s6], $0x880  }
0x4e: {  	[sflag:s6] =	ssyncset.done $0x0  }
0x4f: {  	[sflag:s6] =	ssyncadd.s32 $0xFFFFF780  }
0x50: {  	_ =	swait.ge [sflag:s6], $0x880  }
0x51: {  	[sflag:s6] =	ssyncset.done $0x0  }
0x52: {  	[sflag:s6] =	ssyncadd.s32 $0xFFFFF780  }
0x53: {  	_ =	swait.ge [sflag:s6], $0x880  }
0x54: {  	[sflag:s6] =	ssyncset.done $0x0  }
0x55: {  	[sflag:s6] =	ssyncadd.s32 $0xFFFFF780  }
0x56: {  	[spmem:s22] =	stream.linear.scatter [tilespmem:s1], [sflag:$0x1], $0x880, $0x38;
	[tilespmem:$0xF000] =	vst v63  }
0x57: {  	_ = 	snop  }
0x58: {  	[spmem:s24] =	stream.linear.scatter [tilespmem:s1], [sflag:$0x1], $0x880, $0x38;
	[tilespmem:$0xF000] =	vst v63  }
0x59: {  	_ = 	snop  }
0x5a: {  	[spmem:s26] =	stream.linear.scatter [tilespmem:s1], [sflag:$0x1], $0x880, $0x38;
	[tilespmem:$0xF000] =	vst v63  }
0x5b: {  	_ = 	snop  }
0x5c: {  	[spmem:s28] =	stream.linear.scatter [tilespmem:s1], [sflag:$0x1], $0x880, $0x38;
	[tilespmem:$0xF000] =	vst v63  }
0x5d: {  	_ = 	snop  }
0x5e: {  	[spmem:s29] =	stream.linear.scatter [tilespmem:s1], [sflag:$0x1], $0x880, $0x38;
	[tilespmem:$0xF000] =	vst v63  }
0x5f: {  	_ = 	snop  }
0x60: {  	[spmem:s30] =	stream.linear.scatter [tilespmem:s1], [sflag:$0x1], $0x880, $0x38;
	[tilespmem:$0xF000] =	vst v63  }
0x61: {  	_ = 	snop  }
0x62: {  	[spmem:s31] =	stream.linear.scatter [tilespmem:s1], [sflag:$0x1], $0x880, $0x38;
	[tilespmem:$0xF000] =	vst v63  }
0x63: {  	_ = 	snop  }
0x64: {  	[spmem:s0] =	stream.linear.scatter [tilespmem:s1], [sflag:$0x1], $0x880, $0x38;
	[tilespmem:$0xF000] =	vst v63  }
0x65: {  	_ =	swait.ge [sflag:s6], $0x880  }
0x66: {  	[sflag:s6] =	ssyncset.done $0x0  }
0x67: {  	[sflag:s6] =	ssyncadd.s32 $0xFFFFF780  }
0x68: {  	_ =	swait.ge [sflag:s6], $0x880  }
0x69: {  	[sflag:s6] =	ssyncset.done $0x0  }
0x6a: {  	[sflag:s6] =	ssyncadd.s32 $0xFFFFF780  }
0x6b: {  	_ =	swait.ge [sflag:s6], $0x880  }
0x6c: {  	[sflag:s6] =	ssyncset.done $0x0  }
0x6d: {  	[sflag:s6] =	ssyncadd.s32 $0xFFFFF780  }
0x6e: {  	_ =	swait.ge [sflag:s6], $0x880  }
0x6f: {  	[sflag:s6] =	ssyncset.done $0x0  }
0x70: {  	[sflag:s6] =	ssyncadd.s32 $0xFFFFF780  }
0x71: {  	_ =	swait.ge [sflag:s6], $0x880  }
0x72: {  	[sflag:s6] =	ssyncset.done $0x0  }
0x73: {  	[sflag:s6] =	ssyncadd.s32 $0xFFFFF780  }
0x74: {  	_ =	swait.ge [sflag:s6], $0x880  }
0x75: {  	[sflag:s6] =	ssyncset.done $0x0  }
0x76: {  	[sflag:s6] =	ssyncadd.s32 $0xFFFFF780  }
0x77: {  	_ =	swait.ge [sflag:s6], $0x880  }
0x78: {  	[sflag:s6] =	ssyncset.done $0x0  }
0x79: {  	[sflag:s6] =	ssyncadd.s32 $0xFFFFF780  }
0x7a: {  	_ =	swait.ge [sflag:s6], $0x880  }
0x7b: {  	[sflag:s6] =	ssyncset.done $0x0  }
0x7c: {  	s14 =	rddreg [dreg:$0x4];
	[sflag:s6] =	ssyncadd.s32 $0xFFFFF780  }
0x7d: {  	[spmem:s14] =	stream.linear.scatter [tilespmem:s1], [sflag:$0x1], $0x880, $0x38;
	[tilespmem:$0xF000] =	vst v63  }
0x7e: {  	s15 =	rddreg [dreg:$0x5]  }
0x7f: {  	[spmem:s15] =	stream.linear.scatter [tilespmem:s1], [sflag:$0x1], $0x880, $0x38;
	[tilespmem:$0xF000] =	vst v63  }
0x80: {  	s16 =	rddreg [dreg:$0x6]  }
0x81: {  	[spmem:s16] =	stream.linear.scatter [tilespmem:s1], [sflag:$0x1], $0x880, $0x38;
	[tilespmem:$0xF000] =	vst v63  }
0x82: {  	s12 =	rddreg [dreg:$0x7]  }
0x83: {  	[spmem:s12] =	stream.linear.scatter [tilespmem:s1], [sflag:$0x1], $0x880, $0x38;
	[tilespmem:$0xF000] =	vst v63  }
0x84: {  	s14 =	rddreg [dreg:$0x8]  }
0x85: {  	[spmem:s14] =	stream.linear.scatter [tilespmem:s1], [sflag:$0x1], $0x880, $0x38;
	[tilespmem:$0xF000] =	vst v63  }
0x86: {  	s15 =	rddreg [dreg:$0x9]  }
0x87: {  	[spmem:s15] =	stream.linear.scatter [tilespmem:s1], [sflag:$0x1], $0x880, $0x38;
	[tilespmem:$0xF000] =	vst v63  }
0x88: {  	s16 =	rddreg [dreg:$0xa]  }
0x89: {  	[spmem:s16] =	stream.linear.scatter [tilespmem:s1], [sflag:$0x1], $0x880, $0x38;
	[tilespmem:$0xF000] =	vst v63  }
0x8a: {  	_ =	swait.ge [sflag:s6], $0x880  }
0x8b: {  	[sflag:s6] =	ssyncset.done $0x0  }
0x8c: {  	[sflag:s6] =	ssyncadd.s32 $0xFFFFF780  }
0x8d: {  	_ =	swait.ge [sflag:s6], $0x880  }
0x8e: {  	[sflag:s6] =	ssyncset.done $0x0  }
0x8f: {  	[sflag:s6] =	ssyncadd.s32 $0xFFFFF780  }
0x90: {  	_ =	swait.ge [sflag:s6], $0x880  }
0x91: {  	[sflag:s6] =	ssyncset.done $0x0  }
0x92: {  	[sflag:s6] =	ssyncadd.s32 $0xFFFFF780  }
0x93: {  	_ =	swait.ge [sflag:s6], $0x880  }
0x94: {  	[sflag:s6] =	ssyncset.done $0x0  }
0x95: {  	[sflag:s6] =	ssyncadd.s32 $0xFFFFF780  }
0x96: {  	_ =	swait.ge [sflag:s6], $0x880  }
0x97: {  	[sflag:s6] =	ssyncset.done $0x0  }
0x98: {  	[sflag:s6] =	ssyncadd.s32 $0xFFFFF780  }
0x99: {  	_ =	swait.ge [sflag:s6], $0x880  }
0x9a: {  	[sflag:s6] =	ssyncset.done $0x0  }
0x9b: {  	[sflag:s6] =	ssyncadd.s32 $0xFFFFF780  }
.Ltmp4:
0x9c: {  	_ =	swait.ge [sflag:s6], $0x880;
	(pc) =	sbr.rel .LBB2_6-.Ltmp4, $4  }
0x9d: {  	[sflag:s6] =	ssyncset.done $0x0  }
0x9e: {  	[sflag:s6] =	ssyncadd.s32 $0xFFFFF780  }
0x9f: {  	[bflag:$0x0] =	sbarrier.arrive $0xFFFF  }
0xa0: {  	s11 =	simm.s32 $0x0  }
.LBB2_10:
0xa1: {  	s11 =	sadd.s32 $0x1, s11  }
0xa2: {  	p0 =	sne.s32 s11, $0x7  }
.Ltmp5:
0xa3: {  	_ = 	snop;
	(pc) =	sbr.rel @!p0 .LBB2_11-.Ltmp5, $1  }
0xa4: {  	_ =	sdelay $0x3  }
.LBB2_6:
0xa5: {  	s12 =	sand.u32 $0x1, s11  }
0xa6: {  	p0 =	sne.s32 s12, s4  }
.Ltmp6:
0xa7: {  	_ = 	snop;
	(pc) =	sbr.rel @p0 .LBB2_10-.Ltmp6, $1  }
0xa8: {  	_ =	sdelay $0x3  }
0xa9: {  	s12 =	smul.u32 $0x380, s11;
	_ =	sdelay $0x1  }
0xaa: {  	s14 =	simm.s32 $0x0;
	s12 =	sadd.s32 s13, s12  }
0xab: {  	[tilespmem:s14], [sflag:$0x3] =	stream.linear.gather [hbm4b:s12+s14], $0x1C00, $0x38;
	[tilespmem:$0xF000] =	vst v63  }
0xac: {  	_ =	swait.ge [sflag:s7], $0x1C00  }
0xad: {  	[sflag:s7] =	ssyncset.done $0x0  }
0xae: {  	s15 =	simm.s32 $0x0;
	[sflag:s7] =	ssyncadd.s32 $0xFFFFE400  }
0xaf: {  	[spmem:s2] =	stream.indirect.scatter.add.f32 [tilespmem:s9], [sflag:$0x2], $0x10, s15, s8, $0xb8;
	[tilespmem:$0xF000] =	vst v63  }
0xb0: {  	s16 =	simm.s32 $0x80  }
0xb1: {  	[spmem:s2] =	stream.indirect.scatter.add.f32 [tilespmem:s9], [sflag:$0x2], $0x10, s16, s8, $0xb8;
	[tilespmem:$0xF000] =	vst v63  }
0xb2: {  	s14 =	simm.s32 $0x100  }
0xb3: {  	[spmem:s2] =	stream.indirect.scatter.add.f32 [tilespmem:s9], [sflag:$0x2], $0x10, s14, s8, $0xb8;
	[tilespmem:$0xF000] =	vst v63  }
0xb4: {  	s15 =	simm.s32 $0x180  }
0xb5: {  	[spmem:s2] =	stream.indirect.scatter.add.f32 [tilespmem:s9], [sflag:$0x2], $0x10, s15, s8, $0xb8;
	[tilespmem:$0xF000] =	vst v63  }
0xb6: {  	s16 =	simm.s32 $0x200  }
0xb7: {  	[spmem:s2] =	stream.indirect.scatter.add.f32 [tilespmem:s9], [sflag:$0x2], $0x10, s16, s8, $0xb8;
	[tilespmem:$0xF000] =	vst v63  }
0xb8: {  	s14 =	simm.s32 $0x280  }
0xb9: {  	[spmem:s2] =	stream.indirect.scatter.add.f32 [tilespmem:s9], [sflag:$0x2], $0x10, s14, s8, $0xb8;
	[tilespmem:$0xF000] =	vst v63  }
0xba: {  	s15 =	simm.s32 $0x300  }
0xbb: {  	[spmem:s2] =	stream.indirect.scatter.add.f32 [tilespmem:s9], [sflag:$0x2], $0x10, s15, s8, $0xb8;
	[tilespmem:$0xF000] =	vst v63  }
0xbc: {  	s16 =	simm.s32 $0x380  }
0xbd: {  	[spmem:s2] =	stream.indirect.scatter.add.f32 [tilespmem:s9], [sflag:$0x2], $0x10, s16, s8, $0xb8;
	[tilespmem:$0xF000] =	vst v63  }
0xbe: {  	_ =	swait.ge [sflag:s10], $0x800  }
0xbf: {  	[sflag:s10] =	ssyncset.done $0x0  }
0xc0: {  	[sflag:s10] =	ssyncadd.s32 $0xFFFFF800  }
0xc1: {  	_ =	swait.ge [sflag:s10], $0x800  }
0xc2: {  	[sflag:s10] =	ssyncset.done $0x0  }
0xc3: {  	[sflag:s10] =	ssyncadd.s32 $0xFFFFF800  }
0xc4: {  	_ =	swait.ge [sflag:s10], $0x800  }
0xc5: {  	[sflag:s10] =	ssyncset.done $0x0  }
0xc6: {  	[sflag:s10] =	ssyncadd.s32 $0xFFFFF800  }
0xc7: {  	_ =	swait.ge [sflag:s10], $0x800  }
0xc8: {  	[sflag:s10] =	ssyncset.done $0x0  }
0xc9: {  	[sflag:s10] =	ssyncadd.s32 $0xFFFFF800  }
0xca: {  	_ =	swait.ge [sflag:s10], $0x800  }
0xcb: {  	[sflag:s10] =	ssyncset.done $0x0  }
0xcc: {  	[sflag:s10] =	ssyncadd.s32 $0xFFFFF800  }
0xcd: {  	_ =	swait.ge [sflag:s10], $0x800  }
0xce: {  	[sflag:s10] =	ssyncset.done $0x0  }
0xcf: {  	[sflag:s10] =	ssyncadd.s32 $0xFFFFF800  }
0xd0: {  	_ =	swait.ge [sflag:s10], $0x800  }
0xd1: {  	[sflag:s10] =	ssyncset.done $0x0  }
0xd2: {  	[sflag:s10] =	ssyncadd.s32 $0xFFFFF800  }
0xd3: {  	_ =	swait.ge [sflag:s10], $0x800  }
0xd4: {  	s12 =	simm.s32 $0x1000;
	s14 =	simm.s32 $0x2000;
	[sflag:s10] =	ssyncset.done $0x0  }
.LBB2_8:
0xd5: {  	s16 =	sshra.s32 s12, $0x2  }
0xd6: {  	[sflag:s10] =	ssyncadd.s32 $0xFFFFF800;
	s12 =	smov.u32 s14;
	s15 =	sadd.s32 $0x1000, s14  }
0xd7: {  	[spmem:s2] =	stream.indirect.scatter.add.f32 [tilespmem:s9], [sflag:$0x2], $0x10, s16, s8, $0xb8;
	[tilespmem:$0xF000] =	vst v63  }
0xd8: {  	p0 =	sne.s32 s14, $0x6000;
	s14 =	sadd.s32 $0x80, s16  }
0xd9: {  	[spmem:s2] =	stream.indirect.scatter.add.f32 [tilespmem:s9], [sflag:$0x2], $0x10, s14, s8, $0xb8;
	[tilespmem:$0xF000] =	vst v63  }
0xda: {  	s14 =	sadd.s32 $0x100, s16  }
0xdb: {  	[spmem:s2] =	stream.indirect.scatter.add.f32 [tilespmem:s9], [sflag:$0x2], $0x10, s14, s8, $0xb8;
	[tilespmem:$0xF000] =	vst v63  }
0xdc: {  	s14 =	sadd.s32 $0x180, s16  }
0xdd: {  	[spmem:s2] =	stream.indirect.scatter.add.f32 [tilespmem:s9], [sflag:$0x2], $0x10, s14, s8, $0xb8;
	[tilespmem:$0xF000] =	vst v63  }
0xde: {  	s14 =	sadd.s32 $0x200, s16  }
0xdf: {  	[spmem:s2] =	stream.indirect.scatter.add.f32 [tilespmem:s9], [sflag:$0x2], $0x10, s14, s8, $0xb8;
	[tilespmem:$0xF000] =	vst v63  }
0xe0: {  	s14 =	sadd.s32 $0x280, s16  }
0xe1: {  	[spmem:s2] =	stream.indirect.scatter.add.f32 [tilespmem:s9], [sflag:$0x2], $0x10, s14, s8, $0xb8;
	[tilespmem:$0xF000] =	vst v63  }
0xe2: {  	s14 =	sadd.s32 $0x300, s16  }
0xe3: {  	[spmem:s2] =	stream.indirect.scatter.add.f32 [tilespmem:s9], [sflag:$0x2], $0x10, s14, s8, $0xb8;
	[tilespmem:$0xF000] =	vst v63  }
0xe4: {  	s14 =	sadd.s32 $0x380, s16  }
0xe5: {  	[spmem:s2] =	stream.indirect.scatter.add.f32 [tilespmem:s9], [sflag:$0x2], $0x10, s14, s8, $0xb8;
	[tilespmem:$0xF000] =	vst v63  }
0xe6: {  	_ =	swait.ge [sflag:s10], $0x800  }
0xe7: {  	[sflag:s10] =	ssyncset.done $0x0  }
0xe8: {  	[sflag:s10] =	ssyncadd.s32 $0xFFFFF800  }
0xe9: {  	_ =	swait.ge [sflag:s10], $0x800  }
0xea: {  	[sflag:s10] =	ssyncset.done $0x0  }
0xeb: {  	[sflag:s10] =	ssyncadd.s32 $0xFFFFF800  }
0xec: {  	_ =	swait.ge [sflag:s10], $0x800  }
0xed: {  	[sflag:s10] =	ssyncset.done $0x0  }
0xee: {  	[sflag:s10] =	ssyncadd.s32 $0xFFFFF800  }
0xef: {  	_ =	swait.ge [sflag:s10], $0x800  }
0xf0: {  	[sflag:s10] =	ssyncset.done $0x0  }
0xf1: {  	[sflag:s10] =	ssyncadd.s32 $0xFFFFF800  }
0xf2: {  	_ =	swait.ge [sflag:s10], $0x800  }
0xf3: {  	[sflag:s10] =	ssyncset.done $0x0  }
0xf4: {  	[sflag:s10] =	ssyncadd.s32 $0xFFFFF800  }
0xf5: {  	_ =	swait.ge [sflag:s10], $0x800  }
0xf6: {  	[sflag:s10] =	ssyncset.done $0x0  }
0xf7: {  	[sflag:s10] =	ssyncadd.s32 $0xFFFFF800  }
.Ltmp7:
0xf8: {  	_ =	swait.ge [sflag:s10], $0x800;
	(pc) =	sbr.rel @p0 .LBB2_8-.Ltmp7, $4  }
0xf9: {  	[sflag:s10] =	ssyncset.done $0x0  }
0xfa: {  	[sflag:s10] =	ssyncadd.s32 $0xFFFFF800  }
0xfb: {  	_ =	swait.ge [sflag:s10], $0x800  }
0xfc: {  	s14 =	smov.u32 s15;
	[sflag:s10] =	ssyncset.done $0x0  }
0xfd: {  	s12 =	sshra.s32 s12, $0x2;
	[sflag:s10] =	ssyncadd.s32 $0xFFFFF800  }
0xfe: {  	[spmem:s2] =	stream.indirect.scatter.add.f32 [tilespmem:s9], [sflag:$0x2], $0x10, s12, s8, $0xb8;
	[tilespmem:$0xF000] =	vst v63  }
0xff: {  	s14 =	sadd.s32 $0x80, s12  }
0x100: {  	[spmem:s2] =	stream.indirect.scatter.add.f32 [tilespmem:s9], [sflag:$0x2], $0x10, s14, s8, $0xb8;
	[tilespmem:$0xF000] =	vst v63  }
0x101: {  	s16 =	sadd.s32 $0x100, s12  }
0x102: {  	[spmem:s2] =	stream.indirect.scatter.add.f32 [tilespmem:s9], [sflag:$0x2], $0x10, s16, s8, $0xb8;
	[tilespmem:$0xF000] =	vst v63  }
0x103: {  	s15 =	sadd.s32 $0x180, s12  }
0x104: {  	[spmem:s2] =	stream.indirect.scatter.add.f32 [tilespmem:s9], [sflag:$0x2], $0x10, s15, s8, $0xb8;
	[tilespmem:$0xF000] =	vst v63  }
0x105: {  	s16 =	sadd.s32 $0x200, s12  }
0x106: {  	[spmem:s2] =	stream.indirect.scatter.add.f32 [tilespmem:s9], [sflag:$0x2], $0x10, s16, s8, $0xb8;
	[tilespmem:$0xF000] =	vst v63  }
0x107: {  	s15 =	sadd.s32 $0x280, s12  }
0x108: {  	[spmem:s2] =	stream.indirect.scatter.add.f32 [tilespmem:s9], [sflag:$0x2], $0x10, s15, s8, $0xb8;
	[tilespmem:$0xF000] =	vst v63  }
0x109: {  	s16 =	sadd.s32 $0x300, s12  }
0x10a: {  	[spmem:s2] =	stream.indirect.scatter.add.f32 [tilespmem:s9], [sflag:$0x2], $0x10, s16, s8, $0xb8;
	[tilespmem:$0xF000] =	vst v63  }
0x10b: {  	s12 =	sadd.s32 $0x380, s12  }
0x10c: {  	[spmem:s2] =	stream.indirect.scatter.add.f32 [tilespmem:s9], [sflag:$0x2], $0x10, s12, s8, $0xb8;
	[tilespmem:$0xF000] =	vst v63  }
0x10d: {  	_ =	swait.ge [sflag:s10], $0x800  }
0x10e: {  	[sflag:s10] =	ssyncset.done $0x0  }
0x10f: {  	[sflag:s10] =	ssyncadd.s32 $0xFFFFF800  }
0x110: {  	_ =	swait.ge [sflag:s10], $0x800  }
0x111: {  	[sflag:s10] =	ssyncset.done $0x0  }
0x112: {  	[sflag:s10] =	ssyncadd.s32 $0xFFFFF800  }
0x113: {  	_ =	swait.ge [sflag:s10], $0x800  }
0x114: {  	[sflag:s10] =	ssyncset.done $0x0  }
0x115: {  	[sflag:s10] =	ssyncadd.s32 $0xFFFFF800  }
0x116: {  	_ =	swait.ge [sflag:s10], $0x800  }
0x117: {  	[sflag:s10] =	ssyncset.done $0x0  }
0x118: {  	[sflag:s10] =	ssyncadd.s32 $0xFFFFF800  }
0x119: {  	_ =	swait.ge [sflag:s10], $0x800  }
0x11a: {  	[sflag:s10] =	ssyncset.done $0x0  }
0x11b: {  	[sflag:s10] =	ssyncadd.s32 $0xFFFFF800  }
0x11c: {  	_ =	swait.ge [sflag:s10], $0x800  }
0x11d: {  	[sflag:s10] =	ssyncset.done $0x0  }
0x11e: {  	[sflag:s10] =	ssyncadd.s32 $0xFFFFF800  }
0x11f: {  	_ =	swait.ge [sflag:s10], $0x800  }
.Ltmp8:
0x120: {  	[sflag:s10] =	ssyncset.done $0x0;
	(pc) =	sbr.rel .LBB2_10-.Ltmp8, $4  }
0x121: {  	[sflag:s10] =	ssyncadd.s32 $0xFFFFF800  }
0x122: {  	_ =	swait.ge [sflag:s10], $0x800  }
0x123: {  	[sflag:s10] =	ssyncset.done $0x0  }
0x124: {  	[sflag:s10] =	ssyncadd.s32 $0xFFFFF800  }
.LBB2_12:
0x125: {  	_ =	sfence.sel $0x180000  }
0x126: {  	[bflag:$0x0] =	sbarrier.arrive $0xFFFF  }
0x127: {  	_ =	strace $0x90000047  }
0x128: {  	s0 =	stileid.u32;
	[bflag:$0x2] =	sbarrier.arrive $0xFFFF  }
0x129: {  	p0 =	sne.s32 s0, $0x0;
	s0 =	rddreg [dreg:$0x3]  }
0x12a: {  	s0 =	sadd.s32 @!p0 $0x100000, s0  }
0x12b: {  	[sflag:s0] =	ssyncadd.tile.s32 @!p0 $0x1;
	_ =	shalt  }
.Lfunc_end2:
_tile_overlayer_lowered:
.L_overlay_start_2:
0x12c: {  	(tag) =	ssettag $0x2  }
0x12d: {  	s0 =	rddreg [dreg:$0x0];
	s2 =	stileid.u32  }
0x12e: {  	s1 =	rddreg [dreg:$0x1];
	p0 =	sne.s32 s2, $0x0  }
0x12f: {  	s3 =	rddreg [dreg:$0x2];
	[bflag:$0x3] =	sbarrier.arrive $0xFFFF;
	s2 =	simm.s32 @!p0 $0x1C03  }
0x130: {  	[timem:s3], [sflag:s2] =	dma.local @!p0 [hbm:s0], s1  }
0x131: {  	s0 =	simm.s32 @!p0 $0x3  }
0x132: {  	_ =	swait.ge @!p0 [sflag:s0], s1  }
0x133: {  	s1 =	ssub.s32 @!p0 $0x0, s1;
	[sflag:s0] =	ssyncset.done @!p0 $0x0  }
0x134: {  	[sflag:s0] =	ssyncadd.s32 @!p0 s1  }
0x135: {  	[bflag:$0x3] =	sbarrier.arrive $0xFFFF  }
0x136: {  	_ =	shalt  }

// kernel: kernel.13.cloned.1.call-start
scs
__scs_entry_jumppad:
0x0: {  	(pc) =	sbr.rel $0x88, $3  }
0x1: {  	(tag) =	ssettag $0x0;
	lr =	simm.s32 $0x1  }
0x2: {  	[smem:$0x3F8A] =	sst lr;
	_ =	strace $0xD0000000  }
0x3: {  	_ = 	snop  }
0x4: {  	_ = 	snop  }
0x5: {  	_ = 	snop  }
0x6: {  	_ = 	snop  }
0x7: {  	_ = 	snop  }
__scs_overlays_trampoline_lowered:
0x8: {  	[smem:$0x3F99] =	sst s0  }
0x9: {  	[smem:$0x3F9A] =	sst s1  }
0xa: {  	[smem:$0x3F9B] =	sst s2  }
0xb: {  	[smem:$0x3F9C] =	sst s3  }
0xc: {  	[smem:$0x3F9D] =	sst s4  }
0xd: {  	[smem:$0x3F9E] =	sst s5  }
0xe: {  	[smem:$0x3F9F] =	sst s6  }
0xf: {  	[smem:$0x3FA0] =	sst s7  }
0x10: {  	[smem:$0x3FA1] =	sst s8  }
0x11: {  	[smem:$0x3FA2] =	sst s9;
	s0 =	simm.s32 @!p0 $0x0  }
0x12: {  	s1 =	sld [smem:$0x3F88];
	s0 =	simm.s32 @p0 $0x1  }
0x13: {  	[smem:$0x3FA3] =	sst s0;
	s0 =	simm.s32 @!p1 $0x0  }
0x14: {  	s2 =	sld [smem:$0x3F87];
	s0 =	simm.s32 @p1 $0x1  }
0x15: {  	[smem:$0x3FA4] =	sst s0;
	s0 =	simm.s32 @!p2 $0x0  }
0x16: {  	s3 =	sld [smem:$0x3FDB];
	s0 =	simm.s32 @p2 $0x1  }
0x17: {  	s4 =	simm.s32 $0x1BF5;
	[smem:$0x3FA6] =	sst s0  }
0x18: {  	s0 =	sld [smem:$0x3F89];
	_ =	swait.ge [sflag:s4], $0x0  }
0x19: {  	s7 =	sld [smem:$0x3F8A]  }
0x1a: {  	s8 =	sadd.s32 $0xFFFFE003, lr  }
0x1b: {  	s9 =	sadd.s32 $0xFFFFFEF7, lr;
	s5 =	simm.s32 $0xFFFFFFFF;
	p2 =	slt.u32 s8, $0xFFFFF086  }
0x1c: {  	p1 =	slt.u32 s9, $0xF7A;
	s5 =	simm.s32 @!p2 $0x0  }
0x1d: {  	s5 =	simm.s32 @p1 $0x1;
	p0 =	seq.s32 s7, s2  }
0x1e: {  	s7 =	smul.u32 @!p0 $0xF7A, s2;
	p2 =	seq.s32 @!p0 s5, $0x0  }
0x1f: {  	s9 =	smul.u32 $0xF7A, s1;
	s8 =	simm.s32 @!p0 $0x1BF5;
	p2 =	por !p2, p0  }
0x20: {  	[sflag:s8] =	ssyncset.s32 @!p0 $0xFFFFF086;
	s6 =	sadd.s32 @!p0 s3, s7;
	s7 =	simm.s32 @!p0 $0x108  }
0x21: {  	s3 =	sadd.s32 s3, s9;
	s6 =	sadd.s32 @!p0 $0x88, s6;
	s7 =	simm.s32 @p2 $0x1082  }
0x22: {  	[simem:s7], [sflag:s8] =	dma.local @!p0 [hbm:s6], $0xF7A  }
0x23: {  	s9 =	sor.u32 $0xD0000000, s2;
	s6 =	simm.s32 $0x108;
	_ =	swait.ge @!p0 [sflag:s8], $0x0  }
0x24: {  	s3 =	sadd.s32 $0x88, s3;
	s6 =	simm.s32 @!p1 $0x1082;
	[sflag:s4] =	ssyncset.s32 $0xFFFFF086  }
0x25: {  	[simem:s6], [sflag:s4] =	dma.local [hbm:s3], $0xF7A  }
0x26: {  	[smem:$0x3F8A] =	sst s1;
	(tag) =	ssettag s2;
	_ =	strace s9  }
0x27: {  	s1 =	sld [smem:$0x3F9A]  }
0x28: {  	s2 =	sld [smem:$0x3F9B]  }
0x29: {  	s4 =	sld [smem:$0x3F9D]  }
0x2a: {  	p0 =	seq.s32 s5, $0x0;
	s5 =	sld [smem:$0x3F9E]  }
0x2b: {  	s6 =	sld [smem:$0x3F9F]  }
0x2c: {  	s7 =	sld [smem:$0x3FA0]  }
0x2d: {  	s3 =	simm.s32 $0x108;
	s8 =	sld [smem:$0x3FA1]  }
0x2e: {  	s3 =	simm.s32 @!p0 $0x1082;
	s9 =	sld [smem:$0x3FA2]  }
0x2f: {  	lr =	sadd.s32 s0, s3;
	s0 =	sld [smem:$0x3F99]  }
0x30: {  	s3 =	sld [smem:$0x3F9C]  }
0x31: {  	[smem:$0x3FA5] =	sst s10  }
0x32: {  	s10 =	sld [smem:$0x3FA3];
	_ =	sdelay $0x3  }
0x33: {  	p0 =	seq.s32 s10, $0x1;
	s10 =	sld [smem:$0x3FA5];
	_ =	sdelay $0x3  }
0x34: {  	[smem:$0x3FA5] =	sst s10  }
0x35: {  	s10 =	sld [smem:$0x3FA4];
	_ =	sdelay $0x3  }
0x36: {  	p1 =	seq.s32 s10, $0x1;
	s10 =	sld [smem:$0x3FA5];
	_ =	sdelay $0x3  }
0x37: {  	[smem:$0x3FA5] =	sst s10  }
0x38: {  	s10 =	sld [smem:$0x3FA6]  }
0x39: {  	_ = 	snop;
	(pc) =	sbr.ind lr, $3  }
0x3a: {  	_ = 	snop  }
0x3b: {  	_ = 	snop  }
0x3c: {  	p2 =	seq.s32 s10, $0x1;
	s10 =	sld [smem:$0x3FA5]  }
0x3d: {  	_ =	shalt  }
0x3e: {  	_ =	shalt  }
0x3f: {  	_ =	shalt  }
0x40: {  	_ =	shalt  }
0x41: {  	_ =	shalt  }
0x42: {  	_ =	shalt  }
0x43: {  	_ =	shalt  }
0x44: {  	_ =	shalt  }
0x45: {  	_ =	shalt  }
0x46: {  	_ =	shalt  }
0x47: {  	_ =	shalt  }
0x48: {  	_ =	shalt  }
0x49: {  	_ =	shalt  }
0x4a: {  	_ =	shalt  }
0x4b: {  	_ =	shalt  }
0x4c: {  	_ =	shalt  }
0x4d: {  	_ =	shalt  }
0x4e: {  	_ =	shalt  }
0x4f: {  	_ =	shalt  }
0x50: {  	_ =	shalt  }
0x51: {  	_ =	shalt  }
0x52: {  	_ =	shalt  }
0x53: {  	_ =	shalt  }
0x54: {  	_ =	shalt  }
0x55: {  	_ =	shalt  }
0x56: {  	_ =	shalt  }
0x57: {  	_ =	shalt  }
0x58: {  	_ =	shalt  }
0x59: {  	_ =	shalt  }
0x5a: {  	_ =	shalt  }
0x5b: {  	_ =	shalt  }
0x5c: {  	_ =	shalt  }
0x5d: {  	_ =	shalt  }
0x5e: {  	_ =	shalt  }
0x5f: {  	_ =	shalt  }
0x60: {  	_ =	shalt  }
0x61: {  	_ =	shalt  }
0x62: {  	_ =	shalt  }
0x63: {  	_ =	shalt  }
0x64: {  	_ =	shalt  }
0x65: {  	_ =	shalt  }
0x66: {  	_ =	shalt  }
0x67: {  	_ =	shalt  }
0x68: {  	_ =	shalt  }
0x69: {  	_ =	shalt  }
0x6a: {  	_ =	shalt  }
0x6b: {  	_ =	shalt  }
0x6c: {  	_ =	shalt  }
0x6d: {  	_ =	shalt  }
0x6e: {  	_ =	shalt  }
0x6f: {  	_ =	shalt  }
0x70: {  	_ =	shalt  }
0x71: {  	_ =	shalt  }
0x72: {  	_ =	shalt  }
0x73: {  	_ =	shalt  }
0x74: {  	_ =	shalt  }
0x75: {  	_ =	shalt  }
0x76: {  	_ =	shalt  }
0x77: {  	_ =	shalt  }
0x78: {  	_ =	shalt  }
0x79: {  	_ =	shalt  }
0x7a: {  	_ =	shalt  }
0x7b: {  	_ =	shalt  }
0x7c: {  	_ =	shalt  }
0x7d: {  	_ =	shalt  }
0x7e: {  	_ =	shalt  }
0x7f: {  	_ =	shalt  }
0x80: {  	_ =	shalt  }
0x81: {  	_ =	shalt  }
0x82: {  	_ =	shalt  }
0x83: {  	_ =	shalt  }
0x84: {  	_ =	shalt  }
0x85: {  	_ =	shalt  }
0x86: {  	_ =	shalt  }
0x87: {  	_ =	shalt  }
.Lfunc_end0:
.L_simem_size_0:
called_computation.1_lowered:
.L_overlay_start_0:
0x88: {  	s2 =	sld [smem:$0x3FD9]  }
0x89: {  	s3 =	sld [smem:$0x3FFE];
	_ =	sdelay $0x1  }
0x8a: {  	s1 =	srdreg.scid  }
0x8b: {  	s0 =	sand.u32 $0x1, s1  }
0x8c: {  	s16 =	sshll.u32 s0, $0xA;
	s2 =	sadd.s32 s3, s2  }
0x8d: {  	s2 =	sadd.s32 s2, s16  }
0x8e: {  	[smem:$0x3FB1] =	sst s2  }
0x8f: {  	_ = 	snop  }
0x90: {  	(tm) =	ssettm $0x1  }
0x91: {  	s17 =	sld [smem:$0x3FFB];
	_ =	sdelay $0x3  }
0x92: {  	_ =	strace s17  }
0x93: {  	s2 =	sld [smem:$0x3FFC];
	_ =	sdelay $0x3  }
0x94: {  	_ =	strace s2  }
0x95: {  	s2 =	sld [smem:$0x3FFD];
	_ =	sdelay $0x3  }
0x96: {  	_ =	strace s2  }
0x97: {  	_ =	strace $0x8FFFFFFF  }
0x98: {  	s18 =	sld [smem:$0x3FDB];
	_ =	sdelay $0x1  }
0x99: {  	s19 =	simm.s32 $_scs_section_size  }
0x9a: {  	s4 =	simm.s32 $_size__tile_overlayer_lowered;
	s5 =	simm.s32 $_tile_overlayer_lowered  }
0x9b: {  	s22 =	simm.s32 $0x1BFF;
	s21 =	sshll.u32 s5, $0x1;
	s2 =	sadd.s32 s19, s18  }
0x9c: {  	s6 =	simm.s32 $0x0;
	s20 =	sshll.u32 s4, $0x1;
	s4 =	sadd.s32 s21, s2  }
0x9d: {  	[timem:s6], [sflag:s22] =	dma.local [hbm:s4], s20  }
0x9e: {  	_ =	swait.ge [sflag:s22], s20  }
0x9f: {  	s3 =	ssub.s32 $0x0, s20;
	[sflag:s22] =	ssyncset.done $0x0  }
0xa0: {  	[sflag:s22] =	ssyncadd.s32 s3;
	_ =	sdelay $0x1  }
0xa1: {  	s23 =	simm.s32 $0x1B8B  }
0xa2: {  	_ =	swait.ge [sflag:s23], $0x1  }
0xa3: {  	[sflag:s23] =	ssyncset.done $0x0  }
0xa4: {  	s25 =	simm.s32 $0x1B8E;
	s24 =	sld [smem:$0x3FFE];
	[sflag:s23] =	ssyncadd.s32 $0xFFFFFFFF  }
0xa5: {  	s26 =	simm.s32 $execute0_lowered;
	[smem:$0x3FD2] =	sst s25  }
0xa6: {  	s4 =	sshll.u32 s26, $0x1;
	_ =	strace $0x80000049;
	[dreg:$0x1] =	wrdreg $0xFFFFFFFF  }
0xa7: {  	s28 =	simm.s32 $_size_execute0_lowered;
	s2 =	sadd.s32 s2, s4;
	[dreg:$0x0] =	wrdreg $0x0  }
0xa8: {  	s4 =	sshll.u32 s28, $0x1;
	[dreg:$0x2] =	wrdreg s2  }
0xa9: {  	[dreg:$0x3] =	wrdreg s4  }
0xaa: {  	[dreg:$0x4] =	wrdreg $0xC0  }
0xab: {  	_ =	task [dreg:s6], $0x5FFFF  }
0xac: {  	[dreg:$0x1] =	wrdreg $0xFFFFFFFF  }
0xad: {  	[dreg:$0x0] =	wrdreg $0x60  }
0xae: {  	[dreg:$0x2] =	wrdreg s24  }
0xaf: {  	[dreg:$0x3] =	wrdreg $0x78000  }
0xb0: {  	[dreg:$0x4] =	wrdreg $0x9  }
0xb1: {  	_ =	task.clear_ibuf [dreg:s6], $0x5FFFF;
	_ =	strace $0x90000049  }
0xb2: {  	s29 =	simm.s32 $0x9;
	_ =	strace $0x8000004B  }
0xb3: {  	_ =	swait.ge [sflag:s29], $0x1  }
0xb4: {  	[sflag:s29] =	ssyncadd.s32 $0xFFFFFFFF  }
0xb5: {  	_ =	strace $0x9000004B  }
0xb6: {  	_ =	sfence  }
0xb7: {  	s30 =	sld [smem:$0x0];
	_ =	sdelay $0x2  }
0xb8: {  	s31 =	sshll.u32 s1, $0xD;
	s1 =	sshrl.u32 s1, $0x2  }
0xb9: {  	s3 =	sand.u32 $0x4000, s31;
	s1 =	sadd.s32 s1, s30  }
0xba: {  	s0 =	sor.u32 s3, s0;
	s1 =	sshll.u32 s1, $0x11  }
0xbb: {  	s0 =	sor.u32 s1, s0  }
0xbc: {  	s0 =	sadd.s32 $0x8F2B, s0  }
0xbd: {  	[sflag:s0] =	ssyncadd.remote.s32 $0x1  }
0xbe: {  	_ =	sfence.sel $0xFFFF  }
0xbf: {  	[dreg:$0x0] =	wrdreg $0xFFFFFFFF;
	(pc) =	sbr.abs _section_cstart, $3  }
0xc0: {  	[dreg:$0x1] =	wrdreg $0xFFFFFFFF  }
0xc1: {  	_ =	task.clear_ibuf [dreg:s6], $0x2FFFF;
	_ =	strace $0x9FFFFFFF  }
0xc2: {  	(tm) =	ssettm $0x7FFFFFFF  }
0xc3: {  	_ =	shalt  }
tec
execute0_lowered:
.L_overlay_start_1:
0x0: {  	(tag) =	ssettag $0x1  }
0x1: {  	s0 =	rddreg [dreg:$0x0];
	s3 =	stileid.u32  }
0x2: {  	s1 =	srdreg.scid;
	s6 =	smul.u32 $0x61C00, s3  }
0x3: {  	s2 =	rddreg [dreg:$0x1];
	s10 =	simm.s32 $0x0;
	s1 =	sand.u32 $0x1, s1  }
0x4: {  	[smem:$0x7FF] =	sst s10;
	s7 =	ssub.s32 $0x2, s1;
	s6 =	sshrl.u32 s6, $0x2  }
0x5: {  	_ =	strace $0x8000004A;
	s8 =	sshrl.u32 s7, $0x1;
	s11 =	sadd.s32 s6, s2  }
0x6: {  	s7 =	ssub.s32 s7, s8;
	s13 =	sadd.s32 $0x18000, s11;
	[dreg:$0x4] =	wrdreg s11  }
0x7: {  	s15 =	smax.u32 s7, $0x1;
	[dreg:$0x5] =	wrdreg s13  }
0x8: {  	s16 =	sadd.s32 $0x1000, s11;
	[dreg:$0x6] =	wrdreg s15  }
0x9: {  	s17 =	sadd.s32 $0x2000, s11;
	[dreg:$0x7] =	wrdreg s16  }
0xa: {  	s18 =	sadd.s32 $0x3000, s11;
	[dreg:$0x8] =	wrdreg s17  }
0xb: {  	s19 =	sadd.s32 $0x4000, s11;
	[dreg:$0x9] =	wrdreg s18  }
0xc: {  	s9 =	simm.s32 $0x4EC00;
	s20 =	sadd.s32 $0x5000, s11;
	[dreg:$0xa] =	wrdreg s19  }
0xd: {  	s28 =	simm.s32 $0x7;
	s21 =	sadd.s32 $0x6000, s11;
	[dreg:$0xb] =	wrdreg s20  }
0xe: {  	s29 =	simm.s32 $0x4;
	s22 =	sadd.s32 $0x7000, s11;
	[dreg:$0xc] =	wrdreg s21  }
0xf: {  	s30 =	simm.s32 $0x8;
	s23 =	sadd.s32 $0x8000, s11;
	[dreg:$0xd] =	wrdreg s22  }
0x10: {  	s12 =	smul.u32 $0x18700, s3;
	s24 =	sadd.s32 $0x9000, s11;
	[dreg:$0xe] =	wrdreg s23  }
0x11: {  	s31 =	simm.s32 $0x3680;
	s25 =	sadd.s32 $0xA000, s11;
	[dreg:$0xf] =	wrdreg s24  }
0x12: {  	s14 =	sshrl.u32 s12, $0x3;
	s26 =	sadd.s32 $0xB000, s11;
	[dreg:$0x10] =	wrdreg s25  }
0x13: {  	s6 =	sadd.s32 s12, s2;
	s12 =	sadd.s32 $0xC000, s11;
	[dreg:$0x11] =	wrdreg s26  }
0x14: {  	s4 =	sadd.s32 $0xF9E00, s0;
	[dreg:$0x12] =	wrdreg s12;
	s15 =	sshrl.u32 s6, $0x3  }
0x15: {  	s5 =	sadd.s32 $0x5600, s0;
	s16 =	sadd.s32 $0xE000, s11;
	[dreg:$0x15] =	wrdreg s15  }
0x16: {  	p0 =	seq.s32 s1, $0x0;
	s17 =	sadd.s32 $0xF000, s11;
	[dreg:$0x16] =	wrdreg s16  }
0x17: {  	p1 =	seq.s32 s1, $0x1;
	s18 =	sadd.s32 $0x10000, s11;
	[dreg:$0x17] =	wrdreg s17  }
0x18: {  	s1 =	simm.s32 $0x3780;
	s19 =	sadd.s32 $0x11000, s11;
	[dreg:$0x18] =	wrdreg s18  }
0x19: {  	s9 =	simm.s32 @!p0 $0x1DE00;
	s20 =	sadd.s32 $0x12000, s11;
	[dreg:$0x19] =	wrdreg s19  }
0x1a: {  	s8 =	smul.u32 $0x188, s3;
	s22 =	sadd.s32 $0x13000, s11;
	[dreg:$0x1a] =	wrdreg s20  }
0x1b: {  	s7 =	simm.s32 $0x7FA00;
	s23 =	sadd.s32 $0x14000, s11;
	[dreg:$0x1b] =	wrdreg s22  }
0x1c: {  	s7 =	simm.s32 @!p1 $0xB0800;
	s24 =	sadd.s32 $0x15000, s11;
	[dreg:$0x1c] =	wrdreg s23  }
0x1d: {  	s21 =	sadd.s32 s9, s0;
	s25 =	sadd.s32 $0x16000, s11;
	[dreg:$0x1d] =	wrdreg s24  }
0x1e: {  	s26 =	sadd.s32 $0x17000, s11;
	s12 =	simm.s32 $0x9;
	[dreg:$0x1e] =	wrdreg s25  }
0x1f: {  	s7 =	sadd.s32 s7, s0;
	[dreg:$0x1f] =	wrdreg s26;
	s15 =	simm.s32 $0x80  }
0x20: {  	s16 =	simm.s32 $0x4800;
	s17 =	simm.s32 $0x100;
	s18 =	simm.s32 $0x5800  }
0x21: {  	s19 =	simm.s32 $0x1;
	s20 =	simm.s32 $0x180;
	s22 =	simm.s32 $0x6800  }
0x22: {  	s23 =	simm.s32 $0x5;
	s24 =	simm.s32 $0x2;
	s25 =	simm.s32 $0x6  }
0x23: {  	s26 =	simm.s32 $0x3;
	s0 =	simm.s32 $0x3700;
	s13 =	sadd.s32 s7, s14  }
0x24: {  	s14 =	sadd.s32 $0xD000, s11;
	s11 =	simm.s32 $0x3800;
	[dreg:$0x13] =	wrdreg s13  }
0x25: {  	v0 =	vimm.f32 $0.0e+00;
	[dreg:$0x14] =	wrdreg s14;
	s13 =	simm.s32 $0xA;
	s14 =	simm.s32 $0x1C00  }
.LBB2_1:
0x26: {  	[dreg:$0x3] =	wrdreg s10;
	s6 =	simm.s32 $0x80;
	s7 =	simm.s32 $0x0  }
.LBB2_2:
0x27: {  	p0 =	sne.s32 s6, $0x3F80;
	[tilespmem:s7+$0x3800] =	vst v0;
	s9 =	smov.u32 s6;
	s6 =	sadd.s32 $0x80, s6  }
.Ltmp0:
0x28: {  	[tilespmem:s7+$0x3810] =	vst v0;
	(pc) =	sbr.rel @p0 .LBB2_2-.Ltmp0, $2  }
0x29: {  	_ =	sdelay $0x2  }
0x2a: {  	s7 =	sshra.s32 s9, $0x2  }
0x2b: {  	[tilespmem:s7+$0x3800] =	vst v0  }
0x2c: {  	[tilespmem:s7+$0x3810] =	vst v0;
	s3 =	rddreg [dreg:$0x4]  }
0x2d: {  	[spmem:s3] =	stream.linear.scatter [tilespmem:s11], [sflag:$0x9], $0x1000, $0x38;
	[tilespmem:$0x1FF00] =	vst v63  }
0x2e: {  	s6 =	rddreg [dreg:$0x7]  }
0x2f: {  	[spmem:s6] =	stream.linear.scatter [tilespmem:s11], [sflag:$0x9], $0x1000, $0x38;
	[tilespmem:$0x1FF00] =	vst v63  }
0x30: {  	s7 =	rddreg [dreg:$0x8]  }
0x31: {  	[spmem:s7] =	stream.linear.scatter [tilespmem:s11], [sflag:$0x9], $0x1000, $0x38;
	[tilespmem:$0x1FF00] =	vst v63  }
0x32: {  	s9 =	rddreg [dreg:$0x9]  }
0x33: {  	[spmem:s9] =	stream.linear.scatter [tilespmem:s11], [sflag:$0x9], $0x1000, $0x38;
	[tilespmem:$0x1FF00] =	vst v63  }
0x34: {  	s10 =	rddreg [dreg:$0xa]  }
0x35: {  	[spmem:s10] =	stream.linear.scatter [tilespmem:s11], [sflag:$0x9], $0x1000, $0x38;
	[tilespmem:$0x1FF00] =	vst v63  }
0x36: {  	s6 =	rddreg [dreg:$0xb]  }
0x37: {  	[spmem:s6] =	stream.linear.scatter [tilespmem:s11], [sflag:$0x9], $0x1000, $0x38;
	[tilespmem:$0x1FF00] =	vst v63  }
0x38: {  	s7 =	rddreg [dreg:$0xc]  }
0x39: {  	[spmem:s7] =	stream.linear.scatter [tilespmem:s11], [sflag:$0x9], $0x1000, $0x38;
	[tilespmem:$0x1FF00] =	vst v63  }
0x3a: {  	s9 =	rddreg [dreg:$0xd]  }
0x3b: {  	[spmem:s9] =	stream.linear.scatter [tilespmem:s11], [sflag:$0x9], $0x1000, $0x38;
	[tilespmem:$0x1FF00] =	vst v63  }
0x3c: {  	_ =	swait.ge [sflag:s12], $0x1000  }
0x3d: {  	[sflag:s12] =	ssyncset.done $0x0  }
0x3e: {  	[sflag:s12] =	ssyncadd.s32 $0xFFFFF000  }
0x3f: {  	_ =	swait.ge [sflag:s12], $0x1000  }
0x40: {  	[sflag:s12] =	ssyncset.done $0x0  }
0x41: {  	[sflag:s12] =	ssyncadd.s32 $0xFFFFF000  }
0x42: {  	_ =	swait.ge [sflag:s12], $0x1000  }
0x43: {  	[sflag:s12] =	ssyncset.done $0x0  }
0x44: {  	[sflag:s12] =	ssyncadd.s32 $0xFFFFF000  }
0x45: {  	_ =	swait.ge [sflag:s12], $0x1000  }
0x46: {  	[sflag:s12] =	ssyncset.done $0x0  }
0x47: {  	[sflag:s12] =	ssyncadd.s32 $0xFFFFF000  }
0x48: {  	_ =	swait.ge [sflag:s12], $0x1000  }
0x49: {  	[sflag:s12] =	ssyncset.done $0x0  }
0x4a: {  	[sflag:s12] =	ssyncadd.s32 $0xFFFFF000  }
0x4b: {  	_ =	swait.ge [sflag:s12], $0x1000  }
0x4c: {  	[sflag:s12] =	ssyncset.done $0x0  }
0x4d: {  	[sflag:s12] =	ssyncadd.s32 $0xFFFFF000  }
0x4e: {  	_ =	swait.ge [sflag:s12], $0x1000  }
0x4f: {  	[sflag:s12] =	ssyncset.done $0x0  }
0x50: {  	[sflag:s12] =	ssyncadd.s32 $0xFFFFF000  }
0x51: {  	_ =	swait.ge [sflag:s12], $0x1000  }
0x52: {  	[sflag:s12] =	ssyncset.done $0x0  }
0x53: {  	s10 =	rddreg [dreg:$0xe];
	[sflag:s12] =	ssyncadd.s32 $0xFFFFF000  }
0x54: {  	[spmem:s10] =	stream.linear.scatter [tilespmem:s11], [sflag:$0x9], $0x1000, $0x38;
	[tilespmem:$0x1FF00] =	vst v63  }
0x55: {  	s6 =	rddreg [dreg:$0xf]  }
0x56: {  	[spmem:s6] =	stream.linear.scatter [tilespmem:s11], [sflag:$0x9], $0x1000, $0x38;
	[tilespmem:$0x1FF00] =	vst v63  }
0x57: {  	s7 =	rddreg [dreg:$0x10]  }
0x58: {  	[spmem:s7] =	stream.linear.scatter [tilespmem:s11], [sflag:$0x9], $0x1000, $0x38;
	[tilespmem:$0x1FF00] =	vst v63  }
0x59: {  	s9 =	rddreg [dreg:$0x11]  }
0x5a: {  	[spmem:s9] =	stream.linear.scatter [tilespmem:s11], [sflag:$0x9], $0x1000, $0x38;
	[tilespmem:$0x1FF00] =	vst v63  }
0x5b: {  	s10 =	rddreg [dreg:$0x12]  }
0x5c: {  	[spmem:s10] =	stream.linear.scatter [tilespmem:s11], [sflag:$0x9], $0x1000, $0x38;
	[tilespmem:$0x1FF00] =	vst v63  }
0x5d: {  	s6 =	rddreg [dreg:$0x14]  }
0x5e: {  	[spmem:s6] =	stream.linear.scatter [tilespmem:s11], [sflag:$0x9], $0x1000, $0x38;
	[tilespmem:$0x1FF00] =	vst v63  }
0x5f: {  	s7 =	rddreg [dreg:$0x16]  }
0x60: {  	[spmem:s7] =	stream.linear.scatter [tilespmem:s11], [sflag:$0x9], $0x1000, $0x38;
	[tilespmem:$0x1FF00] =	vst v63  }
0x61: {  	s9 =	rddreg [dreg:$0x17]  }
0x62: {  	[spmem:s9] =	stream.linear.scatter [tilespmem:s11], [sflag:$0x9], $0x1000, $0x38;
	[tilespmem:$0x1FF00] =	vst v63  }
0x63: {  	_ =	swait.ge [sflag:s12], $0x1000  }
0x64: {  	[sflag:s12] =	ssyncset.done $0x0  }
0x65: {  	[sflag:s12] =	ssyncadd.s32 $0xFFFFF000  }
0x66: {  	_ =	swait.ge [sflag:s12], $0x1000  }
0x67: {  	[sflag:s12] =	ssyncset.done $0x0  }
0x68: {  	[sflag:s12] =	ssyncadd.s32 $0xFFFFF000  }
0x69: {  	_ =	swait.ge [sflag:s12], $0x1000  }
0x6a: {  	[sflag:s12] =	ssyncset.done $0x0  }
0x6b: {  	[sflag:s12] =	ssyncadd.s32 $0xFFFFF000  }
0x6c: {  	_ =	swait.ge [sflag:s12], $0x1000  }
0x6d: {  	[sflag:s12] =	ssyncset.done $0x0  }
0x6e: {  	[sflag:s12] =	ssyncadd.s32 $0xFFFFF000  }
0x6f: {  	_ =	swait.ge [sflag:s12], $0x1000  }
0x70: {  	[sflag:s12] =	ssyncset.done $0x0  }
0x71: {  	[sflag:s12] =	ssyncadd.s32 $0xFFFFF000  }
0x72: {  	_ =	swait.ge [sflag:s12], $0x1000  }
0x73: {  	[sflag:s12] =	ssyncset.done $0x0  }
0x74: {  	[sflag:s12] =	ssyncadd.s32 $0xFFFFF000  }
0x75: {  	_ =	swait.ge [sflag:s12], $0x1000  }
0x76: {  	[sflag:s12] =	ssyncset.done $0x0  }
0x77: {  	[sflag:s12] =	ssyncadd.s32 $0xFFFFF000  }
0x78: {  	_ =	swait.ge [sflag:s12], $0x1000  }
0x79: {  	[sflag:s12] =	ssyncset.done $0x0  }
0x7a: {  	s10 =	rddreg [dreg:$0x18];
	[sflag:s12] =	ssyncadd.s32 $0xFFFFF000  }
0x7b: {  	[spmem:s10] =	stream.linear.scatter [tilespmem:s11], [sflag:$0x9], $0x1000, $0x38;
	[tilespmem:$0x1FF00] =	vst v63  }
0x7c: {  	s6 =	rddreg [dreg:$0x19]  }
0x7d: {  	[spmem:s6] =	stream.linear.scatter [tilespmem:s11], [sflag:$0x9], $0x1000, $0x38;
	[tilespmem:$0x1FF00] =	vst v63  }
0x7e: {  	s7 =	rddreg [dreg:$0x1a]  }
0x7f: {  	[spmem:s7] =	stream.linear.scatter [tilespmem:s11], [sflag:$0x9], $0x1000, $0x38;
	[tilespmem:$0x1FF00] =	vst v63  }
0x80: {  	s9 =	rddreg [dreg:$0x1b]  }
0x81: {  	[spmem:s9] =	stream.linear.scatter [tilespmem:s11], [sflag:$0x9], $0x1000, $0x38;
	[tilespmem:$0x1FF00] =	vst v63  }
0x82: {  	s10 =	rddreg [dreg:$0x1c]  }
0x83: {  	[spmem:s10] =	stream.linear.scatter [tilespmem:s11], [sflag:$0x9], $0x1000, $0x38;
	[tilespmem:$0x1FF00] =	vst v63  }
0x84: {  	s6 =	rddreg [dreg:$0x1d]  }
0x85: {  	[spmem:s6] =	stream.linear.scatter [tilespmem:s11], [sflag:$0x9], $0x1000, $0x38;
	[tilespmem:$0x1FF00] =	vst v63  }
0x86: {  	s7 =	rddreg [dreg:$0x1e]  }
0x87: {  	[spmem:s7] =	stream.linear.scatter [tilespmem:s11], [sflag:$0x9], $0x1000, $0x38;
	[tilespmem:$0x1FF00] =	vst v63  }
0x88: {  	s9 =	rddreg [dreg:$0x1f]  }
0x89: {  	[spmem:s9] =	stream.linear.scatter [tilespmem:s11], [sflag:$0x9], $0x1000, $0x38;
	[tilespmem:$0x1FF00] =	vst v63  }
0x8a: {  	_ =	swait.ge [sflag:s12], $0x1000  }
0x8b: {  	[sflag:s12] =	ssyncset.done $0x0  }
0x8c: {  	[sflag:s12] =	ssyncadd.s32 $0xFFFFF000  }
0x8d: {  	_ =	swait.ge [sflag:s12], $0x1000  }
0x8e: {  	[sflag:s12] =	ssyncset.done $0x0  }
0x8f: {  	[sflag:s12] =	ssyncadd.s32 $0xFFFFF000  }
0x90: {  	_ =	swait.ge [sflag:s12], $0x1000  }
0x91: {  	[sflag:s12] =	ssyncset.done $0x0  }
0x92: {  	[sflag:s12] =	ssyncadd.s32 $0xFFFFF000  }
0x93: {  	_ =	swait.ge [sflag:s12], $0x1000  }
0x94: {  	[sflag:s12] =	ssyncset.done $0x0  }
0x95: {  	[sflag:s12] =	ssyncadd.s32 $0xFFFFF000  }
0x96: {  	_ =	swait.ge [sflag:s12], $0x1000  }
0x97: {  	[sflag:s12] =	ssyncset.done $0x0  }
0x98: {  	[sflag:s12] =	ssyncadd.s32 $0xFFFFF000  }
0x99: {  	_ =	swait.ge [sflag:s12], $0x1000  }
0x9a: {  	[sflag:s12] =	ssyncset.done $0x0  }
0x9b: {  	[sflag:s12] =	ssyncadd.s32 $0xFFFFF000  }
0x9c: {  	_ =	swait.ge [sflag:s12], $0x1000  }
0x9d: {  	[sflag:s12] =	ssyncset.done $0x0  }
0x9e: {  	[sflag:s12] =	ssyncadd.s32 $0xFFFFF000  }
0x9f: {  	_ =	swait.ge [sflag:s12], $0x1000  }
0xa0: {  	[sflag:s12] =	ssyncset.done $0x0  }
0xa1: {  	s10 =	rddreg [dreg:$0x5];
	[sflag:s12] =	ssyncadd.s32 $0xFFFFF000  }
0xa2: {  	[spmem:s10] =	stream.linear.scatter [tilespmem:s11], [sflag:$0x9], $0x700, $0x38;
	[tilespmem:$0x1FF00] =	vst v63  }
0xa3: {  	_ =	swait.ge [sflag:s12], $0x700  }
0xa4: {  	[sflag:s12] =	ssyncset.done $0x0  }
0xa5: {  	[sflag:s12] =	ssyncadd.s32 $0xFFFFF900  }
0xa6: {  	s7 =	simm.s32 $0x0;
	s9 =	simm.s32 $0x0;
	[bflag:$0x0] =	sbarrier.arrive $0xFFFF  }
.LBB2_4:
0xa7: {  	s6 =	smul.u32 $0x38, s9;
	_ =	sdelay $0x1  }
0xa8: {  	s6 =	sadd.s32 s8, s6  }
0xa9: {  	s6 =	sshll.u32 s6, $0x4  }
0xaa: {  	s10 =	sadd.s32 s4, s6  }
0xab: {  	[tilespmem:s7], [sflag:$0xA] =	stream.linear.gather [hbm4b:s10+s7], $0x1C00, $0x38;
	[tilespmem:$0x1FF00] =	vst v63  }
0xac: {  	_ =	swait.ge [sflag:s13], $0x1C00  }
0xad: {  	[sflag:s13] =	ssyncset.done $0x0  }
0xae: {  	s6 =	sadd.s32 s5, s6;
	[sflag:s13] =	ssyncadd.s32 $0xFFFFE400  }
0xaf: {  	[tilespmem:s14], [sflag:$0xA] =	stream.linear.gather [hbm4b:s6+s7], $0x1C00, $0x38;
	[tilespmem:$0x1FF00] =	vst v63  }
0xb0: {  	_ =	swait.ge [sflag:s13], $0x1C00  }
0xb1: {  	[sflag:s13] =	ssyncset.done $0x0  }
0xb2: {  	[sflag:s13] =	ssyncadd.s32 $0xFFFFE400  }
0xb3: {  	[tilespmem:s11], [sflag:$0x1] =	stream.indirect.gather [hbm4b:s21+s15], $0x20, s7, s15, $0xb8;
	[tilespmem:$0x1FF00] =	vst v63  }
0xb4: {  	_ = 	snop  }
0xb5: {  	[tilespmem:s16], [sflag:$0x2] =	stream.indirect.gather [hbm4b:s21+s15], $0x20, s15, s15, $0xb8;
	[tilespmem:$0x1FF00] =	vst v63  }
0xb6: {  	_ = 	snop  }
0xb7: {  	[tilespmem:s18], [sflag:$0x3] =	stream.indirect.gather [hbm4b:s21+s15], $0x20, s17, s15, $0xb8;
	[tilespmem:$0x1FF00] =	vst v63  }
0xb8: {  	_ =	swait.ge [sflag:s19], $0x1000  }
0xb9: {  	[sflag:s19] =	ssyncset.done $0x0  }
0xba: {  	[sflag:s19] =	ssyncadd.s32 $0xFFFFF000  }
0xbb: {  	[spmem:s2] =	stream.indirect.scatter.add.f32 [tilespmem:s11], [sflag:$0x5], $0x20, s14, s15, $0xb8;
	[tilespmem:$0x1FF00] =	vst v63  }
0xbc: {  	_ = 	snop  }
0xbd: {  	[tilespmem:s22], [sflag:$0x4] =	stream.indirect.gather [hbm4b:s21+s15], $0x20, s20, s15, $0xb8;
	[tilespmem:$0x1FF00] =	vst v63  }
0xbe: {  	_ =	swait.ge [sflag:s23], $0x1000  }
0xbf: {  	[sflag:s23] =	ssyncset.done $0x0  }
0xc0: {  	s10 =	simm.s32 $0x200;
	[sflag:s23] =	ssyncadd.s32 $0xFFFFF000  }
0xc1: {  	[tilespmem:s11], [sflag:$0x1] =	stream.indirect.gather [hbm4b:s21+s15], $0x20, s10, s15, $0xb8;
	[tilespmem:$0x1FF00] =	vst v63  }
0xc2: {  	_ =	swait.ge [sflag:s24], $0x1000  }
0xc3: {  	[sflag:s24] =	ssyncset.done $0x0  }
0xc4: {  	s3 =	simm.s32 $0x1C80;
	[sflag:s24] =	ssyncadd.s32 $0xFFFFF000  }
0xc5: {  	[spmem:s2] =	stream.indirect.scatter.add.f32 [tilespmem:s16], [sflag:$0x6], $0x20, s3, s15, $0xb8;
	[tilespmem:$0x1FF00] =	vst v63  }
0xc6: {  	_ =	swait.ge [sflag:s25], $0x1000  }
0xc7: {  	[sflag:s25] =	ssyncset.done $0x0  }
0xc8: {  	s10 =	simm.s32 $0x280;
	[sflag:s25] =	ssyncadd.s32 $0xFFFFF000  }
0xc9: {  	[tilespmem:s16], [sflag:$0x2] =	stream.indirect.gather [hbm4b:s21+s15], $0x20, s10, s15, $0xb8;
	[tilespmem:$0x1FF00] =	vst v63  }
0xca: {  	_ =	swait.ge [sflag:s26], $0x1000  }
0xcb: {  	[sflag:s26] =	ssyncset.done $0x0  }
0xcc: {  	s3 =	simm.s32 $0x1D00;
	[sflag:s26] =	ssyncadd.s32 $0xFFFFF000  }
0xcd: {  	[spmem:s2] =	stream.indirect.scatter.add.f32 [tilespmem:s18], [sflag:$0x7], $0x20, s3, s15, $0xb8;
	[tilespmem:$0x1FF00] =	vst v63  }
0xce: {  	_ =	swait.ge [sflag:s28], $0x1000  }
0xcf: {  	[sflag:s28] =	ssyncset.done $0x0  }
0xd0: {  	s10 =	simm.s32 $0x300;
	[sflag:s28] =	ssyncadd.s32 $0xFFFFF000  }
0xd1: {  	[tilespmem:s18], [sflag:$0x3] =	stream.indirect.gather [hbm4b:s21+s15], $0x20, s10, s15, $0xb8;
	[tilespmem:$0x1FF00] =	vst v63  }
0xd2: {  	_ =	swait.ge [sflag:s29], $0x1000  }
0xd3: {  	[sflag:s29] =	ssyncset.done $0x0  }
0xd4: {  	s3 =	simm.s32 $0x1D80;
	[sflag:s29] =	ssyncadd.s32 $0xFFFFF000  }
0xd5: {  	[spmem:s2] =	stream.indirect.scatter.add.f32 [tilespmem:s22], [sflag:$0x8], $0x20, s3, s15, $0xb8;
	[tilespmem:$0x1FF00] =	vst v63  }
0xd6: {  	_ =	swait.ge [sflag:s30], $0x1000  }
0xd7: {  	[sflag:s30] =	ssyncset.done $0x0  }
0xd8: {  	s10 =	simm.s32 $0x380;
	[sflag:s30] =	ssyncadd.s32 $0xFFFFF000  }
0xd9: {  	[tilespmem:s22], [sflag:$0x4] =	stream.indirect.gather [hbm4b:s21+s15], $0x20, s10, s15, $0xb8;
	[tilespmem:$0x1FF00] =	vst v63  }
0xda: {  	_ =	swait.ge [sflag:s19], $0x1000  }
0xdb: {  	[sflag:s19] =	ssyncset.done $0x0  }
0xdc: {  	s6 =	simm.s32 $0x1E00;
	s10 =	simm.s32 $0x800;
	[sflag:s19] =	ssyncadd.s32 $0xFFFFF000  }
.LBB2_5:
0xdd: {  	[spmem:s2] =	stream.indirect.scatter.add.f32 [tilespmem:s11], [sflag:$0x5], $0x20, s6, s15, $0xb8;
	[tilespmem:$0x1FF00] =	vst v63  }
0xde: {  	s6 =	smov.u32 s10  }
0xdf: {  	p0 =	sne.s32 s10, $0x6000;
	s10 =	sadd.s32 $0x800, s10;
	_ =	swait.ge [sflag:s23], $0x1000  }
0xe0: {  	s6 =	sshra.s32 s6, $0x2;
	[sflag:s23] =	ssyncset.done $0x0  }
0xe1: {  	s3 =	sadd.s32 $0x200, s6;
	[sflag:s23] =	ssyncadd.s32 $0xFFFFF000  }
0xe2: {  	[tilespmem:s11], [sflag:$0x1] =	stream.indirect.gather [hbm4b:s21+s15], $0x20, s3, s15, $0xb8;
	[tilespmem:$0x1FF00] =	vst v63  }
0xe3: {  	_ =	swait.ge [sflag:s24], $0x1000  }
0xe4: {  	[sflag:s24] =	ssyncset.done $0x0  }
0xe5: {  	s3 =	sadd.s32 $0x1C80, s6;
	[sflag:s24] =	ssyncadd.s32 $0xFFFFF000  }
0xe6: {  	[spmem:s2] =	stream.indirect.scatter.add.f32 [tilespmem:s16], [sflag:$0x6], $0x20, s3, s15, $0xb8;
	[tilespmem:$0x1FF00] =	vst v63  }
0xe7: {  	_ =	swait.ge [sflag:s25], $0x1000  }
0xe8: {  	[sflag:s25] =	ssyncset.done $0x0  }
0xe9: {  	s3 =	sadd.s32 $0x280, s6;
	[sflag:s25] =	ssyncadd.s32 $0xFFFFF000  }
0xea: {  	[tilespmem:s16], [sflag:$0x2] =	stream.indirect.gather [hbm4b:s21+s15], $0x20, s3, s15, $0xb8;
	[tilespmem:$0x1FF00] =	vst v63  }
0xeb: {  	_ =	swait.ge [sflag:s26], $0x1000  }
0xec: {  	[sflag:s26] =	ssyncset.done $0x0  }
0xed: {  	s3 =	sadd.s32 $0x1D00, s6;
	[sflag:s26] =	ssyncadd.s32 $0xFFFFF000  }
0xee: {  	[spmem:s2] =	stream.indirect.scatter.add.f32 [tilespmem:s18], [sflag:$0x7], $0x20, s3, s15, $0xb8;
	[tilespmem:$0x1FF00] =	vst v63  }
0xef: {  	_ =	swait.ge [sflag:s28], $0x1000  }
0xf0: {  	[sflag:s28] =	ssyncset.done $0x0  }
0xf1: {  	s3 =	sadd.s32 $0x300, s6;
	[sflag:s28] =	ssyncadd.s32 $0xFFFFF000  }
0xf2: {  	[tilespmem:s18], [sflag:$0x3] =	stream.indirect.gather [hbm4b:s21+s15], $0x20, s3, s15, $0xb8;
	[tilespmem:$0x1FF00] =	vst v63  }
0xf3: {  	_ =	swait.ge [sflag:s29], $0x1000  }
0xf4: {  	[sflag:s29] =	ssyncset.done $0x0  }
0xf5: {  	s3 =	sadd.s32 $0x1D80, s6;
	[sflag:s29] =	ssyncadd.s32 $0xFFFFF000  }
0xf6: {  	[spmem:s2] =	stream.indirect.scatter.add.f32 [tilespmem:s22], [sflag:$0x8], $0x20, s3, s15, $0xb8;
	[tilespmem:$0x1FF00] =	vst v63  }
0xf7: {  	_ =	swait.ge [sflag:s30], $0x1000  }
0xf8: {  	[sflag:s30] =	ssyncset.done $0x0  }
.Ltmp1:
0xf9: {  	s3 =	sadd.s32 $0x380, s6;
	[sflag:s30] =	ssyncadd.s32 $0xFFFFF000;
	(pc) =	sbr.rel @p0 .LBB2_5-.Ltmp1, $4  }
0xfa: {  	[tilespmem:s22], [sflag:$0x4] =	stream.indirect.gather [hbm4b:s21+s15], $0x20, s3, s15, $0xb8;
	[tilespmem:$0x1FF00] =	vst v63  }
0xfb: {  	_ =	swait.ge [sflag:s19], $0x1000  }
0xfc: {  	[sflag:s19] =	ssyncset.done $0x0  }
0xfd: {  	s6 =	sadd.s32 $0x1E00, s6;
	[sflag:s19] =	ssyncadd.s32 $0xFFFFF000  }
0xfe: {  	[spmem:s2] =	stream.indirect.scatter.add.f32 [tilespmem:s11], [sflag:$0x5], $0x20, s6, s15, $0xb8;
	[tilespmem:$0x1FF00] =	vst v63  }
0xff: {  	_ =	swait.ge [sflag:s23], $0x1000  }
0x100: {  	[sflag:s23] =	ssyncset.done $0x0  }
0x101: {  	[sflag:s23] =	ssyncadd.s32 $0xFFFFF000  }
0x102: {  	_ =	swait.ge [sflag:s24], $0x1000  }
0x103: {  	[sflag:s24] =	ssyncset.done $0x0  }
0x104: {  	[sflag:s24] =	ssyncadd.s32 $0xFFFFF000  }
0x105: {  	[spmem:s2] =	stream.indirect.scatter.add.f32 [tilespmem:s16], [sflag:$0x6], $0x20, s31, s15, $0xb8;
	[tilespmem:$0x1FF00] =	vst v63  }
0x106: {  	_ =	swait.ge [sflag:s25], $0x1000  }
0x107: {  	[sflag:s25] =	ssyncset.done $0x0  }
0x108: {  	[sflag:s25] =	ssyncadd.s32 $0xFFFFF000  }
0x109: {  	_ =	swait.ge [sflag:s26], $0x1000  }
0x10a: {  	[sflag:s26] =	ssyncset.done $0x0  }
0x10b: {  	[sflag:s26] =	ssyncadd.s32 $0xFFFFF000  }
0x10c: {  	[spmem:s2] =	stream.indirect.scatter.add.f32 [tilespmem:s18], [sflag:$0x7], $0x20, s0, s15, $0xb8;
	[tilespmem:$0x1FF00] =	vst v63  }
0x10d: {  	_ =	swait.ge [sflag:s28], $0x1000  }
0x10e: {  	[sflag:s28] =	ssyncset.done $0x0  }
0x10f: {  	[sflag:s28] =	ssyncadd.s32 $0xFFFFF000  }
0x110: {  	s9 =	sadd.s32 $0x1, s9;
	_ =	swait.ge [sflag:s29], $0x1000  }
0x111: {  	p0 =	sne.s32 s9, $0x7;
	[sflag:s29] =	ssyncset.done $0x0  }
.Ltmp2:
0x112: {  	[sflag:s29] =	ssyncadd.s32 $0xFFFFF000;
	(pc) =	sbr.rel @p0 .LBB2_4-.Ltmp2, $4  }
0x113: {  	[spmem:s2] =	stream.indirect.scatter.add.f32 [tilespmem:s22], [sflag:$0x8], $0x20, s1, s15, $0xb8;
	[tilespmem:$0x1FF00] =	vst v63  }
0x114: {  	_ =	swait.ge [sflag:s30], $0x1000  }
0x115: {  	[sflag:s30] =	ssyncset.done $0x0  }
0x116: {  	[sflag:s30] =	ssyncadd.s32 $0xFFFFF000  }
0x117: {  	s3 =	stileid.u32;
	[bflag:$0x0] =	sbarrier.arrive $0xFFFF  }
0x118: {  	s3 =	sshll.u32 s3, $0x6;
	s6 =	rddreg [dreg:$0x13]  }
0x119: {  	s7 =	rddreg [dreg:$0x15];
	s3 =	sor.u32 $0x1C0A, s3  }
0x11a: {  	[hbm:s6], [sflag:s3] =	dma.local [spmem:s7], $0x30E0  }
0x11b: {  	_ =	swait.ge [sflag:s13], $0x30E0  }
0x11c: {  	s10 =	rddreg [dreg:$0x3]  }
0x11d: {  	s9 =	rddreg [dreg:$0x6];
	s10 =	sadd.s32 $0x1, s10  }
0x11e: {  	p0 =	sne.s32 s10, s9  }
.Ltmp3:
0x11f: {  	_ = 	snop;
	(pc) =	sbr.rel @p0 .LBB2_1-.Ltmp3, $3  }
0x120: {  	_ =	sdelay $0x1  }
0x121: {  	[sflag:s13] =	ssyncset.done $0x0  }
0x122: {  	[sflag:s13] =	ssyncadd.s32 $0xFFFFCF20  }
0x123: {  	_ =	sfence.sel $0x180000  }
0x124: {  	[bflag:$0x0] =	sbarrier.arrive $0xFFFF  }
0x125: {  	_ =	strace $0x9000004A  }
0x126: {  	s0 =	stileid.u32;
	[bflag:$0x2] =	sbarrier.arrive $0xFFFF  }
0x127: {  	p0 =	sne.s32 s0, $0x0;
	s0 =	rddreg [dreg:$0x2]  }
0x128: {  	s0 =	sadd.s32 @!p0 $0x100000, s0  }
0x129: {  	[sflag:s0] =	ssyncadd.tile.s32 @!p0 $0x1;
	_ =	shalt  }
.Lfunc_end2:
_tile_overlayer_lowered:
.L_overlay_start_2:
0x12a: {  	(tag) =	ssettag $0x2  }
0x12b: {  	s0 =	rddreg [dreg:$0x0];
	s2 =	stileid.u32  }
0x12c: {  	s1 =	rddreg [dreg:$0x1];
	p0 =	sne.s32 s2, $0x0  }
0x12d: {  	s3 =	rddreg [dreg:$0x2];
	[bflag:$0x3] =	sbarrier.arrive $0xFFFF;
	s2 =	simm.s32 @!p0 $0x1C0A  }
0x12e: {  	[timem:s3], [sflag:s2] =	dma.local @!p0 [hbm:s0], s1  }
0x12f: {  	s0 =	simm.s32 @!p0 $0xA  }
0x130: {  	_ =	swait.ge @!p0 [sflag:s0], s1  }
0x131: {  	s1 =	ssub.s32 @!p0 $0x0, s1;
	[sflag:s0] =	ssyncset.done @!p0 $0x0  }
0x132: {  	[sflag:s0] =	ssyncadd.s32 @!p0 s1  }
0x133: {  	[bflag:$0x3] =	sbarrier.arrive $0xFFFF  }
0x134: {  	_ =	shalt  }

// kernel: kernel.16.cloned.1.call-start
scs
__scs_entry_jumppad:
0x0: {  	(pc) =	sbr.rel $0x88, $3  }
0x1: {  	(tag) =	ssettag $0x0;
	lr =	simm.s32 $0x1  }
0x2: {  	[smem:$0x3F8A] =	sst lr;
	_ =	strace $0xD0000000  }
0x3: {  	_ = 	snop  }
0x4: {  	_ = 	snop  }
0x5: {  	_ = 	snop  }
0x6: {  	_ = 	snop  }
0x7: {  	_ = 	snop  }
__scs_overlays_trampoline_lowered:
0x8: {  	[smem:$0x3F99] =	sst s0  }
0x9: {  	[smem:$0x3F9A] =	sst s1  }
0xa: {  	[smem:$0x3F9B] =	sst s2  }
0xb: {  	[smem:$0x3F9C] =	sst s3  }
0xc: {  	[smem:$0x3F9D] =	sst s4  }
0xd: {  	[smem:$0x3F9E] =	sst s5  }
0xe: {  	[smem:$0x3F9F] =	sst s6  }
0xf: {  	[smem:$0x3FA0] =	sst s7  }
0x10: {  	[smem:$0x3FA1] =	sst s8  }
0x11: {  	[smem:$0x3FA2] =	sst s9;
	s0 =	simm.s32 @!p0 $0x0  }
0x12: {  	s1 =	sld [smem:$0x3F88];
	s0 =	simm.s32 @p0 $0x1  }
0x13: {  	[smem:$0x3FA3] =	sst s0;
	s0 =	simm.s32 @!p1 $0x0  }
0x14: {  	s2 =	sld [smem:$0x3F87];
	s0 =	simm.s32 @p1 $0x1  }
0x15: {  	[smem:$0x3FA4] =	sst s0;
	s0 =	simm.s32 @!p2 $0x0  }
0x16: {  	s3 =	sld [smem:$0x3FDB];
	s0 =	simm.s32 @p2 $0x1  }
0x17: {  	s4 =	simm.s32 $0x1BF5;
	[smem:$0x3FA6] =	sst s0  }
0x18: {  	s0 =	sld [smem:$0x3F89];
	_ =	swait.ge [sflag:s4], $0x0  }
0x19: {  	s7 =	sld [smem:$0x3F8A]  }
0x1a: {  	s8 =	sadd.s32 $0xFFFFE003, lr  }
0x1b: {  	s9 =	sadd.s32 $0xFFFFFEF7, lr;
	s5 =	simm.s32 $0xFFFFFFFF;
	p2 =	slt.u32 s8, $0xFFFFF086  }
0x1c: {  	p1 =	slt.u32 s9, $0xF7A;
	s5 =	simm.s32 @!p2 $0x0  }
0x1d: {  	s5 =	simm.s32 @p1 $0x1;
	p0 =	seq.s32 s7, s2  }
0x1e: {  	s7 =	smul.u32 @!p0 $0xF7A, s2;
	p2 =	seq.s32 @!p0 s5, $0x0  }
0x1f: {  	s9 =	smul.u32 $0xF7A, s1;
	s8 =	simm.s32 @!p0 $0x1BF5;
	p2 =	por !p2, p0  }
0x20: {  	[sflag:s8] =	ssyncset.s32 @!p0 $0xFFFFF086;
	s6 =	sadd.s32 @!p0 s3, s7;
	s7 =	simm.s32 @!p0 $0x108  }
0x21: {  	s3 =	sadd.s32 s3, s9;
	s6 =	sadd.s32 @!p0 $0x88, s6;
	s7 =	simm.s32 @p2 $0x1082  }
0x22: {  	[simem:s7], [sflag:s8] =	dma.local @!p0 [hbm:s6], $0xF7A  }
0x23: {  	s9 =	sor.u32 $0xD0000000, s2;
	s6 =	simm.s32 $0x108;
	_ =	swait.ge @!p0 [sflag:s8], $0x0  }
0x24: {  	s3 =	sadd.s32 $0x88, s3;
	s6 =	simm.s32 @!p1 $0x1082;
	[sflag:s4] =	ssyncset.s32 $0xFFFFF086  }
0x25: {  	[simem:s6], [sflag:s4] =	dma.local [hbm:s3], $0xF7A  }
0x26: {  	[smem:$0x3F8A] =	sst s1;
	(tag) =	ssettag s2;
	_ =	strace s9  }
0x27: {  	s1 =	sld [smem:$0x3F9A]  }
0x28: {  	s2 =	sld [smem:$0x3F9B]  }
0x29: {  	s4 =	sld [smem:$0x3F9D]  }
0x2a: {  	p0 =	seq.s32 s5, $0x0;
	s5 =	sld [smem:$0x3F9E]  }
0x2b: {  	s6 =	sld [smem:$0x3F9F]  }
0x2c: {  	s7 =	sld [smem:$0x3FA0]  }
0x2d: {  	s3 =	simm.s32 $0x108;
	s8 =	sld [smem:$0x3FA1]  }
0x2e: {  	s3 =	simm.s32 @!p0 $0x1082;
	s9 =	sld [smem:$0x3FA2]  }
0x2f: {  	lr =	sadd.s32 s0, s3;
	s0 =	sld [smem:$0x3F99]  }
0x30: {  	s3 =	sld [smem:$0x3F9C]  }
0x31: {  	[smem:$0x3FA5] =	sst s10  }
0x32: {  	s10 =	sld [smem:$0x3FA3];
	_ =	sdelay $0x3  }
0x33: {  	p0 =	seq.s32 s10, $0x1;
	s10 =	sld [smem:$0x3FA5];
	_ =	sdelay $0x3  }
0x34: {  	[smem:$0x3FA5] =	sst s10  }
0x35: {  	s10 =	sld [smem:$0x3FA4];
	_ =	sdelay $0x3  }
0x36: {  	p1 =	seq.s32 s10, $0x1;
	s10 =	sld [smem:$0x3FA5];
	_ =	sdelay $0x3  }
0x37: {  	[smem:$0x3FA5] =	sst s10  }
0x38: {  	s10 =	sld [smem:$0x3FA6]  }
0x39: {  	_ = 	snop;
	(pc) =	sbr.ind lr, $3  }
0x3a: {  	_ = 	snop  }
0x3b: {  	_ = 	snop  }
0x3c: {  	p2 =	seq.s32 s10, $0x1;
	s10 =	sld [smem:$0x3FA5]  }
0x3d: {  	_ =	shalt  }
0x3e: {  	_ =	shalt  }
0x3f: {  	_ =	shalt  }
0x40: {  	_ =	shalt  }
0x41: {  	_ =	shalt  }
0x42: {  	_ =	shalt  }
0x43: {  	_ =	shalt  }
0x44: {  	_ =	shalt  }
0x45: {  	_ =	shalt  }
0x46: {  	_ =	shalt  }
0x47: {  	_ =	shalt  }
0x48: {  	_ =	shalt  }
0x49: {  	_ =	shalt  }
0x4a: {  	_ =	shalt  }
0x4b: {  	_ =	shalt  }
0x4c: {  	_ =	shalt  }
0x4d: {  	_ =	shalt  }
0x4e: {  	_ =	shalt  }
0x4f: {  	_ =	shalt  }
0x50: {  	_ =	shalt  }
0x51: {  	_ =	shalt  }
0x52: {  	_ =	shalt  }
0x53: {  	_ =	shalt  }
0x54: {  	_ =	shalt  }
0x55: {  	_ =	shalt  }
0x56: {  	_ =	shalt  }
0x57: {  	_ =	shalt  }
0x58: {  	_ =	shalt  }
0x59: {  	_ =	shalt  }
0x5a: {  	_ =	shalt  }
0x5b: {  	_ =	shalt  }
0x5c: {  	_ =	shalt  }
0x5d: {  	_ =	shalt  }
0x5e: {  	_ =	shalt  }
0x5f: {  	_ =	shalt  }
0x60: {  	_ =	shalt  }
0x61: {  	_ =	shalt  }
0x62: {  	_ =	shalt  }
0x63: {  	_ =	shalt  }
0x64: {  	_ =	shalt  }
0x65: {  	_ =	shalt  }
0x66: {  	_ =	shalt  }
0x67: {  	_ =	shalt  }
0x68: {  	_ =	shalt  }
0x69: {  	_ =	shalt  }
0x6a: {  	_ =	shalt  }
0x6b: {  	_ =	shalt  }
0x6c: {  	_ =	shalt  }
0x6d: {  	_ =	shalt  }
0x6e: {  	_ =	shalt  }
0x6f: {  	_ =	shalt  }
0x70: {  	_ =	shalt  }
0x71: {  	_ =	shalt  }
0x72: {  	_ =	shalt  }
0x73: {  	_ =	shalt  }
0x74: {  	_ =	shalt  }
0x75: {  	_ =	shalt  }
0x76: {  	_ =	shalt  }
0x77: {  	_ =	shalt  }
0x78: {  	_ =	shalt  }
0x79: {  	_ =	shalt  }
0x7a: {  	_ =	shalt  }
0x7b: {  	_ =	shalt  }
0x7c: {  	_ =	shalt  }
0x7d: {  	_ =	shalt  }
0x7e: {  	_ =	shalt  }
0x7f: {  	_ =	shalt  }
0x80: {  	_ =	shalt  }
0x81: {  	_ =	shalt  }
0x82: {  	_ =	shalt  }
0x83: {  	_ =	shalt  }
0x84: {  	_ =	shalt  }
0x85: {  	_ =	shalt  }
0x86: {  	_ =	shalt  }
0x87: {  	_ =	shalt  }
.Lfunc_end0:
.L_simem_size_0:
called_computation.2_lowered:
.L_overlay_start_0:
0x88: {  	s2 =	sld [smem:$0x3FD9]  }
0x89: {  	s3 =	sld [smem:$0x3FFE];
	_ =	sdelay $0x1  }
0x8a: {  	s1 =	srdreg.scid  }
0x8b: {  	s0 =	sand.u32 $0x1, s1  }
0x8c: {  	s16 =	sshll.u32 s0, $0xA;
	s2 =	sadd.s32 s3, s2  }
0x8d: {  	s2 =	sadd.s32 s2, s16  }
0x8e: {  	[smem:$0x3FB1] =	sst s2  }
0x8f: {  	_ = 	snop  }
0x90: {  	(tm) =	ssettm $0x1  }
0x91: {  	s17 =	sld [smem:$0x3FFB];
	_ =	sdelay $0x3  }
0x92: {  	_ =	strace s17  }
0x93: {  	s2 =	sld [smem:$0x3FFC];
	_ =	sdelay $0x3  }
0x94: {  	_ =	strace s2  }
0x95: {  	s2 =	sld [smem:$0x3FFD];
	_ =	sdelay $0x3  }
0x96: {  	_ =	strace s2  }
0x97: {  	_ =	strace $0x8FFFFFFF  }
0x98: {  	s18 =	sld [smem:$0x3FDB];
	_ =	sdelay $0x1  }
0x99: {  	s19 =	simm.s32 $_scs_section_size  }
0x9a: {  	s4 =	simm.s32 $_size__tile_overlayer_lowered;
	s5 =	simm.s32 $_tile_overlayer_lowered  }
0x9b: {  	s22 =	simm.s32 $0x1BFF;
	s21 =	sshll.u32 s5, $0x1;
	s2 =	sadd.s32 s19, s18  }
0x9c: {  	s6 =	simm.s32 $0x0;
	s20 =	sshll.u32 s4, $0x1;
	s4 =	sadd.s32 s21, s2  }
0x9d: {  	[timem:s6], [sflag:s22] =	dma.local [hbm:s4], s20  }
0x9e: {  	_ =	swait.ge [sflag:s22], s20  }
0x9f: {  	s3 =	ssub.s32 $0x0, s20;
	[sflag:s22] =	ssyncset.done $0x0  }
0xa0: {  	[sflag:s22] =	ssyncadd.s32 s3;
	_ =	sdelay $0x1  }
0xa1: {  	s23 =	simm.s32 $0x1B8B  }
0xa2: {  	_ =	swait.ge [sflag:s23], $0x1  }
0xa3: {  	[sflag:s23] =	ssyncset.done $0x0  }
0xa4: {  	s25 =	simm.s32 $0x1B8E;
	s24 =	sld [smem:$0x3FFE];
	[sflag:s23] =	ssyncadd.s32 $0xFFFFFFFF  }
0xa5: {  	s26 =	simm.s32 $execute0_lowered;
	[smem:$0x3FD2] =	sst s25  }
0xa6: {  	s4 =	sshll.u32 s26, $0x1;
	_ =	strace $0x8000004C;
	[dreg:$0x1] =	wrdreg $0xFFFFFFFF  }
0xa7: {  	s28 =	simm.s32 $_size_execute0_lowered;
	s2 =	sadd.s32 s2, s4;
	[dreg:$0x0] =	wrdreg $0x0  }
0xa8: {  	s4 =	sshll.u32 s28, $0x1;
	[dreg:$0x2] =	wrdreg s2  }
0xa9: {  	[dreg:$0x3] =	wrdreg s4  }
0xaa: {  	[dreg:$0x4] =	wrdreg $0xC0  }
0xab: {  	_ =	task [dreg:s6], $0x5FFFF  }
0xac: {  	[dreg:$0x1] =	wrdreg $0xFFFFFFFF  }
0xad: {  	[dreg:$0x0] =	wrdreg $0x60  }
0xae: {  	[dreg:$0x2] =	wrdreg s24  }
0xaf: {  	[dreg:$0x3] =	wrdreg $0x78000  }
0xb0: {  	[dreg:$0x4] =	wrdreg $0x9  }
0xb1: {  	_ =	task.clear_ibuf [dreg:s6], $0x5FFFF;
	_ =	strace $0x9000004C  }
0xb2: {  	s29 =	simm.s32 $0x9;
	_ =	strace $0x8000004E  }
0xb3: {  	_ =	swait.ge [sflag:s29], $0x1  }
0xb4: {  	[sflag:s29] =	ssyncadd.s32 $0xFFFFFFFF  }
0xb5: {  	_ =	strace $0x9000004E  }
0xb6: {  	_ =	sfence  }
0xb7: {  	s30 =	sld [smem:$0x0];
	_ =	sdelay $0x2  }
0xb8: {  	s31 =	sshll.u32 s1, $0xD;
	s1 =	sshrl.u32 s1, $0x2  }
0xb9: {  	s3 =	sand.u32 $0x4000, s31;
	s1 =	sadd.s32 s1, s30  }
0xba: {  	s0 =	sor.u32 s3, s0;
	s1 =	sshll.u32 s1, $0x11  }
0xbb: {  	s0 =	sor.u32 s1, s0  }
0xbc: {  	s0 =	sadd.s32 $0x8F2B, s0  }
0xbd: {  	[sflag:s0] =	ssyncadd.remote.s32 $0x1  }
0xbe: {  	_ =	sfence.sel $0xFFFF  }
0xbf: {  	[dreg:$0x0] =	wrdreg $0xFFFFFFFF;
	(pc) =	sbr.abs _section_cstart, $3  }
0xc0: {  	[dreg:$0x1] =	wrdreg $0xFFFFFFFF  }
0xc1: {  	_ =	task.clear_ibuf [dreg:s6], $0x2FFFF;
	_ =	strace $0x9FFFFFFF  }
0xc2: {  	(tm) =	ssettm $0x7FFFFFFF  }
0xc3: {  	_ =	shalt  }
tec
execute0_lowered:
.L_overlay_start_1:
0x0: {  	(tag) =	ssettag $0x1  }
0x1: {  	s0 =	rddreg [dreg:$0x0];
	s3 =	stileid.u32  }
0x2: {  	s1 =	srdreg.scid;
	s6 =	smul.u32 $0x61C00, s3  }
0x3: {  	s2 =	rddreg [dreg:$0x1];
	s10 =	simm.s32 $0x0;
	s1 =	sand.u32 $0x1, s1  }
0x4: {  	[smem:$0x7FF] =	sst s10;
	s7 =	ssub.s32 $0x2, s1;
	s6 =	sshrl.u32 s6, $0x2  }
0x5: {  	_ =	strace $0x8000004D;
	s8 =	sshrl.u32 s7, $0x1;
	s11 =	sadd.s32 s6, s2  }
0x6: {  	s7 =	ssub.s32 s7, s8;
	s13 =	sadd.s32 $0x18000, s11;
	[dreg:$0x4] =	wrdreg s11  }
0x7: {  	s15 =	smax.u32 s7, $0x1;
	[dreg:$0x5] =	wrdreg s13  }
0x8: {  	s16 =	sadd.s32 $0x1000, s11;
	[dreg:$0x6] =	wrdreg s15  }
0x9: {  	s17 =	sadd.s32 $0x2000, s11;
	[dreg:$0x7] =	wrdreg s16  }
0xa: {  	s18 =	sadd.s32 $0x3000, s11;
	[dreg:$0x8] =	wrdreg s17  }
0xb: {  	s19 =	sadd.s32 $0x4000, s11;
	[dreg:$0x9] =	wrdreg s18  }
0xc: {  	s9 =	simm.s32 $0x143400;
	s20 =	sadd.s32 $0x5000, s11;
	[dreg:$0xa] =	wrdreg s19  }
0xd: {  	s28 =	simm.s32 $0x7;
	s21 =	sadd.s32 $0x6000, s11;
	[dreg:$0xb] =	wrdreg s20  }
0xe: {  	s29 =	simm.s32 $0x4;
	s22 =	sadd.s32 $0x7000, s11;
	[dreg:$0xc] =	wrdreg s21  }
0xf: {  	s30 =	simm.s32 $0x8;
	s23 =	sadd.s32 $0x8000, s11;
	[dreg:$0xd] =	wrdreg s22  }
0x10: {  	s12 =	smul.u32 $0x18700, s3;
	s24 =	sadd.s32 $0x9000, s11;
	[dreg:$0xe] =	wrdreg s23  }
0x11: {  	s31 =	simm.s32 $0x3680;
	s25 =	sadd.s32 $0xA000, s11;
	[dreg:$0xf] =	wrdreg s24  }
0x12: {  	s14 =	sshrl.u32 s12, $0x3;
	s26 =	sadd.s32 $0xB000, s11;
	[dreg:$0x10] =	wrdreg s25  }
0x13: {  	s6 =	sadd.s32 s12, s2;
	s12 =	sadd.s32 $0xC000, s11;
	[dreg:$0x11] =	wrdreg s26  }
0x14: {  	s4 =	sadd.s32 $0xF9E00, s0;
	[dreg:$0x12] =	wrdreg s12;
	s15 =	sshrl.u32 s6, $0x3  }
0x15: {  	s5 =	sadd.s32 $0x5600, s0;
	s16 =	sadd.s32 $0xE000, s11;
	[dreg:$0x15] =	wrdreg s15  }
0x16: {  	p0 =	seq.s32 s1, $0x0;
	s17 =	sadd.s32 $0xF000, s11;
	[dreg:$0x16] =	wrdreg s16  }
0x17: {  	p1 =	seq.s32 s1, $0x1;
	s18 =	sadd.s32 $0x10000, s11;
	[dreg:$0x17] =	wrdreg s17  }
0x18: {  	s1 =	simm.s32 $0x3780;
	s19 =	sadd.s32 $0x11000, s11;
	[dreg:$0x18] =	wrdreg s18  }
0x19: {  	s9 =	simm.s32 @!p0 $0x112600;
	s20 =	sadd.s32 $0x12000, s11;
	[dreg:$0x19] =	wrdreg s19  }
0x1a: {  	s8 =	smul.u32 $0x188, s3;
	s22 =	sadd.s32 $0x13000, s11;
	[dreg:$0x1a] =	wrdreg s20  }
0x1b: {  	s7 =	simm.s32 $0x174200;
	s23 =	sadd.s32 $0x14000, s11;
	[dreg:$0x1b] =	wrdreg s22  }
0x1c: {  	s7 =	simm.s32 @!p1 $0x1A5000;
	s24 =	sadd.s32 $0x15000, s11;
	[dreg:$0x1c] =	wrdreg s23  }
0x1d: {  	s21 =	sadd.s32 s9, s0;
	s25 =	sadd.s32 $0x16000, s11;
	[dreg:$0x1d] =	wrdreg s24  }
0x1e: {  	s26 =	sadd.s32 $0x17000, s11;
	s12 =	simm.s32 $0x9;
	[dreg:$0x1e] =	wrdreg s25  }
0x1f: {  	s7 =	sadd.s32 s7, s0;
	[dreg:$0x1f] =	wrdreg s26;
	s15 =	simm.s32 $0x80  }
0x20: {  	s16 =	simm.s32 $0x4800;
	s17 =	simm.s32 $0x100;
	s18 =	simm.s32 $0x5800  }
0x21: {  	s19 =	simm.s32 $0x1;
	s20 =	simm.s32 $0x180;
	s22 =	simm.s32 $0x6800  }
0x22: {  	s23 =	simm.s32 $0x5;
	s24 =	simm.s32 $0x2;
	s25 =	simm.s32 $0x6  }
0x23: {  	s26 =	simm.s32 $0x3;
	s0 =	simm.s32 $0x3700;
	s13 =	sadd.s32 s7, s14  }
0x24: {  	s14 =	sadd.s32 $0xD000, s11;
	s11 =	simm.s32 $0x3800;
	[dreg:$0x13] =	wrdreg s13  }
0x25: {  	v0 =	vimm.f32 $0.0e+00;
	[dreg:$0x14] =	wrdreg s14;
	s13 =	simm.s32 $0xA;
	s14 =	simm.s32 $0x1C00  }
.LBB2_1:
0x26: {  	[dreg:$0x3] =	wrdreg s10;
	s6 =	simm.s32 $0x80;
	s7 =	simm.s32 $0x0  }
.LBB2_2:
0x27: {  	p0 =	sne.s32 s6, $0x3F80;
	[tilespmem:s7+$0x3800] =	vst v0;
	s9 =	smov.u32 s6;
	s6 =	sadd.s32 $0x80, s6  }
.Ltmp0:
0x28: {  	[tilespmem:s7+$0x3810] =	vst v0;
	(pc) =	sbr.rel @p0 .LBB2_2-.Ltmp0, $2  }
0x29: {  	_ =	sdelay $0x2  }
0x2a: {  	s7 =	sshra.s32 s9, $0x2  }
0x2b: {  	[tilespmem:s7+$0x3800] =	vst v0  }
0x2c: {  	[tilespmem:s7+$0x3810] =	vst v0;
	s3 =	rddreg [dreg:$0x4]  }
0x2d: {  	[spmem:s3] =	stream.linear.scatter [tilespmem:s11], [sflag:$0x9], $0x1000, $0x38;
	[tilespmem:$0x1FF00] =	vst v63  }
0x2e: {  	s6 =	rddreg [dreg:$0x7]  }
0x2f: {  	[spmem:s6] =	stream.linear.scatter [tilespmem:s11], [sflag:$0x9], $0x1000, $0x38;
	[tilespmem:$0x1FF00] =	vst v63  }
0x30: {  	s7 =	rddreg [dreg:$0x8]  }
0x31: {  	[spmem:s7] =	stream.linear.scatter [tilespmem:s11], [sflag:$0x9], $0x1000, $0x38;
	[tilespmem:$0x1FF00] =	vst v63  }
0x32: {  	s9 =	rddreg [dreg:$0x9]  }
0x33: {  	[spmem:s9] =	stream.linear.scatter [tilespmem:s11], [sflag:$0x9], $0x1000, $0x38;
	[tilespmem:$0x1FF00] =	vst v63  }
0x34: {  	s10 =	rddreg [dreg:$0xa]  }
0x35: {  	[spmem:s10] =	stream.linear.scatter [tilespmem:s11], [sflag:$0x9], $0x1000, $0x38;
	[tilespmem:$0x1FF00] =	vst v63  }
0x36: {  	s6 =	rddreg [dreg:$0xb]  }
0x37: {  	[spmem:s6] =	stream.linear.scatter [tilespmem:s11], [sflag:$0x9], $0x1000, $0x38;
	[tilespmem:$0x1FF00] =	vst v63  }
0x38: {  	s7 =	rddreg [dreg:$0xc]  }
0x39: {  	[spmem:s7] =	stream.linear.scatter [tilespmem:s11], [sflag:$0x9], $0x1000, $0x38;
	[tilespmem:$0x1FF00] =	vst v63  }
0x3a: {  	s9 =	rddreg [dreg:$0xd]  }
0x3b: {  	[spmem:s9] =	stream.linear.scatter [tilespmem:s11], [sflag:$0x9], $0x1000, $0x38;
	[tilespmem:$0x1FF00] =	vst v63  }
0x3c: {  	_ =	swait.ge [sflag:s12], $0x1000  }
0x3d: {  	[sflag:s12] =	ssyncset.done $0x0  }
0x3e: {  	[sflag:s12] =	ssyncadd.s32 $0xFFFFF000  }
0x3f: {  	_ =	swait.ge [sflag:s12], $0x1000  }
0x40: {  	[sflag:s12] =	ssyncset.done $0x0  }
0x41: {  	[sflag:s12] =	ssyncadd.s32 $0xFFFFF000  }
0x42: {  	_ =	swait.ge [sflag:s12], $0x1000  }
0x43: {  	[sflag:s12] =	ssyncset.done $0x0  }
0x44: {  	[sflag:s12] =	ssyncadd.s32 $0xFFFFF000  }
0x45: {  	_ =	swait.ge [sflag:s12], $0x1000  }
0x46: {  	[sflag:s12] =	ssyncset.done $0x0  }
0x47: {  	[sflag:s12] =	ssyncadd.s32 $0xFFFFF000  }
0x48: {  	_ =	swait.ge [sflag:s12], $0x1000  }
0x49: {  	[sflag:s12] =	ssyncset.done $0x0  }
0x4a: {  	[sflag:s12] =	ssyncadd.s32 $0xFFFFF000  }
0x4b: {  	_ =	swait.ge [sflag:s12], $0x1000  }
0x4c: {  	[sflag:s12] =	ssyncset.done $0x0  }
0x4d: {  	[sflag:s12] =	ssyncadd.s32 $0xFFFFF000  }
0x4e: {  	_ =	swait.ge [sflag:s12], $0x1000  }
0x4f: {  	[sflag:s12] =	ssyncset.done $0x0  }
0x50: {  	[sflag:s12] =	ssyncadd.s32 $0xFFFFF000  }
0x51: {  	_ =	swait.ge [sflag:s12], $0x1000  }
0x52: {  	[sflag:s12] =	ssyncset.done $0x0  }
0x53: {  	s10 =	rddreg [dreg:$0xe];
	[sflag:s12] =	ssyncadd.s32 $0xFFFFF000  }
0x54: {  	[spmem:s10] =	stream.linear.scatter [tilespmem:s11], [sflag:$0x9], $0x1000, $0x38;
	[tilespmem:$0x1FF00] =	vst v63  }
0x55: {  	s6 =	rddreg [dreg:$0xf]  }
0x56: {  	[spmem:s6] =	stream.linear.scatter [tilespmem:s11], [sflag:$0x9], $0x1000, $0x38;
	[tilespmem:$0x1FF00] =	vst v63  }
0x57: {  	s7 =	rddreg [dreg:$0x10]  }
0x58: {  	[spmem:s7] =	stream.linear.scatter [tilespmem:s11], [sflag:$0x9], $0x1000, $0x38;
	[tilespmem:$0x1FF00] =	vst v63  }
0x59: {  	s9 =	rddreg [dreg:$0x11]  }
0x5a: {  	[spmem:s9] =	stream.linear.scatter [tilespmem:s11], [sflag:$0x9], $0x1000, $0x38;
	[tilespmem:$0x1FF00] =	vst v63  }
0x5b: {  	s10 =	rddreg [dreg:$0x12]  }
0x5c: {  	[spmem:s10] =	stream.linear.scatter [tilespmem:s11], [sflag:$0x9], $0x1000, $0x38;
	[tilespmem:$0x1FF00] =	vst v63  }
0x5d: {  	s6 =	rddreg [dreg:$0x14]  }
0x5e: {  	[spmem:s6] =	stream.linear.scatter [tilespmem:s11], [sflag:$0x9], $0x1000, $0x38;
	[tilespmem:$0x1FF00] =	vst v63  }
0x5f: {  	s7 =	rddreg [dreg:$0x16]  }
0x60: {  	[spmem:s7] =	stream.linear.scatter [tilespmem:s11], [sflag:$0x9], $0x1000, $0x38;
	[tilespmem:$0x1FF00] =	vst v63  }
0x61: {  	s9 =	rddreg [dreg:$0x17]  }
0x62: {  	[spmem:s9] =	stream.linear.scatter [tilespmem:s11], [sflag:$0x9], $0x1000, $0x38;
	[tilespmem:$0x1FF00] =	vst v63  }
0x63: {  	_ =	swait.ge [sflag:s12], $0x1000  }
0x64: {  	[sflag:s12] =	ssyncset.done $0x0  }
0x65: {  	[sflag:s12] =	ssyncadd.s32 $0xFFFFF000  }
0x66: {  	_ =	swait.ge [sflag:s12], $0x1000  }
0x67: {  	[sflag:s12] =	ssyncset.done $0x0  }
0x68: {  	[sflag:s12] =	ssyncadd.s32 $0xFFFFF000  }
0x69: {  	_ =	swait.ge [sflag:s12], $0x1000  }
0x6a: {  	[sflag:s12] =	ssyncset.done $0x0  }
0x6b: {  	[sflag:s12] =	ssyncadd.s32 $0xFFFFF000  }
0x6c: {  	_ =	swait.ge [sflag:s12], $0x1000  }
0x6d: {  	[sflag:s12] =	ssyncset.done $0x0  }
0x6e: {  	[sflag:s12] =	ssyncadd.s32 $0xFFFFF000  }
0x6f: {  	_ =	swait.ge [sflag:s12], $0x1000  }
0x70: {  	[sflag:s12] =	ssyncset.done $0x0  }
0x71: {  	[sflag:s12] =	ssyncadd.s32 $0xFFFFF000  }
0x72: {  	_ =	swait.ge [sflag:s12], $0x1000  }
0x73: {  	[sflag:s12] =	ssyncset.done $0x0  }
0x74: {  	[sflag:s12] =	ssyncadd.s32 $0xFFFFF000  }
0x75: {  	_ =	swait.ge [sflag:s12], $0x1000  }
0x76: {  	[sflag:s12] =	ssyncset.done $0x0  }
0x77: {  	[sflag:s12] =	ssyncadd.s32 $0xFFFFF000  }
0x78: {  	_ =	swait.ge [sflag:s12], $0x1000  }
0x79: {  	[sflag:s12] =	ssyncset.done $0x0  }
0x7a: {  	s10 =	rddreg [dreg:$0x18];
	[sflag:s12] =	ssyncadd.s32 $0xFFFFF000  }
0x7b: {  	[spmem:s10] =	stream.linear.scatter [tilespmem:s11], [sflag:$0x9], $0x1000, $0x38;
	[tilespmem:$0x1FF00] =	vst v63  }
0x7c: {  	s6 =	rddreg [dreg:$0x19]  }
0x7d: {  	[spmem:s6] =	stream.linear.scatter [tilespmem:s11], [sflag:$0x9], $0x1000, $0x38;
	[tilespmem:$0x1FF00] =	vst v63  }
0x7e: {  	s7 =	rddreg [dreg:$0x1a]  }
0x7f: {  	[spmem:s7] =	stream.linear.scatter [tilespmem:s11], [sflag:$0x9], $0x1000, $0x38;
	[tilespmem:$0x1FF00] =	vst v63  }
0x80: {  	s9 =	rddreg [dreg:$0x1b]  }
0x81: {  	[spmem:s9] =	stream.linear.scatter [tilespmem:s11], [sflag:$0x9], $0x1000, $0x38;
	[tilespmem:$0x1FF00] =	vst v63  }
0x82: {  	s10 =	rddreg [dreg:$0x1c]  }
0x83: {  	[spmem:s10] =	stream.linear.scatter [tilespmem:s11], [sflag:$0x9], $0x1000, $0x38;
	[tilespmem:$0x1FF00] =	vst v63  }
0x84: {  	s6 =	rddreg [dreg:$0x1d]  }
0x85: {  	[spmem:s6] =	stream.linear.scatter [tilespmem:s11], [sflag:$0x9], $0x1000, $0x38;
	[tilespmem:$0x1FF00] =	vst v63  }
0x86: {  	s7 =	rddreg [dreg:$0x1e]  }
0x87: {  	[spmem:s7] =	stream.linear.scatter [tilespmem:s11], [sflag:$0x9], $0x1000, $0x38;
	[tilespmem:$0x1FF00] =	vst v63  }
0x88: {  	s9 =	rddreg [dreg:$0x1f]  }
0x89: {  	[spmem:s9] =	stream.linear.scatter [tilespmem:s11], [sflag:$0x9], $0x1000, $0x38;
	[tilespmem:$0x1FF00] =	vst v63  }
0x8a: {  	_ =	swait.ge [sflag:s12], $0x1000  }
0x8b: {  	[sflag:s12] =	ssyncset.done $0x0  }
0x8c: {  	[sflag:s12] =	ssyncadd.s32 $0xFFFFF000  }
0x8d: {  	_ =	swait.ge [sflag:s12], $0x1000  }
0x8e: {  	[sflag:s12] =	ssyncset.done $0x0  }
0x8f: {  	[sflag:s12] =	ssyncadd.s32 $0xFFFFF000  }
0x90: {  	_ =	swait.ge [sflag:s12], $0x1000  }
0x91: {  	[sflag:s12] =	ssyncset.done $0x0  }
0x92: {  	[sflag:s12] =	ssyncadd.s32 $0xFFFFF000  }
0x93: {  	_ =	swait.ge [sflag:s12], $0x1000  }
0x94: {  	[sflag:s12] =	ssyncset.done $0x0  }
0x95: {  	[sflag:s12] =	ssyncadd.s32 $0xFFFFF000  }
0x96: {  	_ =	swait.ge [sflag:s12], $0x1000  }
0x97: {  	[sflag:s12] =	ssyncset.done $0x0  }
0x98: {  	[sflag:s12] =	ssyncadd.s32 $0xFFFFF000  }
0x99: {  	_ =	swait.ge [sflag:s12], $0x1000  }
0x9a: {  	[sflag:s12] =	ssyncset.done $0x0  }
0x9b: {  	[sflag:s12] =	ssyncadd.s32 $0xFFFFF000  }
0x9c: {  	_ =	swait.ge [sflag:s12], $0x1000  }
0x9d: {  	[sflag:s12] =	ssyncset.done $0x0  }
0x9e: {  	[sflag:s12] =	ssyncadd.s32 $0xFFFFF000  }
0x9f: {  	_ =	swait.ge [sflag:s12], $0x1000  }
0xa0: {  	[sflag:s12] =	ssyncset.done $0x0  }
0xa1: {  	s10 =	rddreg [dreg:$0x5];
	[sflag:s12] =	ssyncadd.s32 $0xFFFFF000  }
0xa2: {  	[spmem:s10] =	stream.linear.scatter [tilespmem:s11], [sflag:$0x9], $0x700, $0x38;
	[tilespmem:$0x1FF00] =	vst v63  }
0xa3: {  	_ =	swait.ge [sflag:s12], $0x700  }
0xa4: {  	[sflag:s12] =	ssyncset.done $0x0  }
0xa5: {  	[sflag:s12] =	ssyncadd.s32 $0xFFFFF900  }
0xa6: {  	s7 =	simm.s32 $0x0;
	s9 =	simm.s32 $0x0;
	[bflag:$0x0] =	sbarrier.arrive $0xFFFF  }
.LBB2_4:
0xa7: {  	s6 =	smul.u32 $0x38, s9;
	_ =	sdelay $0x1  }
0xa8: {  	s6 =	sadd.s32 s8, s6  }
0xa9: {  	s6 =	sshll.u32 s6, $0x4  }
0xaa: {  	s10 =	sadd.s32 s4, s6  }
0xab: {  	[tilespmem:s7], [sflag:$0xA] =	stream.linear.gather [hbm4b:s10+s7], $0x1C00, $0x38;
	[tilespmem:$0x1FF00] =	vst v63  }
0xac: {  	_ =	swait.ge [sflag:s13], $0x1C00  }
0xad: {  	[sflag:s13] =	ssyncset.done $0x0  }
0xae: {  	s6 =	sadd.s32 s5, s6;
	[sflag:s13] =	ssyncadd.s32 $0xFFFFE400  }
0xaf: {  	[tilespmem:s14], [sflag:$0xA] =	stream.linear.gather [hbm4b:s6+s7], $0x1C00, $0x38;
	[tilespmem:$0x1FF00] =	vst v63  }
0xb0: {  	_ =	swait.ge [sflag:s13], $0x1C00  }
0xb1: {  	[sflag:s13] =	ssyncset.done $0x0  }
0xb2: {  	[sflag:s13] =	ssyncadd.s32 $0xFFFFE400  }
0xb3: {  	[tilespmem:s11], [sflag:$0x1] =	stream.indirect.gather [hbm4b:s21+s15], $0x20, s7, s15, $0xb8;
	[tilespmem:$0x1FF00] =	vst v63  }
0xb4: {  	_ = 	snop  }
0xb5: {  	[tilespmem:s16], [sflag:$0x2] =	stream.indirect.gather [hbm4b:s21+s15], $0x20, s15, s15, $0xb8;
	[tilespmem:$0x1FF00] =	vst v63  }
0xb6: {  	_ = 	snop  }
0xb7: {  	[tilespmem:s18], [sflag:$0x3] =	stream.indirect.gather [hbm4b:s21+s15], $0x20, s17, s15, $0xb8;
	[tilespmem:$0x1FF00] =	vst v63  }
0xb8: {  	_ =	swait.ge [sflag:s19], $0x1000  }
0xb9: {  	[sflag:s19] =	ssyncset.done $0x0  }
0xba: {  	[sflag:s19] =	ssyncadd.s32 $0xFFFFF000  }
0xbb: {  	[spmem:s2] =	stream.indirect.scatter.add.f32 [tilespmem:s11], [sflag:$0x5], $0x20, s14, s15, $0xb8;
	[tilespmem:$0x1FF00] =	vst v63  }
0xbc: {  	_ = 	snop  }
0xbd: {  	[tilespmem:s22], [sflag:$0x4] =	stream.indirect.gather [hbm4b:s21+s15], $0x20, s20, s15, $0xb8;
	[tilespmem:$0x1FF00] =	vst v63  }
0xbe: {  	_ =	swait.ge [sflag:s23], $0x1000  }
0xbf: {  	[sflag:s23] =	ssyncset.done $0x0  }
0xc0: {  	s10 =	simm.s32 $0x200;
	[sflag:s23] =	ssyncadd.s32 $0xFFFFF000  }
0xc1: {  	[tilespmem:s11], [sflag:$0x1] =	stream.indirect.gather [hbm4b:s21+s15], $0x20, s10, s15, $0xb8;
	[tilespmem:$0x1FF00] =	vst v63  }
0xc2: {  	_ =	swait.ge [sflag:s24], $0x1000  }
0xc3: {  	[sflag:s24] =	ssyncset.done $0x0  }
0xc4: {  	s3 =	simm.s32 $0x1C80;
	[sflag:s24] =	ssyncadd.s32 $0xFFFFF000  }
0xc5: {  	[spmem:s2] =	stream.indirect.scatter.add.f32 [tilespmem:s16], [sflag:$0x6], $0x20, s3, s15, $0xb8;
	[tilespmem:$0x1FF00] =	vst v63  }
0xc6: {  	_ =	swait.ge [sflag:s25], $0x1000  }
0xc7: {  	[sflag:s25] =	ssyncset.done $0x0  }
0xc8: {  	s10 =	simm.s32 $0x280;
	[sflag:s25] =	ssyncadd.s32 $0xFFFFF000  }
0xc9: {  	[tilespmem:s16], [sflag:$0x2] =	stream.indirect.gather [hbm4b:s21+s15], $0x20, s10, s15, $0xb8;
	[tilespmem:$0x1FF00] =	vst v63  }
0xca: {  	_ =	swait.ge [sflag:s26], $0x1000  }
0xcb: {  	[sflag:s26] =	ssyncset.done $0x0  }
0xcc: {  	s3 =	simm.s32 $0x1D00;
	[sflag:s26] =	ssyncadd.s32 $0xFFFFF000  }
0xcd: {  	[spmem:s2] =	stream.indirect.scatter.add.f32 [tilespmem:s18], [sflag:$0x7], $0x20, s3, s15, $0xb8;
	[tilespmem:$0x1FF00] =	vst v63  }
0xce: {  	_ =	swait.ge [sflag:s28], $0x1000  }
0xcf: {  	[sflag:s28] =	ssyncset.done $0x0  }
0xd0: {  	s10 =	simm.s32 $0x300;
	[sflag:s28] =	ssyncadd.s32 $0xFFFFF000  }
0xd1: {  	[tilespmem:s18], [sflag:$0x3] =	stream.indirect.gather [hbm4b:s21+s15], $0x20, s10, s15, $0xb8;
	[tilespmem:$0x1FF00] =	vst v63  }
0xd2: {  	_ =	swait.ge [sflag:s29], $0x1000  }
0xd3: {  	[sflag:s29] =	ssyncset.done $0x0  }
0xd4: {  	s3 =	simm.s32 $0x1D80;
	[sflag:s29] =	ssyncadd.s32 $0xFFFFF000  }
0xd5: {  	[spmem:s2] =	stream.indirect.scatter.add.f32 [tilespmem:s22], [sflag:$0x8], $0x20, s3, s15, $0xb8;
	[tilespmem:$0x1FF00] =	vst v63  }
0xd6: {  	_ =	swait.ge [sflag:s30], $0x1000  }
0xd7: {  	[sflag:s30] =	ssyncset.done $0x0  }
0xd8: {  	s10 =	simm.s32 $0x380;
	[sflag:s30] =	ssyncadd.s32 $0xFFFFF000  }
0xd9: {  	[tilespmem:s22], [sflag:$0x4] =	stream.indirect.gather [hbm4b:s21+s15], $0x20, s10, s15, $0xb8;
	[tilespmem:$0x1FF00] =	vst v63  }
0xda: {  	_ =	swait.ge [sflag:s19], $0x1000  }
0xdb: {  	[sflag:s19] =	ssyncset.done $0x0  }
0xdc: {  	s6 =	simm.s32 $0x1E00;
	s10 =	simm.s32 $0x800;
	[sflag:s19] =	ssyncadd.s32 $0xFFFFF000  }
.LBB2_5:
0xdd: {  	[spmem:s2] =	stream.indirect.scatter.add.f32 [tilespmem:s11], [sflag:$0x5], $0x20, s6, s15, $0xb8;
	[tilespmem:$0x1FF00] =	vst v63  }
0xde: {  	s6 =	smov.u32 s10  }
0xdf: {  	p0 =	sne.s32 s10, $0x6000;
	s10 =	sadd.s32 $0x800, s10;
	_ =	swait.ge [sflag:s23], $0x1000  }
0xe0: {  	s6 =	sshra.s32 s6, $0x2;
	[sflag:s23] =	ssyncset.done $0x0  }
0xe1: {  	s3 =	sadd.s32 $0x200, s6;
	[sflag:s23] =	ssyncadd.s32 $0xFFFFF000  }
0xe2: {  	[tilespmem:s11], [sflag:$0x1] =	stream.indirect.gather [hbm4b:s21+s15], $0x20, s3, s15, $0xb8;
	[tilespmem:$0x1FF00] =	vst v63  }
0xe3: {  	_ =	swait.ge [sflag:s24], $0x1000  }
0xe4: {  	[sflag:s24] =	ssyncset.done $0x0  }
0xe5: {  	s3 =	sadd.s32 $0x1C80, s6;
	[sflag:s24] =	ssyncadd.s32 $0xFFFFF000  }
0xe6: {  	[spmem:s2] =	stream.indirect.scatter.add.f32 [tilespmem:s16], [sflag:$0x6], $0x20, s3, s15, $0xb8;
	[tilespmem:$0x1FF00] =	vst v63  }
0xe7: {  	_ =	swait.ge [sflag:s25], $0x1000  }
0xe8: {  	[sflag:s25] =	ssyncset.done $0x0  }
0xe9: {  	s3 =	sadd.s32 $0x280, s6;
	[sflag:s25] =	ssyncadd.s32 $0xFFFFF000  }
0xea: {  	[tilespmem:s16], [sflag:$0x2] =	stream.indirect.gather [hbm4b:s21+s15], $0x20, s3, s15, $0xb8;
	[tilespmem:$0x1FF00] =	vst v63  }
0xeb: {  	_ =	swait.ge [sflag:s26], $0x1000  }
0xec: {  	[sflag:s26] =	ssyncset.done $0x0  }
0xed: {  	s3 =	sadd.s32 $0x1D00, s6;
	[sflag:s26] =	ssyncadd.s32 $0xFFFFF000  }
0xee: {  	[spmem:s2] =	stream.indirect.scatter.add.f32 [tilespmem:s18], [sflag:$0x7], $0x20, s3, s15, $0xb8;
	[tilespmem:$0x1FF00] =	vst v63  }
0xef: {  	_ =	swait.ge [sflag:s28], $0x1000  }
0xf0: {  	[sflag:s28] =	ssyncset.done $0x0  }
0xf1: {  	s3 =	sadd.s32 $0x300, s6;
	[sflag:s28] =	ssyncadd.s32 $0xFFFFF000  }
0xf2: {  	[tilespmem:s18], [sflag:$0x3] =	stream.indirect.gather [hbm4b:s21+s15], $0x20, s3, s15, $0xb8;
	[tilespmem:$0x1FF00] =	vst v63  }
0xf3: {  	_ =	swait.ge [sflag:s29], $0x1000  }
0xf4: {  	[sflag:s29] =	ssyncset.done $0x0  }
0xf5: {  	s3 =	sadd.s32 $0x1D80, s6;
	[sflag:s29] =	ssyncadd.s32 $0xFFFFF000  }
0xf6: {  	[spmem:s2] =	stream.indirect.scatter.add.f32 [tilespmem:s22], [sflag:$0x8], $0x20, s3, s15, $0xb8;
	[tilespmem:$0x1FF00] =	vst v63  }
0xf7: {  	_ =	swait.ge [sflag:s30], $0x1000  }
0xf8: {  	[sflag:s30] =	ssyncset.done $0x0  }
.Ltmp1:
0xf9: {  	s3 =	sadd.s32 $0x380, s6;
	[sflag:s30] =	ssyncadd.s32 $0xFFFFF000;
	(pc) =	sbr.rel @p0 .LBB2_5-.Ltmp1, $4  }
0xfa: {  	[tilespmem:s22], [sflag:$0x4] =	stream.indirect.gather [hbm4b:s21+s15], $0x20, s3, s15, $0xb8;
	[tilespmem:$0x1FF00] =	vst v63  }
0xfb: {  	_ =	swait.ge [sflag:s19], $0x1000  }
0xfc: {  	[sflag:s19] =	ssyncset.done $0x0  }
0xfd: {  	s6 =	sadd.s32 $0x1E00, s6;
	[sflag:s19] =	ssyncadd.s32 $0xFFFFF000  }
0xfe: {  	[spmem:s2] =	stream.indirect.scatter.add.f32 [tilespmem:s11], [sflag:$0x5], $0x20, s6, s15, $0xb8;
	[tilespmem:$0x1FF00] =	vst v63  }
0xff: {  	_ =	swait.ge [sflag:s23], $0x1000  }
0x100: {  	[sflag:s23] =	ssyncset.done $0x0  }
0x101: {  	[sflag:s23] =	ssyncadd.s32 $0xFFFFF000  }
0x102: {  	_ =	swait.ge [sflag:s24], $0x1000  }
0x103: {  	[sflag:s24] =	ssyncset.done $0x0  }
0x104: {  	[sflag:s24] =	ssyncadd.s32 $0xFFFFF000  }
0x105: {  	[spmem:s2] =	stream.indirect.scatter.add.f32 [tilespmem:s16], [sflag:$0x6], $0x20, s31, s15, $0xb8;
	[tilespmem:$0x1FF00] =	vst v63  }
0x106: {  	_ =	swait.ge [sflag:s25], $0x1000  }
0x107: {  	[sflag:s25] =	ssyncset.done $0x0  }
0x108: {  	[sflag:s25] =	ssyncadd.s32 $0xFFFFF000  }
0x109: {  	_ =	swait.ge [sflag:s26], $0x1000  }
0x10a: {  	[sflag:s26] =	ssyncset.done $0x0  }
0x10b: {  	[sflag:s26] =	ssyncadd.s32 $0xFFFFF000  }
0x10c: {  	[spmem:s2] =	stream.indirect.scatter.add.f32 [tilespmem:s18], [sflag:$0x7], $0x20, s0, s15, $0xb8;
	[tilespmem:$0x1FF00] =	vst v63  }
0x10d: {  	_ =	swait.ge [sflag:s28], $0x1000  }
0x10e: {  	[sflag:s28] =	ssyncset.done $0x0  }
0x10f: {  	[sflag:s28] =	ssyncadd.s32 $0xFFFFF000  }
0x110: {  	s9 =	sadd.s32 $0x1, s9;
	_ =	swait.ge [sflag:s29], $0x1000  }
0x111: {  	p0 =	sne.s32 s9, $0x7;
	[sflag:s29] =	ssyncset.done $0x0  }
.Ltmp2:
0x112: {  	[sflag:s29] =	ssyncadd.s32 $0xFFFFF000;
	(pc) =	sbr.rel @p0 .LBB2_4-.Ltmp2, $4  }
0x113: {  	[spmem:s2] =	stream.indirect.scatter.add.f32 [tilespmem:s22], [sflag:$0x8], $0x20, s1, s15, $0xb8;
	[tilespmem:$0x1FF00] =	vst v63  }
0x114: {  	_ =	swait.ge [sflag:s30], $0x1000  }
0x115: {  	[sflag:s30] =	ssyncset.done $0x0  }
0x116: {  	[sflag:s30] =	ssyncadd.s32 $0xFFFFF000  }
0x117: {  	s3 =	stileid.u32;
	[bflag:$0x0] =	sbarrier.arrive $0xFFFF  }
0x118: {  	s3 =	sshll.u32 s3, $0x6;
	s6 =	rddreg [dreg:$0x13]  }
0x119: {  	s7 =	rddreg [dreg:$0x15];
	s3 =	sor.u32 $0x1C0A, s3  }
0x11a: {  	[hbm:s6], [sflag:s3] =	dma.local [spmem:s7], $0x30E0  }
0x11b: {  	_ =	swait.ge [sflag:s13], $0x30E0  }
0x11c: {  	s10 =	rddreg [dreg:$0x3]  }
0x11d: {  	s9 =	rddreg [dreg:$0x6];
	s10 =	sadd.s32 $0x1, s10  }
0x11e: {  	p0 =	sne.s32 s10, s9  }
.Ltmp3:
0x11f: {  	_ = 	snop;
	(pc) =	sbr.rel @p0 .LBB2_1-.Ltmp3, $3  }
0x120: {  	_ =	sdelay $0x1  }
0x121: {  	[sflag:s13] =	ssyncset.done $0x0  }
0x122: {  	[sflag:s13] =	ssyncadd.s32 $0xFFFFCF20  }
0x123: {  	_ =	sfence.sel $0x180000  }
0x124: {  	[bflag:$0x0] =	sbarrier.arrive $0xFFFF  }
0x125: {  	_ =	strace $0x9000004D  }
0x126: {  	s0 =	stileid.u32;
	[bflag:$0x2] =	sbarrier.arrive $0xFFFF  }
0x127: {  	p0 =	sne.s32 s0, $0x0;
	s0 =	rddreg [dreg:$0x2]  }
0x128: {  	s0 =	sadd.s32 @!p0 $0x100000, s0  }
0x129: {  	[sflag:s0] =	ssyncadd.tile.s32 @!p0 $0x1;
	_ =	shalt  }
.Lfunc_end2:
_tile_overlayer_lowered:
.L_overlay_start_2:
0x12a: {  	(tag) =	ssettag $0x2  }
0x12b: {  	s0 =	rddreg [dreg:$0x0];
	s2 =	stileid.u32  }
0x12c: {  	s1 =	rddreg [dreg:$0x1];
	p0 =	sne.s32 s2, $0x0  }
0x12d: {  	s3 =	rddreg [dreg:$0x2];
	[bflag:$0x3] =	sbarrier.arrive $0xFFFF;
	s2 =	simm.s32 @!p0 $0x1C0A  }
0x12e: {  	[timem:s3], [sflag:s2] =	dma.local @!p0 [hbm:s0], s1  }
0x12f: {  	s0 =	simm.s32 @!p0 $0xA  }
0x130: {  	_ =	swait.ge @!p0 [sflag:s0], s1  }
0x131: {  	s1 =	ssub.s32 @!p0 $0x0, s1;
	[sflag:s0] =	ssyncset.done @!p0 $0x0  }
0x132: {  	[sflag:s0] =	ssyncadd.s32 @!p0 s1  }
0x133: {  	[bflag:$0x3] =	sbarrier.arrive $0xFFFF  }
0x134: {  	_ =	shalt  }

// kernel: kernel.19.cloned.1.call-start
scs
__scs_entry_jumppad:
0x0: {  	(pc) =	sbr.rel $0x88, $3  }
0x1: {  	(tag) =	ssettag $0x0;
	lr =	simm.s32 $0x1  }
0x2: {  	[smem:$0x3F8A] =	sst lr;
	_ =	strace $0xD0000000  }
0x3: {  	_ = 	snop  }
0x4: {  	_ = 	snop  }
0x5: {  	_ = 	snop  }
0x6: {  	_ = 	snop  }
0x7: {  	_ = 	snop  }
__scs_overlays_trampoline_lowered:
0x8: {  	[smem:$0x3F99] =	sst s0  }
0x9: {  	[smem:$0x3F9A] =	sst s1  }
0xa: {  	[smem:$0x3F9B] =	sst s2  }
0xb: {  	[smem:$0x3F9C] =	sst s3  }
0xc: {  	[smem:$0x3F9D] =	sst s4  }
0xd: {  	[smem:$0x3F9E] =	sst s5  }
0xe: {  	[smem:$0x3F9F] =	sst s6  }
0xf: {  	[smem:$0x3FA0] =	sst s7  }
0x10: {  	[smem:$0x3FA1] =	sst s8  }
0x11: {  	[smem:$0x3FA2] =	sst s9;
	s0 =	simm.s32 @!p0 $0x0  }
0x12: {  	s1 =	sld [smem:$0x3F88];
	s0 =	simm.s32 @p0 $0x1  }
0x13: {  	[smem:$0x3FA3] =	sst s0;
	s0 =	simm.s32 @!p1 $0x0  }
0x14: {  	s2 =	sld [smem:$0x3F87];
	s0 =	simm.s32 @p1 $0x1  }
0x15: {  	[smem:$0x3FA4] =	sst s0;
	s0 =	simm.s32 @!p2 $0x0  }
0x16: {  	s3 =	sld [smem:$0x3FDB];
	s0 =	simm.s32 @p2 $0x1  }
0x17: {  	s4 =	simm.s32 $0x1BF5;
	[smem:$0x3FA6] =	sst s0  }
0x18: {  	s0 =	sld [smem:$0x3F89];
	_ =	swait.ge [sflag:s4], $0x0  }
0x19: {  	s7 =	sld [smem:$0x3F8A]  }
0x1a: {  	s8 =	sadd.s32 $0xFFFFE003, lr  }
0x1b: {  	s9 =	sadd.s32 $0xFFFFFEF7, lr;
	s5 =	simm.s32 $0xFFFFFFFF;
	p2 =	slt.u32 s8, $0xFFFFF086  }
0x1c: {  	p1 =	slt.u32 s9, $0xF7A;
	s5 =	simm.s32 @!p2 $0x0  }
0x1d: {  	s5 =	simm.s32 @p1 $0x1;
	p0 =	seq.s32 s7, s2  }
0x1e: {  	s7 =	smul.u32 @!p0 $0xF7A, s2;
	p2 =	seq.s32 @!p0 s5, $0x0  }
0x1f: {  	s9 =	smul.u32 $0xF7A, s1;
	s8 =	simm.s32 @!p0 $0x1BF5;
	p2 =	por !p2, p0  }
0x20: {  	[sflag:s8] =	ssyncset.s32 @!p0 $0xFFFFF086;
	s6 =	sadd.s32 @!p0 s3, s7;
	s7 =	simm.s32 @!p0 $0x108  }
0x21: {  	s3 =	sadd.s32 s3, s9;
	s6 =	sadd.s32 @!p0 $0x88, s6;
	s7 =	simm.s32 @p2 $0x1082  }
0x22: {  	[simem:s7], [sflag:s8] =	dma.local @!p0 [hbm:s6], $0xF7A  }
0x23: {  	s9 =	sor.u32 $0xD0000000, s2;
	s6 =	simm.s32 $0x108;
	_ =	swait.ge @!p0 [sflag:s8], $0x0  }
0x24: {  	s3 =	sadd.s32 $0x88, s3;
	s6 =	simm.s32 @!p1 $0x1082;
	[sflag:s4] =	ssyncset.s32 $0xFFFFF086  }
0x25: {  	[simem:s6], [sflag:s4] =	dma.local [hbm:s3], $0xF7A  }
0x26: {  	[smem:$0x3F8A] =	sst s1;
	(tag) =	ssettag s2;
	_ =	strace s9  }
0x27: {  	s1 =	sld [smem:$0x3F9A]  }
0x28: {  	s2 =	sld [smem:$0x3F9B]  }
0x29: {  	s4 =	sld [smem:$0x3F9D]  }
0x2a: {  	p0 =	seq.s32 s5, $0x0;
	s5 =	sld [smem:$0x3F9E]  }
0x2b: {  	s6 =	sld [smem:$0x3F9F]  }
0x2c: {  	s7 =	sld [smem:$0x3FA0]  }
0x2d: {  	s3 =	simm.s32 $0x108;
	s8 =	sld [smem:$0x3FA1]  }
0x2e: {  	s3 =	simm.s32 @!p0 $0x1082;
	s9 =	sld [smem:$0x3FA2]  }
0x2f: {  	lr =	sadd.s32 s0, s3;
	s0 =	sld [smem:$0x3F99]  }
0x30: {  	s3 =	sld [smem:$0x3F9C]  }
0x31: {  	[smem:$0x3FA5] =	sst s10  }
0x32: {  	s10 =	sld [smem:$0x3FA3];
	_ =	sdelay $0x3  }
0x33: {  	p0 =	seq.s32 s10, $0x1;
	s10 =	sld [smem:$0x3FA5];
	_ =	sdelay $0x3  }
0x34: {  	[smem:$0x3FA5] =	sst s10  }
0x35: {  	s10 =	sld [smem:$0x3FA4];
	_ =	sdelay $0x3  }
0x36: {  	p1 =	seq.s32 s10, $0x1;
	s10 =	sld [smem:$0x3FA5];
	_ =	sdelay $0x3  }
0x37: {  	[smem:$0x3FA5] =	sst s10  }
0x38: {  	s10 =	sld [smem:$0x3FA6]  }
0x39: {  	_ = 	snop;
	(pc) =	sbr.ind lr, $3  }
0x3a: {  	_ = 	snop  }
0x3b: {  	_ = 	snop  }
0x3c: {  	p2 =	seq.s32 s10, $0x1;
	s10 =	sld [smem:$0x3FA5]  }
0x3d: {  	_ =	shalt  }
0x3e: {  	_ =	shalt  }
0x3f: {  	_ =	shalt  }
0x40: {  	_ =	shalt  }
0x41: {  	_ =	shalt  }
0x42: {  	_ =	shalt  }
0x43: {  	_ =	shalt  }
0x44: {  	_ =	shalt  }
0x45: {  	_ =	shalt  }
0x46: {  	_ =	shalt  }
0x47: {  	_ =	shalt  }
0x48: {  	_ =	shalt  }
0x49: {  	_ =	shalt  }
0x4a: {  	_ =	shalt  }
0x4b: {  	_ =	shalt  }
0x4c: {  	_ =	shalt  }
0x4d: {  	_ =	shalt  }
0x4e: {  	_ =	shalt  }
0x4f: {  	_ =	shalt  }
0x50: {  	_ =	shalt  }
0x51: {  	_ =	shalt  }
0x52: {  	_ =	shalt  }
0x53: {  	_ =	shalt  }
0x54: {  	_ =	shalt  }
0x55: {  	_ =	shalt  }
0x56: {  	_ =	shalt  }
0x57: {  	_ =	shalt  }
0x58: {  	_ =	shalt  }
0x59: {  	_ =	shalt  }
0x5a: {  	_ =	shalt  }
0x5b: {  	_ =	shalt  }
0x5c: {  	_ =	shalt  }
0x5d: {  	_ =	shalt  }
0x5e: {  	_ =	shalt  }
0x5f: {  	_ =	shalt  }
0x60: {  	_ =	shalt  }
0x61: {  	_ =	shalt  }
0x62: {  	_ =	shalt  }
0x63: {  	_ =	shalt  }
0x64: {  	_ =	shalt  }
0x65: {  	_ =	shalt  }
0x66: {  	_ =	shalt  }
0x67: {  	_ =	shalt  }
0x68: {  	_ =	shalt  }
0x69: {  	_ =	shalt  }
0x6a: {  	_ =	shalt  }
0x6b: {  	_ =	shalt  }
0x6c: {  	_ =	shalt  }
0x6d: {  	_ =	shalt  }
0x6e: {  	_ =	shalt  }
0x6f: {  	_ =	shalt  }
0x70: {  	_ =	shalt  }
0x71: {  	_ =	shalt  }
0x72: {  	_ =	shalt  }
0x73: {  	_ =	shalt  }
0x74: {  	_ =	shalt  }
0x75: {  	_ =	shalt  }
0x76: {  	_ =	shalt  }
0x77: {  	_ =	shalt  }
0x78: {  	_ =	shalt  }
0x79: {  	_ =	shalt  }
0x7a: {  	_ =	shalt  }
0x7b: {  	_ =	shalt  }
0x7c: {  	_ =	shalt  }
0x7d: {  	_ =	shalt  }
0x7e: {  	_ =	shalt  }
0x7f: {  	_ =	shalt  }
0x80: {  	_ =	shalt  }
0x81: {  	_ =	shalt  }
0x82: {  	_ =	shalt  }
0x83: {  	_ =	shalt  }
0x84: {  	_ =	shalt  }
0x85: {  	_ =	shalt  }
0x86: {  	_ =	shalt  }
0x87: {  	_ =	shalt  }
.Lfunc_end0:
.L_simem_size_0:
called_computation.3_lowered:
.L_overlay_start_0:
0x88: {  	s2 =	sld [smem:$0x3FD9]  }
0x89: {  	s3 =	sld [smem:$0x3FFE];
	_ =	sdelay $0x1  }
0x8a: {  	s1 =	srdreg.scid  }
0x8b: {  	s0 =	sand.u32 $0x1, s1  }
0x8c: {  	s16 =	sshll.u32 s0, $0xA;
	s2 =	sadd.s32 s3, s2  }
0x8d: {  	s2 =	sadd.s32 s2, s16  }
0x8e: {  	[smem:$0x3FB1] =	sst s2  }
0x8f: {  	_ = 	snop  }
0x90: {  	(tm) =	ssettm $0x1  }
0x91: {  	s17 =	sld [smem:$0x3FFB];
	_ =	sdelay $0x3  }
0x92: {  	_ =	strace s17  }
0x93: {  	s2 =	sld [smem:$0x3FFC];
	_ =	sdelay $0x3  }
0x94: {  	_ =	strace s2  }
0x95: {  	s2 =	sld [smem:$0x3FFD];
	_ =	sdelay $0x3  }
0x96: {  	_ =	strace s2  }
0x97: {  	_ =	strace $0x8FFFFFFF  }
0x98: {  	s18 =	sld [smem:$0x3FDB];
	_ =	sdelay $0x1  }
0x99: {  	s19 =	simm.s32 $_scs_section_size  }
0x9a: {  	s4 =	simm.s32 $_size__tile_overlayer_lowered;
	s5 =	simm.s32 $_tile_overlayer_lowered  }
0x9b: {  	s22 =	simm.s32 $0x1BFF;
	s21 =	sshll.u32 s5, $0x1;
	s2 =	sadd.s32 s19, s18  }
0x9c: {  	s6 =	simm.s32 $0x0;
	s20 =	sshll.u32 s4, $0x1;
	s4 =	sadd.s32 s21, s2  }
0x9d: {  	[timem:s6], [sflag:s22] =	dma.local [hbm:s4], s20  }
0x9e: {  	_ =	swait.ge [sflag:s22], s20  }
0x9f: {  	s3 =	ssub.s32 $0x0, s20;
	[sflag:s22] =	ssyncset.done $0x0  }
0xa0: {  	[sflag:s22] =	ssyncadd.s32 s3;
	_ =	sdelay $0x1  }
0xa1: {  	s23 =	simm.s32 $0x1B8B  }
0xa2: {  	_ =	swait.ge [sflag:s23], $0x1  }
0xa3: {  	[sflag:s23] =	ssyncset.done $0x0  }
0xa4: {  	s25 =	simm.s32 $0x1B8E;
	s24 =	sld [smem:$0x3FFE];
	[sflag:s23] =	ssyncadd.s32 $0xFFFFFFFF  }
0xa5: {  	s26 =	simm.s32 $execute0_lowered;
	[smem:$0x3FD2] =	sst s25  }
0xa6: {  	s4 =	sshll.u32 s26, $0x1;
	_ =	strace $0x8000004F;
	[dreg:$0x1] =	wrdreg $0xFFFFFFFF  }
0xa7: {  	s28 =	simm.s32 $_size_execute0_lowered;
	s2 =	sadd.s32 s2, s4;
	[dreg:$0x0] =	wrdreg $0x0  }
0xa8: {  	s4 =	sshll.u32 s28, $0x1;
	[dreg:$0x2] =	wrdreg s2  }
0xa9: {  	[dreg:$0x3] =	wrdreg s4  }
0xaa: {  	[dreg:$0x4] =	wrdreg $0xC0  }
0xab: {  	_ =	task [dreg:s6], $0x5FFFF  }
0xac: {  	[dreg:$0x1] =	wrdreg $0xFFFFFFFF  }
0xad: {  	[dreg:$0x0] =	wrdreg $0x60  }
0xae: {  	[dreg:$0x2] =	wrdreg s24  }
0xaf: {  	[dreg:$0x3] =	wrdreg $0x78000  }
0xb0: {  	[dreg:$0x4] =	wrdreg $0x9  }
0xb1: {  	_ =	task.clear_ibuf [dreg:s6], $0x5FFFF;
	_ =	strace $0x9000004F  }
0xb2: {  	s29 =	simm.s32 $0x9;
	_ =	strace $0x80000051  }
0xb3: {  	_ =	swait.ge [sflag:s29], $0x1  }
0xb4: {  	[sflag:s29] =	ssyncadd.s32 $0xFFFFFFFF  }
0xb5: {  	_ =	strace $0x90000051  }
0xb6: {  	_ =	sfence  }
0xb7: {  	s30 =	sld [smem:$0x0];
	_ =	sdelay $0x2  }
0xb8: {  	s31 =	sshll.u32 s1, $0xD;
	s1 =	sshrl.u32 s1, $0x2  }
0xb9: {  	s3 =	sand.u32 $0x4000, s31;
	s1 =	sadd.s32 s1, s30  }
0xba: {  	s0 =	sor.u32 s3, s0;
	s1 =	sshll.u32 s1, $0x11  }
0xbb: {  	s0 =	sor.u32 s1, s0  }
0xbc: {  	s0 =	sadd.s32 $0x8F2B, s0  }
0xbd: {  	[sflag:s0] =	ssyncadd.remote.s32 $0x1  }
0xbe: {  	_ =	sfence.sel $0xFFFF  }
0xbf: {  	[dreg:$0x0] =	wrdreg $0xFFFFFFFF;
	(pc) =	sbr.abs _section_cstart, $3  }
0xc0: {  	[dreg:$0x1] =	wrdreg $0xFFFFFFFF  }
0xc1: {  	_ =	task.clear_ibuf [dreg:s6], $0x2FFFF;
	_ =	strace $0x9FFFFFFF  }
0xc2: {  	(tm) =	ssettm $0x7FFFFFFF  }
0xc3: {  	_ =	shalt  }
tec
execute0_lowered:
.L_overlay_start_1:
0x0: {  	(tag) =	ssettag $0x1  }
0x1: {  	s0 =	rddreg [dreg:$0x0];
	s3 =	stileid.u32  }
0x2: {  	s1 =	srdreg.scid;
	s6 =	smul.u32 $0x61C00, s3  }
0x3: {  	s2 =	rddreg [dreg:$0x1];
	s10 =	simm.s32 $0x0;
	s1 =	sand.u32 $0x1, s1  }
0x4: {  	[smem:$0x7FF] =	sst s10;
	s7 =	ssub.s32 $0x2, s1;
	s6 =	sshrl.u32 s6, $0x2  }
0x5: {  	_ =	strace $0x80000050;
	s8 =	sshrl.u32 s7, $0x1;
	s11 =	sadd.s32 s6, s2  }
0x6: {  	s7 =	ssub.s32 s7, s8;
	s13 =	sadd.s32 $0x18000, s11;
	[dreg:$0x4] =	wrdreg s11  }
0x7: {  	s15 =	smax.u32 s7, $0x1;
	[dreg:$0x5] =	wrdreg s13  }
0x8: {  	s16 =	sadd.s32 $0x1000, s11;
	[dreg:$0x6] =	wrdreg s15  }
0x9: {  	s17 =	sadd.s32 $0x2000, s11;
	[dreg:$0x7] =	wrdreg s16  }
0xa: {  	s18 =	sadd.s32 $0x3000, s11;
	[dreg:$0x8] =	wrdreg s17  }
0xb: {  	s19 =	sadd.s32 $0x4000, s11;
	[dreg:$0x9] =	wrdreg s18  }
0xc: {  	s9 =	simm.s32 $0x4EC00;
	s20 =	sadd.s32 $0x5000, s11;
	[dreg:$0xa] =	wrdreg s19  }
0xd: {  	s28 =	simm.s32 $0x7;
	s21 =	sadd.s32 $0x6000, s11;
	[dreg:$0xb] =	wrdreg s20  }
0xe: {  	s29 =	simm.s32 $0x4;
	s22 =	sadd.s32 $0x7000, s11;
	[dreg:$0xc] =	wrdreg s21  }
0xf: {  	s30 =	simm.s32 $0x8;
	s23 =	sadd.s32 $0x8000, s11;
	[dreg:$0xd] =	wrdreg s22  }
0x10: {  	s12 =	smul.u32 $0x18700, s3;
	s24 =	sadd.s32 $0x9000, s11;
	[dreg:$0xe] =	wrdreg s23  }
0x11: {  	s31 =	simm.s32 $0x3680;
	s25 =	sadd.s32 $0xA000, s11;
	[dreg:$0xf] =	wrdreg s24  }
0x12: {  	s14 =	sshrl.u32 s12, $0x3;
	s26 =	sadd.s32 $0xB000, s11;
	[dreg:$0x10] =	wrdreg s25  }
0x13: {  	s6 =	sadd.s32 s12, s2;
	s12 =	sadd.s32 $0xC000, s11;
	[dreg:$0x11] =	wrdreg s26  }
0x14: {  	s4 =	sadd.s32 $0xF9E00, s0;
	[dreg:$0x12] =	wrdreg s12;
	s15 =	sshrl.u32 s6, $0x3  }
0x15: {  	s5 =	sadd.s32 $0x5600, s0;
	s16 =	sadd.s32 $0xE000, s11;
	[dreg:$0x15] =	wrdreg s15  }
0x16: {  	p0 =	seq.s32 s1, $0x0;
	s17 =	sadd.s32 $0xF000, s11;
	[dreg:$0x16] =	wrdreg s16  }
0x17: {  	p1 =	seq.s32 s1, $0x1;
	s18 =	sadd.s32 $0x10000, s11;
	[dreg:$0x17] =	wrdreg s17  }
0x18: {  	s1 =	simm.s32 $0x3780;
	s19 =	sadd.s32 $0x11000, s11;
	[dreg:$0x18] =	wrdreg s18  }
0x19: {  	s9 =	simm.s32 @!p0 $0x1DE00;
	s20 =	sadd.s32 $0x12000, s11;
	[dreg:$0x19] =	wrdreg s19  }
0x1a: {  	s8 =	smul.u32 $0x188, s3;
	s22 =	sadd.s32 $0x13000, s11;
	[dreg:$0x1a] =	wrdreg s20  }
0x1b: {  	s7 =	simm.s32 $0x7FA00;
	s23 =	sadd.s32 $0x14000, s11;
	[dreg:$0x1b] =	wrdreg s22  }
0x1c: {  	s7 =	simm.s32 @!p1 $0xB0800;
	s24 =	sadd.s32 $0x15000, s11;
	[dreg:$0x1c] =	wrdreg s23  }
0x1d: {  	s21 =	sadd.s32 s9, s0;
	s25 =	sadd.s32 $0x16000, s11;
	[dreg:$0x1d] =	wrdreg s24  }
0x1e: {  	s26 =	sadd.s32 $0x17000, s11;
	s12 =	simm.s32 $0x9;
	[dreg:$0x1e] =	wrdreg s25  }
0x1f: {  	s7 =	sadd.s32 s7, s0;
	[dreg:$0x1f] =	wrdreg s26;
	s15 =	simm.s32 $0x80  }
0x20: {  	s16 =	simm.s32 $0x4800;
	s17 =	simm.s32 $0x100;
	s18 =	simm.s32 $0x5800  }
0x21: {  	s19 =	simm.s32 $0x1;
	s20 =	simm.s32 $0x180;
	s22 =	simm.s32 $0x6800  }
0x22: {  	s23 =	simm.s32 $0x5;
	s24 =	simm.s32 $0x2;
	s25 =	simm.s32 $0x6  }
0x23: {  	s26 =	simm.s32 $0x3;
	s0 =	simm.s32 $0x3700;
	s13 =	sadd.s32 s7, s14  }
0x24: {  	s14 =	sadd.s32 $0xD000, s11;
	s11 =	simm.s32 $0x3800;
	[dreg:$0x13] =	wrdreg s13  }
0x25: {  	v0 =	vimm.f32 $0.0e+00;
	[dreg:$0x14] =	wrdreg s14;
	s13 =	simm.s32 $0xA;
	s14 =	simm.s32 $0x1C00  }
.LBB2_1:
0x26: {  	[dreg:$0x3] =	wrdreg s10;
	s6 =	simm.s32 $0x80;
	s7 =	simm.s32 $0x0  }
.LBB2_2:
0x27: {  	p0 =	sne.s32 s6, $0x3F80;
	[tilespmem:s7+$0x3800] =	vst v0;
	s9 =	smov.u32 s6;
	s6 =	sadd.s32 $0x80, s6  }
.Ltmp0:
0x28: {  	[tilespmem:s7+$0x3810] =	vst v0;
	(pc) =	sbr.rel @p0 .LBB2_2-.Ltmp0, $2  }
0x29: {  	_ =	sdelay $0x2  }
0x2a: {  	s7 =	sshra.s32 s9, $0x2  }
0x2b: {  	[tilespmem:s7+$0x3800] =	vst v0  }
0x2c: {  	[tilespmem:s7+$0x3810] =	vst v0;
	s3 =	rddreg [dreg:$0x4]  }
0x2d: {  	[spmem:s3] =	stream.linear.scatter [tilespmem:s11], [sflag:$0x9], $0x1000, $0x38;
	[tilespmem:$0x1FF00] =	vst v63  }
0x2e: {  	s6 =	rddreg [dreg:$0x7]  }
0x2f: {  	[spmem:s6] =	stream.linear.scatter [tilespmem:s11], [sflag:$0x9], $0x1000, $0x38;
	[tilespmem:$0x1FF00] =	vst v63  }
0x30: {  	s7 =	rddreg [dreg:$0x8]  }
0x31: {  	[spmem:s7] =	stream.linear.scatter [tilespmem:s11], [sflag:$0x9], $0x1000, $0x38;
	[tilespmem:$0x1FF00] =	vst v63  }
0x32: {  	s9 =	rddreg [dreg:$0x9]  }
0x33: {  	[spmem:s9] =	stream.linear.scatter [tilespmem:s11], [sflag:$0x9], $0x1000, $0x38;
	[tilespmem:$0x1FF00] =	vst v63  }
0x34: {  	s10 =	rddreg [dreg:$0xa]  }
0x35: {  	[spmem:s10] =	stream.linear.scatter [tilespmem:s11], [sflag:$0x9], $0x1000, $0x38;
	[tilespmem:$0x1FF00] =	vst v63  }
0x36: {  	s6 =	rddreg [dreg:$0xb]  }
0x37: {  	[spmem:s6] =	stream.linear.scatter [tilespmem:s11], [sflag:$0x9], $0x1000, $0x38;
	[tilespmem:$0x1FF00] =	vst v63  }
0x38: {  	s7 =	rddreg [dreg:$0xc]  }
0x39: {  	[spmem:s7] =	stream.linear.scatter [tilespmem:s11], [sflag:$0x9], $0x1000, $0x38;
	[tilespmem:$0x1FF00] =	vst v63  }
0x3a: {  	s9 =	rddreg [dreg:$0xd]  }
0x3b: {  	[spmem:s9] =	stream.linear.scatter [tilespmem:s11], [sflag:$0x9], $0x1000, $0x38;
	[tilespmem:$0x1FF00] =	vst v63  }
0x3c: {  	_ =	swait.ge [sflag:s12], $0x1000  }
0x3d: {  	[sflag:s12] =	ssyncset.done $0x0  }
0x3e: {  	[sflag:s12] =	ssyncadd.s32 $0xFFFFF000  }
0x3f: {  	_ =	swait.ge [sflag:s12], $0x1000  }
0x40: {  	[sflag:s12] =	ssyncset.done $0x0  }
0x41: {  	[sflag:s12] =	ssyncadd.s32 $0xFFFFF000  }
0x42: {  	_ =	swait.ge [sflag:s12], $0x1000  }
0x43: {  	[sflag:s12] =	ssyncset.done $0x0  }
0x44: {  	[sflag:s12] =	ssyncadd.s32 $0xFFFFF000  }
0x45: {  	_ =	swait.ge [sflag:s12], $0x1000  }
0x46: {  	[sflag:s12] =	ssyncset.done $0x0  }
0x47: {  	[sflag:s12] =	ssyncadd.s32 $0xFFFFF000  }
0x48: {  	_ =	swait.ge [sflag:s12], $0x1000  }
0x49: {  	[sflag:s12] =	ssyncset.done $0x0  }
0x4a: {  	[sflag:s12] =	ssyncadd.s32 $0xFFFFF000  }
0x4b: {  	_ =	swait.ge [sflag:s12], $0x1000  }
0x4c: {  	[sflag:s12] =	ssyncset.done $0x0  }
0x4d: {  	[sflag:s12] =	ssyncadd.s32 $0xFFFFF000  }
0x4e: {  	_ =	swait.ge [sflag:s12], $0x1000  }
0x4f: {  	[sflag:s12] =	ssyncset.done $0x0  }
0x50: {  	[sflag:s12] =	ssyncadd.s32 $0xFFFFF000  }
0x51: {  	_ =	swait.ge [sflag:s12], $0x1000  }
0x52: {  	[sflag:s12] =	ssyncset.done $0x0  }
0x53: {  	s10 =	rddreg [dreg:$0xe];
	[sflag:s12] =	ssyncadd.s32 $0xFFFFF000  }
0x54: {  	[spmem:s10] =	stream.linear.scatter [tilespmem:s11], [sflag:$0x9], $0x1000, $0x38;
	[tilespmem:$0x1FF00] =	vst v63  }
0x55: {  	s6 =	rddreg [dreg:$0xf]  }
0x56: {  	[spmem:s6] =	stream.linear.scatter [tilespmem:s11], [sflag:$0x9], $0x1000, $0x38;
	[tilespmem:$0x1FF00] =	vst v63  }
0x57: {  	s7 =	rddreg [dreg:$0x10]  }
0x58: {  	[spmem:s7] =	stream.linear.scatter [tilespmem:s11], [sflag:$0x9], $0x1000, $0x38;
	[tilespmem:$0x1FF00] =	vst v63  }
0x59: {  	s9 =	rddreg [dreg:$0x11]  }
0x5a: {  	[spmem:s9] =	stream.linear.scatter [tilespmem:s11], [sflag:$0x9], $0x1000, $0x38;
	[tilespmem:$0x1FF00] =	vst v63  }
0x5b: {  	s10 =	rddreg [dreg:$0x12]  }
0x5c: {  	[spmem:s10] =	stream.linear.scatter [tilespmem:s11], [sflag:$0x9], $0x1000, $0x38;
	[tilespmem:$0x1FF00] =	vst v63  }
0x5d: {  	s6 =	rddreg [dreg:$0x14]  }
0x5e: {  	[spmem:s6] =	stream.linear.scatter [tilespmem:s11], [sflag:$0x9], $0x1000, $0x38;
	[tilespmem:$0x1FF00] =	vst v63  }
0x5f: {  	s7 =	rddreg [dreg:$0x16]  }
0x60: {  	[spmem:s7] =	stream.linear.scatter [tilespmem:s11], [sflag:$0x9], $0x1000, $0x38;
	[tilespmem:$0x1FF00] =	vst v63  }
0x61: {  	s9 =	rddreg [dreg:$0x17]  }
0x62: {  	[spmem:s9] =	stream.linear.scatter [tilespmem:s11], [sflag:$0x9], $0x1000, $0x38;
	[tilespmem:$0x1FF00] =	vst v63  }
0x63: {  	_ =	swait.ge [sflag:s12], $0x1000  }
0x64: {  	[sflag:s12] =	ssyncset.done $0x0  }
0x65: {  	[sflag:s12] =	ssyncadd.s32 $0xFFFFF000  }
0x66: {  	_ =	swait.ge [sflag:s12], $0x1000  }
0x67: {  	[sflag:s12] =	ssyncset.done $0x0  }
0x68: {  	[sflag:s12] =	ssyncadd.s32 $0xFFFFF000  }
0x69: {  	_ =	swait.ge [sflag:s12], $0x1000  }
0x6a: {  	[sflag:s12] =	ssyncset.done $0x0  }
0x6b: {  	[sflag:s12] =	ssyncadd.s32 $0xFFFFF000  }
0x6c: {  	_ =	swait.ge [sflag:s12], $0x1000  }
0x6d: {  	[sflag:s12] =	ssyncset.done $0x0  }
0x6e: {  	[sflag:s12] =	ssyncadd.s32 $0xFFFFF000  }
0x6f: {  	_ =	swait.ge [sflag:s12], $0x1000  }
0x70: {  	[sflag:s12] =	ssyncset.done $0x0  }
0x71: {  	[sflag:s12] =	ssyncadd.s32 $0xFFFFF000  }
0x72: {  	_ =	swait.ge [sflag:s12], $0x1000  }
0x73: {  	[sflag:s12] =	ssyncset.done $0x0  }
0x74: {  	[sflag:s12] =	ssyncadd.s32 $0xFFFFF000  }
0x75: {  	_ =	swait.ge [sflag:s12], $0x1000  }
0x76: {  	[sflag:s12] =	ssyncset.done $0x0  }
0x77: {  	[sflag:s12] =	ssyncadd.s32 $0xFFFFF000  }
0x78: {  	_ =	swait.ge [sflag:s12], $0x1000  }
0x79: {  	[sflag:s12] =	ssyncset.done $0x0  }
0x7a: {  	s10 =	rddreg [dreg:$0x18];
	[sflag:s12] =	ssyncadd.s32 $0xFFFFF000  }
0x7b: {  	[spmem:s10] =	stream.linear.scatter [tilespmem:s11], [sflag:$0x9], $0x1000, $0x38;
	[tilespmem:$0x1FF00] =	vst v63  }
0x7c: {  	s6 =	rddreg [dreg:$0x19]  }
0x7d: {  	[spmem:s6] =	stream.linear.scatter [tilespmem:s11], [sflag:$0x9], $0x1000, $0x38;
	[tilespmem:$0x1FF00] =	vst v63  }
0x7e: {  	s7 =	rddreg [dreg:$0x1a]  }
0x7f: {  	[spmem:s7] =	stream.linear.scatter [tilespmem:s11], [sflag:$0x9], $0x1000, $0x38;
	[tilespmem:$0x1FF00] =	vst v63  }
0x80: {  	s9 =	rddreg [dreg:$0x1b]  }
0x81: {  	[spmem:s9] =	stream.linear.scatter [tilespmem:s11], [sflag:$0x9], $0x1000, $0x38;
	[tilespmem:$0x1FF00] =	vst v63  }
0x82: {  	s10 =	rddreg [dreg:$0x1c]  }
0x83: {  	[spmem:s10] =	stream.linear.scatter [tilespmem:s11], [sflag:$0x9], $0x1000, $0x38;
	[tilespmem:$0x1FF00] =	vst v63  }
0x84: {  	s6 =	rddreg [dreg:$0x1d]  }
0x85: {  	[spmem:s6] =	stream.linear.scatter [tilespmem:s11], [sflag:$0x9], $0x1000, $0x38;
	[tilespmem:$0x1FF00] =	vst v63  }
0x86: {  	s7 =	rddreg [dreg:$0x1e]  }
0x87: {  	[spmem:s7] =	stream.linear.scatter [tilespmem:s11], [sflag:$0x9], $0x1000, $0x38;
	[tilespmem:$0x1FF00] =	vst v63  }
0x88: {  	s9 =	rddreg [dreg:$0x1f]  }
0x89: {  	[spmem:s9] =	stream.linear.scatter [tilespmem:s11], [sflag:$0x9], $0x1000, $0x38;
	[tilespmem:$0x1FF00] =	vst v63  }
0x8a: {  	_ =	swait.ge [sflag:s12], $0x1000  }
0x8b: {  	[sflag:s12] =	ssyncset.done $0x0  }
0x8c: {  	[sflag:s12] =	ssyncadd.s32 $0xFFFFF000  }
0x8d: {  	_ =	swait.ge [sflag:s12], $0x1000  }
0x8e: {  	[sflag:s12] =	ssyncset.done $0x0  }
0x8f: {  	[sflag:s12] =	ssyncadd.s32 $0xFFFFF000  }
0x90: {  	_ =	swait.ge [sflag:s12], $0x1000  }
0x91: {  	[sflag:s12] =	ssyncset.done $0x0  }
0x92: {  	[sflag:s12] =	ssyncadd.s32 $0xFFFFF000  }
0x93: {  	_ =	swait.ge [sflag:s12], $0x1000  }
0x94: {  	[sflag:s12] =	ssyncset.done $0x0  }
0x95: {  	[sflag:s12] =	ssyncadd.s32 $0xFFFFF000  }
0x96: {  	_ =	swait.ge [sflag:s12], $0x1000  }
0x97: {  	[sflag:s12] =	ssyncset.done $0x0  }
0x98: {  	[sflag:s12] =	ssyncadd.s32 $0xFFFFF000  }
0x99: {  	_ =	swait.ge [sflag:s12], $0x1000  }
0x9a: {  	[sflag:s12] =	ssyncset.done $0x0  }
0x9b: {  	[sflag:s12] =	ssyncadd.s32 $0xFFFFF000  }
0x9c: {  	_ =	swait.ge [sflag:s12], $0x1000  }
0x9d: {  	[sflag:s12] =	ssyncset.done $0x0  }
0x9e: {  	[sflag:s12] =	ssyncadd.s32 $0xFFFFF000  }
0x9f: {  	_ =	swait.ge [sflag:s12], $0x1000  }
0xa0: {  	[sflag:s12] =	ssyncset.done $0x0  }
0xa1: {  	s10 =	rddreg [dreg:$0x5];
	[sflag:s12] =	ssyncadd.s32 $0xFFFFF000  }
0xa2: {  	[spmem:s10] =	stream.linear.scatter [tilespmem:s11], [sflag:$0x9], $0x700, $0x38;
	[tilespmem:$0x1FF00] =	vst v63  }
0xa3: {  	_ =	swait.ge [sflag:s12], $0x700  }
0xa4: {  	[sflag:s12] =	ssyncset.done $0x0  }
0xa5: {  	[sflag:s12] =	ssyncadd.s32 $0xFFFFF900  }
0xa6: {  	s7 =	simm.s32 $0x0;
	s9 =	simm.s32 $0x0;
	[bflag:$0x0] =	sbarrier.arrive $0xFFFF  }
.LBB2_4:
0xa7: {  	s6 =	smul.u32 $0x38, s9;
	_ =	sdelay $0x1  }
0xa8: {  	s6 =	sadd.s32 s8, s6  }
0xa9: {  	s6 =	sshll.u32 s6, $0x4  }
0xaa: {  	s10 =	sadd.s32 s4, s6  }
0xab: {  	[tilespmem:s7], [sflag:$0xA] =	stream.linear.gather [hbm4b:s10+s7], $0x1C00, $0x38;
	[tilespmem:$0x1FF00] =	vst v63  }
0xac: {  	_ =	swait.ge [sflag:s13], $0x1C00  }
0xad: {  	[sflag:s13] =	ssyncset.done $0x0  }
0xae: {  	s6 =	sadd.s32 s5, s6;
	[sflag:s13] =	ssyncadd.s32 $0xFFFFE400  }
0xaf: {  	[tilespmem:s14], [sflag:$0xA] =	stream.linear.gather [hbm4b:s6+s7], $0x1C00, $0x38;
	[tilespmem:$0x1FF00] =	vst v63  }
0xb0: {  	_ =	swait.ge [sflag:s13], $0x1C00  }
0xb1: {  	[sflag:s13] =	ssyncset.done $0x0  }
0xb2: {  	[sflag:s13] =	ssyncadd.s32 $0xFFFFE400  }
0xb3: {  	[tilespmem:s11], [sflag:$0x1] =	stream.indirect.gather [hbm4b:s21+s15], $0x20, s7, s15, $0xb8;
	[tilespmem:$0x1FF00] =	vst v63  }
0xb4: {  	_ = 	snop  }
0xb5: {  	[tilespmem:s16], [sflag:$0x2] =	stream.indirect.gather [hbm4b:s21+s15], $0x20, s15, s15, $0xb8;
	[tilespmem:$0x1FF00] =	vst v63  }
0xb6: {  	_ = 	snop  }
0xb7: {  	[tilespmem:s18], [sflag:$0x3] =	stream.indirect.gather [hbm4b:s21+s15], $0x20, s17, s15, $0xb8;
	[tilespmem:$0x1FF00] =	vst v63  }
0xb8: {  	_ =	swait.ge [sflag:s19], $0x1000  }
0xb9: {  	[sflag:s19] =	ssyncset.done $0x0  }
0xba: {  	[sflag:s19] =	ssyncadd.s32 $0xFFFFF000  }
0xbb: {  	[spmem:s2] =	stream.indirect.scatter.add.f32 [tilespmem:s11], [sflag:$0x5], $0x20, s14, s15, $0xb8;
	[tilespmem:$0x1FF00] =	vst v63  }
0xbc: {  	_ = 	snop  }
0xbd: {  	[tilespmem:s22], [sflag:$0x4] =	stream.indirect.gather [hbm4b:s21+s15], $0x20, s20, s15, $0xb8;
	[tilespmem:$0x1FF00] =	vst v63  }
0xbe: {  	_ =	swait.ge [sflag:s23], $0x1000  }
0xbf: {  	[sflag:s23] =	ssyncset.done $0x0  }
0xc0: {  	s10 =	simm.s32 $0x200;
	[sflag:s23] =	ssyncadd.s32 $0xFFFFF000  }
0xc1: {  	[tilespmem:s11], [sflag:$0x1] =	stream.indirect.gather [hbm4b:s21+s15], $0x20, s10, s15, $0xb8;
	[tilespmem:$0x1FF00] =	vst v63  }
0xc2: {  	_ =	swait.ge [sflag:s24], $0x1000  }
0xc3: {  	[sflag:s24] =	ssyncset.done $0x0  }
0xc4: {  	s3 =	simm.s32 $0x1C80;
	[sflag:s24] =	ssyncadd.s32 $0xFFFFF000  }
0xc5: {  	[spmem:s2] =	stream.indirect.scatter.add.f32 [tilespmem:s16], [sflag:$0x6], $0x20, s3, s15, $0xb8;
	[tilespmem:$0x1FF00] =	vst v63  }
0xc6: {  	_ =	swait.ge [sflag:s25], $0x1000  }
0xc7: {  	[sflag:s25] =	ssyncset.done $0x0  }
0xc8: {  	s10 =	simm.s32 $0x280;
	[sflag:s25] =	ssyncadd.s32 $0xFFFFF000  }
0xc9: {  	[tilespmem:s16], [sflag:$0x2] =	stream.indirect.gather [hbm4b:s21+s15], $0x20, s10, s15, $0xb8;
	[tilespmem:$0x1FF00] =	vst v63  }
0xca: {  	_ =	swait.ge [sflag:s26], $0x1000  }
0xcb: {  	[sflag:s26] =	ssyncset.done $0x0  }
0xcc: {  	s3 =	simm.s32 $0x1D00;
	[sflag:s26] =	ssyncadd.s32 $0xFFFFF000  }
0xcd: {  	[spmem:s2] =	stream.indirect.scatter.add.f32 [tilespmem:s18], [sflag:$0x7], $0x20, s3, s15, $0xb8;
	[tilespmem:$0x1FF00] =	vst v63  }
0xce: {  	_ =	swait.ge [sflag:s28], $0x1000  }
0xcf: {  	[sflag:s28] =	ssyncset.done $0x0  }
0xd0: {  	s10 =	simm.s32 $0x300;
	[sflag:s28] =	ssyncadd.s32 $0xFFFFF000  }
0xd1: {  	[tilespmem:s18], [sflag:$0x3] =	stream.indirect.gather [hbm4b:s21+s15], $0x20, s10, s15, $0xb8;
	[tilespmem:$0x1FF00] =	vst v63  }
0xd2: {  	_ =	swait.ge [sflag:s29], $0x1000  }
0xd3: {  	[sflag:s29] =	ssyncset.done $0x0  }
0xd4: {  	s3 =	simm.s32 $0x1D80;
	[sflag:s29] =	ssyncadd.s32 $0xFFFFF000  }
0xd5: {  	[spmem:s2] =	stream.indirect.scatter.add.f32 [tilespmem:s22], [sflag:$0x8], $0x20, s3, s15, $0xb8;
	[tilespmem:$0x1FF00] =	vst v63  }
0xd6: {  	_ =	swait.ge [sflag:s30], $0x1000  }
0xd7: {  	[sflag:s30] =	ssyncset.done $0x0  }
0xd8: {  	s10 =	simm.s32 $0x380;
	[sflag:s30] =	ssyncadd.s32 $0xFFFFF000  }
0xd9: {  	[tilespmem:s22], [sflag:$0x4] =	stream.indirect.gather [hbm4b:s21+s15], $0x20, s10, s15, $0xb8;
	[tilespmem:$0x1FF00] =	vst v63  }
0xda: {  	_ =	swait.ge [sflag:s19], $0x1000  }
0xdb: {  	[sflag:s19] =	ssyncset.done $0x0  }
0xdc: {  	s6 =	simm.s32 $0x1E00;
	s10 =	simm.s32 $0x800;
	[sflag:s19] =	ssyncadd.s32 $0xFFFFF000  }
.LBB2_5:
0xdd: {  	[spmem:s2] =	stream.indirect.scatter.add.f32 [tilespmem:s11], [sflag:$0x5], $0x20, s6, s15, $0xb8;
	[tilespmem:$0x1FF00] =	vst v63  }
0xde: {  	s6 =	smov.u32 s10  }
0xdf: {  	p0 =	sne.s32 s10, $0x6000;
	s10 =	sadd.s32 $0x800, s10;
	_ =	swait.ge [sflag:s23], $0x1000  }
0xe0: {  	s6 =	sshra.s32 s6, $0x2;
	[sflag:s23] =	ssyncset.done $0x0  }
0xe1: {  	s3 =	sadd.s32 $0x200, s6;
	[sflag:s23] =	ssyncadd.s32 $0xFFFFF000  }
0xe2: {  	[tilespmem:s11], [sflag:$0x1] =	stream.indirect.gather [hbm4b:s21+s15], $0x20, s3, s15, $0xb8;
	[tilespmem:$0x1FF00] =	vst v63  }
0xe3: {  	_ =	swait.ge [sflag:s24], $0x1000  }
0xe4: {  	[sflag:s24] =	ssyncset.done $0x0  }
0xe5: {  	s3 =	sadd.s32 $0x1C80, s6;
	[sflag:s24] =	ssyncadd.s32 $0xFFFFF000  }
0xe6: {  	[spmem:s2] =	stream.indirect.scatter.add.f32 [tilespmem:s16], [sflag:$0x6], $0x20, s3, s15, $0xb8;
	[tilespmem:$0x1FF00] =	vst v63  }
0xe7: {  	_ =	swait.ge [sflag:s25], $0x1000  }
0xe8: {  	[sflag:s25] =	ssyncset.done $0x0  }
0xe9: {  	s3 =	sadd.s32 $0x280, s6;
	[sflag:s25] =	ssyncadd.s32 $0xFFFFF000  }
0xea: {  	[tilespmem:s16], [sflag:$0x2] =	stream.indirect.gather [hbm4b:s21+s15], $0x20, s3, s15, $0xb8;
	[tilespmem:$0x1FF00] =	vst v63  }
0xeb: {  	_ =	swait.ge [sflag:s26], $0x1000  }
0xec: {  	[sflag:s26] =	ssyncset.done $0x0  }
0xed: {  	s3 =	sadd.s32 $0x1D00, s6;
	[sflag:s26] =	ssyncadd.s32 $0xFFFFF000  }
0xee: {  	[spmem:s2] =	stream.indirect.scatter.add.f32 [tilespmem:s18], [sflag:$0x7], $0x20, s3, s15, $0xb8;
	[tilespmem:$0x1FF00] =	vst v63  }
0xef: {  	_ =	swait.ge [sflag:s28], $0x1000  }
0xf0: {  	[sflag:s28] =	ssyncset.done $0x0  }
0xf1: {  	s3 =	sadd.s32 $0x300, s6;
	[sflag:s28] =	ssyncadd.s32 $0xFFFFF000  }
0xf2: {  	[tilespmem:s18], [sflag:$0x3] =	stream.indirect.gather [hbm4b:s21+s15], $0x20, s3, s15, $0xb8;
	[tilespmem:$0x1FF00] =	vst v63  }
0xf3: {  	_ =	swait.ge [sflag:s29], $0x1000  }
0xf4: {  	[sflag:s29] =	ssyncset.done $0x0  }
0xf5: {  	s3 =	sadd.s32 $0x1D80, s6;
	[sflag:s29] =	ssyncadd.s32 $0xFFFFF000  }
0xf6: {  	[spmem:s2] =	stream.indirect.scatter.add.f32 [tilespmem:s22], [sflag:$0x8], $0x20, s3, s15, $0xb8;
	[tilespmem:$0x1FF00] =	vst v63  }
0xf7: {  	_ =	swait.ge [sflag:s30], $0x1000  }
0xf8: {  	[sflag:s30] =	ssyncset.done $0x0  }
.Ltmp1:
0xf9: {  	s3 =	sadd.s32 $0x380, s6;
	[sflag:s30] =	ssyncadd.s32 $0xFFFFF000;
	(pc) =	sbr.rel @p0 .LBB2_5-.Ltmp1, $4  }
0xfa: {  	[tilespmem:s22], [sflag:$0x4] =	stream.indirect.gather [hbm4b:s21+s15], $0x20, s3, s15, $0xb8;
	[tilespmem:$0x1FF00] =	vst v63  }
0xfb: {  	_ =	swait.ge [sflag:s19], $0x1000  }
0xfc: {  	[sflag:s19] =	ssyncset.done $0x0  }
0xfd: {  	s6 =	sadd.s32 $0x1E00, s6;
	[sflag:s19] =	ssyncadd.s32 $0xFFFFF000  }
0xfe: {  	[spmem:s2] =	stream.indirect.scatter.add.f32 [tilespmem:s11], [sflag:$0x5], $0x20, s6, s15, $0xb8;
	[tilespmem:$0x1FF00] =	vst v63  }
0xff: {  	_ =	swait.ge [sflag:s23], $0x1000  }
0x100: {  	[sflag:s23] =	ssyncset.done $0x0  }
0x101: {  	[sflag:s23] =	ssyncadd.s32 $0xFFFFF000  }
0x102: {  	_ =	swait.ge [sflag:s24], $0x1000  }
0x103: {  	[sflag:s24] =	ssyncset.done $0x0  }
0x104: {  	[sflag:s24] =	ssyncadd.s32 $0xFFFFF000  }
0x105: {  	[spmem:s2] =	stream.indirect.scatter.add.f32 [tilespmem:s16], [sflag:$0x6], $0x20, s31, s15, $0xb8;
	[tilespmem:$0x1FF00] =	vst v63  }
0x106: {  	_ =	swait.ge [sflag:s25], $0x1000  }
0x107: {  	[sflag:s25] =	ssyncset.done $0x0  }
0x108: {  	[sflag:s25] =	ssyncadd.s32 $0xFFFFF000  }
0x109: {  	_ =	swait.ge [sflag:s26], $0x1000  }
0x10a: {  	[sflag:s26] =	ssyncset.done $0x0  }
0x10b: {  	[sflag:s26] =	ssyncadd.s32 $0xFFFFF000  }
0x10c: {  	[spmem:s2] =	stream.indirect.scatter.add.f32 [tilespmem:s18], [sflag:$0x7], $0x20, s0, s15, $0xb8;
	[tilespmem:$0x1FF00] =	vst v63  }
0x10d: {  	_ =	swait.ge [sflag:s28], $0x1000  }
0x10e: {  	[sflag:s28] =	ssyncset.done $0x0  }
0x10f: {  	[sflag:s28] =	ssyncadd.s32 $0xFFFFF000  }
0x110: {  	s9 =	sadd.s32 $0x1, s9;
	_ =	swait.ge [sflag:s29], $0x1000  }
0x111: {  	p0 =	sne.s32 s9, $0x7;
	[sflag:s29] =	ssyncset.done $0x0  }
.Ltmp2:
0x112: {  	[sflag:s29] =	ssyncadd.s32 $0xFFFFF000;
	(pc) =	sbr.rel @p0 .LBB2_4-.Ltmp2, $4  }
0x113: {  	[spmem:s2] =	stream.indirect.scatter.add.f32 [tilespmem:s22], [sflag:$0x8], $0x20, s1, s15, $0xb8;
	[tilespmem:$0x1FF00] =	vst v63  }
0x114: {  	_ =	swait.ge [sflag:s30], $0x1000  }
0x115: {  	[sflag:s30] =	ssyncset.done $0x0  }
0x116: {  	[sflag:s30] =	ssyncadd.s32 $0xFFFFF000  }
0x117: {  	s3 =	stileid.u32;
	[bflag:$0x0] =	sbarrier.arrive $0xFFFF  }
0x118: {  	s3 =	sshll.u32 s3, $0x6;
	s6 =	rddreg [dreg:$0x13]  }
0x119: {  	s7 =	rddreg [dreg:$0x15];
	s3 =	sor.u32 $0x1C0A, s3  }
0x11a: {  	[hbm:s6], [sflag:s3] =	dma.local [spmem:s7], $0x30E0  }
0x11b: {  	_ =	swait.ge [sflag:s13], $0x30E0  }
0x11c: {  	s10 =	rddreg [dreg:$0x3]  }
0x11d: {  	s9 =	rddreg [dreg:$0x6];
	s10 =	sadd.s32 $0x1, s10  }
0x11e: {  	p0 =	sne.s32 s10, s9  }
.Ltmp3:
0x11f: {  	_ = 	snop;
	(pc) =	sbr.rel @p0 .LBB2_1-.Ltmp3, $3  }
0x120: {  	_ =	sdelay $0x1  }
0x121: {  	[sflag:s13] =	ssyncset.done $0x0  }
0x122: {  	[sflag:s13] =	ssyncadd.s32 $0xFFFFCF20  }
0x123: {  	_ =	sfence.sel $0x180000  }
0x124: {  	[bflag:$0x0] =	sbarrier.arrive $0xFFFF  }
0x125: {  	_ =	strace $0x90000050  }
0x126: {  	s0 =	stileid.u32;
	[bflag:$0x2] =	sbarrier.arrive $0xFFFF  }
0x127: {  	p0 =	sne.s32 s0, $0x0;
	s0 =	rddreg [dreg:$0x2]  }
0x128: {  	s0 =	sadd.s32 @!p0 $0x100000, s0  }
0x129: {  	[sflag:s0] =	ssyncadd.tile.s32 @!p0 $0x1;
	_ =	shalt  }
.Lfunc_end2:
_tile_overlayer_lowered:
.L_overlay_start_2:
0x12a: {  	(tag) =	ssettag $0x2  }
0x12b: {  	s0 =	rddreg [dreg:$0x0];
	s2 =	stileid.u32  }
0x12c: {  	s1 =	rddreg [dreg:$0x1];
	p0 =	sne.s32 s2, $0x0  }
0x12d: {  	s3 =	rddreg [dreg:$0x2];
	[bflag:$0x3] =	sbarrier.arrive $0xFFFF;
	s2 =	simm.s32 @!p0 $0x1C0A  }
0x12e: {  	[timem:s3], [sflag:s2] =	dma.local @!p0 [hbm:s0], s1  }
0x12f: {  	s0 =	simm.s32 @!p0 $0xA  }
0x130: {  	_ =	swait.ge @!p0 [sflag:s0], s1  }
0x131: {  	s1 =	ssub.s32 @!p0 $0x0, s1;
	[sflag:s0] =	ssyncset.done @!p0 $0x0  }
0x132: {  	[sflag:s0] =	ssyncadd.s32 @!p0 s1  }
0x133: {  	[bflag:$0x3] =	sbarrier.arrive $0xFFFF  }
0x134: {  	_ =	shalt  }

</sc_bundles>
